<compile_context>
chip_gen: v7x
topology: tpu7x:2x2x1
jax: 0.10.2.dev20260603
libtpu: 0.0.44.dev20260713+nightly
codegen_flags: <defaults>
</compile_context>

<pallas_src>
import functools

import jax
import jax.numpy as jnp
from jax import lax
from jax.experimental import pallas as pl
from jax.experimental.pallas import tpu as pltpu
from jax.experimental.pallas import tpu_sc as plsc

EPS = 1e-9
LANES = 16
NC, NS = 2, 16
NW = NC * NS
CH = 80
GRP = CH // LANES


def _quad16(srows_v, drows_v, tab_v, si, di, e0, lanes):
    rowi = e0 + lanes
    pa = jnp.zeros((LANES,), jnp.float32)
    pb = jnp.zeros((LANES,), jnp.float32)
    feat = lanes
    for _ in range(64):
        sword = plsc.load_gather(srows_v, [rowi, feat])
        tword = plsc.load_gather(drows_v, [rowi, feat])
        prod = plsc.bitcast(sword, jnp.bfloat16) * plsc.bitcast(tword, jnp.bfloat16)
        u0, u1 = plsc.unpack(prod, format=plsc.PackFormat.INTERLEAVED)
        pa = pa + u0
        pb = pb + u1
        feat = (feat + 1) & 63
    p = pa + pb
    si2 = si * 2
    di2 = di * 2
    ns = plsc.load_gather(tab_v, [si2])
    cs = plsc.load_gather(tab_v, [si2 + 1])
    nd = plsc.load_gather(tab_v, [di2])
    cd = plsc.load_gather(tab_v, [di2 + 1])
    dp = p - 2.0 * cs * cd
    denom = jnp.maximum(jnp.abs(ns * nd), EPS)
    return 1.0 - dp * dp / denom


def _sc_body(z_hbm, tab_hbm, pos_hbm, neg_hbm, bs_hbm, iota_hbm,
             pos_out, cnt_out, neg_out,
             sidx_v, didx_v, tab_v, z_sh,
             srows0_v, drows0_v, srows1_v, drows1_v,
             bs_v, iota_v, accp_v, accc_v, accn_v, sem0, sem1,
             *, per_tile, neg_per_tile, n_nodes):
    c = lax.axis_index("c")
    s = lax.axis_index("s")
    wid = s * NC + c

    @pl.when(s == 0)
    def _():
        pltpu.sync_copy(z_hbm, z_sh)
    n_pos_chunks = per_tile // CH
    n_chunks = n_pos_chunks + neg_per_tile // CH
    n_edges = per_tile * NW
    n_neg = neg_per_tile * NW

    pltpu.sync_copy(pos_hbm.at[pl.ds(wid * per_tile, per_tile)],
                    sidx_v.at[pl.ds(0, per_tile)])
    pltpu.sync_copy(pos_hbm.at[pl.ds(n_edges + wid * per_tile, per_tile)],
                    didx_v.at[pl.ds(0, per_tile)])
    pltpu.sync_copy(neg_hbm.at[pl.ds(wid * neg_per_tile, neg_per_tile)],
                    sidx_v.at[pl.ds(per_tile, neg_per_tile)])
    pltpu.sync_copy(neg_hbm.at[pl.ds(n_neg + wid * neg_per_tile, neg_per_tile)],
                    didx_v.at[pl.ds(per_tile, neg_per_tile)])
    pltpu.sync_copy(bs_hbm, bs_v)
    pltpu.sync_copy(iota_hbm, iota_v)
    pltpu.sync_copy(tab_hbm, tab_v)
    bs_vec = bs_v[...]
    lanes_rt = iota_v[...]
    zero = jnp.zeros((LANES,), jnp.float32)
    accp_v[...] = zero
    accc_v[...] = zero
    accn_v[...] = zero
    plsc.subcore_barrier()

    def issue(k, srows, drows, sem):
        si = sidx_v.at[pl.ds(k * CH, CH)]
        di = didx_v.at[pl.ds(k * CH, CH)]
        pltpu.async_copy(z_sh.at[si], srows, sem)
        pltpu.async_copy(z_sh.at[di], drows, sem)

    def drain(srows, drows, sem):
        pltpu.make_async_copy(z_hbm.at[pl.ds(0, CH)], srows, sem).wait()
        pltpu.make_async_copy(z_hbm.at[pl.ds(0, CH)], drows, sem).wait()

    def compute(k, srows, drows):
        is_pos = k < n_pos_chunks
        neg_off = wid * neg_per_tile + k * CH - per_tile

        def grp(g, _):
            e0 = g * LANES
            si = sidx_v[pl.ds(k * CH + e0, LANES)]
            di = didx_v[pl.ds(k * CH + e0, LANES)]
            q = _quad16(srows, drows, tab_v, si, di, e0, lanes_rt)
            inb = (si < bs_vec) & (di < bs_vec)
            pos_vec = jnp.full((LANES,), is_pos)
            mfp = jnp.where(pos_vec & inb, 1.0, 0.0)
            gid = neg_off + e0 + lanes_rt
            mfn = jnp.where((~pos_vec) & (gid < n_nodes), 1.0, 0.0)
            accp_v[...] = accp_v[...] + jnp.minimum(q, 10.0) * mfp
            accc_v[...] = accc_v[...] + mfp
            accn_v[...] = accn_v[...] + jnp.maximum(1.0 - q, 0.0) * mfn
            return 0

        lax.fori_loop(0, GRP, grp, 0)

    issue(0, srows0_v, drows0_v, sem0)

    def pair(j, _):
        k0 = 2 * j
        issue(k0 + 1, srows1_v, drows1_v, sem1)
        drain(srows0_v, drows0_v, sem0)
        compute(k0, srows0_v, drows0_v)
        issue(k0 + 2, srows0_v, drows0_v, sem0)
        drain(srows1_v, drows1_v, sem1)
        compute(k0 + 1, srows1_v, drows1_v)
        return 0

    lax.fori_loop(0, (n_chunks - 1) // 2, pair, 0)
    drain(srows0_v, drows0_v, sem0)
    compute(n_chunks - 1, srows0_v, drows0_v)

    pltpu.sync_copy(accp_v, pos_out.at[wid])
    pltpu.sync_copy(accc_v, cnt_out.at[wid])
    pltpu.sync_copy(accn_v, neg_out.at[wid])


@jax.jit
def _uhg_loss_sc(z, tab, edge_index, neg_padded, bs_vec):
    n_nodes, d_model = z.shape
    n_edges = edge_index.shape[0] // 2
    per_tile = n_edges // NW
    neg_per_tile = neg_padded.shape[0] // 2 // NW

    body = functools.partial(
        _sc_body, per_tile=per_tile, neg_per_tile=neg_per_tile,
        n_nodes=n_nodes)
    out_sds = jax.ShapeDtypeStruct((NW, LANES), jnp.float32)
    mesh = plsc.VectorSubcoreMesh(core_axis_name="c", subcore_axis_name="s")
    rows_t = pltpu.VMEM((CH, d_model), jnp.int32)
    f = pl.kernel(
        body,
        out_type=(out_sds, out_sds, out_sds),
        mesh=mesh,
        compiler_params=pltpu.CompilerParams(
            needs_layout_passes=False, use_tc_tiling_on_sc=False),
        scratch_types=[
            pltpu.VMEM((per_tile + neg_per_tile,), jnp.int32),
            pltpu.VMEM((per_tile + neg_per_tile,), jnp.int32),
            pltpu.VMEM((n_nodes * 2,), jnp.float32),
            pltpu.VMEM_SHARED((n_nodes, d_model), jnp.int32),
            rows_t, rows_t, rows_t, rows_t,
            pltpu.VMEM((LANES,), jnp.int32),
            pltpu.VMEM((LANES,), jnp.int32),
            pltpu.VMEM((LANES,), jnp.float32),
            pltpu.VMEM((LANES,), jnp.float32),
            pltpu.VMEM((LANES,), jnp.float32),
            pltpu.SemaphoreType.DMA,
            pltpu.SemaphoreType.DMA,
        ],
    )
    return f(z, tab, edge_index, neg_padded, bs_vec,
             jnp.arange(LANES, dtype=jnp.int32))


def kernel(z, edge_index, batch_size):
    n_nodes = z.shape[0]
    neg = jax.random.randint(jax.random.key(42), (2, n_nodes), 0, batch_size,
                             dtype=jnp.int32)
    neg_cap = ((n_nodes + NW * CH - 1) // (NW * CH)) * (NW * CH)
    neg_padded = jnp.pad(neg, ((0, 0), (0, neg_cap - n_nodes)))
    bs_vec = jnp.full((LANES,), batch_size, dtype=jnp.int32)
    nt = jnp.sum(z[:, :-1] ** 2, axis=1) - z[:, -1] ** 2
    tab = jnp.stack([nt, z[:, -1]], axis=1).reshape(-1)

    zw = jax.lax.bitcast_convert_type(
        z.astype(jnp.bfloat16).reshape(n_nodes, z.shape[1] // 2, 2),
        jnp.int32)
    pos_s, cnt_s, neg_s = _uhg_loss_sc(
        zw, tab, edge_index.reshape(-1), neg_padded.reshape(-1), bs_vec)

    pos_sum = jnp.sum(pos_s)
    count = jnp.sum(cnt_s)
    neg_sum = jnp.sum(neg_s)
    pos_loss = pos_sum / count
    neg_loss = neg_sum / n_nodes
    total = 0.5 * (pos_loss + neg_loss) + 0.01 * pos_loss
    return jnp.clip(total, 0.0, 1000.0)

# --- scband reference (transcript-rebuilt; emitter-appended) ---
"""Pipeline reference for scband-uhgloss-34084860461587 (READ-ONLY COPY).

The authoritative reference and input builder live on the scoring server;
editing this copy changes nothing except your own understanding.
"""

import jax, jax.numpy as jnp
import numpy as np

EPS = 1e-9

def uhg_inner_product(a, b):
    return jnp.sum(a[..., :-1] * b[..., :-1], axis=-1) - a[..., -1] * b[..., -1]

def uhg_norm(a):
    return jnp.sum(a[..., :-1] ** 2, axis=-1) - a[..., -1] ** 2

def uhg_quadrance(a, b, eps=EPS):
    dp = uhg_inner_product(a, b)
    na = uhg_norm(a)
    nb = uhg_norm(b)
    denom = jnp.maximum(jnp.abs(na * nb), eps)
    return 1.0 - dp ** 2 / denom

def uhg_spread(L, M, eps=EPS):
    dp = uhg_inner_product(L, M)
    nL = uhg_norm(L)
    nM = uhg_norm(M)
    denom = jnp.maximum(jnp.abs(nL * nM), eps)
    return 1.0 - dp ** 2 / denom

SPREAD_WEIGHT = 0.01
QUAD_WEIGHT = 0.5

def setup_inputs(seed: int = 0) -> dict:
    key = jax.random.key(seed)
    k1, k2 = jax.random.split(key)
    z = jax.random.normal(k1, (10000, 128), dtype=jnp.float32)
    edge_index = jax.random.randint(k2, (2, 320000), 0, 10000, dtype=jnp.int32)
    return {"z": z, "edge_index": edge_index, "batch_size": 10000}

def reference(z, edge_index, batch_size):
    mask = (edge_index[0] < batch_size) & (edge_index[1] < batch_size)
    maskf = mask.astype(z.dtype)
    count = jnp.sum(maskf)
    src = jnp.take(z, edge_index[0], axis=0)
    dst = jnp.take(z, edge_index[1], axis=0)
    pos_quad = jnp.minimum(uhg_quadrance(src, dst), 10.0)
    neg_edge_index = jax.random.randint(jax.random.key(42), (2, z.shape[0]), 0, batch_size, dtype=jnp.int32)
    nsrc = jnp.take(z, neg_edge_index[0], axis=0)
    ndst = jnp.take(z, neg_edge_index[1], axis=0)
    neg_quad = jnp.minimum(uhg_quadrance(nsrc, ndst), 10.0)
    spread = jnp.minimum(uhg_spread(src, dst), 10.0)
    pos_loss = jnp.sum(pos_quad * maskf) / count
    neg_loss = jnp.mean(jax.nn.relu(1.0 - neg_quad))
    spread_loss = SPREAD_WEIGHT * (jnp.sum(spread * maskf) / count)
    total_loss = QUAD_WEIGHT * (pos_loss + neg_loss) + spread_loss
    return jnp.clip(total_loss, 0.0, 1000.0)

if __name__ == "__main__":
    import jax
    _d = setup_inputs()
    print(jax.jit(kernel)(*tuple(_d.values())))

</pallas_src>

<mosaic_0001>
#map = affine_map<(d0, d1) -> (0, 0)>
#map1 = affine_map<(d0, d1) -> (0)>
module attributes {stable_mosaic.version = 14 : i64} {
  func.func @_sc_body(%arg0: i32, %arg1: i32, %arg2: memref<10000x64xi32, #tpu.memory_space<hbm>>, %arg3: memref<20000xf32, #tpu.memory_space<hbm>>, %arg4: memref<640000xi32, #tpu.memory_space<hbm>>, %arg5: memref<20480xi32, #tpu.memory_space<hbm>>, %arg6: memref<16xi32, #tpu.memory_space<hbm>>, %arg7: memref<16xi32, #tpu.memory_space<hbm>>, %arg8: memref<32x16xf32, #tpu.memory_space<hbm>>, %arg9: memref<32x16xf32, #tpu.memory_space<hbm>>, %arg10: memref<32x16xf32, #tpu.memory_space<hbm>>, %arg11: memref<10320xi32, #tpu.memory_space<vmem>>, %arg12: memref<10320xi32, #tpu.memory_space<vmem>>, %arg13: memref<20000xf32, #tpu.memory_space<vmem>>, %arg14: memref<10000x64xi32, #tpu.memory_space<vmem_shared>>, %arg15: memref<80x64xi32, #tpu.memory_space<vmem>>, %arg16: memref<80x64xi32, #tpu.memory_space<vmem>>, %arg17: memref<80x64xi32, #tpu.memory_space<vmem>>, %arg18: memref<80x64xi32, #tpu.memory_space<vmem>>, %arg19: memref<16xi32, #tpu.memory_space<vmem>>, %arg20: memref<16xi32, #tpu.memory_space<vmem>>, %arg21: memref<16xf32, #tpu.memory_space<vmem>>, %arg22: memref<16xf32, #tpu.memory_space<vmem>>, %arg23: memref<16xf32, #tpu.memory_space<vmem>>, %arg24: memref<!tpu.dma_semaphore, #tpu.memory_space<semaphore_mem>>, %arg25: memref<!tpu.dma_semaphore, #tpu.memory_space<semaphore_mem>>) attributes {dimension_semantics = [#tpu.dimension_semantics<core_parallel>, #tpu.dimension_semantics<subcore_parallel>], iteration_bounds = array<i64: 2, 16>, scalar_prefetch = 0 : i64, scratch_operands = 15 : i64, tpu.core_type = #tpu.core_type<sc_vector_subcore>, window_params = [{transform_indices = #map}, {transform_indices = #map1}, {transform_indices = #map1}, {transform_indices = #map1}, {transform_indices = #map1}, {transform_indices = #map1}, {transform_indices = #map}, {transform_indices = #map}, {transform_indices = #map}]} {
    %mul3A = arith.constant 2 : i32
    %mul3A_0 = arith.muli %arg1, %mul3A : i32
    %add3A = arith.addi %mul3A_0, %arg0 : i32
    %eq3A = arith.constant 0 : i32
    %eq3A_1 = arith.cmpi eq, %arg1, %eq3A : i32
    %convert_element_type3A = arith.extui %eq3A_1 : i1 to i32
    %cond3A = arith.constant 0 : i32
    %cond3A_2 = arith.cmpi ne, %convert_element_type3A, %cond3A : i32
    scf.if %cond3A_2 {
      "tpu.region"() ({
        %run_scoped3A = tpu.sem_alloc : memref<!tpu.dma_semaphore, #tpu.memory_space<semaphore_mem>>
        tpu.enqueue_dma source(%arg2 : memref<10000x64xi32, #tpu.memory_space<hbm>>) target(%arg14 : memref<10000x64xi32, #tpu.memory_space<vmem_shared>>) target_semaphore(%run_scoped3A : memref<!tpu.dma_semaphore, #tpu.memory_space<semaphore_mem>>)
        tpu.wait_dma2 semaphore(%run_scoped3A : memref<!tpu.dma_semaphore, #tpu.memory_space<semaphore_mem>>) src(%arg2 : memref<10000x64xi32, #tpu.memory_space<hbm>>) dst(%arg14 : memref<10000x64xi32, #tpu.memory_space<vmem_shared>>)
        tpu.yield
      }) : () -> ()
    } else {
    }
    %mul3A_3 = arith.constant 10000 : i32
    %mul3A_4 = arith.muli %add3A, %mul3A_3 : i32
    "tpu.region"() ({
      %run_scoped3A = tpu.sem_alloc : memref<!tpu.dma_semaphore, #tpu.memory_space<semaphore_mem>>
      %dma_start3A_62 = arith.constant 0 : i32
      %dma_start3A_63 = tpu.memref_slice %arg11[%dma_start3A_62] : memref<10320xi32, #tpu.memory_space<vmem>> -> memref<10000xi32, #tpu.memory_space<vmem>>
      %dma_start3A_64 = tpu.memref_slice %arg4[%mul3A_4] : memref<640000xi32, #tpu.memory_space<hbm>> -> memref<10000xi32, #tpu.memory_space<hbm>>
      %dma_start3A_65 = arith.constant 0 : i32
      %dma_start3A_66 = tpu.memref_slice %arg11[%dma_start3A_65] : memref<10320xi32, #tpu.memory_space<vmem>> -> memref<10000xi32, #tpu.memory_space<vmem>>
      %dma_start3A_67 = tpu.memref_slice %arg4[%mul3A_4] : memref<640000xi32, #tpu.memory_space<hbm>> -> memref<10000xi32, #tpu.memory_space<hbm>>
      tpu.enqueue_dma source(%dma_start3A_67 : memref<10000xi32, #tpu.memory_space<hbm>>) target(%dma_start3A_66 : memref<10000xi32, #tpu.memory_space<vmem>>) target_semaphore(%run_scoped3A : memref<!tpu.dma_semaphore, #tpu.memory_space<semaphore_mem>>)
      %dma_wait3A_68 = arith.constant 0 : i32
      %dma_wait3A_69 = tpu.memref_slice %arg11[%dma_wait3A_68] : memref<10320xi32, #tpu.memory_space<vmem>> -> memref<10000xi32, #tpu.memory_space<vmem>>
      %dma_wait3A_70 = tpu.memref_slice %arg4[%mul3A_4] : memref<640000xi32, #tpu.memory_space<hbm>> -> memref<10000xi32, #tpu.memory_space<hbm>>
      %dma_wait3A_71 = arith.constant 0 : i32
      %dma_wait3A_72 = tpu.memref_slice %arg11[%dma_wait3A_71] : memref<10320xi32, #tpu.memory_space<vmem>> -> memref<10000xi32, #tpu.memory_space<vmem>>
      %dma_wait3A_73 = tpu.memref_slice %arg4[%mul3A_4] : memref<640000xi32, #tpu.memory_space<hbm>> -> memref<10000xi32, #tpu.memory_space<hbm>>
      tpu.wait_dma2 semaphore(%run_scoped3A : memref<!tpu.dma_semaphore, #tpu.memory_space<semaphore_mem>>) src(%dma_wait3A_73 : memref<10000xi32, #tpu.memory_space<hbm>>) dst(%dma_wait3A_72 : memref<10000xi32, #tpu.memory_space<vmem>>)
      tpu.yield
    }) : () -> ()
    %mul3A_5 = arith.constant 10000 : i32
    %mul3A_6 = arith.muli %add3A, %mul3A_5 : i32
    %add3A_7 = arith.constant 320000 : i32
    %add3A_8 = arith.addi %add3A_7, %mul3A_6 : i32
    "tpu.region"() ({
      %run_scoped3A = tpu.sem_alloc : memref<!tpu.dma_semaphore, #tpu.memory_space<semaphore_mem>>
      %dma_start3A_62 = arith.constant 0 : i32
      %dma_start3A_63 = tpu.memref_slice %arg12[%dma_start3A_62] : memref<10320xi32, #tpu.memory_space<vmem>> -> memref<10000xi32, #tpu.memory_space<vmem>>
      %dma_start3A_64 = tpu.memref_slice %arg4[%add3A_8] : memref<640000xi32, #tpu.memory_space<hbm>> -> memref<10000xi32, #tpu.memory_space<hbm>>
      %dma_start3A_65 = arith.constant 0 : i32
      %dma_start3A_66 = tpu.memref_slice %arg12[%dma_start3A_65] : memref<10320xi32, #tpu.memory_space<vmem>> -> memref<10000xi32, #tpu.memory_space<vmem>>
      %dma_start3A_67 = tpu.memref_slice %arg4[%add3A_8] : memref<640000xi32, #tpu.memory_space<hbm>> -> memref<10000xi32, #tpu.memory_space<hbm>>
      tpu.enqueue_dma source(%dma_start3A_67 : memref<10000xi32, #tpu.memory_space<hbm>>) target(%dma_start3A_66 : memref<10000xi32, #tpu.memory_space<vmem>>) target_semaphore(%run_scoped3A : memref<!tpu.dma_semaphore, #tpu.memory_space<semaphore_mem>>)
      %dma_wait3A_68 = arith.constant 0 : i32
      %dma_wait3A_69 = tpu.memref_slice %arg12[%dma_wait3A_68] : memref<10320xi32, #tpu.memory_space<vmem>> -> memref<10000xi32, #tpu.memory_space<vmem>>
      %dma_wait3A_70 = tpu.memref_slice %arg4[%add3A_8] : memref<640000xi32, #tpu.memory_space<hbm>> -> memref<10000xi32, #tpu.memory_space<hbm>>
      %dma_wait3A_71 = arith.constant 0 : i32
      %dma_wait3A_72 = tpu.memref_slice %arg12[%dma_wait3A_71] : memref<10320xi32, #tpu.memory_space<vmem>> -> memref<10000xi32, #tpu.memory_space<vmem>>
      %dma_wait3A_73 = tpu.memref_slice %arg4[%add3A_8] : memref<640000xi32, #tpu.memory_space<hbm>> -> memref<10000xi32, #tpu.memory_space<hbm>>
      tpu.wait_dma2 semaphore(%run_scoped3A : memref<!tpu.dma_semaphore, #tpu.memory_space<semaphore_mem>>) src(%dma_wait3A_73 : memref<10000xi32, #tpu.memory_space<hbm>>) dst(%dma_wait3A_72 : memref<10000xi32, #tpu.memory_space<vmem>>)
      tpu.yield
    }) : () -> ()
    %mul3A_9 = arith.constant 320 : i32
    %mul3A_10 = arith.muli %add3A, %mul3A_9 : i32
    "tpu.region"() ({
      %run_scoped3A = tpu.sem_alloc : memref<!tpu.dma_semaphore, #tpu.memory_space<semaphore_mem>>
      %dma_start3A_62 = arith.constant 10000 : i32
      %dma_start3A_63 = tpu.memref_slice %arg11[%dma_start3A_62] : memref<10320xi32, #tpu.memory_space<vmem>> -> memref<320xi32, #tpu.memory_space<vmem>>
      %dma_start3A_64 = tpu.memref_slice %arg5[%mul3A_10] : memref<20480xi32, #tpu.memory_space<hbm>> -> memref<320xi32, #tpu.memory_space<hbm>>
      %dma_start3A_65 = arith.constant 10000 : i32
      %dma_start3A_66 = tpu.memref_slice %arg11[%dma_start3A_65] : memref<10320xi32, #tpu.memory_space<vmem>> -> memref<320xi32, #tpu.memory_space<vmem>>
      %dma_start3A_67 = tpu.memref_slice %arg5[%mul3A_10] : memref<20480xi32, #tpu.memory_space<hbm>> -> memref<320xi32, #tpu.memory_space<hbm>>
      tpu.enqueue_dma source(%dma_start3A_67 : memref<320xi32, #tpu.memory_space<hbm>>) target(%dma_start3A_66 : memref<320xi32, #tpu.memory_space<vmem>>) target_semaphore(%run_scoped3A : memref<!tpu.dma_semaphore, #tpu.memory_space<semaphore_mem>>)
      %dma_wait3A_68 = arith.constant 10000 : i32
      %dma_wait3A_69 = tpu.memref_slice %arg11[%dma_wait3A_68] : memref<10320xi32, #tpu.memory_space<vmem>> -> memref<320xi32, #tpu.memory_space<vmem>>
      %dma_wait3A_70 = tpu.memref_slice %arg5[%mul3A_10] : memref<20480xi32, #tpu.memory_space<hbm>> -> memref<320xi32, #tpu.memory_space<hbm>>
      %dma_wait3A_71 = arith.constant 10000 : i32
      %dma_wait3A_72 = tpu.memref_slice %arg11[%dma_wait3A_71] : memref<10320xi32, #tpu.memory_space<vmem>> -> memref<320xi32, #tpu.memory_space<vmem>>
      %dma_wait3A_73 = tpu.memref_slice %arg5[%mul3A_10] : memref<20480xi32, #tpu.memory_space<hbm>> -> memref<320xi32, #tpu.memory_space<hbm>>
      tpu.wait_dma2 semaphore(%run_scoped3A : memref<!tpu.dma_semaphore, #tpu.memory_space<semaphore_mem>>) src(%dma_wait3A_73 : memref<320xi32, #tpu.memory_space<hbm>>) dst(%dma_wait3A_72 : memref<320xi32, #tpu.memory_space<vmem>>)
      tpu.yield
    }) : () -> ()
    %mul3A_11 = arith.constant 320 : i32
    %mul3A_12 = arith.muli %add3A, %mul3A_11 : i32
    %add3A_13 = arith.constant 10240 : i32
    %add3A_14 = arith.addi %add3A_13, %mul3A_12 : i32
    "tpu.region"() ({
      %run_scoped3A = tpu.sem_alloc : memref<!tpu.dma_semaphore, #tpu.memory_space<semaphore_mem>>
      %dma_start3A_62 = arith.constant 10000 : i32
      %dma_start3A_63 = tpu.memref_slice %arg12[%dma_start3A_62] : memref<10320xi32, #tpu.memory_space<vmem>> -> memref<320xi32, #tpu.memory_space<vmem>>
      %dma_start3A_64 = tpu.memref_slice %arg5[%add3A_14] : memref<20480xi32, #tpu.memory_space<hbm>> -> memref<320xi32, #tpu.memory_space<hbm>>
      %dma_start3A_65 = arith.constant 10000 : i32
      %dma_start3A_66 = tpu.memref_slice %arg12[%dma_start3A_65] : memref<10320xi32, #tpu.memory_space<vmem>> -> memref<320xi32, #tpu.memory_space<vmem>>
      %dma_start3A_67 = tpu.memref_slice %arg5[%add3A_14] : memref<20480xi32, #tpu.memory_space<hbm>> -> memref<320xi32, #tpu.memory_space<hbm>>
      tpu.enqueue_dma source(%dma_start3A_67 : memref<320xi32, #tpu.memory_space<hbm>>) target(%dma_start3A_66 : memref<320xi32, #tpu.memory_space<vmem>>) target_semaphore(%run_scoped3A : memref<!tpu.dma_semaphore, #tpu.memory_space<semaphore_mem>>)
      %dma_wait3A_68 = arith.constant 10000 : i32
      %dma_wait3A_69 = tpu.memref_slice %arg12[%dma_wait3A_68] : memref<10320xi32, #tpu.memory_space<vmem>> -> memref<320xi32, #tpu.memory_space<vmem>>
      %dma_wait3A_70 = tpu.memref_slice %arg5[%add3A_14] : memref<20480xi32, #tpu.memory_space<hbm>> -> memref<320xi32, #tpu.memory_space<hbm>>
      %dma_wait3A_71 = arith.constant 10000 : i32
      %dma_wait3A_72 = tpu.memref_slice %arg12[%dma_wait3A_71] : memref<10320xi32, #tpu.memory_space<vmem>> -> memref<320xi32, #tpu.memory_space<vmem>>
      %dma_wait3A_73 = tpu.memref_slice %arg5[%add3A_14] : memref<20480xi32, #tpu.memory_space<hbm>> -> memref<320xi32, #tpu.memory_space<hbm>>
      tpu.wait_dma2 semaphore(%run_scoped3A : memref<!tpu.dma_semaphore, #tpu.memory_space<semaphore_mem>>) src(%dma_wait3A_73 : memref<320xi32, #tpu.memory_space<hbm>>) dst(%dma_wait3A_72 : memref<320xi32, #tpu.memory_space<vmem>>)
      tpu.yield
    }) : () -> ()
    "tpu.region"() ({
      %run_scoped3A = tpu.sem_alloc : memref<!tpu.dma_semaphore, #tpu.memory_space<semaphore_mem>>
      tpu.enqueue_dma source(%arg6 : memref<16xi32, #tpu.memory_space<hbm>>) target(%arg19 : memref<16xi32, #tpu.memory_space<vmem>>) target_semaphore(%run_scoped3A : memref<!tpu.dma_semaphore, #tpu.memory_space<semaphore_mem>>)
      tpu.wait_dma2 semaphore(%run_scoped3A : memref<!tpu.dma_semaphore, #tpu.memory_space<semaphore_mem>>) src(%arg6 : memref<16xi32, #tpu.memory_space<hbm>>) dst(%arg19 : memref<16xi32, #tpu.memory_space<vmem>>)
      tpu.yield
    }) : () -> ()
    "tpu.region"() ({
      %run_scoped3A = tpu.sem_alloc : memref<!tpu.dma_semaphore, #tpu.memory_space<semaphore_mem>>
      tpu.enqueue_dma source(%arg7 : memref<16xi32, #tpu.memory_space<hbm>>) target(%arg20 : memref<16xi32, #tpu.memory_space<vmem>>) target_semaphore(%run_scoped3A : memref<!tpu.dma_semaphore, #tpu.memory_space<semaphore_mem>>)
      tpu.wait_dma2 semaphore(%run_scoped3A : memref<!tpu.dma_semaphore, #tpu.memory_space<semaphore_mem>>) src(%arg7 : memref<16xi32, #tpu.memory_space<hbm>>) dst(%arg20 : memref<16xi32, #tpu.memory_space<vmem>>)
      tpu.yield
    }) : () -> ()
    "tpu.region"() ({
      %run_scoped3A = tpu.sem_alloc : memref<!tpu.dma_semaphore, #tpu.memory_space<semaphore_mem>>
      tpu.enqueue_dma source(%arg3 : memref<20000xf32, #tpu.memory_space<hbm>>) target(%arg13 : memref<20000xf32, #tpu.memory_space<vmem>>) target_semaphore(%run_scoped3A : memref<!tpu.dma_semaphore, #tpu.memory_space<semaphore_mem>>)
      tpu.wait_dma2 semaphore(%run_scoped3A : memref<!tpu.dma_semaphore, #tpu.memory_space<semaphore_mem>>) src(%arg3 : memref<20000xf32, #tpu.memory_space<hbm>>) dst(%arg13 : memref<20000xf32, #tpu.memory_space<vmem>>)
      tpu.yield
    }) : () -> ()
    %get3A = arith.constant 0 : index
    %get3A_15 = tpu.vector_load %arg19[%get3A] {strides = array<i32>} : memref<16xi32, #tpu.memory_space<vmem>>, vector<16xi32>,
    %get3A_16 = arith.constant 0 : index
    %get3A_17 = tpu.vector_load %arg20[%get3A_16] {strides = array<i32>} : memref<16xi32, #tpu.memory_space<vmem>>, vector<16xi32>,
    %broadcast_in_dim3A = arith.constant 0.000000e+00 : f32
    %broadcast_in_dim3A_18 = vector.broadcast %broadcast_in_dim3A : f32 to vector<16xf32>
    %swap3A = arith.constant 0 : index
    %swap3A_19 = tpu.vector_load %arg21[%swap3A] {strides = array<i32>} : memref<16xf32, #tpu.memory_space<vmem>>, vector<16xf32>,
    tpu.vector_store %arg21[%swap3A], %broadcast_in_dim3A_18 {strides = array<i32>} : memref<16xf32, #tpu.memory_space<vmem>>, vector<16xf32>,
    %swap3A_20 = arith.constant 0 : index
    %swap3A_21 = tpu.vector_load %arg22[%swap3A_20] {strides = array<i32>} : memref<16xf32, #tpu.memory_space<vmem>>, vector<16xf32>,
    tpu.vector_store %arg22[%swap3A_20], %broadcast_in_dim3A_18 {strides = array<i32>} : memref<16xf32, #tpu.memory_space<vmem>>, vector<16xf32>,
    %swap3A_22 = arith.constant 0 : index
    %swap3A_23 = tpu.vector_load %arg23[%swap3A_22] {strides = array<i32>} : memref<16xf32, #tpu.memory_space<vmem>>, vector<16xf32>,
    tpu.vector_store %arg23[%swap3A_22], %broadcast_in_dim3A_18 {strides = array<i32>} : memref<16xf32, #tpu.memory_space<vmem>>, vector<16xf32>,
    %barrier3A = arith.constant 0 : index
    tpu.barrier barrier_id(%barrier3A)
    %dma_start3A = arith.constant 0 : i32
    %dma_start3A_24 = tpu.memref_slice %arg11[%dma_start3A] : memref<10320xi32, #tpu.memory_space<vmem>> -> memref<80xi32, #tpu.memory_space<vmem>>
    %dma_start3A_25 = arith.constant 0 : i32
    %dma_start3A_26 = arith.constant 0 : i32
    %dma_start3A_27 = tpu.memref_slice %arg14[%dma_start3A_25, %dma_start3A_26] : memref<10000x64xi32, #tpu.memory_space<vmem_shared>> -> memref<10000x64xi32, #tpu.memory_space<vmem_shared>>
    tpu.enqueue_indirect_dma source(%dma_start3A_27 : memref<10000x64xi32, #tpu.memory_space<vmem_shared>>) target(%arg15 : memref<80x64xi32, #tpu.memory_space<vmem>>) offsets(%dma_start3A_24 : memref<80xi32, #tpu.memory_space<vmem>>) semaphore(%arg24 : memref<!tpu.dma_semaphore, #tpu.memory_space<semaphore_mem>>)
    %dma_start3A_28 = arith.constant 0 : i32
    %dma_start3A_29 = tpu.memref_slice %arg12[%dma_start3A_28] : memref<10320xi32, #tpu.memory_space<vmem>> -> memref<80xi32, #tpu.memory_space<vmem>>
    %dma_start3A_30 = arith.constant 0 : i32
    %dma_start3A_31 = arith.constant 0 : i32
    %dma_start3A_32 = tpu.memref_slice %arg14[%dma_start3A_30, %dma_start3A_31] : memref<10000x64xi32, #tpu.memory_space<vmem_shared>> -> memref<10000x64xi32, #tpu.memory_space<vmem_shared>>
    tpu.enqueue_indirect_dma source(%dma_start3A_32 : memref<10000x64xi32, #tpu.memory_space<vmem_shared>>) target(%arg16 : memref<80x64xi32, #tpu.memory_space<vmem>>) offsets(%dma_start3A_29 : memref<80xi32, #tpu.memory_space<vmem>>) semaphore(%arg24 : memref<!tpu.dma_semaphore, #tpu.memory_space<semaphore_mem>>)
    %scan3A = arith.constant 0 : i32
    %scan3A_33 = arith.constant 0 : i32
    %scan3A_34 = arith.constant 64 : i32
    %scan3A_35 = arith.addi %scan3A_33, %scan3A_34 : i32
    %scan3A_36 = arith.constant 1 : i32
    %scan3A_37 = scf.for %scan3A_62 = %scan3A_33 to %scan3A_35 step %scan3A_36 iter_args(%scan3A_63 = %scan3A) -> (i32)  : i32 {
      %mul3A_64 = arith.constant 2 : i32
      %mul3A_65 = arith.muli %mul3A_64, %scan3A_62 : i32
      %add3A_66 = arith.constant 1 : i32
      %add3A_67 = arith.addi %mul3A_65, %add3A_66 : i32
      %mul3A_68 = arith.constant 80 : i32
      %mul3A_69 = arith.muli %add3A_67, %mul3A_68 : i32
      %mul3A_70 = arith.constant 80 : i32
      %mul3A_71 = arith.muli %add3A_67, %mul3A_70 : i32
      %dma_start3A_72 = tpu.memref_slice %arg11[%mul3A_69] : memref<10320xi32, #tpu.memory_space<vmem>> -> memref<80xi32, #tpu.memory_space<vmem>>
      %dma_start3A_73 = arith.constant 0 : i32
      %dma_start3A_74 = arith.constant 0 : i32
      %dma_start3A_75 = tpu.memref_slice %arg14[%dma_start3A_73, %dma_start3A_74] : memref<10000x64xi32, #tpu.memory_space<vmem_shared>> -> memref<10000x64xi32, #tpu.memory_space<vmem_shared>>
      tpu.enqueue_indirect_dma source(%dma_start3A_75 : memref<10000x64xi32, #tpu.memory_space<vmem_shared>>) target(%arg17 : memref<80x64xi32, #tpu.memory_space<vmem>>) offsets(%dma_start3A_72 : memref<80xi32, #tpu.memory_space<vmem>>) semaphore(%arg25 : memref<!tpu.dma_semaphore, #tpu.memory_space<semaphore_mem>>)
      %dma_start3A_76 = tpu.memref_slice %arg12[%mul3A_71] : memref<10320xi32, #tpu.memory_space<vmem>> -> memref<80xi32, #tpu.memory_space<vmem>>
      %dma_start3A_77 = arith.constant 0 : i32
      %dma_start3A_78 = arith.constant 0 : i32
      %dma_start3A_79 = tpu.memref_slice %arg14[%dma_start3A_77, %dma_start3A_78] : memref<10000x64xi32, #tpu.memory_space<vmem_shared>> -> memref<10000x64xi32, #tpu.memory_space<vmem_shared>>
      tpu.enqueue_indirect_dma source(%dma_start3A_79 : memref<10000x64xi32, #tpu.memory_space<vmem_shared>>) target(%arg18 : memref<80x64xi32, #tpu.memory_space<vmem>>) offsets(%dma_start3A_76 : memref<80xi32, #tpu.memory_space<vmem>>) semaphore(%arg25 : memref<!tpu.dma_semaphore, #tpu.memory_space<semaphore_mem>>)
      %dma_wait3A_80 = arith.constant 0 : i32
      %dma_wait3A_81 = arith.constant 0 : i32
      %dma_wait3A_82 = tpu.memref_slice %arg2[%dma_wait3A_80, %dma_wait3A_81] : memref<10000x64xi32, #tpu.memory_space<hbm>> -> memref<80x64xi32, #tpu.memory_space<hbm>>
      %dma_wait3A_83 = arith.constant 0 : i32
      %dma_wait3A_84 = arith.constant 0 : i32
      %dma_wait3A_85 = tpu.memref_slice %arg2[%dma_wait3A_83, %dma_wait3A_84] : memref<10000x64xi32, #tpu.memory_space<hbm>> -> memref<80x64xi32, #tpu.memory_space<hbm>>
      tpu.wait_dma2 semaphore(%arg24 : memref<!tpu.dma_semaphore, #tpu.memory_space<semaphore_mem>>) src(%dma_wait3A_85 : memref<80x64xi32, #tpu.memory_space<hbm>>) dst(%arg15 : memref<80x64xi32, #tpu.memory_space<vmem>>)
      %dma_wait3A_86 = arith.constant 0 : i32
      %dma_wait3A_87 = arith.constant 0 : i32
      %dma_wait3A_88 = tpu.memref_slice %arg2[%dma_wait3A_86, %dma_wait3A_87] : memref<10000x64xi32, #tpu.memory_space<hbm>> -> memref<80x64xi32, #tpu.memory_space<hbm>>
      %dma_wait3A_89 = arith.constant 0 : i32
      %dma_wait3A_90 = arith.constant 0 : i32
      %dma_wait3A_91 = tpu.memref_slice %arg2[%dma_wait3A_89, %dma_wait3A_90] : memref<10000x64xi32, #tpu.memory_space<hbm>> -> memref<80x64xi32, #tpu.memory_space<hbm>>
      tpu.wait_dma2 semaphore(%arg24 : memref<!tpu.dma_semaphore, #tpu.memory_space<semaphore_mem>>) src(%dma_wait3A_91 : memref<80x64xi32, #tpu.memory_space<hbm>>) dst(%arg16 : memref<80x64xi32, #tpu.memory_space<vmem>>)
      %lt3A = arith.constant 125 : i32
      %lt3A_92 = arith.cmpi slt, %mul3A_65, %lt3A : i32
      %mul3A_93 = arith.constant 320 : i32
      %mul3A_94 = arith.muli %add3A, %mul3A_93 : i32
      %mul3A_95 = arith.constant 80 : i32
      %mul3A_96 = arith.muli %mul3A_65, %mul3A_95 : i32
      %add3A_97 = arith.addi %mul3A_94, %mul3A_96 : i32
      %sub3A_98 = arith.constant 10000 : i32
      %sub3A_99 = arith.subi %add3A_97, %sub3A_98 : i32
      %scan3A_100 = arith.constant 0 : i32
      %scan3A_101 = arith.constant 0 : i32
      %scan3A_102 = arith.constant 5 : i32
      %scan3A_103 = arith.addi %scan3A_101, %scan3A_102 : i32
      %scan3A_104 = arith.constant 1 : i32
      %scan3A_105 = scf.for %scan3A_152 = %scan3A_101 to %scan3A_103 step %scan3A_104 iter_args(%scan3A_153 = %scan3A_100) -> (i32)  : i32 {
        %mul3A_154 = arith.constant 16 : i32
        %mul3A_155 = arith.muli %scan3A_152, %mul3A_154 : i32
        %mul3A_156 = arith.constant 80 : i32
        %mul3A_157 = arith.muli %mul3A_65, %mul3A_156 : i32
        %add3A_158 = arith.addi %mul3A_157, %mul3A_155 : i32
        %get3A_159 = arith.index_cast %add3A_158 : i32 to index
        %get3A_160 = tpu.vector_load %arg11[%get3A_159] {strides = array<i32>} : memref<10320xi32, #tpu.memory_space<vmem>>, vector<16xi32>,
        %mul3A_161 = arith.constant 80 : i32
        %mul3A_162 = arith.muli %mul3A_65, %mul3A_161 : i32
        %add3A_163 = arith.addi %mul3A_162, %mul3A_155 : i32
        %get3A_164 = arith.index_cast %add3A_163 : i32 to index
        %get3A_165 = tpu.vector_load %arg12[%get3A_164] {strides = array<i32>} : memref<10320xi32, #tpu.memory_space<vmem>>, vector<16xi32>,
        %add3A_166 = vector.broadcast %mul3A_155 : i32 to vector<16xi32>
        %add3A_167 = arith.addi %add3A_166, %get3A_17 : vector<16xi32>
        %broadcast_in_dim3A_168 = arith.constant 0.000000e+00 : f32
        %broadcast_in_dim3A_169 = vector.broadcast %broadcast_in_dim3A_168 : f32 to vector<16xf32>
        %broadcast_in_dim3A_170 = arith.constant 0.000000e+00 : f32
        %broadcast_in_dim3A_171 = vector.broadcast %broadcast_in_dim3A_170 : f32 to vector<16xf32>
        %gather3A = tpu.vector_load_idx %arg15[%add3A_167, %get3A_17] : memref<80x64xi32, #tpu.memory_space<vmem>>[vector<16xi32>, vector<16xi32>], vector<16xi32>,
        %gather3A_172 = tpu.vector_load_idx %arg16[%add3A_167, %get3A_17] : memref<80x64xi32, #tpu.memory_space<vmem>>[vector<16xi32>, vector<16xi32>], vector<16xi32>,
        %bitcast3A = vector.bitcast %gather3A : vector<16xi32> to vector<32xbf16>
        %bitcast3A_173 = vector.bitcast %gather3A_172 : vector<16xi32> to vector<32xbf16>
        %mul3A_174 = arith.mulf %bitcast3A, %bitcast3A_173 : vector<32xbf16>
        %unpack3A = tpu.unpack_subelements %mul3A_174, 0 {pack_format = #tpu.pack_format<interleaved>} : vector<32xbf16> -> vector<16xf32>
        %unpack3A_175 = tpu.unpack_subelements %mul3A_174, 1 {pack_format = #tpu.pack_format<interleaved>} : vector<32xbf16> -> vector<16xf32>
        %add3A_176 = arith.addf %broadcast_in_dim3A_169, %unpack3A : vector<16xf32>
        %add3A_177 = arith.addf %broadcast_in_dim3A_171, %unpack3A_175 : vector<16xf32>
        %add3A_178 = arith.constant 1 : i32
        %add3A_179 = vector.broadcast %add3A_178 : i32 to vector<16xi32>
        %add3A_180 = arith.addi %get3A_17, %add3A_179 : vector<16xi32>
        %and3A = arith.constant 63 : i32
        %and3A_181 = vector.broadcast %and3A : i32 to vector<16xi32>
        %and3A_182 = arith.andi %add3A_180, %and3A_181 : vector<16xi32>
        %gather3A_183 = tpu.vector_load_idx %arg15[%add3A_167, %and3A_182] : memref<80x64xi32, #tpu.memory_space<vmem>>[vector<16xi32>, vector<16xi32>], vector<16xi32>,
        %gather3A_184 = tpu.vector_load_idx %arg16[%add3A_167, %and3A_182] : memref<80x64xi32, #tpu.memory_space<vmem>>[vector<16xi32>, vector<16xi32>], vector<16xi32>,
        %bitcast3A_185 = vector.bitcast %gather3A_183 : vector<16xi32> to vector<32xbf16>
        %bitcast3A_186 = vector.bitcast %gather3A_184 : vector<16xi32> to vector<32xbf16>
        %mul3A_187 = arith.mulf %bitcast3A_185, %bitcast3A_186 : vector<32xbf16>
        %unpack3A_188 = tpu.unpack_subelements %mul3A_187, 0 {pack_format = #tpu.pack_format<interleaved>} : vector<32xbf16> -> vector<16xf32>
        %unpack3A_189 = tpu.unpack_subelements %mul3A_187, 1 {pack_format = #tpu.pack_format<interleaved>} : vector<32xbf16> -> vector<16xf32>
        %add3A_190 = arith.addf %add3A_176, %unpack3A_188 : vector<16xf32>
        %add3A_191 = arith.addf %add3A_177, %unpack3A_189 : vector<16xf32>
        %add3A_192 = arith.constant 1 : i32
        %add3A_193 = vector.broadcast %add3A_192 : i32 to vector<16xi32>
        %add3A_194 = arith.addi %and3A_182, %add3A_193 : vector<16xi32>
        %and3A_195 = arith.constant 63 : i32
        %and3A_196 = vector.broadcast %and3A_195 : i32 to vector<16xi32>
        %and3A_197 = arith.andi %add3A_194, %and3A_196 : vector<16xi32>
        %gather3A_198 = tpu.vector_load_idx %arg15[%add3A_167, %and3A_197] : memref<80x64xi32, #tpu.memory_space<vmem>>[vector<16xi32>, vector<16xi32>], vector<16xi32>,
        %gather3A_199 = tpu.vector_load_idx %arg16[%add3A_167, %and3A_197] : memref<80x64xi32, #tpu.memory_space<vmem>>[vector<16xi32>, vector<16xi32>], vector<16xi32>,
        %bitcast3A_200 = vector.bitcast %gather3A_198 : vector<16xi32> to vector<32xbf16>
        %bitcast3A_201 = vector.bitcast %gather3A_199 : vector<16xi32> to vector<32xbf16>
        %mul3A_202 = arith.mulf %bitcast3A_200, %bitcast3A_201 : vector<32xbf16>
        %unpack3A_203 = tpu.unpack_subelements %mul3A_202, 0 {pack_format = #tpu.pack_format<interleaved>} : vector<32xbf16> -> vector<16xf32>
        %unpack3A_204 = tpu.unpack_subelements %mul3A_202, 1 {pack_format = #tpu.pack_format<interleaved>} : vector<32xbf16> -> vector<16xf32>
        %add3A_205 = arith.addf %add3A_190, %unpack3A_203 : vector<16xf32>
        %add3A_206 = arith.addf %add3A_191, %unpack3A_204 : vector<16xf32>
        %add3A_207 = arith.constant 1 : i32
        %add3A_208 = vector.broadcast %add3A_207 : i32 to vector<16xi32>
        %add3A_209 = arith.addi %and3A_197, %add3A_208 : vector<16xi32>
        %and3A_210 = arith.constant 63 : i32
        %and3A_211 = vector.broadcast %and3A_210 : i32 to vector<16xi32>
        %and3A_212 = arith.andi %add3A_209, %and3A_211 : vector<16xi32>
        %gather3A_213 = tpu.vector_load_idx %arg15[%add3A_167, %and3A_212] : memref<80x64xi32, #tpu.memory_space<vmem>>[vector<16xi32>, vector<16xi32>], vector<16xi32>,
        %gather3A_214 = tpu.vector_load_idx %arg16[%add3A_167, %and3A_212] : memref<80x64xi32, #tpu.memory_space<vmem>>[vector<16xi32>, vector<16xi32>], vector<16xi32>,
        %bitcast3A_215 = vector.bitcast %gather3A_213 : vector<16xi32> to vector<32xbf16>
        %bitcast3A_216 = vector.bitcast %gather3A_214 : vector<16xi32> to vector<32xbf16>
        %mul3A_217 = arith.mulf %bitcast3A_215, %bitcast3A_216 : vector<32xbf16>
        %unpack3A_218 = tpu.unpack_subelements %mul3A_217, 0 {pack_format = #tpu.pack_format<interleaved>} : vector<32xbf16> -> vector<16xf32>
        %unpack3A_219 = tpu.unpack_subelements %mul3A_217, 1 {pack_format = #tpu.pack_format<interleaved>} : vector<32xbf16> -> vector<16xf32>
        %add3A_220 = arith.addf %add3A_205, %unpack3A_218 : vector<16xf32>
        %add3A_221 = arith.addf %add3A_206, %unpack3A_219 : vector<16xf32>
        %add3A_222 = arith.constant 1 : i32
        %add3A_223 = vector.broadcast %add3A_222 : i32 to vector<16xi32>
        %add3A_224 = arith.addi %and3A_212, %add3A_223 : vector<16xi32>
        %and3A_225 = arith.constant 63 : i32
        %and3A_226 = vector.broadcast %and3A_225 : i32 to vector<16xi32>
        %and3A_227 = arith.andi %add3A_224, %and3A_226 : vector<16xi32>
        %gather3A_228 = tpu.vector_load_idx %arg15[%add3A_167, %and3A_227] : memref<80x64xi32, #tpu.memory_space<vmem>>[vector<16xi32>, vector<16xi32>], vector<16xi32>,
        %gather3A_229 = tpu.vector_load_idx %arg16[%add3A_167, %and3A_227] : memref<80x64xi32, #tpu.memory_space<vmem>>[vector<16xi32>, vector<16xi32>], vector<16xi32>,
        %bitcast3A_230 = vector.bitcast %gather3A_228 : vector<16xi32> to vector<32xbf16>
        %bitcast3A_231 = vector.bitcast %gather3A_229 : vector<16xi32> to vector<32xbf16>
        %mul3A_232 = arith.mulf %bitcast3A_230, %bitcast3A_231 : vector<32xbf16>
        %unpack3A_233 = tpu.unpack_subelements %mul3A_232, 0 {pack_format = #tpu.pack_format<interleaved>} : vector<32xbf16> -> vector<16xf32>
        %unpack3A_234 = tpu.unpack_subelements %mul3A_232, 1 {pack_format = #tpu.pack_format<interleaved>} : vector<32xbf16> -> vector<16xf32>
        %add3A_235 = arith.addf %add3A_220, %unpack3A_233 : vector<16xf32>
        %add3A_236 = arith.addf %add3A_221, %unpack3A_234 : vector<16xf32>
        %add3A_237 = arith.constant 1 : i32
        %add3A_238 = vector.broadcast %add3A_237 : i32 to vector<16xi32>
        %add3A_239 = arith.addi %and3A_227, %add3A_238 : vector<16xi32>
        %and3A_240 = arith.constant 63 : i32
        %and3A_241 = vector.broadcast %and3A_240 : i32 to vector<16xi32>
        %and3A_242 = arith.andi %add3A_239, %and3A_241 : vector<16xi32>
        %gather3A_243 = tpu.vector_load_idx %arg15[%add3A_167, %and3A_242] : memref<80x64xi32, #tpu.memory_space<vmem>>[vector<16xi32>, vector<16xi32>], vector<16xi32>,
        %gather3A_244 = tpu.vector_load_idx %arg16[%add3A_167, %and3A_242] : memref<80x64xi32, #tpu.memory_space<vmem>>[vector<16xi32>, vector<16xi32>], vector<16xi32>,
        %bitcast3A_245 = vector.bitcast %gather3A_243 : vector<16xi32> to vector<32xbf16>
        %bitcast3A_246 = vector.bitcast %gather3A_244 : vector<16xi32> to vector<32xbf16>
        %mul3A_247 = arith.mulf %bitcast3A_245, %bitcast3A_246 : vector<32xbf16>
        %unpack3A_248 = tpu.unpack_subelements %mul3A_247, 0 {pack_format = #tpu.pack_format<interleaved>} : vector<32xbf16> -> vector<16xf32>
        %unpack3A_249 = tpu.unpack_subelements %mul3A_247, 1 {pack_format = #tpu.pack_format<interleaved>} : vector<32xbf16> -> vector<16xf32>
        %add3A_250 = arith.addf %add3A_235, %unpack3A_248 : vector<16xf32>
        %add3A_251 = arith.addf %add3A_236, %unpack3A_249 : vector<16xf32>
        %add3A_252 = arith.constant 1 : i32
        %add3A_253 = vector.broadcast %add3A_252 : i32 to vector<16xi32>
        %add3A_254 = arith.addi %and3A_242, %add3A_253 : vector<16xi32>
        %and3A_255 = arith.constant 63 : i32
        %and3A_256 = vector.broadcast %and3A_255 : i32 to vector<16xi32>
        %and3A_257 = arith.andi %add3A_254, %and3A_256 : vector<16xi32>
        %gather3A_258 = tpu.vector_load_idx %arg15[%add3A_167, %and3A_257] : memref<80x64xi32, #tpu.memory_space<vmem>>[vector<16xi32>, vector<16xi32>], vector<16xi32>,
        %gather3A_259 = tpu.vector_load_idx %arg16[%add3A_167, %and3A_257] : memref<80x64xi32, #tpu.memory_space<vmem>>[vector<16xi32>, vector<16xi32>], vector<16xi32>,
        %bitcast3A_260 = vector.bitcast %gather3A_258 : vector<16xi32> to vector<32xbf16>
        %bitcast3A_261 = vector.bitcast %gather3A_259 : vector<16xi32> to vector<32xbf16>
        %mul3A_262 = arith.mulf %bitcast3A_260, %bitcast3A_261 : vector<32xbf16>
        %unpack3A_263 = tpu.unpack_subelements %mul3A_262, 0 {pack_format = #tpu.pack_format<interleaved>} : vector<32xbf16> -> vector<16xf32>
        %unpack3A_264 = tpu.unpack_subelements %mul3A_262, 1 {pack_format = #tpu.pack_format<interleaved>} : vector<32xbf16> -> vector<16xf32>
        %add3A_265 = arith.addf %add3A_250, %unpack3A_263 : vector<16xf32>
        %add3A_266 = arith.addf %add3A_251, %unpack3A_264 : vector<16xf32>
        %add3A_267 = arith.constant 1 : i32
        %add3A_268 = vector.broadcast %add3A_267 : i32 to vector<16xi32>
        %add3A_269 = arith.addi %and3A_257, %add3A_268 : vector<16xi32>
        %and3A_270 = arith.constant 63 : i32
        %and3A_271 = vector.broadcast %and3A_270 : i32 to vector<16xi32>
        %and3A_272 = arith.andi %add3A_269, %and3A_271 : vector<16xi32>
        %gather3A_273 = tpu.vector_load_idx %arg15[%add3A_167, %and3A_272] : memref<80x64xi32, #tpu.memory_space<vmem>>[vector<16xi32>, vector<16xi32>], vector<16xi32>,
        %gather3A_274 = tpu.vector_load_idx %arg16[%add3A_167, %and3A_272] : memref<80x64xi32, #tpu.memory_space<vmem>>[vector<16xi32>, vector<16xi32>], vector<16xi32>,
        %bitcast3A_275 = vector.bitcast %gather3A_273 : vector<16xi32> to vector<32xbf16>
        %bitcast3A_276 = vector.bitcast %gather3A_274 : vector<16xi32> to vector<32xbf16>
        %mul3A_277 = arith.mulf %bitcast3A_275, %bitcast3A_276 : vector<32xbf16>
        %unpack3A_278 = tpu.unpack_subelements %mul3A_277, 0 {pack_format = #tpu.pack_format<interleaved>} : vector<32xbf16> -> vector<16xf32>
        %unpack3A_279 = tpu.unpack_subelements %mul3A_277, 1 {pack_format = #tpu.pack_format<interleaved>} : vector<32xbf16> -> vector<16xf32>
        %add3A_280 = arith.addf %add3A_265, %unpack3A_278 : vector<16xf32>
        %add3A_281 = arith.addf %add3A_266, %unpack3A_279 : vector<16xf32>
        %add3A_282 = arith.constant 1 : i32
        %add3A_283 = vector.broadcast %add3A_282 : i32 to vector<16xi32>
        %add3A_284 = arith.addi %and3A_272, %add3A_283 : vector<16xi32>
        %and3A_285 = arith.constant 63 : i32
        %and3A_286 = vector.broadcast %and3A_285 : i32 to vector<16xi32>
        %and3A_287 = arith.andi %add3A_284, %and3A_286 : vector<16xi32>
        %gather3A_288 = tpu.vector_load_idx %arg15[%add3A_167, %and3A_287] : memref<80x64xi32, #tpu.memory_space<vmem>>[vector<16xi32>, vector<16xi32>], vector<16xi32>,
        %gather3A_289 = tpu.vector_load_idx %arg16[%add3A_167, %and3A_287] : memref<80x64xi32, #tpu.memory_space<vmem>>[vector<16xi32>, vector<16xi32>], vector<16xi32>,
        %bitcast3A_290 = vector.bitcast %gather3A_288 : vector<16xi32> to vector<32xbf16>
        %bitcast3A_291 = vector.bitcast %gather3A_289 : vector<16xi32> to vector<32xbf16>
        %mul3A_292 = arith.mulf %bitcast3A_290, %bitcast3A_291 : vector<32xbf16>
        %unpack3A_293 = tpu.unpack_subelements %mul3A_292, 0 {pack_format = #tpu.pack_format<interleaved>} : vector<32xbf16> -> vector<16xf32>
        %unpack3A_294 = tpu.unpack_subelements %mul3A_292, 1 {pack_format = #tpu.pack_format<interleaved>} : vector<32xbf16> -> vector<16xf32>
        %add3A_295 = arith.addf %add3A_280, %unpack3A_293 : vector<16xf32>
        %add3A_296 = arith.addf %add3A_281, %unpack3A_294 : vector<16xf32>
        %add3A_297 = arith.constant 1 : i32
        %add3A_298 = vector.broadcast %add3A_297 : i32 to vector<16xi32>
        %add3A_299 = arith.addi %and3A_287, %add3A_298 : vector<16xi32>
        %and3A_300 = arith.constant 63 : i32
        %and3A_301 = vector.broadcast %and3A_300 : i32 to vector<16xi32>
        %and3A_302 = arith.andi %add3A_299, %and3A_301 : vector<16xi32>
        %gather3A_303 = tpu.vector_load_idx %arg15[%add3A_167, %and3A_302] : memref<80x64xi32, #tpu.memory_space<vmem>>[vector<16xi32>, vector<16xi32>], vector<16xi32>,
        %gather3A_304 = tpu.vector_load_idx %arg16[%add3A_167, %and3A_302] : memref<80x64xi32, #tpu.memory_space<vmem>>[vector<16xi32>, vector<16xi32>], vector<16xi32>,
        %bitcast3A_305 = vector.bitcast %gather3A_303 : vector<16xi32> to vector<32xbf16>
        %bitcast3A_306 = vector.bitcast %gather3A_304 : vector<16xi32> to vector<32xbf16>
        %mul3A_307 = arith.mulf %bitcast3A_305, %bitcast3A_306 : vector<32xbf16>
        %unpack3A_308 = tpu.unpack_subelements %mul3A_307, 0 {pack_format = #tpu.pack_format<interleaved>} : vector<32xbf16> -> vector<16xf32>
        %unpack3A_309 = tpu.unpack_subelements %mul3A_307, 1 {pack_format = #tpu.pack_format<interleaved>} : vector<32xbf16> -> vector<16xf32>
        %add3A_310 = arith.addf %add3A_295, %unpack3A_308 : vector<16xf32>
        %add3A_311 = arith.addf %add3A_296, %unpack3A_309 : vector<16xf32>
        %add3A_312 = arith.constant 1 : i32
        %add3A_313 = vector.broadcast %add3A_312 : i32 to vector<16xi32>
        %add3A_314 = arith.addi %and3A_302, %add3A_313 : vector<16xi32>
        %and3A_315 = arith.constant 63 : i32
        %and3A_316 = vector.broadcast %and3A_315 : i32 to vector<16xi32>
        %and3A_317 = arith.andi %add3A_314, %and3A_316 : vector<16xi32>
        %gather3A_318 = tpu.vector_load_idx %arg15[%add3A_167, %and3A_317] : memref<80x64xi32, #tpu.memory_space<vmem>>[vector<16xi32>, vector<16xi32>], vector<16xi32>,
        %gather3A_319 = tpu.vector_load_idx %arg16[%add3A_167, %and3A_317] : memref<80x64xi32, #tpu.memory_space<vmem>>[vector<16xi32>, vector<16xi32>], vector<16xi32>,
        %bitcast3A_320 = vector.bitcast %gather3A_318 : vector<16xi32> to vector<32xbf16>
        %bitcast3A_321 = vector.bitcast %gather3A_319 : vector<16xi32> to vector<32xbf16>
        %mul3A_322 = arith.mulf %bitcast3A_320, %bitcast3A_321 : vector<32xbf16>
        %unpack3A_323 = tpu.unpack_subelements %mul3A_322, 0 {pack_format = #tpu.pack_format<interleaved>} : vector<32xbf16> -> vector<16xf32>
        %unpack3A_324 = tpu.unpack_subelements %mul3A_322, 1 {pack_format = #tpu.pack_format<interleaved>} : vector<32xbf16> -> vector<16xf32>
        %add3A_325 = arith.addf %add3A_310, %unpack3A_323 : vector<16xf32>
        %add3A_326 = arith.addf %add3A_311, %unpack3A_324 : vector<16xf32>
        %add3A_327 = arith.constant 1 : i32
        %add3A_328 = vector.broadcast %add3A_327 : i32 to vector<16xi32>
        %add3A_329 = arith.addi %and3A_317, %add3A_328 : vector<16xi32>
        %and3A_330 = arith.constant 63 : i32
        %and3A_331 = vector.broadcast %and3A_330 : i32 to vector<16xi32>
        %and3A_332 = arith.andi %add3A_329, %and3A_331 : vector<16xi32>
        %gather3A_333 = tpu.vector_load_idx %arg15[%add3A_167, %and3A_332] : memref<80x64xi32, #tpu.memory_space<vmem>>[vector<16xi32>, vector<16xi32>], vector<16xi32>,
        %gather3A_334 = tpu.vector_load_idx %arg16[%add3A_167, %and3A_332] : memref<80x64xi32, #tpu.memory_space<vmem>>[vector<16xi32>, vector<16xi32>], vector<16xi32>,
        %bitcast3A_335 = vector.bitcast %gather3A_333 : vector<16xi32> to vector<32xbf16>
        %bitcast3A_336 = vector.bitcast %gather3A_334 : vector<16xi32> to vector<32xbf16>
        %mul3A_337 = arith.mulf %bitcast3A_335, %bitcast3A_336 : vector<32xbf16>
        %unpack3A_338 = tpu.unpack_subelements %mul3A_337, 0 {pack_format = #tpu.pack_format<interleaved>} : vector<32xbf16> -> vector<16xf32>
        %unpack3A_339 = tpu.unpack_subelements %mul3A_337, 1 {pack_format = #tpu.pack_format<interleaved>} : vector<32xbf16> -> vector<16xf32>
        %add3A_340 = arith.addf %add3A_325, %unpack3A_338 : vector<16xf32>
        %add3A_341 = arith.addf %add3A_326, %unpack3A_339 : vector<16xf32>
        %add3A_342 = arith.constant 1 : i32
        %add3A_343 = vector.broadcast %add3A_342 : i32 to vector<16xi32>
        %add3A_344 = arith.addi %and3A_332, %add3A_343 : vector<16xi32>
        %and3A_345 = arith.constant 63 : i32
        %and3A_346 = vector.broadcast %and3A_345 : i32 to vector<16xi32>
        %and3A_347 = arith.andi %add3A_344, %and3A_346 : vector<16xi32>
        %gather3A_348 = tpu.vector_load_idx %arg15[%add3A_167, %and3A_347] : memref<80x64xi32, #tpu.memory_space<vmem>>[vector<16xi32>, vector<16xi32>], vector<16xi32>,
        %gather3A_349 = tpu.vector_load_idx %arg16[%add3A_167, %and3A_347] : memref<80x64xi32, #tpu.memory_space<vmem>>[vector<16xi32>, vector<16xi32>], vector<16xi32>,
        %bitcast3A_350 = vector.bitcast %gather3A_348 : vector<16xi32> to vector<32xbf16>
        %bitcast3A_351 = vector.bitcast %gather3A_349 : vector<16xi32> to vector<32xbf16>
        %mul3A_352 = arith.mulf %bitcast3A_350, %bitcast3A_351 : vector<32xbf16>
        %unpack3A_353 = tpu.unpack_subelements %mul3A_352, 0 {pack_format = #tpu.pack_format<interleaved>} : vector<32xbf16> -> vector<16xf32>
        %unpack3A_354 = tpu.unpack_subelements %mul3A_352, 1 {pack_format = #tpu.pack_format<interleaved>} : vector<32xbf16> -> vector<16xf32>
        %add3A_355 = arith.addf %add3A_340, %unpack3A_353 : vector<16xf32>
        %add3A_356 = arith.addf %add3A_341, %unpack3A_354 : vector<16xf32>
        %add3A_357 = arith.constant 1 : i32
        %add3A_358 = vector.broadcast %add3A_357 : i32 to vector<16xi32>
        %add3A_359 = arith.addi %and3A_347, %add3A_358 : vector<16xi32>
        %and3A_360 = arith.constant 63 : i32
        %and3A_361 = vector.broadcast %and3A_360 : i32 to vector<16xi32>
        %and3A_362 = arith.andi %add3A_359, %and3A_361 : vector<16xi32>
        %gather3A_363 = tpu.vector_load_idx %arg15[%add3A_167, %and3A_362] : memref<80x64xi32, #tpu.memory_space<vmem>>[vector<16xi32>, vector<16xi32>], vector<16xi32>,
        %gather3A_364 = tpu.vector_load_idx %arg16[%add3A_167, %and3A_362] : memref<80x64xi32, #tpu.memory_space<vmem>>[vector<16xi32>, vector<16xi32>], vector<16xi32>,
        %bitcast3A_365 = vector.bitcast %gather3A_363 : vector<16xi32> to vector<32xbf16>
        %bitcast3A_366 = vector.bitcast %gather3A_364 : vector<16xi32> to vector<32xbf16>
        %mul3A_367 = arith.mulf %bitcast3A_365, %bitcast3A_366 : vector<32xbf16>
        %unpack3A_368 = tpu.unpack_subelements %mul3A_367, 0 {pack_format = #tpu.pack_format<interleaved>} : vector<32xbf16> -> vector<16xf32>
        %unpack3A_369 = tpu.unpack_subelements %mul3A_367, 1 {pack_format = #tpu.pack_format<interleaved>} : vector<32xbf16> -> vector<16xf32>
        %add3A_370 = arith.addf %add3A_355, %unpack3A_368 : vector<16xf32>
        %add3A_371 = arith.addf %add3A_356, %unpack3A_369 : vector<16xf32>
        %add3A_372 = arith.constant 1 : i32
        %add3A_373 = vector.broadcast %add3A_372 : i32 to vector<16xi32>
        %add3A_374 = arith.addi %and3A_362, %add3A_373 : vector<16xi32>
        %and3A_375 = arith.constant 63 : i32
        %and3A_376 = vector.broadcast %and3A_375 : i32 to vector<16xi32>
        %and3A_377 = arith.andi %add3A_374, %and3A_376 : vector<16xi32>
        %gather3A_378 = tpu.vector_load_idx %arg15[%add3A_167, %and3A_377] : memref<80x64xi32, #tpu.memory_space<vmem>>[vector<16xi32>, vector<16xi32>], vector<16xi32>,
        %gather3A_379 = tpu.vector_load_idx %arg16[%add3A_167, %and3A_377] : memref<80x64xi32, #tpu.memory_space<vmem>>[vector<16xi32>, vector<16xi32>], vector<16xi32>,
        %bitcast3A_380 = vector.bitcast %gather3A_378 : vector<16xi32> to vector<32xbf16>
        %bitcast3A_381 = vector.bitcast %gather3A_379 : vector<16xi32> to vector<32xbf16>
        %mul3A_382 = arith.mulf %bitcast3A_380, %bitcast3A_381 : vector<32xbf16>
        %unpack3A_383 = tpu.unpack_subelements %mul3A_382, 0 {pack_format = #tpu.pack_format<interleaved>} : vector<32xbf16> -> vector<16xf32>
        %unpack3A_384 = tpu.unpack_subelements %mul3A_382, 1 {pack_format = #tpu.pack_format<interleaved>} : vector<32xbf16> -> vector<16xf32>
        %add3A_385 = arith.addf %add3A_370, %unpack3A_383 : vector<16xf32>
        %add3A_386 = arith.addf %add3A_371, %unpack3A_384 : vector<16xf32>
        %add3A_387 = arith.constant 1 : i32
        %add3A_388 = vector.broadcast %add3A_387 : i32 to vector<16xi32>
        %add3A_389 = arith.addi %and3A_377, %add3A_388 : vector<16xi32>
        %and3A_390 = arith.constant 63 : i32
        %and3A_391 = vector.broadcast %and3A_390 : i32 to vector<16xi32>
        %and3A_392 = arith.andi %add3A_389, %and3A_391 : vector<16xi32>
        %gather3A_393 = tpu.vector_load_idx %arg15[%add3A_167, %and3A_392] : memref<80x64xi32, #tpu.memory_space<vmem>>[vector<16xi32>, vector<16xi32>], vector<16xi32>,
        %gather3A_394 = tpu.vector_load_idx %arg16[%add3A_167, %and3A_392] : memref<80x64xi32, #tpu.memory_space<vmem>>[vector<16xi32>, vector<16xi32>], vector<16xi32>,
        %bitcast3A_395 = vector.bitcast %gather3A_393 : vector<16xi32> to vector<32xbf16>
        %bitcast3A_396 = vector.bitcast %gather3A_394 : vector<16xi32> to vector<32xbf16>
        %mul3A_397 = arith.mulf %bitcast3A_395, %bitcast3A_396 : vector<32xbf16>
        %unpack3A_398 = tpu.unpack_subelements %mul3A_397, 0 {pack_format = #tpu.pack_format<interleaved>} : vector<32xbf16> -> vector<16xf32>
        %unpack3A_399 = tpu.unpack_subelements %mul3A_397, 1 {pack_format = #tpu.pack_format<interleaved>} : vector<32xbf16> -> vector<16xf32>
        %add3A_400 = arith.addf %add3A_385, %unpack3A_398 : vector<16xf32>
        %add3A_401 = arith.addf %add3A_386, %unpack3A_399 : vector<16xf32>
        %add3A_402 = arith.constant 1 : i32
        %add3A_403 = vector.broadcast %add3A_402 : i32 to vector<16xi32>
        %add3A_404 = arith.addi %and3A_392, %add3A_403 : vector<16xi32>
        %and3A_405 = arith.constant 63 : i32
        %and3A_406 = vector.broadcast %and3A_405 : i32 to vector<16xi32>
        %and3A_407 = arith.andi %add3A_404, %and3A_406 : vector<16xi32>
        %gather3A_408 = tpu.vector_load_idx %arg15[%add3A_167, %and3A_407] : memref<80x64xi32, #tpu.memory_space<vmem>>[vector<16xi32>, vector<16xi32>], vector<16xi32>,
        %gather3A_409 = tpu.vector_load_idx %arg16[%add3A_167, %and3A_407] : memref<80x64xi32, #tpu.memory_space<vmem>>[vector<16xi32>, vector<16xi32>], vector<16xi32>,
        %bitcast3A_410 = vector.bitcast %gather3A_408 : vector<16xi32> to vector<32xbf16>
        %bitcast3A_411 = vector.bitcast %gather3A_409 : vector<16xi32> to vector<32xbf16>
        %mul3A_412 = arith.mulf %bitcast3A_410, %bitcast3A_411 : vector<32xbf16>
        %unpack3A_413 = tpu.unpack_subelements %mul3A_412, 0 {pack_format = #tpu.pack_format<interleaved>} : vector<32xbf16> -> vector<16xf32>
        %unpack3A_414 = tpu.unpack_subelements %mul3A_412, 1 {pack_format = #tpu.pack_format<interleaved>} : vector<32xbf16> -> vector<16xf32>
        %add3A_415 = arith.addf %add3A_400, %unpack3A_413 : vector<16xf32>
        %add3A_416 = arith.addf %add3A_401, %unpack3A_414 : vector<16xf32>
        %add3A_417 = arith.constant 1 : i32
        %add3A_418 = vector.broadcast %add3A_417 : i32 to vector<16xi32>
        %add3A_419 = arith.addi %and3A_407, %add3A_418 : vector<16xi32>
        %and3A_420 = arith.constant 63 : i32
        %and3A_421 = vector.broadcast %and3A_420 : i32 to vector<16xi32>
        %and3A_422 = arith.andi %add3A_419, %and3A_421 : vector<16xi32>
        %gather3A_423 = tpu.vector_load_idx %arg15[%add3A_167, %and3A_422] : memref<80x64xi32, #tpu.memory_space<vmem>>[vector<16xi32>, vector<16xi32>], vector<16xi32>,
        %gather3A_424 = tpu.vector_load_idx %arg16[%add3A_167, %and3A_422] : memref<80x64xi32, #tpu.memory_space<vmem>>[vector<16xi32>, vector<16xi32>], vector<16xi32>,
        %bitcast3A_425 = vector.bitcast %gather3A_423 : vector<16xi32> to vector<32xbf16>
        %bitcast3A_426 = vector.bitcast %gather3A_424 : vector<16xi32> to vector<32xbf16>
        %mul3A_427 = arith.mulf %bitcast3A_425, %bitcast3A_426 : vector<32xbf16>
        %unpack3A_428 = tpu.unpack_subelements %mul3A_427, 0 {pack_format = #tpu.pack_format<interleaved>} : vector<32xbf16> -> vector<16xf32>
        %unpack3A_429 = tpu.unpack_subelements %mul3A_427, 1 {pack_format = #tpu.pack_format<interleaved>} : vector<32xbf16> -> vector<16xf32>
        %add3A_430 = arith.addf %add3A_415, %unpack3A_428 : vector<16xf32>
        %add3A_431 = arith.addf %add3A_416, %unpack3A_429 : vector<16xf32>
        %add3A_432 = arith.constant 1 : i32
        %add3A_433 = vector.broadcast %add3A_432 : i32 to vector<16xi32>
        %add3A_434 = arith.addi %and3A_422, %add3A_433 : vector<16xi32>
        %and3A_435 = arith.constant 63 : i32
        %and3A_436 = vector.broadcast %and3A_435 : i32 to vector<16xi32>
        %and3A_437 = arith.andi %add3A_434, %and3A_436 : vector<16xi32>
        %gather3A_438 = tpu.vector_load_idx %arg15[%add3A_167, %and3A_437] : memref<80x64xi32, #tpu.memory_space<vmem>>[vector<16xi32>, vector<16xi32>], vector<16xi32>,
        %gather3A_439 = tpu.vector_load_idx %arg16[%add3A_167, %and3A_437] : memref<80x64xi32, #tpu.memory_space<vmem>>[vector<16xi32>, vector<16xi32>], vector<16xi32>,
        %bitcast3A_440 = vector.bitcast %gather3A_438 : vector<16xi32> to vector<32xbf16>
        %bitcast3A_441 = vector.bitcast %gather3A_439 : vector<16xi32> to vector<32xbf16>
        %mul3A_442 = arith.mulf %bitcast3A_440, %bitcast3A_441 : vector<32xbf16>
        %unpack3A_443 = tpu.unpack_subelements %mul3A_442, 0 {pack_format = #tpu.pack_format<interleaved>} : vector<32xbf16> -> vector<16xf32>
        %unpack3A_444 = tpu.unpack_subelements %mul3A_442, 1 {pack_format = #tpu.pack_format<interleaved>} : vector<32xbf16> -> vector<16xf32>
        %add3A_445 = arith.addf %add3A_430, %unpack3A_443 : vector<16xf32>
        %add3A_446 = arith.addf %add3A_431, %unpack3A_444 : vector<16xf32>
        %add3A_447 = arith.constant 1 : i32
        %add3A_448 = vector.broadcast %add3A_447 : i32 to vector<16xi32>
        %add3A_449 = arith.addi %and3A_437, %add3A_448 : vector<16xi32>
        %and3A_450 = arith.constant 63 : i32
        %and3A_451 = vector.broadcast %and3A_450 : i32 to vector<16xi32>
        %and3A_452 = arith.andi %add3A_449, %and3A_451 : vector<16xi32>
        %gather3A_453 = tpu.vector_load_idx %arg15[%add3A_167, %and3A_452] : memref<80x64xi32, #tpu.memory_space<vmem>>[vector<16xi32>, vector<16xi32>], vector<16xi32>,
        %gather3A_454 = tpu.vector_load_idx %arg16[%add3A_167, %and3A_452] : memref<80x64xi32, #tpu.memory_space<vmem>>[vector<16xi32>, vector<16xi32>], vector<16xi32>,
        %bitcast3A_455 = vector.bitcast %gather3A_453 : vector<16xi32> to vector<32xbf16>
        %bitcast3A_456 = vector.bitcast %gather3A_454 : vector<16xi32> to vector<32xbf16>
        %mul3A_457 = arith.mulf %bitcast3A_455, %bitcast3A_456 : vector<32xbf16>
        %unpack3A_458 = tpu.unpack_subelements %mul3A_457, 0 {pack_format = #tpu.pack_format<interleaved>} : vector<32xbf16> -> vector<16xf32>
        %unpack3A_459 = tpu.unpack_subelements %mul3A_457, 1 {pack_format = #tpu.pack_format<interleaved>} : vector<32xbf16> -> vector<16xf32>
        %add3A_460 = arith.addf %add3A_445, %unpack3A_458 : vector<16xf32>
        %add3A_461 = arith.addf %add3A_446, %unpack3A_459 : vector<16xf32>
        %add3A_462 = arith.constant 1 : i32
        %add3A_463 = vector.broadcast %add3A_462 : i32 to vector<16xi32>
        %add3A_464 = arith.addi %and3A_452, %add3A_463 : vector<16xi32>
        %and3A_465 = arith.constant 63 : i32
        %and3A_466 = vector.broadcast %and3A_465 : i32 to vector<16xi32>
        %and3A_467 = arith.andi %add3A_464, %and3A_466 : vector<16xi32>
        %gather3A_468 = tpu.vector_load_idx %arg15[%add3A_167, %and3A_467] : memref<80x64xi32, #tpu.memory_space<vmem>>[vector<16xi32>, vector<16xi32>], vector<16xi32>,
        %gather3A_469 = tpu.vector_load_idx %arg16[%add3A_167, %and3A_467] : memref<80x64xi32, #tpu.memory_space<vmem>>[vector<16xi32>, vector<16xi32>], vector<16xi32>,
        %bitcast3A_470 = vector.bitcast %gather3A_468 : vector<16xi32> to vector<32xbf16>
        %bitcast3A_471 = vector.bitcast %gather3A_469 : vector<16xi32> to vector<32xbf16>
        %mul3A_472 = arith.mulf %bitcast3A_470, %bitcast3A_471 : vector<32xbf16>
        %unpack3A_473 = tpu.unpack_subelements %mul3A_472, 0 {pack_format = #tpu.pack_format<interleaved>} : vector<32xbf16> -> vector<16xf32>
        %unpack3A_474 = tpu.unpack_subelements %mul3A_472, 1 {pack_format = #tpu.pack_format<interleaved>} : vector<32xbf16> -> vector<16xf32>
        %add3A_475 = arith.addf %add3A_460, %unpack3A_473 : vector<16xf32>
        %add3A_476 = arith.addf %add3A_461, %unpack3A_474 : vector<16xf32>
        %add3A_477 = arith.constant 1 : i32
        %add3A_478 = vector.broadcast %add3A_477 : i32 to vector<16xi32>
        %add3A_479 = arith.addi %and3A_467, %add3A_478 : vector<16xi32>
        %and3A_480 = arith.constant 63 : i32
        %and3A_481 = vector.broadcast %and3A_480 : i32 to vector<16xi32>
        %and3A_482 = arith.andi %add3A_479, %and3A_481 : vector<16xi32>
        %gather3A_483 = tpu.vector_load_idx %arg15[%add3A_167, %and3A_482] : memref<80x64xi32, #tpu.memory_space<vmem>>[vector<16xi32>, vector<16xi32>], vector<16xi32>,
        %gather3A_484 = tpu.vector_load_idx %arg16[%add3A_167, %and3A_482] : memref<80x64xi32, #tpu.memory_space<vmem>>[vector<16xi32>, vector<16xi32>], vector<16xi32>,
        %bitcast3A_485 = vector.bitcast %gather3A_483 : vector<16xi32> to vector<32xbf16>
        %bitcast3A_486 = vector.bitcast %gather3A_484 : vector<16xi32> to vector<32xbf16>
        %mul3A_487 = arith.mulf %bitcast3A_485, %bitcast3A_486 : vector<32xbf16>
        %unpack3A_488 = tpu.unpack_subelements %mul3A_487, 0 {pack_format = #tpu.pack_format<interleaved>} : vector<32xbf16> -> vector<16xf32>
        %unpack3A_489 = tpu.unpack_subelements %mul3A_487, 1 {pack_format = #tpu.pack_format<interleaved>} : vector<32xbf16> -> vector<16xf32>
        %add3A_490 = arith.addf %add3A_475, %unpack3A_488 : vector<16xf32>
        %add3A_491 = arith.addf %add3A_476, %unpack3A_489 : vector<16xf32>
        %add3A_492 = arith.constant 1 : i32
        %add3A_493 = vector.broadcast %add3A_492 : i32 to vector<16xi32>
        %add3A_494 = arith.addi %and3A_482, %add3A_493 : vector<16xi32>
        %and3A_495 = arith.constant 63 : i32
        %and3A_496 = vector.broadcast %and3A_495 : i32 to vector<16xi32>
        %and3A_497 = arith.andi %add3A_494, %and3A_496 : vector<16xi32>
        %gather3A_498 = tpu.vector_load_idx %arg15[%add3A_167, %and3A_497] : memref<80x64xi32, #tpu.memory_space<vmem>>[vector<16xi32>, vector<16xi32>], vector<16xi32>,
        %gather3A_499 = tpu.vector_load_idx %arg16[%add3A_167, %and3A_497] : memref<80x64xi32, #tpu.memory_space<vmem>>[vector<16xi32>, vector<16xi32>], vector<16xi32>,
        %bitcast3A_500 = vector.bitcast %gather3A_498 : vector<16xi32> to vector<32xbf16>
        %bitcast3A_501 = vector.bitcast %gather3A_499 : vector<16xi32> to vector<32xbf16>
        %mul3A_502 = arith.mulf %bitcast3A_500, %bitcast3A_501 : vector<32xbf16>
        %unpack3A_503 = tpu.unpack_subelements %mul3A_502, 0 {pack_format = #tpu.pack_format<interleaved>} : vector<32xbf16> -> vector<16xf32>
        %unpack3A_504 = tpu.unpack_subelements %mul3A_502, 1 {pack_format = #tpu.pack_format<interleaved>} : vector<32xbf16> -> vector<16xf32>
        %add3A_505 = arith.addf %add3A_490, %unpack3A_503 : vector<16xf32>
        %add3A_506 = arith.addf %add3A_491, %unpack3A_504 : vector<16xf32>
        %add3A_507 = arith.constant 1 : i32
        %add3A_508 = vector.broadcast %add3A_507 : i32 to vector<16xi32>
        %add3A_509 = arith.addi %and3A_497, %add3A_508 : vector<16xi32>
        %and3A_510 = arith.constant 63 : i32
        %and3A_511 = vector.broadcast %and3A_510 : i32 to vector<16xi32>
        %and3A_512 = arith.andi %add3A_509, %and3A_511 : vector<16xi32>
        %gather3A_513 = tpu.vector_load_idx %arg15[%add3A_167, %and3A_512] : memref<80x64xi32, #tpu.memory_space<vmem>>[vector<16xi32>, vector<16xi32>], vector<16xi32>,
        %gather3A_514 = tpu.vector_load_idx %arg16[%add3A_167, %and3A_512] : memref<80x64xi32, #tpu.memory_space<vmem>>[vector<16xi32>, vector<16xi32>], vector<16xi32>,
        %bitcast3A_515 = vector.bitcast %gather3A_513 : vector<16xi32> to vector<32xbf16>
        %bitcast3A_516 = vector.bitcast %gather3A_514 : vector<16xi32> to vector<32xbf16>
        %mul3A_517 = arith.mulf %bitcast3A_515, %bitcast3A_516 : vector<32xbf16>
        %unpack3A_518 = tpu.unpack_subelements %mul3A_517, 0 {pack_format = #tpu.pack_format<interleaved>} : vector<32xbf16> -> vector<16xf32>
        %unpack3A_519 = tpu.unpack_subelements %mul3A_517, 1 {pack_format = #tpu.pack_format<interleaved>} : vector<32xbf16> -> vector<16xf32>
        %add3A_520 = arith.addf %add3A_505, %unpack3A_518 : vector<16xf32>
        %add3A_521 = arith.addf %add3A_506, %unpack3A_519 : vector<16xf32>
        %add3A_522 = arith.constant 1 : i32
        %add3A_523 = vector.broadcast %add3A_522 : i32 to vector<16xi32>
        %add3A_524 = arith.addi %and3A_512, %add3A_523 : vector<16xi32>
        %and3A_525 = arith.constant 63 : i32
        %and3A_526 = vector.broadcast %and3A_525 : i32 to vector<16xi32>
        %and3A_527 = arith.andi %add3A_524, %and3A_526 : vector<16xi32>
        %gather3A_528 = tpu.vector_load_idx %arg15[%add3A_167, %and3A_527] : memref<80x64xi32, #tpu.memory_space<vmem>>[vector<16xi32>, vector<16xi32>], vector<16xi32>,
        %gather3A_529 = tpu.vector_load_idx %arg16[%add3A_167, %and3A_527] : memref<80x64xi32, #tpu.memory_space<vmem>>[vector<16xi32>, vector<16xi32>], vector<16xi32>,
        %bitcast3A_530 = vector.bitcast %gather3A_528 : vector<16xi32> to vector<32xbf16>
        %bitcast3A_531 = vector.bitcast %gather3A_529 : vector<16xi32> to vector<32xbf16>
        %mul3A_532 = arith.mulf %bitcast3A_530, %bitcast3A_531 : vector<32xbf16>
        %unpack3A_533 = tpu.unpack_subelements %mul3A_532, 0 {pack_format = #tpu.pack_format<interleaved>} : vector<32xbf16> -> vector<16xf32>
        %unpack3A_534 = tpu.unpack_subelements %mul3A_532, 1 {pack_format = #tpu.pack_format<interleaved>} : vector<32xbf16> -> vector<16xf32>
        %add3A_535 = arith.addf %add3A_520, %unpack3A_533 : vector<16xf32>
        %add3A_536 = arith.addf %add3A_521, %unpack3A_534 : vector<16xf32>
        %add3A_537 = arith.constant 1 : i32
        %add3A_538 = vector.broadcast %add3A_537 : i32 to vector<16xi32>
        %add3A_539 = arith.addi %and3A_527, %add3A_538 : vector<16xi32>
        %and3A_540 = arith.constant 63 : i32
        %and3A_541 = vector.broadcast %and3A_540 : i32 to vector<16xi32>
        %and3A_542 = arith.andi %add3A_539, %and3A_541 : vector<16xi32>
        %gather3A_543 = tpu.vector_load_idx %arg15[%add3A_167, %and3A_542] : memref<80x64xi32, #tpu.memory_space<vmem>>[vector<16xi32>, vector<16xi32>], vector<16xi32>,
        %gather3A_544 = tpu.vector_load_idx %arg16[%add3A_167, %and3A_542] : memref<80x64xi32, #tpu.memory_space<vmem>>[vector<16xi32>, vector<16xi32>], vector<16xi32>,
        %bitcast3A_545 = vector.bitcast %gather3A_543 : vector<16xi32> to vector<32xbf16>
        %bitcast3A_546 = vector.bitcast %gather3A_544 : vector<16xi32> to vector<32xbf16>
        %mul3A_547 = arith.mulf %bitcast3A_545, %bitcast3A_546 : vector<32xbf16>
        %unpack3A_548 = tpu.unpack_subelements %mul3A_547, 0 {pack_format = #tpu.pack_format<interleaved>} : vector<32xbf16> -> vector<16xf32>
        %unpack3A_549 = tpu.unpack_subelements %mul3A_547, 1 {pack_format = #tpu.pack_format<interleaved>} : vector<32xbf16> -> vector<16xf32>
        %add3A_550 = arith.addf %add3A_535, %unpack3A_548 : vector<16xf32>
        %add3A_551 = arith.addf %add3A_536, %unpack3A_549 : vector<16xf32>
        %add3A_552 = arith.constant 1 : i32
        %add3A_553 = vector.broadcast %add3A_552 : i32 to vector<16xi32>
        %add3A_554 = arith.addi %and3A_542, %add3A_553 : vector<16xi32>
        %and3A_555 = arith.constant 63 : i32
        %and3A_556 = vector.broadcast %and3A_555 : i32 to vector<16xi32>
        %and3A_557 = arith.andi %add3A_554, %and3A_556 : vector<16xi32>
        %gather3A_558 = tpu.vector_load_idx %arg15[%add3A_167, %and3A_557] : memref<80x64xi32, #tpu.memory_space<vmem>>[vector<16xi32>, vector<16xi32>], vector<16xi32>,
        %gather3A_559 = tpu.vector_load_idx %arg16[%add3A_167, %and3A_557] : memref<80x64xi32, #tpu.memory_space<vmem>>[vector<16xi32>, vector<16xi32>], vector<16xi32>,
        %bitcast3A_560 = vector.bitcast %gather3A_558 : vector<16xi32> to vector<32xbf16>
        %bitcast3A_561 = vector.bitcast %gather3A_559 : vector<16xi32> to vector<32xbf16>
        %mul3A_562 = arith.mulf %bitcast3A_560, %bitcast3A_561 : vector<32xbf16>
        %unpack3A_563 = tpu.unpack_subelements %mul3A_562, 0 {pack_format = #tpu.pack_format<interleaved>} : vector<32xbf16> -> vector<16xf32>
        %unpack3A_564 = tpu.unpack_subelements %mul3A_562, 1 {pack_format = #tpu.pack_format<interleaved>} : vector<32xbf16> -> vector<16xf32>
        %add3A_565 = arith.addf %add3A_550, %unpack3A_563 : vector<16xf32>
        %add3A_566 = arith.addf %add3A_551, %unpack3A_564 : vector<16xf32>
        %add3A_567 = arith.constant 1 : i32
        %add3A_568 = vector.broadcast %add3A_567 : i32 to vector<16xi32>
        %add3A_569 = arith.addi %and3A_557, %add3A_568 : vector<16xi32>
        %and3A_570 = arith.constant 63 : i32
        %and3A_571 = vector.broadcast %and3A_570 : i32 to vector<16xi32>
        %and3A_572 = arith.andi %add3A_569, %and3A_571 : vector<16xi32>
        %gather3A_573 = tpu.vector_load_idx %arg15[%add3A_167, %and3A_572] : memref<80x64xi32, #tpu.memory_space<vmem>>[vector<16xi32>, vector<16xi32>], vector<16xi32>,
        %gather3A_574 = tpu.vector_load_idx %arg16[%add3A_167, %and3A_572] : memref<80x64xi32, #tpu.memory_space<vmem>>[vector<16xi32>, vector<16xi32>], vector<16xi32>,
        %bitcast3A_575 = vector.bitcast %gather3A_573 : vector<16xi32> to vector<32xbf16>
        %bitcast3A_576 = vector.bitcast %gather3A_574 : vector<16xi32> to vector<32xbf16>
        %mul3A_577 = arith.mulf %bitcast3A_575, %bitcast3A_576 : vector<32xbf16>
        %unpack3A_578 = tpu.unpack_subelements %mul3A_577, 0 {pack_format = #tpu.pack_format<interleaved>} : vector<32xbf16> -> vector<16xf32>
        %unpack3A_579 = tpu.unpack_subelements %mul3A_577, 1 {pack_format = #tpu.pack_format<interleaved>} : vector<32xbf16> -> vector<16xf32>
        %add3A_580 = arith.addf %add3A_565, %unpack3A_578 : vector<16xf32>
        %add3A_581 = arith.addf %add3A_566, %unpack3A_579 : vector<16xf32>
        %add3A_582 = arith.constant 1 : i32
        %add3A_583 = vector.broadcast %add3A_582 : i32 to vector<16xi32>
        %add3A_584 = arith.addi %and3A_572, %add3A_583 : vector<16xi32>
        %and3A_585 = arith.constant 63 : i32
        %and3A_586 = vector.broadcast %and3A_585 : i32 to vector<16xi32>
        %and3A_587 = arith.andi %add3A_584, %and3A_586 : vector<16xi32>
        %gather3A_588 = tpu.vector_load_idx %arg15[%add3A_167, %and3A_587] : memref<80x64xi32, #tpu.memory_space<vmem>>[vector<16xi32>, vector<16xi32>], vector<16xi32>,
        %gather3A_589 = tpu.vector_load_idx %arg16[%add3A_167, %and3A_587] : memref<80x64xi32, #tpu.memory_space<vmem>>[vector<16xi32>, vector<16xi32>], vector<16xi32>,
        %bitcast3A_590 = vector.bitcast %gather3A_588 : vector<16xi32> to vector<32xbf16>
        %bitcast3A_591 = vector.bitcast %gather3A_589 : vector<16xi32> to vector<32xbf16>
        %mul3A_592 = arith.mulf %bitcast3A_590, %bitcast3A_591 : vector<32xbf16>
        %unpack3A_593 = tpu.unpack_subelements %mul3A_592, 0 {pack_format = #tpu.pack_format<interleaved>} : vector<32xbf16> -> vector<16xf32>
        %unpack3A_594 = tpu.unpack_subelements %mul3A_592, 1 {pack_format = #tpu.pack_format<interleaved>} : vector<32xbf16> -> vector<16xf32>
        %add3A_595 = arith.addf %add3A_580, %unpack3A_593 : vector<16xf32>
        %add3A_596 = arith.addf %add3A_581, %unpack3A_594 : vector<16xf32>
        %add3A_597 = arith.constant 1 : i32
        %add3A_598 = vector.broadcast %add3A_597 : i32 to vector<16xi32>
        %add3A_599 = arith.addi %and3A_587, %add3A_598 : vector<16xi32>
        %and3A_600 = arith.constant 63 : i32
        %and3A_601 = vector.broadcast %and3A_600 : i32 to vector<16xi32>
        %and3A_602 = arith.andi %add3A_599, %and3A_601 : vector<16xi32>
        %gather3A_603 = tpu.vector_load_idx %arg15[%add3A_167, %and3A_602] : memref<80x64xi32, #tpu.memory_space<vmem>>[vector<16xi32>, vector<16xi32>], vector<16xi32>,
        %gather3A_604 = tpu.vector_load_idx %arg16[%add3A_167, %and3A_602] : memref<80x64xi32, #tpu.memory_space<vmem>>[vector<16xi32>, vector<16xi32>], vector<16xi32>,
        %bitcast3A_605 = vector.bitcast %gather3A_603 : vector<16xi32> to vector<32xbf16>
        %bitcast3A_606 = vector.bitcast %gather3A_604 : vector<16xi32> to vector<32xbf16>
        %mul3A_607 = arith.mulf %bitcast3A_605, %bitcast3A_606 : vector<32xbf16>
        %unpack3A_608 = tpu.unpack_subelements %mul3A_607, 0 {pack_format = #tpu.pack_format<interleaved>} : vector<32xbf16> -> vector<16xf32>
        %unpack3A_609 = tpu.unpack_subelements %mul3A_607, 1 {pack_format = #tpu.pack_format<interleaved>} : vector<32xbf16> -> vector<16xf32>
        %add3A_610 = arith.addf %add3A_595, %unpack3A_608 : vector<16xf32>
        %add3A_611 = arith.addf %add3A_596, %unpack3A_609 : vector<16xf32>
        %add3A_612 = arith.constant 1 : i32
        %add3A_613 = vector.broadcast %add3A_612 : i32 to vector<16xi32>
        %add3A_614 = arith.addi %and3A_602, %add3A_613 : vector<16xi32>
        %and3A_615 = arith.constant 63 : i32
        %and3A_616 = vector.broadcast %and3A_615 : i32 to vector<16xi32>
        %and3A_617 = arith.andi %add3A_614, %and3A_616 : vector<16xi32>
        %gather3A_618 = tpu.vector_load_idx %arg15[%add3A_167, %and3A_617] : memref<80x64xi32, #tpu.memory_space<vmem>>[vector<16xi32>, vector<16xi32>], vector<16xi32>,
        %gather3A_619 = tpu.vector_load_idx %arg16[%add3A_167, %and3A_617] : memref<80x64xi32, #tpu.memory_space<vmem>>[vector<16xi32>, vector<16xi32>], vector<16xi32>,
        %bitcast3A_620 = vector.bitcast %gather3A_618 : vector<16xi32> to vector<32xbf16>
        %bitcast3A_621 = vector.bitcast %gather3A_619 : vector<16xi32> to vector<32xbf16>
        %mul3A_622 = arith.mulf %bitcast3A_620, %bitcast3A_621 : vector<32xbf16>
        %unpack3A_623 = tpu.unpack_subelements %mul3A_622, 0 {pack_format = #tpu.pack_format<interleaved>} : vector<32xbf16> -> vector<16xf32>
        %unpack3A_624 = tpu.unpack_subelements %mul3A_622, 1 {pack_format = #tpu.pack_format<interleaved>} : vector<32xbf16> -> vector<16xf32>
        %add3A_625 = arith.addf %add3A_610, %unpack3A_623 : vector<16xf32>
        %add3A_626 = arith.addf %add3A_611, %unpack3A_624 : vector<16xf32>
        %add3A_627 = arith.constant 1 : i32
        %add3A_628 = vector.broadcast %add3A_627 : i32 to vector<16xi32>
        %add3A_629 = arith.addi %and3A_617, %add3A_628 : vector<16xi32>
        %and3A_630 = arith.constant 63 : i32
        %and3A_631 = vector.broadcast %and3A_630 : i32 to vector<16xi32>
        %and3A_632 = arith.andi %add3A_629, %and3A_631 : vector<16xi32>
        %gather3A_633 = tpu.vector_load_idx %arg15[%add3A_167, %and3A_632] : memref<80x64xi32, #tpu.memory_space<vmem>>[vector<16xi32>, vector<16xi32>], vector<16xi32>,
        %gather3A_634 = tpu.vector_load_idx %arg16[%add3A_167, %and3A_632] : memref<80x64xi32, #tpu.memory_space<vmem>>[vector<16xi32>, vector<16xi32>], vector<16xi32>,
        %bitcast3A_635 = vector.bitcast %gather3A_633 : vector<16xi32> to vector<32xbf16>
        %bitcast3A_636 = vector.bitcast %gather3A_634 : vector<16xi32> to vector<32xbf16>
        %mul3A_637 = arith.mulf %bitcast3A_635, %bitcast3A_636 : vector<32xbf16>
        %unpack3A_638 = tpu.unpack_subelements %mul3A_637, 0 {pack_format = #tpu.pack_format<interleaved>} : vector<32xbf16> -> vector<16xf32>
        %unpack3A_639 = tpu.unpack_subelements %mul3A_637, 1 {pack_format = #tpu.pack_format<interleaved>} : vector<32xbf16> -> vector<16xf32>
        %add3A_640 = arith.addf %add3A_625, %unpack3A_638 : vector<16xf32>
        %add3A_641 = arith.addf %add3A_626, %unpack3A_639 : vector<16xf32>
        %add3A_642 = arith.constant 1 : i32
        %add3A_643 = vector.broadcast %add3A_642 : i32 to vector<16xi32>
        %add3A_644 = arith.addi %and3A_632, %add3A_643 : vector<16xi32>
        %and3A_645 = arith.constant 63 : i32
        %and3A_646 = vector.broadcast %and3A_645 : i32 to vector<16xi32>
        %and3A_647 = arith.andi %add3A_644, %and3A_646 : vector<16xi32>
        %gather3A_648 = tpu.vector_load_idx %arg15[%add3A_167, %and3A_647] : memref<80x64xi32, #tpu.memory_space<vmem>>[vector<16xi32>, vector<16xi32>], vector<16xi32>,
        %gather3A_649 = tpu.vector_load_idx %arg16[%add3A_167, %and3A_647] : memref<80x64xi32, #tpu.memory_space<vmem>>[vector<16xi32>, vector<16xi32>], vector<16xi32>,
        %bitcast3A_650 = vector.bitcast %gather3A_648 : vector<16xi32> to vector<32xbf16>
        %bitcast3A_651 = vector.bitcast %gather3A_649 : vector<16xi32> to vector<32xbf16>
        %mul3A_652 = arith.mulf %bitcast3A_650, %bitcast3A_651 : vector<32xbf16>
        %unpack3A_653 = tpu.unpack_subelements %mul3A_652, 0 {pack_format = #tpu.pack_format<interleaved>} : vector<32xbf16> -> vector<16xf32>
        %unpack3A_654 = tpu.unpack_subelements %mul3A_652, 1 {pack_format = #tpu.pack_format<interleaved>} : vector<32xbf16> -> vector<16xf32>
        %add3A_655 = arith.addf %add3A_640, %unpack3A_653 : vector<16xf32>
        %add3A_656 = arith.addf %add3A_641, %unpack3A_654 : vector<16xf32>
        %add3A_657 = arith.constant 1 : i32
        %add3A_658 = vector.broadcast %add3A_657 : i32 to vector<16xi32>
        %add3A_659 = arith.addi %and3A_647, %add3A_658 : vector<16xi32>
        %and3A_660 = arith.constant 63 : i32
        %and3A_661 = vector.broadcast %and3A_660 : i32 to vector<16xi32>
        %and3A_662 = arith.andi %add3A_659, %and3A_661 : vector<16xi32>
        %gather3A_663 = tpu.vector_load_idx %arg15[%add3A_167, %and3A_662] : memref<80x64xi32, #tpu.memory_space<vmem>>[vector<16xi32>, vector<16xi32>], vector<16xi32>,
        %gather3A_664 = tpu.vector_load_idx %arg16[%add3A_167, %and3A_662] : memref<80x64xi32, #tpu.memory_space<vmem>>[vector<16xi32>, vector<16xi32>], vector<16xi32>,
        %bitcast3A_665 = vector.bitcast %gather3A_663 : vector<16xi32> to vector<32xbf16>
        %bitcast3A_666 = vector.bitcast %gather3A_664 : vector<16xi32> to vector<32xbf16>
        %mul3A_667 = arith.mulf %bitcast3A_665, %bitcast3A_666 : vector<32xbf16>
        %unpack3A_668 = tpu.unpack_subelements %mul3A_667, 0 {pack_format = #tpu.pack_format<interleaved>} : vector<32xbf16> -> vector<16xf32>
        %unpack3A_669 = tpu.unpack_subelements %mul3A_667, 1 {pack_format = #tpu.pack_format<interleaved>} : vector<32xbf16> -> vector<16xf32>
        %add3A_670 = arith.addf %add3A_655, %unpack3A_668 : vector<16xf32>
        %add3A_671 = arith.addf %add3A_656, %unpack3A_669 : vector<16xf32>
        %add3A_672 = arith.constant 1 : i32
        %add3A_673 = vector.broadcast %add3A_672 : i32 to vector<16xi32>
        %add3A_674 = arith.addi %and3A_662, %add3A_673 : vector<16xi32>
        %and3A_675 = arith.constant 63 : i32
        %and3A_676 = vector.broadcast %and3A_675 : i32 to vector<16xi32>
        %and3A_677 = arith.andi %add3A_674, %and3A_676 : vector<16xi32>
        %gather3A_678 = tpu.vector_load_idx %arg15[%add3A_167, %and3A_677] : memref<80x64xi32, #tpu.memory_space<vmem>>[vector<16xi32>, vector<16xi32>], vector<16xi32>,
        %gather3A_679 = tpu.vector_load_idx %arg16[%add3A_167, %and3A_677] : memref<80x64xi32, #tpu.memory_space<vmem>>[vector<16xi32>, vector<16xi32>], vector<16xi32>,
        %bitcast3A_680 = vector.bitcast %gather3A_678 : vector<16xi32> to vector<32xbf16>
        %bitcast3A_681 = vector.bitcast %gather3A_679 : vector<16xi32> to vector<32xbf16>
        %mul3A_682 = arith.mulf %bitcast3A_680, %bitcast3A_681 : vector<32xbf16>
        %unpack3A_683 = tpu.unpack_subelements %mul3A_682, 0 {pack_format = #tpu.pack_format<interleaved>} : vector<32xbf16> -> vector<16xf32>
        %unpack3A_684 = tpu.unpack_subelements %mul3A_682, 1 {pack_format = #tpu.pack_format<interleaved>} : vector<32xbf16> -> vector<16xf32>
        %add3A_685 = arith.addf %add3A_670, %unpack3A_683 : vector<16xf32>
        %add3A_686 = arith.addf %add3A_671, %unpack3A_684 : vector<16xf32>
        %add3A_687 = arith.constant 1 : i32
        %add3A_688 = vector.broadcast %add3A_687 : i32 to vector<16xi32>
        %add3A_689 = arith.addi %and3A_677, %add3A_688 : vector<16xi32>
        %and3A_690 = arith.constant 63 : i32
        %and3A_691 = vector.broadcast %and3A_690 : i32 to vector<16xi32>
        %and3A_692 = arith.andi %add3A_689, %and3A_691 : vector<16xi32>
        %gather3A_693 = tpu.vector_load_idx %arg15[%add3A_167, %and3A_692] : memref<80x64xi32, #tpu.memory_space<vmem>>[vector<16xi32>, vector<16xi32>], vector<16xi32>,
        %gather3A_694 = tpu.vector_load_idx %arg16[%add3A_167, %and3A_692] : memref<80x64xi32, #tpu.memory_space<vmem>>[vector<16xi32>, vector<16xi32>], vector<16xi32>,
        %bitcast3A_695 = vector.bitcast %gather3A_693 : vector<16xi32> to vector<32xbf16>
        %bitcast3A_696 = vector.bitcast %gather3A_694 : vector<16xi32> to vector<32xbf16>
        %mul3A_697 = arith.mulf %bitcast3A_695, %bitcast3A_696 : vector<32xbf16>
        %unpack3A_698 = tpu.unpack_subelements %mul3A_697, 0 {pack_format = #tpu.pack_format<interleaved>} : vector<32xbf16> -> vector<16xf32>
        %unpack3A_699 = tpu.unpack_subelements %mul3A_697, 1 {pack_format = #tpu.pack_format<interleaved>} : vector<32xbf16> -> vector<16xf32>
        %add3A_700 = arith.addf %add3A_685, %unpack3A_698 : vector<16xf32>
        %add3A_701 = arith.addf %add3A_686, %unpack3A_699 : vector<16xf32>
        %add3A_702 = arith.constant 1 : i32
        %add3A_703 = vector.broadcast %add3A_702 : i32 to vector<16xi32>
        %add3A_704 = arith.addi %and3A_692, %add3A_703 : vector<16xi32>
        %and3A_705 = arith.constant 63 : i32
        %and3A_706 = vector.broadcast %and3A_705 : i32 to vector<16xi32>
        %and3A_707 = arith.andi %add3A_704, %and3A_706 : vector<16xi32>
        %gather3A_708 = tpu.vector_load_idx %arg15[%add3A_167, %and3A_707] : memref<80x64xi32, #tpu.memory_space<vmem>>[vector<16xi32>, vector<16xi32>], vector<16xi32>,
        %gather3A_709 = tpu.vector_load_idx %arg16[%add3A_167, %and3A_707] : memref<80x64xi32, #tpu.memory_space<vmem>>[vector<16xi32>, vector<16xi32>], vector<16xi32>,
        %bitcast3A_710 = vector.bitcast %gather3A_708 : vector<16xi32> to vector<32xbf16>
        %bitcast3A_711 = vector.bitcast %gather3A_709 : vector<16xi32> to vector<32xbf16>
        %mul3A_712 = arith.mulf %bitcast3A_710, %bitcast3A_711 : vector<32xbf16>
        %unpack3A_713 = tpu.unpack_subelements %mul3A_712, 0 {pack_format = #tpu.pack_format<interleaved>} : vector<32xbf16> -> vector<16xf32>
        %unpack3A_714 = tpu.unpack_subelements %mul3A_712, 1 {pack_format = #tpu.pack_format<interleaved>} : vector<32xbf16> -> vector<16xf32>
        %add3A_715 = arith.addf %add3A_700, %unpack3A_713 : vector<16xf32>
        %add3A_716 = arith.addf %add3A_701, %unpack3A_714 : vector<16xf32>
        %add3A_717 = arith.constant 1 : i32
        %add3A_718 = vector.broadcast %add3A_717 : i32 to vector<16xi32>
        %add3A_719 = arith.addi %and3A_707, %add3A_718 : vector<16xi32>
        %and3A_720 = arith.constant 63 : i32
        %and3A_721 = vector.broadcast %and3A_720 : i32 to vector<16xi32>
        %and3A_722 = arith.andi %add3A_719, %and3A_721 : vector<16xi32>
        %gather3A_723 = tpu.vector_load_idx %arg15[%add3A_167, %and3A_722] : memref<80x64xi32, #tpu.memory_space<vmem>>[vector<16xi32>, vector<16xi32>], vector<16xi32>,
        %gather3A_724 = tpu.vector_load_idx %arg16[%add3A_167, %and3A_722] : memref<80x64xi32, #tpu.memory_space<vmem>>[vector<16xi32>, vector<16xi32>], vector<16xi32>,
        %bitcast3A_725 = vector.bitcast %gather3A_723 : vector<16xi32> to vector<32xbf16>
        %bitcast3A_726 = vector.bitcast %gather3A_724 : vector<16xi32> to vector<32xbf16>
        %mul3A_727 = arith.mulf %bitcast3A_725, %bitcast3A_726 : vector<32xbf16>
        %unpack3A_728 = tpu.unpack_subelements %mul3A_727, 0 {pack_format = #tpu.pack_format<interleaved>} : vector<32xbf16> -> vector<16xf32>
        %unpack3A_729 = tpu.unpack_subelements %mul3A_727, 1 {pack_format = #tpu.pack_format<interleaved>} : vector<32xbf16> -> vector<16xf32>
        %add3A_730 = arith.addf %add3A_715, %unpack3A_728 : vector<16xf32>
        %add3A_731 = arith.addf %add3A_716, %unpack3A_729 : vector<16xf32>
        %add3A_732 = arith.constant 1 : i32
        %add3A_733 = vector.broadcast %add3A_732 : i32 to vector<16xi32>
        %add3A_734 = arith.addi %and3A_722, %add3A_733 : vector<16xi32>
        %and3A_735 = arith.constant 63 : i32
        %and3A_736 = vector.broadcast %and3A_735 : i32 to vector<16xi32>
        %and3A_737 = arith.andi %add3A_734, %and3A_736 : vector<16xi32>
        %gather3A_738 = tpu.vector_load_idx %arg15[%add3A_167, %and3A_737] : memref<80x64xi32, #tpu.memory_space<vmem>>[vector<16xi32>, vector<16xi32>], vector<16xi32>,
        %gather3A_739 = tpu.vector_load_idx %arg16[%add3A_167, %and3A_737] : memref<80x64xi32, #tpu.memory_space<vmem>>[vector<16xi32>, vector<16xi32>], vector<16xi32>,
        %bitcast3A_740 = vector.bitcast %gather3A_738 : vector<16xi32> to vector<32xbf16>
        %bitcast3A_741 = vector.bitcast %gather3A_739 : vector<16xi32> to vector<32xbf16>
        %mul3A_742 = arith.mulf %bitcast3A_740, %bitcast3A_741 : vector<32xbf16>
        %unpack3A_743 = tpu.unpack_subelements %mul3A_742, 0 {pack_format = #tpu.pack_format<interleaved>} : vector<32xbf16> -> vector<16xf32>
        %unpack3A_744 = tpu.unpack_subelements %mul3A_742, 1 {pack_format = #tpu.pack_format<interleaved>} : vector<32xbf16> -> vector<16xf32>
        %add3A_745 = arith.addf %add3A_730, %unpack3A_743 : vector<16xf32>
        %add3A_746 = arith.addf %add3A_731, %unpack3A_744 : vector<16xf32>
        %add3A_747 = arith.constant 1 : i32
        %add3A_748 = vector.broadcast %add3A_747 : i32 to vector<16xi32>
        %add3A_749 = arith.addi %and3A_737, %add3A_748 : vector<16xi32>
        %and3A_750 = arith.constant 63 : i32
        %and3A_751 = vector.broadcast %and3A_750 : i32 to vector<16xi32>
        %and3A_752 = arith.andi %add3A_749, %and3A_751 : vector<16xi32>
        %gather3A_753 = tpu.vector_load_idx %arg15[%add3A_167, %and3A_752] : memref<80x64xi32, #tpu.memory_space<vmem>>[vector<16xi32>, vector<16xi32>], vector<16xi32>,
        %gather3A_754 = tpu.vector_load_idx %arg16[%add3A_167, %and3A_752] : memref<80x64xi32, #tpu.memory_space<vmem>>[vector<16xi32>, vector<16xi32>], vector<16xi32>,
        %bitcast3A_755 = vector.bitcast %gather3A_753 : vector<16xi32> to vector<32xbf16>
        %bitcast3A_756 = vector.bitcast %gather3A_754 : vector<16xi32> to vector<32xbf16>
        %mul3A_757 = arith.mulf %bitcast3A_755, %bitcast3A_756 : vector<32xbf16>
        %unpack3A_758 = tpu.unpack_subelements %mul3A_757, 0 {pack_format = #tpu.pack_format<interleaved>} : vector<32xbf16> -> vector<16xf32>
        %unpack3A_759 = tpu.unpack_subelements %mul3A_757, 1 {pack_format = #tpu.pack_format<interleaved>} : vector<32xbf16> -> vector<16xf32>
        %add3A_760 = arith.addf %add3A_745, %unpack3A_758 : vector<16xf32>
        %add3A_761 = arith.addf %add3A_746, %unpack3A_759 : vector<16xf32>
        %add3A_762 = arith.constant 1 : i32
        %add3A_763 = vector.broadcast %add3A_762 : i32 to vector<16xi32>
        %add3A_764 = arith.addi %and3A_752, %add3A_763 : vector<16xi32>
        %and3A_765 = arith.constant 63 : i32
        %and3A_766 = vector.broadcast %and3A_765 : i32 to vector<16xi32>
        %and3A_767 = arith.andi %add3A_764, %and3A_766 : vector<16xi32>
        %gather3A_768 = tpu.vector_load_idx %arg15[%add3A_167, %and3A_767] : memref<80x64xi32, #tpu.memory_space<vmem>>[vector<16xi32>, vector<16xi32>], vector<16xi32>,
        %gather3A_769 = tpu.vector_load_idx %arg16[%add3A_167, %and3A_767] : memref<80x64xi32, #tpu.memory_space<vmem>>[vector<16xi32>, vector<16xi32>], vector<16xi32>,
        %bitcast3A_770 = vector.bitcast %gather3A_768 : vector<16xi32> to vector<32xbf16>
        %bitcast3A_771 = vector.bitcast %gather3A_769 : vector<16xi32> to vector<32xbf16>
        %mul3A_772 = arith.mulf %bitcast3A_770, %bitcast3A_771 : vector<32xbf16>
        %unpack3A_773 = tpu.unpack_subelements %mul3A_772, 0 {pack_format = #tpu.pack_format<interleaved>} : vector<32xbf16> -> vector<16xf32>
        %unpack3A_774 = tpu.unpack_subelements %mul3A_772, 1 {pack_format = #tpu.pack_format<interleaved>} : vector<32xbf16> -> vector<16xf32>
        %add3A_775 = arith.addf %add3A_760, %unpack3A_773 : vector<16xf32>
        %add3A_776 = arith.addf %add3A_761, %unpack3A_774 : vector<16xf32>
        %add3A_777 = arith.constant 1 : i32
        %add3A_778 = vector.broadcast %add3A_777 : i32 to vector<16xi32>
        %add3A_779 = arith.addi %and3A_767, %add3A_778 : vector<16xi32>
        %and3A_780 = arith.constant 63 : i32
        %and3A_781 = vector.broadcast %and3A_780 : i32 to vector<16xi32>
        %and3A_782 = arith.andi %add3A_779, %and3A_781 : vector<16xi32>
        %gather3A_783 = tpu.vector_load_idx %arg15[%add3A_167, %and3A_782] : memref<80x64xi32, #tpu.memory_space<vmem>>[vector<16xi32>, vector<16xi32>], vector<16xi32>,
        %gather3A_784 = tpu.vector_load_idx %arg16[%add3A_167, %and3A_782] : memref<80x64xi32, #tpu.memory_space<vmem>>[vector<16xi32>, vector<16xi32>], vector<16xi32>,
        %bitcast3A_785 = vector.bitcast %gather3A_783 : vector<16xi32> to vector<32xbf16>
        %bitcast3A_786 = vector.bitcast %gather3A_784 : vector<16xi32> to vector<32xbf16>
        %mul3A_787 = arith.mulf %bitcast3A_785, %bitcast3A_786 : vector<32xbf16>
        %unpack3A_788 = tpu.unpack_subelements %mul3A_787, 0 {pack_format = #tpu.pack_format<interleaved>} : vector<32xbf16> -> vector<16xf32>
        %unpack3A_789 = tpu.unpack_subelements %mul3A_787, 1 {pack_format = #tpu.pack_format<interleaved>} : vector<32xbf16> -> vector<16xf32>
        %add3A_790 = arith.addf %add3A_775, %unpack3A_788 : vector<16xf32>
        %add3A_791 = arith.addf %add3A_776, %unpack3A_789 : vector<16xf32>
        %add3A_792 = arith.constant 1 : i32
        %add3A_793 = vector.broadcast %add3A_792 : i32 to vector<16xi32>
        %add3A_794 = arith.addi %and3A_782, %add3A_793 : vector<16xi32>
        %and3A_795 = arith.constant 63 : i32
        %and3A_796 = vector.broadcast %and3A_795 : i32 to vector<16xi32>
        %and3A_797 = arith.andi %add3A_794, %and3A_796 : vector<16xi32>
        %gather3A_798 = tpu.vector_load_idx %arg15[%add3A_167, %and3A_797] : memref<80x64xi32, #tpu.memory_space<vmem>>[vector<16xi32>, vector<16xi32>], vector<16xi32>,
        %gather3A_799 = tpu.vector_load_idx %arg16[%add3A_167, %and3A_797] : memref<80x64xi32, #tpu.memory_space<vmem>>[vector<16xi32>, vector<16xi32>], vector<16xi32>,
        %bitcast3A_800 = vector.bitcast %gather3A_798 : vector<16xi32> to vector<32xbf16>
        %bitcast3A_801 = vector.bitcast %gather3A_799 : vector<16xi32> to vector<32xbf16>
        %mul3A_802 = arith.mulf %bitcast3A_800, %bitcast3A_801 : vector<32xbf16>
        %unpack3A_803 = tpu.unpack_subelements %mul3A_802, 0 {pack_format = #tpu.pack_format<interleaved>} : vector<32xbf16> -> vector<16xf32>
        %unpack3A_804 = tpu.unpack_subelements %mul3A_802, 1 {pack_format = #tpu.pack_format<interleaved>} : vector<32xbf16> -> vector<16xf32>
        %add3A_805 = arith.addf %add3A_790, %unpack3A_803 : vector<16xf32>
        %add3A_806 = arith.addf %add3A_791, %unpack3A_804 : vector<16xf32>
        %add3A_807 = arith.constant 1 : i32
        %add3A_808 = vector.broadcast %add3A_807 : i32 to vector<16xi32>
        %add3A_809 = arith.addi %and3A_797, %add3A_808 : vector<16xi32>
        %and3A_810 = arith.constant 63 : i32
        %and3A_811 = vector.broadcast %and3A_810 : i32 to vector<16xi32>
        %and3A_812 = arith.andi %add3A_809, %and3A_811 : vector<16xi32>
        %gather3A_813 = tpu.vector_load_idx %arg15[%add3A_167, %and3A_812] : memref<80x64xi32, #tpu.memory_space<vmem>>[vector<16xi32>, vector<16xi32>], vector<16xi32>,
        %gather3A_814 = tpu.vector_load_idx %arg16[%add3A_167, %and3A_812] : memref<80x64xi32, #tpu.memory_space<vmem>>[vector<16xi32>, vector<16xi32>], vector<16xi32>,
        %bitcast3A_815 = vector.bitcast %gather3A_813 : vector<16xi32> to vector<32xbf16>
        %bitcast3A_816 = vector.bitcast %gather3A_814 : vector<16xi32> to vector<32xbf16>
        %mul3A_817 = arith.mulf %bitcast3A_815, %bitcast3A_816 : vector<32xbf16>
        %unpack3A_818 = tpu.unpack_subelements %mul3A_817, 0 {pack_format = #tpu.pack_format<interleaved>} : vector<32xbf16> -> vector<16xf32>
        %unpack3A_819 = tpu.unpack_subelements %mul3A_817, 1 {pack_format = #tpu.pack_format<interleaved>} : vector<32xbf16> -> vector<16xf32>
        %add3A_820 = arith.addf %add3A_805, %unpack3A_818 : vector<16xf32>
        %add3A_821 = arith.addf %add3A_806, %unpack3A_819 : vector<16xf32>
        %add3A_822 = arith.constant 1 : i32
        %add3A_823 = vector.broadcast %add3A_822 : i32 to vector<16xi32>
        %add3A_824 = arith.addi %and3A_812, %add3A_823 : vector<16xi32>
        %and3A_825 = arith.constant 63 : i32
        %and3A_826 = vector.broadcast %and3A_825 : i32 to vector<16xi32>
        %and3A_827 = arith.andi %add3A_824, %and3A_826 : vector<16xi32>
        %gather3A_828 = tpu.vector_load_idx %arg15[%add3A_167, %and3A_827] : memref<80x64xi32, #tpu.memory_space<vmem>>[vector<16xi32>, vector<16xi32>], vector<16xi32>,
        %gather3A_829 = tpu.vector_load_idx %arg16[%add3A_167, %and3A_827] : memref<80x64xi32, #tpu.memory_space<vmem>>[vector<16xi32>, vector<16xi32>], vector<16xi32>,
        %bitcast3A_830 = vector.bitcast %gather3A_828 : vector<16xi32> to vector<32xbf16>
        %bitcast3A_831 = vector.bitcast %gather3A_829 : vector<16xi32> to vector<32xbf16>
        %mul3A_832 = arith.mulf %bitcast3A_830, %bitcast3A_831 : vector<32xbf16>
        %unpack3A_833 = tpu.unpack_subelements %mul3A_832, 0 {pack_format = #tpu.pack_format<interleaved>} : vector<32xbf16> -> vector<16xf32>
        %unpack3A_834 = tpu.unpack_subelements %mul3A_832, 1 {pack_format = #tpu.pack_format<interleaved>} : vector<32xbf16> -> vector<16xf32>
        %add3A_835 = arith.addf %add3A_820, %unpack3A_833 : vector<16xf32>
        %add3A_836 = arith.addf %add3A_821, %unpack3A_834 : vector<16xf32>
        %add3A_837 = arith.constant 1 : i32
        %add3A_838 = vector.broadcast %add3A_837 : i32 to vector<16xi32>
        %add3A_839 = arith.addi %and3A_827, %add3A_838 : vector<16xi32>
        %and3A_840 = arith.constant 63 : i32
        %and3A_841 = vector.broadcast %and3A_840 : i32 to vector<16xi32>
        %and3A_842 = arith.andi %add3A_839, %and3A_841 : vector<16xi32>
        %gather3A_843 = tpu.vector_load_idx %arg15[%add3A_167, %and3A_842] : memref<80x64xi32, #tpu.memory_space<vmem>>[vector<16xi32>, vector<16xi32>], vector<16xi32>,
        %gather3A_844 = tpu.vector_load_idx %arg16[%add3A_167, %and3A_842] : memref<80x64xi32, #tpu.memory_space<vmem>>[vector<16xi32>, vector<16xi32>], vector<16xi32>,
        %bitcast3A_845 = vector.bitcast %gather3A_843 : vector<16xi32> to vector<32xbf16>
        %bitcast3A_846 = vector.bitcast %gather3A_844 : vector<16xi32> to vector<32xbf16>
        %mul3A_847 = arith.mulf %bitcast3A_845, %bitcast3A_846 : vector<32xbf16>
        %unpack3A_848 = tpu.unpack_subelements %mul3A_847, 0 {pack_format = #tpu.pack_format<interleaved>} : vector<32xbf16> -> vector<16xf32>
        %unpack3A_849 = tpu.unpack_subelements %mul3A_847, 1 {pack_format = #tpu.pack_format<interleaved>} : vector<32xbf16> -> vector<16xf32>
        %add3A_850 = arith.addf %add3A_835, %unpack3A_848 : vector<16xf32>
        %add3A_851 = arith.addf %add3A_836, %unpack3A_849 : vector<16xf32>
        %add3A_852 = arith.constant 1 : i32
        %add3A_853 = vector.broadcast %add3A_852 : i32 to vector<16xi32>
        %add3A_854 = arith.addi %and3A_842, %add3A_853 : vector<16xi32>
        %and3A_855 = arith.constant 63 : i32
        %and3A_856 = vector.broadcast %and3A_855 : i32 to vector<16xi32>
        %and3A_857 = arith.andi %add3A_854, %and3A_856 : vector<16xi32>
        %gather3A_858 = tpu.vector_load_idx %arg15[%add3A_167, %and3A_857] : memref<80x64xi32, #tpu.memory_space<vmem>>[vector<16xi32>, vector<16xi32>], vector<16xi32>,
        %gather3A_859 = tpu.vector_load_idx %arg16[%add3A_167, %and3A_857] : memref<80x64xi32, #tpu.memory_space<vmem>>[vector<16xi32>, vector<16xi32>], vector<16xi32>,
        %bitcast3A_860 = vector.bitcast %gather3A_858 : vector<16xi32> to vector<32xbf16>
        %bitcast3A_861 = vector.bitcast %gather3A_859 : vector<16xi32> to vector<32xbf16>
        %mul3A_862 = arith.mulf %bitcast3A_860, %bitcast3A_861 : vector<32xbf16>
        %unpack3A_863 = tpu.unpack_subelements %mul3A_862, 0 {pack_format = #tpu.pack_format<interleaved>} : vector<32xbf16> -> vector<16xf32>
        %unpack3A_864 = tpu.unpack_subelements %mul3A_862, 1 {pack_format = #tpu.pack_format<interleaved>} : vector<32xbf16> -> vector<16xf32>
        %add3A_865 = arith.addf %add3A_850, %unpack3A_863 : vector<16xf32>
        %add3A_866 = arith.addf %add3A_851, %unpack3A_864 : vector<16xf32>
        %add3A_867 = arith.constant 1 : i32
        %add3A_868 = vector.broadcast %add3A_867 : i32 to vector<16xi32>
        %add3A_869 = arith.addi %and3A_857, %add3A_868 : vector<16xi32>
        %and3A_870 = arith.constant 63 : i32
        %and3A_871 = vector.broadcast %and3A_870 : i32 to vector<16xi32>
        %and3A_872 = arith.andi %add3A_869, %and3A_871 : vector<16xi32>
        %gather3A_873 = tpu.vector_load_idx %arg15[%add3A_167, %and3A_872] : memref<80x64xi32, #tpu.memory_space<vmem>>[vector<16xi32>, vector<16xi32>], vector<16xi32>,
        %gather3A_874 = tpu.vector_load_idx %arg16[%add3A_167, %and3A_872] : memref<80x64xi32, #tpu.memory_space<vmem>>[vector<16xi32>, vector<16xi32>], vector<16xi32>,
        %bitcast3A_875 = vector.bitcast %gather3A_873 : vector<16xi32> to vector<32xbf16>
        %bitcast3A_876 = vector.bitcast %gather3A_874 : vector<16xi32> to vector<32xbf16>
        %mul3A_877 = arith.mulf %bitcast3A_875, %bitcast3A_876 : vector<32xbf16>
        %unpack3A_878 = tpu.unpack_subelements %mul3A_877, 0 {pack_format = #tpu.pack_format<interleaved>} : vector<32xbf16> -> vector<16xf32>
        %unpack3A_879 = tpu.unpack_subelements %mul3A_877, 1 {pack_format = #tpu.pack_format<interleaved>} : vector<32xbf16> -> vector<16xf32>
        %add3A_880 = arith.addf %add3A_865, %unpack3A_878 : vector<16xf32>
        %add3A_881 = arith.addf %add3A_866, %unpack3A_879 : vector<16xf32>
        %add3A_882 = arith.constant 1 : i32
        %add3A_883 = vector.broadcast %add3A_882 : i32 to vector<16xi32>
        %add3A_884 = arith.addi %and3A_872, %add3A_883 : vector<16xi32>
        %and3A_885 = arith.constant 63 : i32
        %and3A_886 = vector.broadcast %and3A_885 : i32 to vector<16xi32>
        %and3A_887 = arith.andi %add3A_884, %and3A_886 : vector<16xi32>
        %gather3A_888 = tpu.vector_load_idx %arg15[%add3A_167, %and3A_887] : memref<80x64xi32, #tpu.memory_space<vmem>>[vector<16xi32>, vector<16xi32>], vector<16xi32>,
        %gather3A_889 = tpu.vector_load_idx %arg16[%add3A_167, %and3A_887] : memref<80x64xi32, #tpu.memory_space<vmem>>[vector<16xi32>, vector<16xi32>], vector<16xi32>,
        %bitcast3A_890 = vector.bitcast %gather3A_888 : vector<16xi32> to vector<32xbf16>
        %bitcast3A_891 = vector.bitcast %gather3A_889 : vector<16xi32> to vector<32xbf16>
        %mul3A_892 = arith.mulf %bitcast3A_890, %bitcast3A_891 : vector<32xbf16>
        %unpack3A_893 = tpu.unpack_subelements %mul3A_892, 0 {pack_format = #tpu.pack_format<interleaved>} : vector<32xbf16> -> vector<16xf32>
        %unpack3A_894 = tpu.unpack_subelements %mul3A_892, 1 {pack_format = #tpu.pack_format<interleaved>} : vector<32xbf16> -> vector<16xf32>
        %add3A_895 = arith.addf %add3A_880, %unpack3A_893 : vector<16xf32>
        %add3A_896 = arith.addf %add3A_881, %unpack3A_894 : vector<16xf32>
        %add3A_897 = arith.constant 1 : i32
        %add3A_898 = vector.broadcast %add3A_897 : i32 to vector<16xi32>
        %add3A_899 = arith.addi %and3A_887, %add3A_898 : vector<16xi32>
        %and3A_900 = arith.constant 63 : i32
        %and3A_901 = vector.broadcast %and3A_900 : i32 to vector<16xi32>
        %and3A_902 = arith.andi %add3A_899, %and3A_901 : vector<16xi32>
        %gather3A_903 = tpu.vector_load_idx %arg15[%add3A_167, %and3A_902] : memref<80x64xi32, #tpu.memory_space<vmem>>[vector<16xi32>, vector<16xi32>], vector<16xi32>,
        %gather3A_904 = tpu.vector_load_idx %arg16[%add3A_167, %and3A_902] : memref<80x64xi32, #tpu.memory_space<vmem>>[vector<16xi32>, vector<16xi32>], vector<16xi32>,
        %bitcast3A_905 = vector.bitcast %gather3A_903 : vector<16xi32> to vector<32xbf16>
        %bitcast3A_906 = vector.bitcast %gather3A_904 : vector<16xi32> to vector<32xbf16>
        %mul3A_907 = arith.mulf %bitcast3A_905, %bitcast3A_906 : vector<32xbf16>
        %unpack3A_908 = tpu.unpack_subelements %mul3A_907, 0 {pack_format = #tpu.pack_format<interleaved>} : vector<32xbf16> -> vector<16xf32>
        %unpack3A_909 = tpu.unpack_subelements %mul3A_907, 1 {pack_format = #tpu.pack_format<interleaved>} : vector<32xbf16> -> vector<16xf32>
        %add3A_910 = arith.addf %add3A_895, %unpack3A_908 : vector<16xf32>
        %add3A_911 = arith.addf %add3A_896, %unpack3A_909 : vector<16xf32>
        %add3A_912 = arith.constant 1 : i32
        %add3A_913 = vector.broadcast %add3A_912 : i32 to vector<16xi32>
        %add3A_914 = arith.addi %and3A_902, %add3A_913 : vector<16xi32>
        %and3A_915 = arith.constant 63 : i32
        %and3A_916 = vector.broadcast %and3A_915 : i32 to vector<16xi32>
        %and3A_917 = arith.andi %add3A_914, %and3A_916 : vector<16xi32>
        %gather3A_918 = tpu.vector_load_idx %arg15[%add3A_167, %and3A_917] : memref<80x64xi32, #tpu.memory_space<vmem>>[vector<16xi32>, vector<16xi32>], vector<16xi32>,
        %gather3A_919 = tpu.vector_load_idx %arg16[%add3A_167, %and3A_917] : memref<80x64xi32, #tpu.memory_space<vmem>>[vector<16xi32>, vector<16xi32>], vector<16xi32>,
        %bitcast3A_920 = vector.bitcast %gather3A_918 : vector<16xi32> to vector<32xbf16>
        %bitcast3A_921 = vector.bitcast %gather3A_919 : vector<16xi32> to vector<32xbf16>
        %mul3A_922 = arith.mulf %bitcast3A_920, %bitcast3A_921 : vector<32xbf16>
        %unpack3A_923 = tpu.unpack_subelements %mul3A_922, 0 {pack_format = #tpu.pack_format<interleaved>} : vector<32xbf16> -> vector<16xf32>
        %unpack3A_924 = tpu.unpack_subelements %mul3A_922, 1 {pack_format = #tpu.pack_format<interleaved>} : vector<32xbf16> -> vector<16xf32>
        %add3A_925 = arith.addf %add3A_910, %unpack3A_923 : vector<16xf32>
        %add3A_926 = arith.addf %add3A_911, %unpack3A_924 : vector<16xf32>
        %add3A_927 = arith.constant 1 : i32
        %add3A_928 = vector.broadcast %add3A_927 : i32 to vector<16xi32>
        %add3A_929 = arith.addi %and3A_917, %add3A_928 : vector<16xi32>
        %and3A_930 = arith.constant 63 : i32
        %and3A_931 = vector.broadcast %and3A_930 : i32 to vector<16xi32>
        %and3A_932 = arith.andi %add3A_929, %and3A_931 : vector<16xi32>
        %gather3A_933 = tpu.vector_load_idx %arg15[%add3A_167, %and3A_932] : memref<80x64xi32, #tpu.memory_space<vmem>>[vector<16xi32>, vector<16xi32>], vector<16xi32>,
        %gather3A_934 = tpu.vector_load_idx %arg16[%add3A_167, %and3A_932] : memref<80x64xi32, #tpu.memory_space<vmem>>[vector<16xi32>, vector<16xi32>], vector<16xi32>,
        %bitcast3A_935 = vector.bitcast %gather3A_933 : vector<16xi32> to vector<32xbf16>
        %bitcast3A_936 = vector.bitcast %gather3A_934 : vector<16xi32> to vector<32xbf16>
        %mul3A_937 = arith.mulf %bitcast3A_935, %bitcast3A_936 : vector<32xbf16>
        %unpack3A_938 = tpu.unpack_subelements %mul3A_937, 0 {pack_format = #tpu.pack_format<interleaved>} : vector<32xbf16> -> vector<16xf32>
        %unpack3A_939 = tpu.unpack_subelements %mul3A_937, 1 {pack_format = #tpu.pack_format<interleaved>} : vector<32xbf16> -> vector<16xf32>
        %add3A_940 = arith.addf %add3A_925, %unpack3A_938 : vector<16xf32>
        %add3A_941 = arith.addf %add3A_926, %unpack3A_939 : vector<16xf32>
        %add3A_942 = arith.constant 1 : i32
        %add3A_943 = vector.broadcast %add3A_942 : i32 to vector<16xi32>
        %add3A_944 = arith.addi %and3A_932, %add3A_943 : vector<16xi32>
        %and3A_945 = arith.constant 63 : i32
        %and3A_946 = vector.broadcast %and3A_945 : i32 to vector<16xi32>
        %and3A_947 = arith.andi %add3A_944, %and3A_946 : vector<16xi32>
        %gather3A_948 = tpu.vector_load_idx %arg15[%add3A_167, %and3A_947] : memref<80x64xi32, #tpu.memory_space<vmem>>[vector<16xi32>, vector<16xi32>], vector<16xi32>,
        %gather3A_949 = tpu.vector_load_idx %arg16[%add3A_167, %and3A_947] : memref<80x64xi32, #tpu.memory_space<vmem>>[vector<16xi32>, vector<16xi32>], vector<16xi32>,
        %bitcast3A_950 = vector.bitcast %gather3A_948 : vector<16xi32> to vector<32xbf16>
        %bitcast3A_951 = vector.bitcast %gather3A_949 : vector<16xi32> to vector<32xbf16>
        %mul3A_952 = arith.mulf %bitcast3A_950, %bitcast3A_951 : vector<32xbf16>
        %unpack3A_953 = tpu.unpack_subelements %mul3A_952, 0 {pack_format = #tpu.pack_format<interleaved>} : vector<32xbf16> -> vector<16xf32>
        %unpack3A_954 = tpu.unpack_subelements %mul3A_952, 1 {pack_format = #tpu.pack_format<interleaved>} : vector<32xbf16> -> vector<16xf32>
        %add3A_955 = arith.addf %add3A_940, %unpack3A_953 : vector<16xf32>
        %add3A_956 = arith.addf %add3A_941, %unpack3A_954 : vector<16xf32>
        %add3A_957 = arith.constant 1 : i32
        %add3A_958 = vector.broadcast %add3A_957 : i32 to vector<16xi32>
        %add3A_959 = arith.addi %and3A_947, %add3A_958 : vector<16xi32>
        %and3A_960 = arith.constant 63 : i32
        %and3A_961 = vector.broadcast %and3A_960 : i32 to vector<16xi32>
        %and3A_962 = arith.andi %add3A_959, %and3A_961 : vector<16xi32>
        %gather3A_963 = tpu.vector_load_idx %arg15[%add3A_167, %and3A_962] : memref<80x64xi32, #tpu.memory_space<vmem>>[vector<16xi32>, vector<16xi32>], vector<16xi32>,
        %gather3A_964 = tpu.vector_load_idx %arg16[%add3A_167, %and3A_962] : memref<80x64xi32, #tpu.memory_space<vmem>>[vector<16xi32>, vector<16xi32>], vector<16xi32>,
        %bitcast3A_965 = vector.bitcast %gather3A_963 : vector<16xi32> to vector<32xbf16>
        %bitcast3A_966 = vector.bitcast %gather3A_964 : vector<16xi32> to vector<32xbf16>
        %mul3A_967 = arith.mulf %bitcast3A_965, %bitcast3A_966 : vector<32xbf16>
        %unpack3A_968 = tpu.unpack_subelements %mul3A_967, 0 {pack_format = #tpu.pack_format<interleaved>} : vector<32xbf16> -> vector<16xf32>
        %unpack3A_969 = tpu.unpack_subelements %mul3A_967, 1 {pack_format = #tpu.pack_format<interleaved>} : vector<32xbf16> -> vector<16xf32>
        %add3A_970 = arith.addf %add3A_955, %unpack3A_968 : vector<16xf32>
        %add3A_971 = arith.addf %add3A_956, %unpack3A_969 : vector<16xf32>
        %add3A_972 = arith.constant 1 : i32
        %add3A_973 = vector.broadcast %add3A_972 : i32 to vector<16xi32>
        %add3A_974 = arith.addi %and3A_962, %add3A_973 : vector<16xi32>
        %and3A_975 = arith.constant 63 : i32
        %and3A_976 = vector.broadcast %and3A_975 : i32 to vector<16xi32>
        %and3A_977 = arith.andi %add3A_974, %and3A_976 : vector<16xi32>
        %gather3A_978 = tpu.vector_load_idx %arg15[%add3A_167, %and3A_977] : memref<80x64xi32, #tpu.memory_space<vmem>>[vector<16xi32>, vector<16xi32>], vector<16xi32>,
        %gather3A_979 = tpu.vector_load_idx %arg16[%add3A_167, %and3A_977] : memref<80x64xi32, #tpu.memory_space<vmem>>[vector<16xi32>, vector<16xi32>], vector<16xi32>,
        %bitcast3A_980 = vector.bitcast %gather3A_978 : vector<16xi32> to vector<32xbf16>
        %bitcast3A_981 = vector.bitcast %gather3A_979 : vector<16xi32> to vector<32xbf16>
        %mul3A_982 = arith.mulf %bitcast3A_980, %bitcast3A_981 : vector<32xbf16>
        %unpack3A_983 = tpu.unpack_subelements %mul3A_982, 0 {pack_format = #tpu.pack_format<interleaved>} : vector<32xbf16> -> vector<16xf32>
        %unpack3A_984 = tpu.unpack_subelements %mul3A_982, 1 {pack_format = #tpu.pack_format<interleaved>} : vector<32xbf16> -> vector<16xf32>
        %add3A_985 = arith.addf %add3A_970, %unpack3A_983 : vector<16xf32>
        %add3A_986 = arith.addf %add3A_971, %unpack3A_984 : vector<16xf32>
        %add3A_987 = arith.constant 1 : i32
        %add3A_988 = vector.broadcast %add3A_987 : i32 to vector<16xi32>
        %add3A_989 = arith.addi %and3A_977, %add3A_988 : vector<16xi32>
        %and3A_990 = arith.constant 63 : i32
        %and3A_991 = vector.broadcast %and3A_990 : i32 to vector<16xi32>
        %and3A_992 = arith.andi %add3A_989, %and3A_991 : vector<16xi32>
        %gather3A_993 = tpu.vector_load_idx %arg15[%add3A_167, %and3A_992] : memref<80x64xi32, #tpu.memory_space<vmem>>[vector<16xi32>, vector<16xi32>], vector<16xi32>,
        %gather3A_994 = tpu.vector_load_idx %arg16[%add3A_167, %and3A_992] : memref<80x64xi32, #tpu.memory_space<vmem>>[vector<16xi32>, vector<16xi32>], vector<16xi32>,
        %bitcast3A_995 = vector.bitcast %gather3A_993 : vector<16xi32> to vector<32xbf16>
        %bitcast3A_996 = vector.bitcast %gather3A_994 : vector<16xi32> to vector<32xbf16>
        %mul3A_997 = arith.mulf %bitcast3A_995, %bitcast3A_996 : vector<32xbf16>
        %unpack3A_998 = tpu.unpack_subelements %mul3A_997, 0 {pack_format = #tpu.pack_format<interleaved>} : vector<32xbf16> -> vector<16xf32>
        %unpack3A_999 = tpu.unpack_subelements %mul3A_997, 1 {pack_format = #tpu.pack_format<interleaved>} : vector<32xbf16> -> vector<16xf32>
        %add3A_1000 = arith.addf %add3A_985, %unpack3A_998 : vector<16xf32>
        %add3A_1001 = arith.addf %add3A_986, %unpack3A_999 : vector<16xf32>
        %add3A_1002 = arith.constant 1 : i32
        %add3A_1003 = vector.broadcast %add3A_1002 : i32 to vector<16xi32>
        %add3A_1004 = arith.addi %and3A_992, %add3A_1003 : vector<16xi32>
        %and3A_1005 = arith.constant 63 : i32
        %and3A_1006 = vector.broadcast %and3A_1005 : i32 to vector<16xi32>
        %and3A_1007 = arith.andi %add3A_1004, %and3A_1006 : vector<16xi32>
        %gather3A_1008 = tpu.vector_load_idx %arg15[%add3A_167, %and3A_1007] : memref<80x64xi32, #tpu.memory_space<vmem>>[vector<16xi32>, vector<16xi32>], vector<16xi32>,
        %gather3A_1009 = tpu.vector_load_idx %arg16[%add3A_167, %and3A_1007] : memref<80x64xi32, #tpu.memory_space<vmem>>[vector<16xi32>, vector<16xi32>], vector<16xi32>,
        %bitcast3A_1010 = vector.bitcast %gather3A_1008 : vector<16xi32> to vector<32xbf16>
        %bitcast3A_1011 = vector.bitcast %gather3A_1009 : vector<16xi32> to vector<32xbf16>
        %mul3A_1012 = arith.mulf %bitcast3A_1010, %bitcast3A_1011 : vector<32xbf16>
        %unpack3A_1013 = tpu.unpack_subelements %mul3A_1012, 0 {pack_format = #tpu.pack_format<interleaved>} : vector<32xbf16> -> vector<16xf32>
        %unpack3A_1014 = tpu.unpack_subelements %mul3A_1012, 1 {pack_format = #tpu.pack_format<interleaved>} : vector<32xbf16> -> vector<16xf32>
        %add3A_1015 = arith.addf %add3A_1000, %unpack3A_1013 : vector<16xf32>
        %add3A_1016 = arith.addf %add3A_1001, %unpack3A_1014 : vector<16xf32>
        %add3A_1017 = arith.constant 1 : i32
        %add3A_1018 = vector.broadcast %add3A_1017 : i32 to vector<16xi32>
        %add3A_1019 = arith.addi %and3A_1007, %add3A_1018 : vector<16xi32>
        %and3A_1020 = arith.constant 63 : i32
        %and3A_1021 = vector.broadcast %and3A_1020 : i32 to vector<16xi32>
        %and3A_1022 = arith.andi %add3A_1019, %and3A_1021 : vector<16xi32>
        %gather3A_1023 = tpu.vector_load_idx %arg15[%add3A_167, %and3A_1022] : memref<80x64xi32, #tpu.memory_space<vmem>>[vector<16xi32>, vector<16xi32>], vector<16xi32>,
        %gather3A_1024 = tpu.vector_load_idx %arg16[%add3A_167, %and3A_1022] : memref<80x64xi32, #tpu.memory_space<vmem>>[vector<16xi32>, vector<16xi32>], vector<16xi32>,
        %bitcast3A_1025 = vector.bitcast %gather3A_1023 : vector<16xi32> to vector<32xbf16>
        %bitcast3A_1026 = vector.bitcast %gather3A_1024 : vector<16xi32> to vector<32xbf16>
        %mul3A_1027 = arith.mulf %bitcast3A_1025, %bitcast3A_1026 : vector<32xbf16>
        %unpack3A_1028 = tpu.unpack_subelements %mul3A_1027, 0 {pack_format = #tpu.pack_format<interleaved>} : vector<32xbf16> -> vector<16xf32>
        %unpack3A_1029 = tpu.unpack_subelements %mul3A_1027, 1 {pack_format = #tpu.pack_format<interleaved>} : vector<32xbf16> -> vector<16xf32>
        %add3A_1030 = arith.addf %add3A_1015, %unpack3A_1028 : vector<16xf32>
        %add3A_1031 = arith.addf %add3A_1016, %unpack3A_1029 : vector<16xf32>
        %add3A_1032 = arith.constant 1 : i32
        %add3A_1033 = vector.broadcast %add3A_1032 : i32 to vector<16xi32>
        %add3A_1034 = arith.addi %and3A_1022, %add3A_1033 : vector<16xi32>
        %and3A_1035 = arith.constant 63 : i32
        %and3A_1036 = vector.broadcast %and3A_1035 : i32 to vector<16xi32>
        %and3A_1037 = arith.andi %add3A_1034, %and3A_1036 : vector<16xi32>
        %gather3A_1038 = tpu.vector_load_idx %arg15[%add3A_167, %and3A_1037] : memref<80x64xi32, #tpu.memory_space<vmem>>[vector<16xi32>, vector<16xi32>], vector<16xi32>,
        %gather3A_1039 = tpu.vector_load_idx %arg16[%add3A_167, %and3A_1037] : memref<80x64xi32, #tpu.memory_space<vmem>>[vector<16xi32>, vector<16xi32>], vector<16xi32>,
        %bitcast3A_1040 = vector.bitcast %gather3A_1038 : vector<16xi32> to vector<32xbf16>
        %bitcast3A_1041 = vector.bitcast %gather3A_1039 : vector<16xi32> to vector<32xbf16>
        %mul3A_1042 = arith.mulf %bitcast3A_1040, %bitcast3A_1041 : vector<32xbf16>
        %unpack3A_1043 = tpu.unpack_subelements %mul3A_1042, 0 {pack_format = #tpu.pack_format<interleaved>} : vector<32xbf16> -> vector<16xf32>
        %unpack3A_1044 = tpu.unpack_subelements %mul3A_1042, 1 {pack_format = #tpu.pack_format<interleaved>} : vector<32xbf16> -> vector<16xf32>
        %add3A_1045 = arith.addf %add3A_1030, %unpack3A_1043 : vector<16xf32>
        %add3A_1046 = arith.addf %add3A_1031, %unpack3A_1044 : vector<16xf32>
        %add3A_1047 = arith.constant 1 : i32
        %add3A_1048 = vector.broadcast %add3A_1047 : i32 to vector<16xi32>
        %add3A_1049 = arith.addi %and3A_1037, %add3A_1048 : vector<16xi32>
        %and3A_1050 = arith.constant 63 : i32
        %and3A_1051 = vector.broadcast %and3A_1050 : i32 to vector<16xi32>
        %and3A_1052 = arith.andi %add3A_1049, %and3A_1051 : vector<16xi32>
        %gather3A_1053 = tpu.vector_load_idx %arg15[%add3A_167, %and3A_1052] : memref<80x64xi32, #tpu.memory_space<vmem>>[vector<16xi32>, vector<16xi32>], vector<16xi32>,
        %gather3A_1054 = tpu.vector_load_idx %arg16[%add3A_167, %and3A_1052] : memref<80x64xi32, #tpu.memory_space<vmem>>[vector<16xi32>, vector<16xi32>], vector<16xi32>,
        %bitcast3A_1055 = vector.bitcast %gather3A_1053 : vector<16xi32> to vector<32xbf16>
        %bitcast3A_1056 = vector.bitcast %gather3A_1054 : vector<16xi32> to vector<32xbf16>
        %mul3A_1057 = arith.mulf %bitcast3A_1055, %bitcast3A_1056 : vector<32xbf16>
        %unpack3A_1058 = tpu.unpack_subelements %mul3A_1057, 0 {pack_format = #tpu.pack_format<interleaved>} : vector<32xbf16> -> vector<16xf32>
        %unpack3A_1059 = tpu.unpack_subelements %mul3A_1057, 1 {pack_format = #tpu.pack_format<interleaved>} : vector<32xbf16> -> vector<16xf32>
        %add3A_1060 = arith.addf %add3A_1045, %unpack3A_1058 : vector<16xf32>
        %add3A_1061 = arith.addf %add3A_1046, %unpack3A_1059 : vector<16xf32>
        %add3A_1062 = arith.constant 1 : i32
        %add3A_1063 = vector.broadcast %add3A_1062 : i32 to vector<16xi32>
        %add3A_1064 = arith.addi %and3A_1052, %add3A_1063 : vector<16xi32>
        %and3A_1065 = arith.constant 63 : i32
        %and3A_1066 = vector.broadcast %and3A_1065 : i32 to vector<16xi32>
        %and3A_1067 = arith.andi %add3A_1064, %and3A_1066 : vector<16xi32>
        %gather3A_1068 = tpu.vector_load_idx %arg15[%add3A_167, %and3A_1067] : memref<80x64xi32, #tpu.memory_space<vmem>>[vector<16xi32>, vector<16xi32>], vector<16xi32>,
        %gather3A_1069 = tpu.vector_load_idx %arg16[%add3A_167, %and3A_1067] : memref<80x64xi32, #tpu.memory_space<vmem>>[vector<16xi32>, vector<16xi32>], vector<16xi32>,
        %bitcast3A_1070 = vector.bitcast %gather3A_1068 : vector<16xi32> to vector<32xbf16>
        %bitcast3A_1071 = vector.bitcast %gather3A_1069 : vector<16xi32> to vector<32xbf16>
        %mul3A_1072 = arith.mulf %bitcast3A_1070, %bitcast3A_1071 : vector<32xbf16>
        %unpack3A_1073 = tpu.unpack_subelements %mul3A_1072, 0 {pack_format = #tpu.pack_format<interleaved>} : vector<32xbf16> -> vector<16xf32>
        %unpack3A_1074 = tpu.unpack_subelements %mul3A_1072, 1 {pack_format = #tpu.pack_format<interleaved>} : vector<32xbf16> -> vector<16xf32>
        %add3A_1075 = arith.addf %add3A_1060, %unpack3A_1073 : vector<16xf32>
        %add3A_1076 = arith.addf %add3A_1061, %unpack3A_1074 : vector<16xf32>
        %add3A_1077 = arith.constant 1 : i32
        %add3A_1078 = vector.broadcast %add3A_1077 : i32 to vector<16xi32>
        %add3A_1079 = arith.addi %and3A_1067, %add3A_1078 : vector<16xi32>
        %and3A_1080 = arith.constant 63 : i32
        %and3A_1081 = vector.broadcast %and3A_1080 : i32 to vector<16xi32>
        %and3A_1082 = arith.andi %add3A_1079, %and3A_1081 : vector<16xi32>
        %gather3A_1083 = tpu.vector_load_idx %arg15[%add3A_167, %and3A_1082] : memref<80x64xi32, #tpu.memory_space<vmem>>[vector<16xi32>, vector<16xi32>], vector<16xi32>,
        %gather3A_1084 = tpu.vector_load_idx %arg16[%add3A_167, %and3A_1082] : memref<80x64xi32, #tpu.memory_space<vmem>>[vector<16xi32>, vector<16xi32>], vector<16xi32>,
        %bitcast3A_1085 = vector.bitcast %gather3A_1083 : vector<16xi32> to vector<32xbf16>
        %bitcast3A_1086 = vector.bitcast %gather3A_1084 : vector<16xi32> to vector<32xbf16>
        %mul3A_1087 = arith.mulf %bitcast3A_1085, %bitcast3A_1086 : vector<32xbf16>
        %unpack3A_1088 = tpu.unpack_subelements %mul3A_1087, 0 {pack_format = #tpu.pack_format<interleaved>} : vector<32xbf16> -> vector<16xf32>
        %unpack3A_1089 = tpu.unpack_subelements %mul3A_1087, 1 {pack_format = #tpu.pack_format<interleaved>} : vector<32xbf16> -> vector<16xf32>
        %add3A_1090 = arith.addf %add3A_1075, %unpack3A_1088 : vector<16xf32>
        %add3A_1091 = arith.addf %add3A_1076, %unpack3A_1089 : vector<16xf32>
        %add3A_1092 = arith.constant 1 : i32
        %add3A_1093 = vector.broadcast %add3A_1092 : i32 to vector<16xi32>
        %add3A_1094 = arith.addi %and3A_1082, %add3A_1093 : vector<16xi32>
        %and3A_1095 = arith.constant 63 : i32
        %and3A_1096 = vector.broadcast %and3A_1095 : i32 to vector<16xi32>
        %and3A_1097 = arith.andi %add3A_1094, %and3A_1096 : vector<16xi32>
        %gather3A_1098 = tpu.vector_load_idx %arg15[%add3A_167, %and3A_1097] : memref<80x64xi32, #tpu.memory_space<vmem>>[vector<16xi32>, vector<16xi32>], vector<16xi32>,
        %gather3A_1099 = tpu.vector_load_idx %arg16[%add3A_167, %and3A_1097] : memref<80x64xi32, #tpu.memory_space<vmem>>[vector<16xi32>, vector<16xi32>], vector<16xi32>,
        %bitcast3A_1100 = vector.bitcast %gather3A_1098 : vector<16xi32> to vector<32xbf16>
        %bitcast3A_1101 = vector.bitcast %gather3A_1099 : vector<16xi32> to vector<32xbf16>
        %mul3A_1102 = arith.mulf %bitcast3A_1100, %bitcast3A_1101 : vector<32xbf16>
        %unpack3A_1103 = tpu.unpack_subelements %mul3A_1102, 0 {pack_format = #tpu.pack_format<interleaved>} : vector<32xbf16> -> vector<16xf32>
        %unpack3A_1104 = tpu.unpack_subelements %mul3A_1102, 1 {pack_format = #tpu.pack_format<interleaved>} : vector<32xbf16> -> vector<16xf32>
        %add3A_1105 = arith.addf %add3A_1090, %unpack3A_1103 : vector<16xf32>
        %add3A_1106 = arith.addf %add3A_1091, %unpack3A_1104 : vector<16xf32>
        %add3A_1107 = arith.constant 1 : i32
        %add3A_1108 = vector.broadcast %add3A_1107 : i32 to vector<16xi32>
        %add3A_1109 = arith.addi %and3A_1097, %add3A_1108 : vector<16xi32>
        %and3A_1110 = arith.constant 63 : i32
        %and3A_1111 = vector.broadcast %and3A_1110 : i32 to vector<16xi32>
        %and3A_1112 = arith.andi %add3A_1109, %and3A_1111 : vector<16xi32>
        %gather3A_1113 = tpu.vector_load_idx %arg15[%add3A_167, %and3A_1112] : memref<80x64xi32, #tpu.memory_space<vmem>>[vector<16xi32>, vector<16xi32>], vector<16xi32>,
        %gather3A_1114 = tpu.vector_load_idx %arg16[%add3A_167, %and3A_1112] : memref<80x64xi32, #tpu.memory_space<vmem>>[vector<16xi32>, vector<16xi32>], vector<16xi32>,
        %bitcast3A_1115 = vector.bitcast %gather3A_1113 : vector<16xi32> to vector<32xbf16>
        %bitcast3A_1116 = vector.bitcast %gather3A_1114 : vector<16xi32> to vector<32xbf16>
        %mul3A_1117 = arith.mulf %bitcast3A_1115, %bitcast3A_1116 : vector<32xbf16>
        %unpack3A_1118 = tpu.unpack_subelements %mul3A_1117, 0 {pack_format = #tpu.pack_format<interleaved>} : vector<32xbf16> -> vector<16xf32>
        %unpack3A_1119 = tpu.unpack_subelements %mul3A_1117, 1 {pack_format = #tpu.pack_format<interleaved>} : vector<32xbf16> -> vector<16xf32>
        %add3A_1120 = arith.addf %add3A_1105, %unpack3A_1118 : vector<16xf32>
        %add3A_1121 = arith.addf %add3A_1106, %unpack3A_1119 : vector<16xf32>
        %add3A_1122 = arith.constant 1 : i32
        %add3A_1123 = vector.broadcast %add3A_1122 : i32 to vector<16xi32>
        %add3A_1124 = arith.addi %and3A_1112, %add3A_1123 : vector<16xi32>
        %and3A_1125 = arith.constant 63 : i32
        %and3A_1126 = vector.broadcast %and3A_1125 : i32 to vector<16xi32>
        %and3A_1127 = arith.andi %add3A_1124, %and3A_1126 : vector<16xi32>
        %add3A_1128 = arith.addf %add3A_1120, %add3A_1121 : vector<16xf32>
        %mul3A_1129 = arith.constant 2 : i32
        %mul3A_1130 = vector.broadcast %mul3A_1129 : i32 to vector<16xi32>
        %mul3A_1131 = arith.muli %get3A_160, %mul3A_1130 : vector<16xi32>
        %mul3A_1132 = arith.constant 2 : i32
        %mul3A_1133 = vector.broadcast %mul3A_1132 : i32 to vector<16xi32>
        %mul3A_1134 = arith.muli %get3A_165, %mul3A_1133 : vector<16xi32>
        %gather3A_1135 = tpu.vector_load_idx %arg13[%mul3A_1131] : memref<20000xf32, #tpu.memory_space<vmem>>[vector<16xi32>], vector<16xf32>,
        %add3A_1136 = arith.constant 1 : i32
        %add3A_1137 = vector.broadcast %add3A_1136 : i32 to vector<16xi32>
        %add3A_1138 = arith.addi %mul3A_1131, %add3A_1137 : vector<16xi32>
        %gather3A_1139 = tpu.vector_load_idx %arg13[%add3A_1138] : memref<20000xf32, #tpu.memory_space<vmem>>[vector<16xi32>], vector<16xf32>,
        %gather3A_1140 = tpu.vector_load_idx %arg13[%mul3A_1134] : memref<20000xf32, #tpu.memory_space<vmem>>[vector<16xi32>], vector<16xf32>,
        %add3A_1141 = arith.constant 1 : i32
        %add3A_1142 = vector.broadcast %add3A_1141 : i32 to vector<16xi32>
        %add3A_1143 = arith.addi %mul3A_1134, %add3A_1142 : vector<16xi32>
        %gather3A_1144 = tpu.vector_load_idx %arg13[%add3A_1143] : memref<20000xf32, #tpu.memory_space<vmem>>[vector<16xi32>], vector<16xf32>,
        %mul3A_1145 = arith.constant 2.000000e+00 : f32
        %mul3A_1146 = vector.broadcast %mul3A_1145 : f32 to vector<16xf32>
        %mul3A_1147 = arith.mulf %mul3A_1146, %gather3A_1139 : vector<16xf32>
        %mul3A_1148 = arith.mulf %mul3A_1147, %gather3A_1144 : vector<16xf32>
        %sub3A_1149 = arith.subf %add3A_1128, %mul3A_1148 : vector<16xf32>
        %mul3A_1150 = arith.mulf %gather3A_1135, %gather3A_1140 : vector<16xf32>
        %abs3A = math.absf %mul3A_1150 : vector<16xf32>
        %max3A = arith.constant 9.99999971E-10 : f32
        %max3A_1151 = vector.broadcast %max3A : f32 to vector<16xf32>
        %max3A_1152 = arith.maximumf %abs3A, %max3A_1151 : vector<16xf32>
        %mul3A_1153 = arith.mulf %sub3A_1149, %sub3A_1149 : vector<16xf32>
        %div3A = arith.divf %mul3A_1153, %max3A_1152 : vector<16xf32>
        %sub3A_1154 = arith.constant 1.000000e+00 : f32
        %sub3A_1155 = vector.broadcast %sub3A_1154 : f32 to vector<16xf32>
        %sub3A_1156 = arith.subf %sub3A_1155, %div3A : vector<16xf32>
        %lt3A_1157 = arith.cmpi slt, %get3A_160, %get3A_15 : vector<16xi32>
        %lt3A_1158 = arith.cmpi slt, %get3A_165, %get3A_15 : vector<16xi32>
        %and3A_1159 = arith.andi %lt3A_1157, %lt3A_1158 : vector<16xi1>
        %broadcast_in_dim3A_1160 = vector.broadcast %lt3A_92 : i1 to vector<16xi1>
        %and3A_1161 = arith.andi %broadcast_in_dim3A_1160, %and3A_1159 : vector<16xi1>
        %jit3A = arith.constant 1.000000e+00 : f32
        %jit3A_1162 = arith.constant 0.000000e+00 : f32
        %broadcast_in_dim3A_1163 = vector.broadcast %jit3A : f32 to vector<16xf32>
        %broadcast_in_dim3A_1164 = vector.broadcast %jit3A_1162 : f32 to vector<16xf32>
        %select_n3A = arith.select %and3A_1161, %broadcast_in_dim3A_1163, %broadcast_in_dim3A_1164 : vector<16xi1>, vector<16xf32>
        %add3A_1165 = arith.addi %sub3A_99, %mul3A_155 : i32
        %add3A_1166 = vector.broadcast %add3A_1165 : i32 to vector<16xi32>
        %add3A_1167 = arith.addi %add3A_1166, %get3A_17 : vector<16xi32>
        %not3A = arith.constant dense<true> : vector<16xi1>
        %not3A_1168 = arith.xori %broadcast_in_dim3A_1160, %not3A : vector<16xi1>
        %lt3A_1169 = arith.constant 10000 : i32
        %lt3A_1170 = vector.broadcast %lt3A_1169 : i32 to vector<16xi32>
        %lt3A_1171 = arith.cmpi slt, %add3A_1167, %lt3A_1170 : vector<16xi32>
        %and3A_1172 = arith.andi %not3A_1168, %lt3A_1171 : vector<16xi1>
        %jit3A_1173 = arith.constant 1.000000e+00 : f32
        %jit3A_1174 = arith.constant 0.000000e+00 : f32
        %broadcast_in_dim3A_1175 = vector.broadcast %jit3A_1173 : f32 to vector<16xf32>
        %broadcast_in_dim3A_1176 = vector.broadcast %jit3A_1174 : f32 to vector<16xf32>
        %select_n3A_1177 = arith.select %and3A_1172, %broadcast_in_dim3A_1175, %broadcast_in_dim3A_1176 : vector<16xi1>, vector<16xf32>
        %get3A_1178 = arith.constant 0 : index
        %get3A_1179 = tpu.vector_load %arg21[%get3A_1178] {strides = array<i32>} : memref<16xf32, #tpu.memory_space<vmem>>, vector<16xf32>,
        %min3A = arith.constant 1.000000e+01 : f32
        %min3A_1180 = vector.broadcast %min3A : f32 to vector<16xf32>
        %min3A_1181 = arith.minimumf %sub3A_1156, %min3A_1180 : vector<16xf32>
        %mul3A_1182 = arith.mulf %min3A_1181, %select_n3A : vector<16xf32>
        %add3A_1183 = arith.addf %get3A_1179, %mul3A_1182 : vector<16xf32>
        %swap3A_1184 = arith.constant 0 : index
        %swap3A_1185 = tpu.vector_load %arg21[%swap3A_1184] {strides = array<i32>} : memref<16xf32, #tpu.memory_space<vmem>>, vector<16xf32>,
        tpu.vector_store %arg21[%swap3A_1184], %add3A_1183 {strides = array<i32>} : memref<16xf32, #tpu.memory_space<vmem>>, vector<16xf32>,
        %get3A_1186 = arith.constant 0 : index
        %get3A_1187 = tpu.vector_load %arg22[%get3A_1186] {strides = array<i32>} : memref<16xf32, #tpu.memory_space<vmem>>, vector<16xf32>,
        %add3A_1188 = arith.addf %get3A_1187, %select_n3A : vector<16xf32>
        %swap3A_1189 = arith.constant 0 : index
        %swap3A_1190 = tpu.vector_load %arg22[%swap3A_1189] {strides = array<i32>} : memref<16xf32, #tpu.memory_space<vmem>>, vector<16xf32>,
        tpu.vector_store %arg22[%swap3A_1189], %add3A_1188 {strides = array<i32>} : memref<16xf32, #tpu.memory_space<vmem>>, vector<16xf32>,
        %get3A_1191 = arith.constant 0 : index
        %get3A_1192 = tpu.vector_load %arg23[%get3A_1191] {strides = array<i32>} : memref<16xf32, #tpu.memory_space<vmem>>, vector<16xf32>,
        %sub3A_1193 = arith.constant 1.000000e+00 : f32
        %sub3A_1194 = vector.broadcast %sub3A_1193 : f32 to vector<16xf32>
        %sub3A_1195 = arith.subf %sub3A_1194, %sub3A_1156 : vector<16xf32>
        %max3A_1196 = arith.constant 0.000000e+00 : f32
        %max3A_1197 = vector.broadcast %max3A_1196 : f32 to vector<16xf32>
        %max3A_1198 = arith.maximumf %sub3A_1195, %max3A_1197 : vector<16xf32>
        %mul3A_1199 = arith.mulf %max3A_1198, %select_n3A_1177 : vector<16xf32>
        %add3A_1200 = arith.addf %get3A_1192, %mul3A_1199 : vector<16xf32>
        %swap3A_1201 = arith.constant 0 : index
        %swap3A_1202 = tpu.vector_load %arg23[%swap3A_1201] {strides = array<i32>} : memref<16xf32, #tpu.memory_space<vmem>>, vector<16xf32>,
        tpu.vector_store %arg23[%swap3A_1201], %add3A_1200 {strides = array<i32>} : memref<16xf32, #tpu.memory_space<vmem>>, vector<16xf32>,
        %scan3A_1203 = arith.constant 0 : i32
        scf.yield %scan3A_1203 : i32
      }
      %scan3A_106 = arith.constant 5 : i32
      %add3A_107 = arith.constant 2 : i32
      %add3A_108 = arith.addi %mul3A_65, %add3A_107 : i32
      %mul3A_109 = arith.constant 80 : i32
      %mul3A_110 = arith.muli %add3A_108, %mul3A_109 : i32
      %mul3A_111 = arith.constant 80 : i32
      %mul3A_112 = arith.muli %add3A_108, %mul3A_111 : i32
      %dma_start3A_113 = tpu.memref_slice %arg11[%mul3A_110] : memref<10320xi32, #tpu.memory_space<vmem>> -> memref<80xi32, #tpu.memory_space<vmem>>
      %dma_start3A_114 = arith.constant 0 : i32
      %dma_start3A_115 = arith.constant 0 : i32
      %dma_start3A_116 = tpu.memref_slice %arg14[%dma_start3A_114, %dma_start3A_115] : memref<10000x64xi32, #tpu.memory_space<vmem_shared>> -> memref<10000x64xi32, #tpu.memory_space<vmem_shared>>
      tpu.enqueue_indirect_dma source(%dma_start3A_116 : memref<10000x64xi32, #tpu.memory_space<vmem_shared>>) target(%arg15 : memref<80x64xi32, #tpu.memory_space<vmem>>) offsets(%dma_start3A_113 : memref<80xi32, #tpu.memory_space<vmem>>) semaphore(%arg24 : memref<!tpu.dma_semaphore, #tpu.memory_space<semaphore_mem>>)
      %dma_start3A_117 = tpu.memref_slice %arg12[%mul3A_112] : memref<10320xi32, #tpu.memory_space<vmem>> -> memref<80xi32, #tpu.memory_space<vmem>>
      %dma_start3A_118 = arith.constant 0 : i32
      %dma_start3A_119 = arith.constant 0 : i32
      %dma_start3A_120 = tpu.memref_slice %arg14[%dma_start3A_118, %dma_start3A_119] : memref<10000x64xi32, #tpu.memory_space<vmem_shared>> -> memref<10000x64xi32, #tpu.memory_space<vmem_shared>>
      tpu.enqueue_indirect_dma source(%dma_start3A_120 : memref<10000x64xi32, #tpu.memory_space<vmem_shared>>) target(%arg16 : memref<80x64xi32, #tpu.memory_space<vmem>>) offsets(%dma_start3A_117 : memref<80xi32, #tpu.memory_space<vmem>>) semaphore(%arg24 : memref<!tpu.dma_semaphore, #tpu.memory_space<semaphore_mem>>)
      %dma_wait3A_121 = arith.constant 0 : i32
      %dma_wait3A_122 = arith.constant 0 : i32
      %dma_wait3A_123 = tpu.memref_slice %arg2[%dma_wait3A_121, %dma_wait3A_122] : memref<10000x64xi32, #tpu.memory_space<hbm>> -> memref<80x64xi32, #tpu.memory_space<hbm>>
      %dma_wait3A_124 = arith.constant 0 : i32
      %dma_wait3A_125 = arith.constant 0 : i32
      %dma_wait3A_126 = tpu.memref_slice %arg2[%dma_wait3A_124, %dma_wait3A_125] : memref<10000x64xi32, #tpu.memory_space<hbm>> -> memref<80x64xi32, #tpu.memory_space<hbm>>
      tpu.wait_dma2 semaphore(%arg25 : memref<!tpu.dma_semaphore, #tpu.memory_space<semaphore_mem>>) src(%dma_wait3A_126 : memref<80x64xi32, #tpu.memory_space<hbm>>) dst(%arg17 : memref<80x64xi32, #tpu.memory_space<vmem>>)
      %dma_wait3A_127 = arith.constant 0 : i32
      %dma_wait3A_128 = arith.constant 0 : i32
      %dma_wait3A_129 = tpu.memref_slice %arg2[%dma_wait3A_127, %dma_wait3A_128] : memref<10000x64xi32, #tpu.memory_space<hbm>> -> memref<80x64xi32, #tpu.memory_space<hbm>>
      %dma_wait3A_130 = arith.constant 0 : i32
      %dma_wait3A_131 = arith.constant 0 : i32
      %dma_wait3A_132 = tpu.memref_slice %arg2[%dma_wait3A_130, %dma_wait3A_131] : memref<10000x64xi32, #tpu.memory_space<hbm>> -> memref<80x64xi32, #tpu.memory_space<hbm>>
      tpu.wait_dma2 semaphore(%arg25 : memref<!tpu.dma_semaphore, #tpu.memory_space<semaphore_mem>>) src(%dma_wait3A_132 : memref<80x64xi32, #tpu.memory_space<hbm>>) dst(%arg18 : memref<80x64xi32, #tpu.memory_space<vmem>>)
      %add3A_133 = arith.constant 1 : i32
      %add3A_134 = arith.addi %mul3A_65, %add3A_133 : i32
      %lt3A_135 = arith.constant 125 : i32
      %lt3A_136 = arith.cmpi slt, %add3A_134, %lt3A_135 : i32
      %mul3A_137 = arith.constant 320 : i32
      %mul3A_138 = arith.muli %add3A, %mul3A_137 : i32
      %mul3A_139 = arith.constant 80 : i32
      %mul3A_140 = arith.muli %add3A_134, %mul3A_139 : i32
      %add3A_141 = arith.addi %mul3A_138, %mul3A_140 : i32
      %sub3A_142 = arith.constant 10000 : i32
      %sub3A_143 = arith.subi %add3A_141, %sub3A_142 : i32
      %scan3A_144 = arith.constant 0 : i32
      %scan3A_145 = arith.constant 0 : i32
      %scan3A_146 = arith.constant 5 : i32
      %scan3A_147 = arith.addi %scan3A_145, %scan3A_146 : i32
      %scan3A_148 = arith.constant 1 : i32
      %scan3A_149 = scf.for %scan3A_152 = %scan3A_145 to %scan3A_147 step %scan3A_148 iter_args(%scan3A_153 = %scan3A_144) -> (i32)  : i32 {
        %mul3A_154 = arith.constant 16 : i32
        %mul3A_155 = arith.muli %scan3A_152, %mul3A_154 : i32
        %mul3A_156 = arith.constant 80 : i32
        %mul3A_157 = arith.muli %add3A_134, %mul3A_156 : i32
        %add3A_158 = arith.addi %mul3A_157, %mul3A_155 : i32
        %get3A_159 = arith.index_cast %add3A_158 : i32 to index
        %get3A_160 = tpu.vector_load %arg11[%get3A_159] {strides = array<i32>} : memref<10320xi32, #tpu.memory_space<vmem>>, vector<16xi32>,
        %mul3A_161 = arith.constant 80 : i32
        %mul3A_162 = arith.muli %add3A_134, %mul3A_161 : i32
        %add3A_163 = arith.addi %mul3A_162, %mul3A_155 : i32
        %get3A_164 = arith.index_cast %add3A_163 : i32 to index
        %get3A_165 = tpu.vector_load %arg12[%get3A_164] {strides = array<i32>} : memref<10320xi32, #tpu.memory_space<vmem>>, vector<16xi32>,
        %add3A_166 = vector.broadcast %mul3A_155 : i32 to vector<16xi32>
        %add3A_167 = arith.addi %add3A_166, %get3A_17 : vector<16xi32>
        %broadcast_in_dim3A_168 = arith.constant 0.000000e+00 : f32
        %broadcast_in_dim3A_169 = vector.broadcast %broadcast_in_dim3A_168 : f32 to vector<16xf32>
        %broadcast_in_dim3A_170 = arith.constant 0.000000e+00 : f32
        %broadcast_in_dim3A_171 = vector.broadcast %broadcast_in_dim3A_170 : f32 to vector<16xf32>
        %gather3A = tpu.vector_load_idx %arg17[%add3A_167, %get3A_17] : memref<80x64xi32, #tpu.memory_space<vmem>>[vector<16xi32>, vector<16xi32>], vector<16xi32>,
        %gather3A_172 = tpu.vector_load_idx %arg18[%add3A_167, %get3A_17] : memref<80x64xi32, #tpu.memory_space<vmem>>[vector<16xi32>, vector<16xi32>], vector<16xi32>,
        %bitcast3A = vector.bitcast %gather3A : vector<16xi32> to vector<32xbf16>
        %bitcast3A_173 = vector.bitcast %gather3A_172 : vector<16xi32> to vector<32xbf16>
        %mul3A_174 = arith.mulf %bitcast3A, %bitcast3A_173 : vector<32xbf16>
        %unpack3A = tpu.unpack_subelements %mul3A_174, 0 {pack_format = #tpu.pack_format<interleaved>} : vector<32xbf16> -> vector<16xf32>
        %unpack3A_175 = tpu.unpack_subelements %mul3A_174, 1 {pack_format = #tpu.pack_format<interleaved>} : vector<32xbf16> -> vector<16xf32>
        %add3A_176 = arith.addf %broadcast_in_dim3A_169, %unpack3A : vector<16xf32>
        %add3A_177 = arith.addf %broadcast_in_dim3A_171, %unpack3A_175 : vector<16xf32>
        %add3A_178 = arith.constant 1 : i32
        %add3A_179 = vector.broadcast %add3A_178 : i32 to vector<16xi32>
        %add3A_180 = arith.addi %get3A_17, %add3A_179 : vector<16xi32>
        %and3A = arith.constant 63 : i32
        %and3A_181 = vector.broadcast %and3A : i32 to vector<16xi32>
        %and3A_182 = arith.andi %add3A_180, %and3A_181 : vector<16xi32>
        %gather3A_183 = tpu.vector_load_idx %arg17[%add3A_167, %and3A_182] : memref<80x64xi32, #tpu.memory_space<vmem>>[vector<16xi32>, vector<16xi32>], vector<16xi32>,
        %gather3A_184 = tpu.vector_load_idx %arg18[%add3A_167, %and3A_182] : memref<80x64xi32, #tpu.memory_space<vmem>>[vector<16xi32>, vector<16xi32>], vector<16xi32>,
        %bitcast3A_185 = vector.bitcast %gather3A_183 : vector<16xi32> to vector<32xbf16>
        %bitcast3A_186 = vector.bitcast %gather3A_184 : vector<16xi32> to vector<32xbf16>
        %mul3A_187 = arith.mulf %bitcast3A_185, %bitcast3A_186 : vector<32xbf16>
        %unpack3A_188 = tpu.unpack_subelements %mul3A_187, 0 {pack_format = #tpu.pack_format<interleaved>} : vector<32xbf16> -> vector<16xf32>
        %unpack3A_189 = tpu.unpack_subelements %mul3A_187, 1 {pack_format = #tpu.pack_format<interleaved>} : vector<32xbf16> -> vector<16xf32>
        %add3A_190 = arith.addf %add3A_176, %unpack3A_188 : vector<16xf32>
        %add3A_191 = arith.addf %add3A_177, %unpack3A_189 : vector<16xf32>
        %add3A_192 = arith.constant 1 : i32
        %add3A_193 = vector.broadcast %add3A_192 : i32 to vector<16xi32>
        %add3A_194 = arith.addi %and3A_182, %add3A_193 : vector<16xi32>
        %and3A_195 = arith.constant 63 : i32
        %and3A_196 = vector.broadcast %and3A_195 : i32 to vector<16xi32>
        %and3A_197 = arith.andi %add3A_194, %and3A_196 : vector<16xi32>
        %gather3A_198 = tpu.vector_load_idx %arg17[%add3A_167, %and3A_197] : memref<80x64xi32, #tpu.memory_space<vmem>>[vector<16xi32>, vector<16xi32>], vector<16xi32>,
        %gather3A_199 = tpu.vector_load_idx %arg18[%add3A_167, %and3A_197] : memref<80x64xi32, #tpu.memory_space<vmem>>[vector<16xi32>, vector<16xi32>], vector<16xi32>,
        %bitcast3A_200 = vector.bitcast %gather3A_198 : vector<16xi32> to vector<32xbf16>
        %bitcast3A_201 = vector.bitcast %gather3A_199 : vector<16xi32> to vector<32xbf16>
        %mul3A_202 = arith.mulf %bitcast3A_200, %bitcast3A_201 : vector<32xbf16>
        %unpack3A_203 = tpu.unpack_subelements %mul3A_202, 0 {pack_format = #tpu.pack_format<interleaved>} : vector<32xbf16> -> vector<16xf32>
        %unpack3A_204 = tpu.unpack_subelements %mul3A_202, 1 {pack_format = #tpu.pack_format<interleaved>} : vector<32xbf16> -> vector<16xf32>
        %add3A_205 = arith.addf %add3A_190, %unpack3A_203 : vector<16xf32>
        %add3A_206 = arith.addf %add3A_191, %unpack3A_204 : vector<16xf32>
        %add3A_207 = arith.constant 1 : i32
        %add3A_208 = vector.broadcast %add3A_207 : i32 to vector<16xi32>
        %add3A_209 = arith.addi %and3A_197, %add3A_208 : vector<16xi32>
        %and3A_210 = arith.constant 63 : i32
        %and3A_211 = vector.broadcast %and3A_210 : i32 to vector<16xi32>
        %and3A_212 = arith.andi %add3A_209, %and3A_211 : vector<16xi32>
        %gather3A_213 = tpu.vector_load_idx %arg17[%add3A_167, %and3A_212] : memref<80x64xi32, #tpu.memory_space<vmem>>[vector<16xi32>, vector<16xi32>], vector<16xi32>,
        %gather3A_214 = tpu.vector_load_idx %arg18[%add3A_167, %and3A_212] : memref<80x64xi32, #tpu.memory_space<vmem>>[vector<16xi32>, vector<16xi32>], vector<16xi32>,
        %bitcast3A_215 = vector.bitcast %gather3A_213 : vector<16xi32> to vector<32xbf16>
        %bitcast3A_216 = vector.bitcast %gather3A_214 : vector<16xi32> to vector<32xbf16>
        %mul3A_217 = arith.mulf %bitcast3A_215, %bitcast3A_216 : vector<32xbf16>
        %unpack3A_218 = tpu.unpack_subelements %mul3A_217, 0 {pack_format = #tpu.pack_format<interleaved>} : vector<32xbf16> -> vector<16xf32>
        %unpack3A_219 = tpu.unpack_subelements %mul3A_217, 1 {pack_format = #tpu.pack_format<interleaved>} : vector<32xbf16> -> vector<16xf32>
        %add3A_220 = arith.addf %add3A_205, %unpack3A_218 : vector<16xf32>
        %add3A_221 = arith.addf %add3A_206, %unpack3A_219 : vector<16xf32>
        %add3A_222 = arith.constant 1 : i32
        %add3A_223 = vector.broadcast %add3A_222 : i32 to vector<16xi32>
        %add3A_224 = arith.addi %and3A_212, %add3A_223 : vector<16xi32>
        %and3A_225 = arith.constant 63 : i32
        %and3A_226 = vector.broadcast %and3A_225 : i32 to vector<16xi32>
        %and3A_227 = arith.andi %add3A_224, %and3A_226 : vector<16xi32>
        %gather3A_228 = tpu.vector_load_idx %arg17[%add3A_167, %and3A_227] : memref<80x64xi32, #tpu.memory_space<vmem>>[vector<16xi32>, vector<16xi32>], vector<16xi32>,
        %gather3A_229 = tpu.vector_load_idx %arg18[%add3A_167, %and3A_227] : memref<80x64xi32, #tpu.memory_space<vmem>>[vector<16xi32>, vector<16xi32>], vector<16xi32>,
        %bitcast3A_230 = vector.bitcast %gather3A_228 : vector<16xi32> to vector<32xbf16>
        %bitcast3A_231 = vector.bitcast %gather3A_229 : vector<16xi32> to vector<32xbf16>
        %mul3A_232 = arith.mulf %bitcast3A_230, %bitcast3A_231 : vector<32xbf16>
        %unpack3A_233 = tpu.unpack_subelements %mul3A_232, 0 {pack_format = #tpu.pack_format<interleaved>} : vector<32xbf16> -> vector<16xf32>
        %unpack3A_234 = tpu.unpack_subelements %mul3A_232, 1 {pack_format = #tpu.pack_format<interleaved>} : vector<32xbf16> -> vector<16xf32>
        %add3A_235 = arith.addf %add3A_220, %unpack3A_233 : vector<16xf32>
        %add3A_236 = arith.addf %add3A_221, %unpack3A_234 : vector<16xf32>
        %add3A_237 = arith.constant 1 : i32
        %add3A_238 = vector.broadcast %add3A_237 : i32 to vector<16xi32>
        %add3A_239 = arith.addi %and3A_227, %add3A_238 : vector<16xi32>
        %and3A_240 = arith.constant 63 : i32
        %and3A_241 = vector.broadcast %and3A_240 : i32 to vector<16xi32>
        %and3A_242 = arith.andi %add3A_239, %and3A_241 : vector<16xi32>
        %gather3A_243 = tpu.vector_load_idx %arg17[%add3A_167, %and3A_242] : memref<80x64xi32, #tpu.memory_space<vmem>>[vector<16xi32>, vector<16xi32>], vector<16xi32>,
        %gather3A_244 = tpu.vector_load_idx %arg18[%add3A_167, %and3A_242] : memref<80x64xi32, #tpu.memory_space<vmem>>[vector<16xi32>, vector<16xi32>], vector<16xi32>,
        %bitcast3A_245 = vector.bitcast %gather3A_243 : vector<16xi32> to vector<32xbf16>
        %bitcast3A_246 = vector.bitcast %gather3A_244 : vector<16xi32> to vector<32xbf16>
        %mul3A_247 = arith.mulf %bitcast3A_245, %bitcast3A_246 : vector<32xbf16>
        %unpack3A_248 = tpu.unpack_subelements %mul3A_247, 0 {pack_format = #tpu.pack_format<interleaved>} : vector<32xbf16> -> vector<16xf32>
        %unpack3A_249 = tpu.unpack_subelements %mul3A_247, 1 {pack_format = #tpu.pack_format<interleaved>} : vector<32xbf16> -> vector<16xf32>
        %add3A_250 = arith.addf %add3A_235, %unpack3A_248 : vector<16xf32>
        %add3A_251 = arith.addf %add3A_236, %unpack3A_249 : vector<16xf32>
        %add3A_252 = arith.constant 1 : i32
        %add3A_253 = vector.broadcast %add3A_252 : i32 to vector<16xi32>
        %add3A_254 = arith.addi %and3A_242, %add3A_253 : vector<16xi32>
        %and3A_255 = arith.constant 63 : i32
        %and3A_256 = vector.broadcast %and3A_255 : i32 to vector<16xi32>
        %and3A_257 = arith.andi %add3A_254, %and3A_256 : vector<16xi32>
        %gather3A_258 = tpu.vector_load_idx %arg17[%add3A_167, %and3A_257] : memref<80x64xi32, #tpu.memory_space<vmem>>[vector<16xi32>, vector<16xi32>], vector<16xi32>,
        %gather3A_259 = tpu.vector_load_idx %arg18[%add3A_167, %and3A_257] : memref<80x64xi32, #tpu.memory_space<vmem>>[vector<16xi32>, vector<16xi32>], vector<16xi32>,
        %bitcast3A_260 = vector.bitcast %gather3A_258 : vector<16xi32> to vector<32xbf16>
        %bitcast3A_261 = vector.bitcast %gather3A_259 : vector<16xi32> to vector<32xbf16>
        %mul3A_262 = arith.mulf %bitcast3A_260, %bitcast3A_261 : vector<32xbf16>
        %unpack3A_263 = tpu.unpack_subelements %mul3A_262, 0 {pack_format = #tpu.pack_format<interleaved>} : vector<32xbf16> -> vector<16xf32>
        %unpack3A_264 = tpu.unpack_subelements %mul3A_262, 1 {pack_format = #tpu.pack_format<interleaved>} : vector<32xbf16> -> vector<16xf32>
        %add3A_265 = arith.addf %add3A_250, %unpack3A_263 : vector<16xf32>
        %add3A_266 = arith.addf %add3A_251, %unpack3A_264 : vector<16xf32>
        %add3A_267 = arith.constant 1 : i32
        %add3A_268 = vector.broadcast %add3A_267 : i32 to vector<16xi32>
        %add3A_269 = arith.addi %and3A_257, %add3A_268 : vector<16xi32>
        %and3A_270 = arith.constant 63 : i32
        %and3A_271 = vector.broadcast %and3A_270 : i32 to vector<16xi32>
        %and3A_272 = arith.andi %add3A_269, %and3A_271 : vector<16xi32>
        %gather3A_273 = tpu.vector_load_idx %arg17[%add3A_167, %and3A_272] : memref<80x64xi32, #tpu.memory_space<vmem>>[vector<16xi32>, vector<16xi32>], vector<16xi32>,
        %gather3A_274 = tpu.vector_load_idx %arg18[%add3A_167, %and3A_272] : memref<80x64xi32, #tpu.memory_space<vmem>>[vector<16xi32>, vector<16xi32>], vector<16xi32>,
        %bitcast3A_275 = vector.bitcast %gather3A_273 : vector<16xi32> to vector<32xbf16>
        %bitcast3A_276 = vector.bitcast %gather3A_274 : vector<16xi32> to vector<32xbf16>
        %mul3A_277 = arith.mulf %bitcast3A_275, %bitcast3A_276 : vector<32xbf16>
        %unpack3A_278 = tpu.unpack_subelements %mul3A_277, 0 {pack_format = #tpu.pack_format<interleaved>} : vector<32xbf16> -> vector<16xf32>
        %unpack3A_279 = tpu.unpack_subelements %mul3A_277, 1 {pack_format = #tpu.pack_format<interleaved>} : vector<32xbf16> -> vector<16xf32>
        %add3A_280 = arith.addf %add3A_265, %unpack3A_278 : vector<16xf32>
        %add3A_281 = arith.addf %add3A_266, %unpack3A_279 : vector<16xf32>
        %add3A_282 = arith.constant 1 : i32
        %add3A_283 = vector.broadcast %add3A_282 : i32 to vector<16xi32>
        %add3A_284 = arith.addi %and3A_272, %add3A_283 : vector<16xi32>
        %and3A_285 = arith.constant 63 : i32
        %and3A_286 = vector.broadcast %and3A_285 : i32 to vector<16xi32>
        %and3A_287 = arith.andi %add3A_284, %and3A_286 : vector<16xi32>
        %gather3A_288 = tpu.vector_load_idx %arg17[%add3A_167, %and3A_287] : memref<80x64xi32, #tpu.memory_space<vmem>>[vector<16xi32>, vector<16xi32>], vector<16xi32>,
        %gather3A_289 = tpu.vector_load_idx %arg18[%add3A_167, %and3A_287] : memref<80x64xi32, #tpu.memory_space<vmem>>[vector<16xi32>, vector<16xi32>], vector<16xi32>,
        %bitcast3A_290 = vector.bitcast %gather3A_288 : vector<16xi32> to vector<32xbf16>
        %bitcast3A_291 = vector.bitcast %gather3A_289 : vector<16xi32> to vector<32xbf16>
        %mul3A_292 = arith.mulf %bitcast3A_290, %bitcast3A_291 : vector<32xbf16>
        %unpack3A_293 = tpu.unpack_subelements %mul3A_292, 0 {pack_format = #tpu.pack_format<interleaved>} : vector<32xbf16> -> vector<16xf32>
        %unpack3A_294 = tpu.unpack_subelements %mul3A_292, 1 {pack_format = #tpu.pack_format<interleaved>} : vector<32xbf16> -> vector<16xf32>
        %add3A_295 = arith.addf %add3A_280, %unpack3A_293 : vector<16xf32>
        %add3A_296 = arith.addf %add3A_281, %unpack3A_294 : vector<16xf32>
        %add3A_297 = arith.constant 1 : i32
        %add3A_298 = vector.broadcast %add3A_297 : i32 to vector<16xi32>
        %add3A_299 = arith.addi %and3A_287, %add3A_298 : vector<16xi32>
        %and3A_300 = arith.constant 63 : i32
        %and3A_301 = vector.broadcast %and3A_300 : i32 to vector<16xi32>
        %and3A_302 = arith.andi %add3A_299, %and3A_301 : vector<16xi32>
        %gather3A_303 = tpu.vector_load_idx %arg17[%add3A_167, %and3A_302] : memref<80x64xi32, #tpu.memory_space<vmem>>[vector<16xi32>, vector<16xi32>], vector<16xi32>,
        %gather3A_304 = tpu.vector_load_idx %arg18[%add3A_167, %and3A_302] : memref<80x64xi32, #tpu.memory_space<vmem>>[vector<16xi32>, vector<16xi32>], vector<16xi32>,
        %bitcast3A_305 = vector.bitcast %gather3A_303 : vector<16xi32> to vector<32xbf16>
        %bitcast3A_306 = vector.bitcast %gather3A_304 : vector<16xi32> to vector<32xbf16>
        %mul3A_307 = arith.mulf %bitcast3A_305, %bitcast3A_306 : vector<32xbf16>
        %unpack3A_308 = tpu.unpack_subelements %mul3A_307, 0 {pack_format = #tpu.pack_format<interleaved>} : vector<32xbf16> -> vector<16xf32>
        %unpack3A_309 = tpu.unpack_subelements %mul3A_307, 1 {pack_format = #tpu.pack_format<interleaved>} : vector<32xbf16> -> vector<16xf32>
        %add3A_310 = arith.addf %add3A_295, %unpack3A_308 : vector<16xf32>
        %add3A_311 = arith.addf %add3A_296, %unpack3A_309 : vector<16xf32>
        %add3A_312 = arith.constant 1 : i32
        %add3A_313 = vector.broadcast %add3A_312 : i32 to vector<16xi32>
        %add3A_314 = arith.addi %and3A_302, %add3A_313 : vector<16xi32>
        %and3A_315 = arith.constant 63 : i32
        %and3A_316 = vector.broadcast %and3A_315 : i32 to vector<16xi32>
        %and3A_317 = arith.andi %add3A_314, %and3A_316 : vector<16xi32>
        %gather3A_318 = tpu.vector_load_idx %arg17[%add3A_167, %and3A_317] : memref<80x64xi32, #tpu.memory_space<vmem>>[vector<16xi32>, vector<16xi32>], vector<16xi32>,
        %gather3A_319 = tpu.vector_load_idx %arg18[%add3A_167, %and3A_317] : memref<80x64xi32, #tpu.memory_space<vmem>>[vector<16xi32>, vector<16xi32>], vector<16xi32>,
        %bitcast3A_320 = vector.bitcast %gather3A_318 : vector<16xi32> to vector<32xbf16>
        %bitcast3A_321 = vector.bitcast %gather3A_319 : vector<16xi32> to vector<32xbf16>
        %mul3A_322 = arith.mulf %bitcast3A_320, %bitcast3A_321 : vector<32xbf16>
        %unpack3A_323 = tpu.unpack_subelements %mul3A_322, 0 {pack_format = #tpu.pack_format<interleaved>} : vector<32xbf16> -> vector<16xf32>
        %unpack3A_324 = tpu.unpack_subelements %mul3A_322, 1 {pack_format = #tpu.pack_format<interleaved>} : vector<32xbf16> -> vector<16xf32>
        %add3A_325 = arith.addf %add3A_310, %unpack3A_323 : vector<16xf32>
        %add3A_326 = arith.addf %add3A_311, %unpack3A_324 : vector<16xf32>
        %add3A_327 = arith.constant 1 : i32
        %add3A_328 = vector.broadcast %add3A_327 : i32 to vector<16xi32>
        %add3A_329 = arith.addi %and3A_317, %add3A_328 : vector<16xi32>
        %and3A_330 = arith.constant 63 : i32
        %and3A_331 = vector.broadcast %and3A_330 : i32 to vector<16xi32>
        %and3A_332 = arith.andi %add3A_329, %and3A_331 : vector<16xi32>
        %gather3A_333 = tpu.vector_load_idx %arg17[%add3A_167, %and3A_332] : memref<80x64xi32, #tpu.memory_space<vmem>>[vector<16xi32>, vector<16xi32>], vector<16xi32>,
        %gather3A_334 = tpu.vector_load_idx %arg18[%add3A_167, %and3A_332] : memref<80x64xi32, #tpu.memory_space<vmem>>[vector<16xi32>, vector<16xi32>], vector<16xi32>,
        %bitcast3A_335 = vector.bitcast %gather3A_333 : vector<16xi32> to vector<32xbf16>
        %bitcast3A_336 = vector.bitcast %gather3A_334 : vector<16xi32> to vector<32xbf16>
        %mul3A_337 = arith.mulf %bitcast3A_335, %bitcast3A_336 : vector<32xbf16>
        %unpack3A_338 = tpu.unpack_subelements %mul3A_337, 0 {pack_format = #tpu.pack_format<interleaved>} : vector<32xbf16> -> vector<16xf32>
        %unpack3A_339 = tpu.unpack_subelements %mul3A_337, 1 {pack_format = #tpu.pack_format<interleaved>} : vector<32xbf16> -> vector<16xf32>
        %add3A_340 = arith.addf %add3A_325, %unpack3A_338 : vector<16xf32>
        %add3A_341 = arith.addf %add3A_326, %unpack3A_339 : vector<16xf32>
        %add3A_342 = arith.constant 1 : i32
        %add3A_343 = vector.broadcast %add3A_342 : i32 to vector<16xi32>
        %add3A_344 = arith.addi %and3A_332, %add3A_343 : vector<16xi32>
        %and3A_345 = arith.constant 63 : i32
        %and3A_346 = vector.broadcast %and3A_345 : i32 to vector<16xi32>
        %and3A_347 = arith.andi %add3A_344, %and3A_346 : vector<16xi32>
        %gather3A_348 = tpu.vector_load_idx %arg17[%add3A_167, %and3A_347] : memref<80x64xi32, #tpu.memory_space<vmem>>[vector<16xi32>, vector<16xi32>], vector<16xi32>,
        %gather3A_349 = tpu.vector_load_idx %arg18[%add3A_167, %and3A_347] : memref<80x64xi32, #tpu.memory_space<vmem>>[vector<16xi32>, vector<16xi32>], vector<16xi32>,
        %bitcast3A_350 = vector.bitcast %gather3A_348 : vector<16xi32> to vector<32xbf16>
        %bitcast3A_351 = vector.bitcast %gather3A_349 : vector<16xi32> to vector<32xbf16>
        %mul3A_352 = arith.mulf %bitcast3A_350, %bitcast3A_351 : vector<32xbf16>
        %unpack3A_353 = tpu.unpack_subelements %mul3A_352, 0 {pack_format = #tpu.pack_format<interleaved>} : vector<32xbf16> -> vector<16xf32>
        %unpack3A_354 = tpu.unpack_subelements %mul3A_352, 1 {pack_format = #tpu.pack_format<interleaved>} : vector<32xbf16> -> vector<16xf32>
        %add3A_355 = arith.addf %add3A_340, %unpack3A_353 : vector<16xf32>
        %add3A_356 = arith.addf %add3A_341, %unpack3A_354 : vector<16xf32>
        %add3A_357 = arith.constant 1 : i32
        %add3A_358 = vector.broadcast %add3A_357 : i32 to vector<16xi32>
        %add3A_359 = arith.addi %and3A_347, %add3A_358 : vector<16xi32>
        %and3A_360 = arith.constant 63 : i32
        %and3A_361 = vector.broadcast %and3A_360 : i32 to vector<16xi32>
        %and3A_362 = arith.andi %add3A_359, %and3A_361 : vector<16xi32>
        %gather3A_363 = tpu.vector_load_idx %arg17[%add3A_167, %and3A_362] : memref<80x64xi32, #tpu.memory_space<vmem>>[vector<16xi32>, vector<16xi32>], vector<16xi32>,
        %gather3A_364 = tpu.vector_load_idx %arg18[%add3A_167, %and3A_362] : memref<80x64xi32, #tpu.memory_space<vmem>>[vector<16xi32>, vector<16xi32>], vector<16xi32>,
        %bitcast3A_365 = vector.bitcast %gather3A_363 : vector<16xi32> to vector<32xbf16>
        %bitcast3A_366 = vector.bitcast %gather3A_364 : vector<16xi32> to vector<32xbf16>
        %mul3A_367 = arith.mulf %bitcast3A_365, %bitcast3A_366 : vector<32xbf16>
        %unpack3A_368 = tpu.unpack_subelements %mul3A_367, 0 {pack_format = #tpu.pack_format<interleaved>} : vector<32xbf16> -> vector<16xf32>
        %unpack3A_369 = tpu.unpack_subelements %mul3A_367, 1 {pack_format = #tpu.pack_format<interleaved>} : vector<32xbf16> -> vector<16xf32>
        %add3A_370 = arith.addf %add3A_355, %unpack3A_368 : vector<16xf32>
        %add3A_371 = arith.addf %add3A_356, %unpack3A_369 : vector<16xf32>
        %add3A_372 = arith.constant 1 : i32
        %add3A_373 = vector.broadcast %add3A_372 : i32 to vector<16xi32>
        %add3A_374 = arith.addi %and3A_362, %add3A_373 : vector<16xi32>
        %and3A_375 = arith.constant 63 : i32
        %and3A_376 = vector.broadcast %and3A_375 : i32 to vector<16xi32>
        %and3A_377 = arith.andi %add3A_374, %and3A_376 : vector<16xi32>
        %gather3A_378 = tpu.vector_load_idx %arg17[%add3A_167, %and3A_377] : memref<80x64xi32, #tpu.memory_space<vmem>>[vector<16xi32>, vector<16xi32>], vector<16xi32>,
        %gather3A_379 = tpu.vector_load_idx %arg18[%add3A_167, %and3A_377] : memref<80x64xi32, #tpu.memory_space<vmem>>[vector<16xi32>, vector<16xi32>], vector<16xi32>,
        %bitcast3A_380 = vector.bitcast %gather3A_378 : vector<16xi32> to vector<32xbf16>
        %bitcast3A_381 = vector.bitcast %gather3A_379 : vector<16xi32> to vector<32xbf16>
        %mul3A_382 = arith.mulf %bitcast3A_380, %bitcast3A_381 : vector<32xbf16>
        %unpack3A_383 = tpu.unpack_subelements %mul3A_382, 0 {pack_format = #tpu.pack_format<interleaved>} : vector<32xbf16> -> vector<16xf32>
        %unpack3A_384 = tpu.unpack_subelements %mul3A_382, 1 {pack_format = #tpu.pack_format<interleaved>} : vector<32xbf16> -> vector<16xf32>
        %add3A_385 = arith.addf %add3A_370, %unpack3A_383 : vector<16xf32>
        %add3A_386 = arith.addf %add3A_371, %unpack3A_384 : vector<16xf32>
        %add3A_387 = arith.constant 1 : i32
        %add3A_388 = vector.broadcast %add3A_387 : i32 to vector<16xi32>
        %add3A_389 = arith.addi %and3A_377, %add3A_388 : vector<16xi32>
        %and3A_390 = arith.constant 63 : i32
        %and3A_391 = vector.broadcast %and3A_390 : i32 to vector<16xi32>
        %and3A_392 = arith.andi %add3A_389, %and3A_391 : vector<16xi32>
        %gather3A_393 = tpu.vector_load_idx %arg17[%add3A_167, %and3A_392] : memref<80x64xi32, #tpu.memory_space<vmem>>[vector<16xi32>, vector<16xi32>], vector<16xi32>,
        %gather3A_394 = tpu.vector_load_idx %arg18[%add3A_167, %and3A_392] : memref<80x64xi32, #tpu.memory_space<vmem>>[vector<16xi32>, vector<16xi32>], vector<16xi32>,
        %bitcast3A_395 = vector.bitcast %gather3A_393 : vector<16xi32> to vector<32xbf16>
        %bitcast3A_396 = vector.bitcast %gather3A_394 : vector<16xi32> to vector<32xbf16>
        %mul3A_397 = arith.mulf %bitcast3A_395, %bitcast3A_396 : vector<32xbf16>
        %unpack3A_398 = tpu.unpack_subelements %mul3A_397, 0 {pack_format = #tpu.pack_format<interleaved>} : vector<32xbf16> -> vector<16xf32>
        %unpack3A_399 = tpu.unpack_subelements %mul3A_397, 1 {pack_format = #tpu.pack_format<interleaved>} : vector<32xbf16> -> vector<16xf32>
        %add3A_400 = arith.addf %add3A_385, %unpack3A_398 : vector<16xf32>
        %add3A_401 = arith.addf %add3A_386, %unpack3A_399 : vector<16xf32>
        %add3A_402 = arith.constant 1 : i32
        %add3A_403 = vector.broadcast %add3A_402 : i32 to vector<16xi32>
        %add3A_404 = arith.addi %and3A_392, %add3A_403 : vector<16xi32>
        %and3A_405 = arith.constant 63 : i32
        %and3A_406 = vector.broadcast %and3A_405 : i32 to vector<16xi32>
        %and3A_407 = arith.andi %add3A_404, %and3A_406 : vector<16xi32>
        %gather3A_408 = tpu.vector_load_idx %arg17[%add3A_167, %and3A_407] : memref<80x64xi32, #tpu.memory_space<vmem>>[vector<16xi32>, vector<16xi32>], vector<16xi32>,
        %gather3A_409 = tpu.vector_load_idx %arg18[%add3A_167, %and3A_407] : memref<80x64xi32, #tpu.memory_space<vmem>>[vector<16xi32>, vector<16xi32>], vector<16xi32>,
        %bitcast3A_410 = vector.bitcast %gather3A_408 : vector<16xi32> to vector<32xbf16>
        %bitcast3A_411 = vector.bitcast %gather3A_409 : vector<16xi32> to vector<32xbf16>
        %mul3A_412 = arith.mulf %bitcast3A_410, %bitcast3A_411 : vector<32xbf16>
        %unpack3A_413 = tpu.unpack_subelements %mul3A_412, 0 {pack_format = #tpu.pack_format<interleaved>} : vector<32xbf16> -> vector<16xf32>
        %unpack3A_414 = tpu.unpack_subelements %mul3A_412, 1 {pack_format = #tpu.pack_format<interleaved>} : vector<32xbf16> -> vector<16xf32>
        %add3A_415 = arith.addf %add3A_400, %unpack3A_413 : vector<16xf32>
        %add3A_416 = arith.addf %add3A_401, %unpack3A_414 : vector<16xf32>
        %add3A_417 = arith.constant 1 : i32
        %add3A_418 = vector.broadcast %add3A_417 : i32 to vector<16xi32>
        %add3A_419 = arith.addi %and3A_407, %add3A_418 : vector<16xi32>
        %and3A_420 = arith.constant 63 : i32
        %and3A_421 = vector.broadcast %and3A_420 : i32 to vector<16xi32>
        %and3A_422 = arith.andi %add3A_419, %and3A_421 : vector<16xi32>
        %gather3A_423 = tpu.vector_load_idx %arg17[%add3A_167, %and3A_422] : memref<80x64xi32, #tpu.memory_space<vmem>>[vector<16xi32>, vector<16xi32>], vector<16xi32>,
        %gather3A_424 = tpu.vector_load_idx %arg18[%add3A_167, %and3A_422] : memref<80x64xi32, #tpu.memory_space<vmem>>[vector<16xi32>, vector<16xi32>], vector<16xi32>,
        %bitcast3A_425 = vector.bitcast %gather3A_423 : vector<16xi32> to vector<32xbf16>
        %bitcast3A_426 = vector.bitcast %gather3A_424 : vector<16xi32> to vector<32xbf16>
        %mul3A_427 = arith.mulf %bitcast3A_425, %bitcast3A_426 : vector<32xbf16>
        %unpack3A_428 = tpu.unpack_subelements %mul3A_427, 0 {pack_format = #tpu.pack_format<interleaved>} : vector<32xbf16> -> vector<16xf32>
        %unpack3A_429 = tpu.unpack_subelements %mul3A_427, 1 {pack_format = #tpu.pack_format<interleaved>} : vector<32xbf16> -> vector<16xf32>
        %add3A_430 = arith.addf %add3A_415, %unpack3A_428 : vector<16xf32>
        %add3A_431 = arith.addf %add3A_416, %unpack3A_429 : vector<16xf32>
        %add3A_432 = arith.constant 1 : i32
        %add3A_433 = vector.broadcast %add3A_432 : i32 to vector<16xi32>
        %add3A_434 = arith.addi %and3A_422, %add3A_433 : vector<16xi32>
        %and3A_435 = arith.constant 63 : i32
        %and3A_436 = vector.broadcast %and3A_435 : i32 to vector<16xi32>
        %and3A_437 = arith.andi %add3A_434, %and3A_436 : vector<16xi32>
        %gather3A_438 = tpu.vector_load_idx %arg17[%add3A_167, %and3A_437] : memref<80x64xi32, #tpu.memory_space<vmem>>[vector<16xi32>, vector<16xi32>], vector<16xi32>,
        %gather3A_439 = tpu.vector_load_idx %arg18[%add3A_167, %and3A_437] : memref<80x64xi32, #tpu.memory_space<vmem>>[vector<16xi32>, vector<16xi32>], vector<16xi32>,
        %bitcast3A_440 = vector.bitcast %gather3A_438 : vector<16xi32> to vector<32xbf16>
        %bitcast3A_441 = vector.bitcast %gather3A_439 : vector<16xi32> to vector<32xbf16>
        %mul3A_442 = arith.mulf %bitcast3A_440, %bitcast3A_441 : vector<32xbf16>
        %unpack3A_443 = tpu.unpack_subelements %mul3A_442, 0 {pack_format = #tpu.pack_format<interleaved>} : vector<32xbf16> -> vector<16xf32>
        %unpack3A_444 = tpu.unpack_subelements %mul3A_442, 1 {pack_format = #tpu.pack_format<interleaved>} : vector<32xbf16> -> vector<16xf32>
        %add3A_445 = arith.addf %add3A_430, %unpack3A_443 : vector<16xf32>
        %add3A_446 = arith.addf %add3A_431, %unpack3A_444 : vector<16xf32>
        %add3A_447 = arith.constant 1 : i32
        %add3A_448 = vector.broadcast %add3A_447 : i32 to vector<16xi32>
        %add3A_449 = arith.addi %and3A_437, %add3A_448 : vector<16xi32>
        %and3A_450 = arith.constant 63 : i32
        %and3A_451 = vector.broadcast %and3A_450 : i32 to vector<16xi32>
        %and3A_452 = arith.andi %add3A_449, %and3A_451 : vector<16xi32>
        %gather3A_453 = tpu.vector_load_idx %arg17[%add3A_167, %and3A_452] : memref<80x64xi32, #tpu.memory_space<vmem>>[vector<16xi32>, vector<16xi32>], vector<16xi32>,
        %gather3A_454 = tpu.vector_load_idx %arg18[%add3A_167, %and3A_452] : memref<80x64xi32, #tpu.memory_space<vmem>>[vector<16xi32>, vector<16xi32>], vector<16xi32>,
        %bitcast3A_455 = vector.bitcast %gather3A_453 : vector<16xi32> to vector<32xbf16>
        %bitcast3A_456 = vector.bitcast %gather3A_454 : vector<16xi32> to vector<32xbf16>
        %mul3A_457 = arith.mulf %bitcast3A_455, %bitcast3A_456 : vector<32xbf16>
        %unpack3A_458 = tpu.unpack_subelements %mul3A_457, 0 {pack_format = #tpu.pack_format<interleaved>} : vector<32xbf16> -> vector<16xf32>
        %unpack3A_459 = tpu.unpack_subelements %mul3A_457, 1 {pack_format = #tpu.pack_format<interleaved>} : vector<32xbf16> -> vector<16xf32>
        %add3A_460 = arith.addf %add3A_445, %unpack3A_458 : vector<16xf32>
        %add3A_461 = arith.addf %add3A_446, %unpack3A_459 : vector<16xf32>
        %add3A_462 = arith.constant 1 : i32
        %add3A_463 = vector.broadcast %add3A_462 : i32 to vector<16xi32>
        %add3A_464 = arith.addi %and3A_452, %add3A_463 : vector<16xi32>
        %and3A_465 = arith.constant 63 : i32
        %and3A_466 = vector.broadcast %and3A_465 : i32 to vector<16xi32>
        %and3A_467 = arith.andi %add3A_464, %and3A_466 : vector<16xi32>
        %gather3A_468 = tpu.vector_load_idx %arg17[%add3A_167, %and3A_467] : memref<80x64xi32, #tpu.memory_space<vmem>>[vector<16xi32>, vector<16xi32>], vector<16xi32>,
        %gather3A_469 = tpu.vector_load_idx %arg18[%add3A_167, %and3A_467] : memref<80x64xi32, #tpu.memory_space<vmem>>[vector<16xi32>, vector<16xi32>], vector<16xi32>,
        %bitcast3A_470 = vector.bitcast %gather3A_468 : vector<16xi32> to vector<32xbf16>
        %bitcast3A_471 = vector.bitcast %gather3A_469 : vector<16xi32> to vector<32xbf16>
        %mul3A_472 = arith.mulf %bitcast3A_470, %bitcast3A_471 : vector<32xbf16>
        %unpack3A_473 = tpu.unpack_subelements %mul3A_472, 0 {pack_format = #tpu.pack_format<interleaved>} : vector<32xbf16> -> vector<16xf32>
        %unpack3A_474 = tpu.unpack_subelements %mul3A_472, 1 {pack_format = #tpu.pack_format<interleaved>} : vector<32xbf16> -> vector<16xf32>
        %add3A_475 = arith.addf %add3A_460, %unpack3A_473 : vector<16xf32>
        %add3A_476 = arith.addf %add3A_461, %unpack3A_474 : vector<16xf32>
        %add3A_477 = arith.constant 1 : i32
        %add3A_478 = vector.broadcast %add3A_477 : i32 to vector<16xi32>
        %add3A_479 = arith.addi %and3A_467, %add3A_478 : vector<16xi32>
        %and3A_480 = arith.constant 63 : i32
        %and3A_481 = vector.broadcast %and3A_480 : i32 to vector<16xi32>
        %and3A_482 = arith.andi %add3A_479, %and3A_481 : vector<16xi32>
        %gather3A_483 = tpu.vector_load_idx %arg17[%add3A_167, %and3A_482] : memref<80x64xi32, #tpu.memory_space<vmem>>[vector<16xi32>, vector<16xi32>], vector<16xi32>,
        %gather3A_484 = tpu.vector_load_idx %arg18[%add3A_167, %and3A_482] : memref<80x64xi32, #tpu.memory_space<vmem>>[vector<16xi32>, vector<16xi32>], vector<16xi32>,
        %bitcast3A_485 = vector.bitcast %gather3A_483 : vector<16xi32> to vector<32xbf16>
        %bitcast3A_486 = vector.bitcast %gather3A_484 : vector<16xi32> to vector<32xbf16>
        %mul3A_487 = arith.mulf %bitcast3A_485, %bitcast3A_486 : vector<32xbf16>
        %unpack3A_488 = tpu.unpack_subelements %mul3A_487, 0 {pack_format = #tpu.pack_format<interleaved>} : vector<32xbf16> -> vector<16xf32>
        %unpack3A_489 = tpu.unpack_subelements %mul3A_487, 1 {pack_format = #tpu.pack_format<interleaved>} : vector<32xbf16> -> vector<16xf32>
        %add3A_490 = arith.addf %add3A_475, %unpack3A_488 : vector<16xf32>
        %add3A_491 = arith.addf %add3A_476, %unpack3A_489 : vector<16xf32>
        %add3A_492 = arith.constant 1 : i32
        %add3A_493 = vector.broadcast %add3A_492 : i32 to vector<16xi32>
        %add3A_494 = arith.addi %and3A_482, %add3A_493 : vector<16xi32>
        %and3A_495 = arith.constant 63 : i32
        %and3A_496 = vector.broadcast %and3A_495 : i32 to vector<16xi32>
        %and3A_497 = arith.andi %add3A_494, %and3A_496 : vector<16xi32>
        %gather3A_498 = tpu.vector_load_idx %arg17[%add3A_167, %and3A_497] : memref<80x64xi32, #tpu.memory_space<vmem>>[vector<16xi32>, vector<16xi32>], vector<16xi32>,
        %gather3A_499 = tpu.vector_load_idx %arg18[%add3A_167, %and3A_497] : memref<80x64xi32, #tpu.memory_space<vmem>>[vector<16xi32>, vector<16xi32>], vector<16xi32>,
        %bitcast3A_500 = vector.bitcast %gather3A_498 : vector<16xi32> to vector<32xbf16>
        %bitcast3A_501 = vector.bitcast %gather3A_499 : vector<16xi32> to vector<32xbf16>
        %mul3A_502 = arith.mulf %bitcast3A_500, %bitcast3A_501 : vector<32xbf16>
        %unpack3A_503 = tpu.unpack_subelements %mul3A_502, 0 {pack_format = #tpu.pack_format<interleaved>} : vector<32xbf16> -> vector<16xf32>
        %unpack3A_504 = tpu.unpack_subelements %mul3A_502, 1 {pack_format = #tpu.pack_format<interleaved>} : vector<32xbf16> -> vector<16xf32>
        %add3A_505 = arith.addf %add3A_490, %unpack3A_503 : vector<16xf32>
        %add3A_506 = arith.addf %add3A_491, %unpack3A_504 : vector<16xf32>
        %add3A_507 = arith.constant 1 : i32
        %add3A_508 = vector.broadcast %add3A_507 : i32 to vector<16xi32>
        %add3A_509 = arith.addi %and3A_497, %add3A_508 : vector<16xi32>
        %and3A_510 = arith.constant 63 : i32
        %and3A_511 = vector.broadcast %and3A_510 : i32 to vector<16xi32>
        %and3A_512 = arith.andi %add3A_509, %and3A_511 : vector<16xi32>
        %gather3A_513 = tpu.vector_load_idx %arg17[%add3A_167, %and3A_512] : memref<80x64xi32, #tpu.memory_space<vmem>>[vector<16xi32>, vector<16xi32>], vector<16xi32>,
        %gather3A_514 = tpu.vector_load_idx %arg18[%add3A_167, %and3A_512] : memref<80x64xi32, #tpu.memory_space<vmem>>[vector<16xi32>, vector<16xi32>], vector<16xi32>,
        %bitcast3A_515 = vector.bitcast %gather3A_513 : vector<16xi32> to vector<32xbf16>
        %bitcast3A_516 = vector.bitcast %gather3A_514 : vector<16xi32> to vector<32xbf16>
        %mul3A_517 = arith.mulf %bitcast3A_515, %bitcast3A_516 : vector<32xbf16>
        %unpack3A_518 = tpu.unpack_subelements %mul3A_517, 0 {pack_format = #tpu.pack_format<interleaved>} : vector<32xbf16> -> vector<16xf32>
        %unpack3A_519 = tpu.unpack_subelements %mul3A_517, 1 {pack_format = #tpu.pack_format<interleaved>} : vector<32xbf16> -> vector<16xf32>
        %add3A_520 = arith.addf %add3A_505, %unpack3A_518 : vector<16xf32>
        %add3A_521 = arith.addf %add3A_506, %unpack3A_519 : vector<16xf32>
        %add3A_522 = arith.constant 1 : i32
        %add3A_523 = vector.broadcast %add3A_522 : i32 to vector<16xi32>
        %add3A_524 = arith.addi %and3A_512, %add3A_523 : vector<16xi32>
        %and3A_525 = arith.constant 63 : i32
        %and3A_526 = vector.broadcast %and3A_525 : i32 to vector<16xi32>
        %and3A_527 = arith.andi %add3A_524, %and3A_526 : vector<16xi32>
        %gather3A_528 = tpu.vector_load_idx %arg17[%add3A_167, %and3A_527] : memref<80x64xi32, #tpu.memory_space<vmem>>[vector<16xi32>, vector<16xi32>], vector<16xi32>,
        %gather3A_529 = tpu.vector_load_idx %arg18[%add3A_167, %and3A_527] : memref<80x64xi32, #tpu.memory_space<vmem>>[vector<16xi32>, vector<16xi32>], vector<16xi32>,
        %bitcast3A_530 = vector.bitcast %gather3A_528 : vector<16xi32> to vector<32xbf16>
        %bitcast3A_531 = vector.bitcast %gather3A_529 : vector<16xi32> to vector<32xbf16>
        %mul3A_532 = arith.mulf %bitcast3A_530, %bitcast3A_531 : vector<32xbf16>
        %unpack3A_533 = tpu.unpack_subelements %mul3A_532, 0 {pack_format = #tpu.pack_format<interleaved>} : vector<32xbf16> -> vector<16xf32>
        %unpack3A_534 = tpu.unpack_subelements %mul3A_532, 1 {pack_format = #tpu.pack_format<interleaved>} : vector<32xbf16> -> vector<16xf32>
        %add3A_535 = arith.addf %add3A_520, %unpack3A_533 : vector<16xf32>
        %add3A_536 = arith.addf %add3A_521, %unpack3A_534 : vector<16xf32>
        %add3A_537 = arith.constant 1 : i32
        %add3A_538 = vector.broadcast %add3A_537 : i32 to vector<16xi32>
        %add3A_539 = arith.addi %and3A_527, %add3A_538 : vector<16xi32>
        %and3A_540 = arith.constant 63 : i32
        %and3A_541 = vector.broadcast %and3A_540 : i32 to vector<16xi32>
        %and3A_542 = arith.andi %add3A_539, %and3A_541 : vector<16xi32>
        %gather3A_543 = tpu.vector_load_idx %arg17[%add3A_167, %and3A_542] : memref<80x64xi32, #tpu.memory_space<vmem>>[vector<16xi32>, vector<16xi32>], vector<16xi32>,
        %gather3A_544 = tpu.vector_load_idx %arg18[%add3A_167, %and3A_542] : memref<80x64xi32, #tpu.memory_space<vmem>>[vector<16xi32>, vector<16xi32>], vector<16xi32>,
        %bitcast3A_545 = vector.bitcast %gather3A_543 : vector<16xi32> to vector<32xbf16>
        %bitcast3A_546 = vector.bitcast %gather3A_544 : vector<16xi32> to vector<32xbf16>
        %mul3A_547 = arith.mulf %bitcast3A_545, %bitcast3A_546 : vector<32xbf16>
        %unpack3A_548 = tpu.unpack_subelements %mul3A_547, 0 {pack_format = #tpu.pack_format<interleaved>} : vector<32xbf16> -> vector<16xf32>
        %unpack3A_549 = tpu.unpack_subelements %mul3A_547, 1 {pack_format = #tpu.pack_format<interleaved>} : vector<32xbf16> -> vector<16xf32>
        %add3A_550 = arith.addf %add3A_535, %unpack3A_548 : vector<16xf32>
        %add3A_551 = arith.addf %add3A_536, %unpack3A_549 : vector<16xf32>
        %add3A_552 = arith.constant 1 : i32
        %add3A_553 = vector.broadcast %add3A_552 : i32 to vector<16xi32>
        %add3A_554 = arith.addi %and3A_542, %add3A_553 : vector<16xi32>
        %and3A_555 = arith.constant 63 : i32
        %and3A_556 = vector.broadcast %and3A_555 : i32 to vector<16xi32>
        %and3A_557 = arith.andi %add3A_554, %and3A_556 : vector<16xi32>
        %gather3A_558 = tpu.vector_load_idx %arg17[%add3A_167, %and3A_557] : memref<80x64xi32, #tpu.memory_space<vmem>>[vector<16xi32>, vector<16xi32>], vector<16xi32>,
        %gather3A_559 = tpu.vector_load_idx %arg18[%add3A_167, %and3A_557] : memref<80x64xi32, #tpu.memory_space<vmem>>[vector<16xi32>, vector<16xi32>], vector<16xi32>,
        %bitcast3A_560 = vector.bitcast %gather3A_558 : vector<16xi32> to vector<32xbf16>
        %bitcast3A_561 = vector.bitcast %gather3A_559 : vector<16xi32> to vector<32xbf16>
        %mul3A_562 = arith.mulf %bitcast3A_560, %bitcast3A_561 : vector<32xbf16>
        %unpack3A_563 = tpu.unpack_subelements %mul3A_562, 0 {pack_format = #tpu.pack_format<interleaved>} : vector<32xbf16> -> vector<16xf32>
        %unpack3A_564 = tpu.unpack_subelements %mul3A_562, 1 {pack_format = #tpu.pack_format<interleaved>} : vector<32xbf16> -> vector<16xf32>
        %add3A_565 = arith.addf %add3A_550, %unpack3A_563 : vector<16xf32>
        %add3A_566 = arith.addf %add3A_551, %unpack3A_564 : vector<16xf32>
        %add3A_567 = arith.constant 1 : i32
        %add3A_568 = vector.broadcast %add3A_567 : i32 to vector<16xi32>
        %add3A_569 = arith.addi %and3A_557, %add3A_568 : vector<16xi32>
        %and3A_570 = arith.constant 63 : i32
        %and3A_571 = vector.broadcast %and3A_570 : i32 to vector<16xi32>
        %and3A_572 = arith.andi %add3A_569, %and3A_571 : vector<16xi32>
        %gather3A_573 = tpu.vector_load_idx %arg17[%add3A_167, %and3A_572] : memref<80x64xi32, #tpu.memory_space<vmem>>[vector<16xi32>, vector<16xi32>], vector<16xi32>,
        %gather3A_574 = tpu.vector_load_idx %arg18[%add3A_167, %and3A_572] : memref<80x64xi32, #tpu.memory_space<vmem>>[vector<16xi32>, vector<16xi32>], vector<16xi32>,
        %bitcast3A_575 = vector.bitcast %gather3A_573 : vector<16xi32> to vector<32xbf16>
        %bitcast3A_576 = vector.bitcast %gather3A_574 : vector<16xi32> to vector<32xbf16>
        %mul3A_577 = arith.mulf %bitcast3A_575, %bitcast3A_576 : vector<32xbf16>
        %unpack3A_578 = tpu.unpack_subelements %mul3A_577, 0 {pack_format = #tpu.pack_format<interleaved>} : vector<32xbf16> -> vector<16xf32>
        %unpack3A_579 = tpu.unpack_subelements %mul3A_577, 1 {pack_format = #tpu.pack_format<interleaved>} : vector<32xbf16> -> vector<16xf32>
        %add3A_580 = arith.addf %add3A_565, %unpack3A_578 : vector<16xf32>
        %add3A_581 = arith.addf %add3A_566, %unpack3A_579 : vector<16xf32>
        %add3A_582 = arith.constant 1 : i32
        %add3A_583 = vector.broadcast %add3A_582 : i32 to vector<16xi32>
        %add3A_584 = arith.addi %and3A_572, %add3A_583 : vector<16xi32>
        %and3A_585 = arith.constant 63 : i32
        %and3A_586 = vector.broadcast %and3A_585 : i32 to vector<16xi32>
        %and3A_587 = arith.andi %add3A_584, %and3A_586 : vector<16xi32>
        %gather3A_588 = tpu.vector_load_idx %arg17[%add3A_167, %and3A_587] : memref<80x64xi32, #tpu.memory_space<vmem>>[vector<16xi32>, vector<16xi32>], vector<16xi32>,
        %gather3A_589 = tpu.vector_load_idx %arg18[%add3A_167, %and3A_587] : memref<80x64xi32, #tpu.memory_space<vmem>>[vector<16xi32>, vector<16xi32>], vector<16xi32>,
        %bitcast3A_590 = vector.bitcast %gather3A_588 : vector<16xi32> to vector<32xbf16>
        %bitcast3A_591 = vector.bitcast %gather3A_589 : vector<16xi32> to vector<32xbf16>
        %mul3A_592 = arith.mulf %bitcast3A_590, %bitcast3A_591 : vector<32xbf16>
        %unpack3A_593 = tpu.unpack_subelements %mul3A_592, 0 {pack_format = #tpu.pack_format<interleaved>} : vector<32xbf16> -> vector<16xf32>
        %unpack3A_594 = tpu.unpack_subelements %mul3A_592, 1 {pack_format = #tpu.pack_format<interleaved>} : vector<32xbf16> -> vector<16xf32>
        %add3A_595 = arith.addf %add3A_580, %unpack3A_593 : vector<16xf32>
        %add3A_596 = arith.addf %add3A_581, %unpack3A_594 : vector<16xf32>
        %add3A_597 = arith.constant 1 : i32
        %add3A_598 = vector.broadcast %add3A_597 : i32 to vector<16xi32>
        %add3A_599 = arith.addi %and3A_587, %add3A_598 : vector<16xi32>
        %and3A_600 = arith.constant 63 : i32
        %and3A_601 = vector.broadcast %and3A_600 : i32 to vector<16xi32>
        %and3A_602 = arith.andi %add3A_599, %and3A_601 : vector<16xi32>
        %gather3A_603 = tpu.vector_load_idx %arg17[%add3A_167, %and3A_602] : memref<80x64xi32, #tpu.memory_space<vmem>>[vector<16xi32>, vector<16xi32>], vector<16xi32>,
        %gather3A_604 = tpu.vector_load_idx %arg18[%add3A_167, %and3A_602] : memref<80x64xi32, #tpu.memory_space<vmem>>[vector<16xi32>, vector<16xi32>], vector<16xi32>,
        %bitcast3A_605 = vector.bitcast %gather3A_603 : vector<16xi32> to vector<32xbf16>
        %bitcast3A_606 = vector.bitcast %gather3A_604 : vector<16xi32> to vector<32xbf16>
        %mul3A_607 = arith.mulf %bitcast3A_605, %bitcast3A_606 : vector<32xbf16>
        %unpack3A_608 = tpu.unpack_subelements %mul3A_607, 0 {pack_format = #tpu.pack_format<interleaved>} : vector<32xbf16> -> vector<16xf32>
        %unpack3A_609 = tpu.unpack_subelements %mul3A_607, 1 {pack_format = #tpu.pack_format<interleaved>} : vector<32xbf16> -> vector<16xf32>
        %add3A_610 = arith.addf %add3A_595, %unpack3A_608 : vector<16xf32>
        %add3A_611 = arith.addf %add3A_596, %unpack3A_609 : vector<16xf32>
        %add3A_612 = arith.constant 1 : i32
        %add3A_613 = vector.broadcast %add3A_612 : i32 to vector<16xi32>
        %add3A_614 = arith.addi %and3A_602, %add3A_613 : vector<16xi32>
        %and3A_615 = arith.constant 63 : i32
        %and3A_616 = vector.broadcast %and3A_615 : i32 to vector<16xi32>
        %and3A_617 = arith.andi %add3A_614, %and3A_616 : vector<16xi32>
        %gather3A_618 = tpu.vector_load_idx %arg17[%add3A_167, %and3A_617] : memref<80x64xi32, #tpu.memory_space<vmem>>[vector<16xi32>, vector<16xi32>], vector<16xi32>,
        %gather3A_619 = tpu.vector_load_idx %arg18[%add3A_167, %and3A_617] : memref<80x64xi32, #tpu.memory_space<vmem>>[vector<16xi32>, vector<16xi32>], vector<16xi32>,
        %bitcast3A_620 = vector.bitcast %gather3A_618 : vector<16xi32> to vector<32xbf16>
        %bitcast3A_621 = vector.bitcast %gather3A_619 : vector<16xi32> to vector<32xbf16>
        %mul3A_622 = arith.mulf %bitcast3A_620, %bitcast3A_621 : vector<32xbf16>
        %unpack3A_623 = tpu.unpack_subelements %mul3A_622, 0 {pack_format = #tpu.pack_format<interleaved>} : vector<32xbf16> -> vector<16xf32>
        %unpack3A_624 = tpu.unpack_subelements %mul3A_622, 1 {pack_format = #tpu.pack_format<interleaved>} : vector<32xbf16> -> vector<16xf32>
        %add3A_625 = arith.addf %add3A_610, %unpack3A_623 : vector<16xf32>
        %add3A_626 = arith.addf %add3A_611, %unpack3A_624 : vector<16xf32>
        %add3A_627 = arith.constant 1 : i32
        %add3A_628 = vector.broadcast %add3A_627 : i32 to vector<16xi32>
        %add3A_629 = arith.addi %and3A_617, %add3A_628 : vector<16xi32>
        %and3A_630 = arith.constant 63 : i32
        %and3A_631 = vector.broadcast %and3A_630 : i32 to vector<16xi32>
        %and3A_632 = arith.andi %add3A_629, %and3A_631 : vector<16xi32>
        %gather3A_633 = tpu.vector_load_idx %arg17[%add3A_167, %and3A_632] : memref<80x64xi32, #tpu.memory_space<vmem>>[vector<16xi32>, vector<16xi32>], vector<16xi32>,
        %gather3A_634 = tpu.vector_load_idx %arg18[%add3A_167, %and3A_632] : memref<80x64xi32, #tpu.memory_space<vmem>>[vector<16xi32>, vector<16xi32>], vector<16xi32>,
        %bitcast3A_635 = vector.bitcast %gather3A_633 : vector<16xi32> to vector<32xbf16>
        %bitcast3A_636 = vector.bitcast %gather3A_634 : vector<16xi32> to vector<32xbf16>
        %mul3A_637 = arith.mulf %bitcast3A_635, %bitcast3A_636 : vector<32xbf16>
        %unpack3A_638 = tpu.unpack_subelements %mul3A_637, 0 {pack_format = #tpu.pack_format<interleaved>} : vector<32xbf16> -> vector<16xf32>
        %unpack3A_639 = tpu.unpack_subelements %mul3A_637, 1 {pack_format = #tpu.pack_format<interleaved>} : vector<32xbf16> -> vector<16xf32>
        %add3A_640 = arith.addf %add3A_625, %unpack3A_638 : vector<16xf32>
        %add3A_641 = arith.addf %add3A_626, %unpack3A_639 : vector<16xf32>
        %add3A_642 = arith.constant 1 : i32
        %add3A_643 = vector.broadcast %add3A_642 : i32 to vector<16xi32>
        %add3A_644 = arith.addi %and3A_632, %add3A_643 : vector<16xi32>
        %and3A_645 = arith.constant 63 : i32
        %and3A_646 = vector.broadcast %and3A_645 : i32 to vector<16xi32>
        %and3A_647 = arith.andi %add3A_644, %and3A_646 : vector<16xi32>
        %gather3A_648 = tpu.vector_load_idx %arg17[%add3A_167, %and3A_647] : memref<80x64xi32, #tpu.memory_space<vmem>>[vector<16xi32>, vector<16xi32>], vector<16xi32>,
        %gather3A_649 = tpu.vector_load_idx %arg18[%add3A_167, %and3A_647] : memref<80x64xi32, #tpu.memory_space<vmem>>[vector<16xi32>, vector<16xi32>], vector<16xi32>,
        %bitcast3A_650 = vector.bitcast %gather3A_648 : vector<16xi32> to vector<32xbf16>
        %bitcast3A_651 = vector.bitcast %gather3A_649 : vector<16xi32> to vector<32xbf16>
        %mul3A_652 = arith.mulf %bitcast3A_650, %bitcast3A_651 : vector<32xbf16>
        %unpack3A_653 = tpu.unpack_subelements %mul3A_652, 0 {pack_format = #tpu.pack_format<interleaved>} : vector<32xbf16> -> vector<16xf32>
        %unpack3A_654 = tpu.unpack_subelements %mul3A_652, 1 {pack_format = #tpu.pack_format<interleaved>} : vector<32xbf16> -> vector<16xf32>
        %add3A_655 = arith.addf %add3A_640, %unpack3A_653 : vector<16xf32>
        %add3A_656 = arith.addf %add3A_641, %unpack3A_654 : vector<16xf32>
        %add3A_657 = arith.constant 1 : i32
        %add3A_658 = vector.broadcast %add3A_657 : i32 to vector<16xi32>
        %add3A_659 = arith.addi %and3A_647, %add3A_658 : vector<16xi32>
        %and3A_660 = arith.constant 63 : i32
        %and3A_661 = vector.broadcast %and3A_660 : i32 to vector<16xi32>
        %and3A_662 = arith.andi %add3A_659, %and3A_661 : vector<16xi32>
        %gather3A_663 = tpu.vector_load_idx %arg17[%add3A_167, %and3A_662] : memref<80x64xi32, #tpu.memory_space<vmem>>[vector<16xi32>, vector<16xi32>], vector<16xi32>,
        %gather3A_664 = tpu.vector_load_idx %arg18[%add3A_167, %and3A_662] : memref<80x64xi32, #tpu.memory_space<vmem>>[vector<16xi32>, vector<16xi32>], vector<16xi32>,
        %bitcast3A_665 = vector.bitcast %gather3A_663 : vector<16xi32> to vector<32xbf16>
        %bitcast3A_666 = vector.bitcast %gather3A_664 : vector<16xi32> to vector<32xbf16>
        %mul3A_667 = arith.mulf %bitcast3A_665, %bitcast3A_666 : vector<32xbf16>
        %unpack3A_668 = tpu.unpack_subelements %mul3A_667, 0 {pack_format = #tpu.pack_format<interleaved>} : vector<32xbf16> -> vector<16xf32>
        %unpack3A_669 = tpu.unpack_subelements %mul3A_667, 1 {pack_format = #tpu.pack_format<interleaved>} : vector<32xbf16> -> vector<16xf32>
        %add3A_670 = arith.addf %add3A_655, %unpack3A_668 : vector<16xf32>
        %add3A_671 = arith.addf %add3A_656, %unpack3A_669 : vector<16xf32>
        %add3A_672 = arith.constant 1 : i32
        %add3A_673 = vector.broadcast %add3A_672 : i32 to vector<16xi32>
        %add3A_674 = arith.addi %and3A_662, %add3A_673 : vector<16xi32>
        %and3A_675 = arith.constant 63 : i32
        %and3A_676 = vector.broadcast %and3A_675 : i32 to vector<16xi32>
        %and3A_677 = arith.andi %add3A_674, %and3A_676 : vector<16xi32>
        %gather3A_678 = tpu.vector_load_idx %arg17[%add3A_167, %and3A_677] : memref<80x64xi32, #tpu.memory_space<vmem>>[vector<16xi32>, vector<16xi32>], vector<16xi32>,
        %gather3A_679 = tpu.vector_load_idx %arg18[%add3A_167, %and3A_677] : memref<80x64xi32, #tpu.memory_space<vmem>>[vector<16xi32>, vector<16xi32>], vector<16xi32>,
        %bitcast3A_680 = vector.bitcast %gather3A_678 : vector<16xi32> to vector<32xbf16>
        %bitcast3A_681 = vector.bitcast %gather3A_679 : vector<16xi32> to vector<32xbf16>
        %mul3A_682 = arith.mulf %bitcast3A_680, %bitcast3A_681 : vector<32xbf16>
        %unpack3A_683 = tpu.unpack_subelements %mul3A_682, 0 {pack_format = #tpu.pack_format<interleaved>} : vector<32xbf16> -> vector<16xf32>
        %unpack3A_684 = tpu.unpack_subelements %mul3A_682, 1 {pack_format = #tpu.pack_format<interleaved>} : vector<32xbf16> -> vector<16xf32>
        %add3A_685 = arith.addf %add3A_670, %unpack3A_683 : vector<16xf32>
        %add3A_686 = arith.addf %add3A_671, %unpack3A_684 : vector<16xf32>
        %add3A_687 = arith.constant 1 : i32
        %add3A_688 = vector.broadcast %add3A_687 : i32 to vector<16xi32>
        %add3A_689 = arith.addi %and3A_677, %add3A_688 : vector<16xi32>
        %and3A_690 = arith.constant 63 : i32
        %and3A_691 = vector.broadcast %and3A_690 : i32 to vector<16xi32>
        %and3A_692 = arith.andi %add3A_689, %and3A_691 : vector<16xi32>
        %gather3A_693 = tpu.vector_load_idx %arg17[%add3A_167, %and3A_692] : memref<80x64xi32, #tpu.memory_space<vmem>>[vector<16xi32>, vector<16xi32>], vector<16xi32>,
        %gather3A_694 = tpu.vector_load_idx %arg18[%add3A_167, %and3A_692] : memref<80x64xi32, #tpu.memory_space<vmem>>[vector<16xi32>, vector<16xi32>], vector<16xi32>,
        %bitcast3A_695 = vector.bitcast %gather3A_693 : vector<16xi32> to vector<32xbf16>
        %bitcast3A_696 = vector.bitcast %gather3A_694 : vector<16xi32> to vector<32xbf16>
        %mul3A_697 = arith.mulf %bitcast3A_695, %bitcast3A_696 : vector<32xbf16>
        %unpack3A_698 = tpu.unpack_subelements %mul3A_697, 0 {pack_format = #tpu.pack_format<interleaved>} : vector<32xbf16> -> vector<16xf32>
        %unpack3A_699 = tpu.unpack_subelements %mul3A_697, 1 {pack_format = #tpu.pack_format<interleaved>} : vector<32xbf16> -> vector<16xf32>
        %add3A_700 = arith.addf %add3A_685, %unpack3A_698 : vector<16xf32>
        %add3A_701 = arith.addf %add3A_686, %unpack3A_699 : vector<16xf32>
        %add3A_702 = arith.constant 1 : i32
        %add3A_703 = vector.broadcast %add3A_702 : i32 to vector<16xi32>
        %add3A_704 = arith.addi %and3A_692, %add3A_703 : vector<16xi32>
        %and3A_705 = arith.constant 63 : i32
        %and3A_706 = vector.broadcast %and3A_705 : i32 to vector<16xi32>
        %and3A_707 = arith.andi %add3A_704, %and3A_706 : vector<16xi32>
        %gather3A_708 = tpu.vector_load_idx %arg17[%add3A_167, %and3A_707] : memref<80x64xi32, #tpu.memory_space<vmem>>[vector<16xi32>, vector<16xi32>], vector<16xi32>,
        %gather3A_709 = tpu.vector_load_idx %arg18[%add3A_167, %and3A_707] : memref<80x64xi32, #tpu.memory_space<vmem>>[vector<16xi32>, vector<16xi32>], vector<16xi32>,
        %bitcast3A_710 = vector.bitcast %gather3A_708 : vector<16xi32> to vector<32xbf16>
        %bitcast3A_711 = vector.bitcast %gather3A_709 : vector<16xi32> to vector<32xbf16>
        %mul3A_712 = arith.mulf %bitcast3A_710, %bitcast3A_711 : vector<32xbf16>
        %unpack3A_713 = tpu.unpack_subelements %mul3A_712, 0 {pack_format = #tpu.pack_format<interleaved>} : vector<32xbf16> -> vector<16xf32>
        %unpack3A_714 = tpu.unpack_subelements %mul3A_712, 1 {pack_format = #tpu.pack_format<interleaved>} : vector<32xbf16> -> vector<16xf32>
        %add3A_715 = arith.addf %add3A_700, %unpack3A_713 : vector<16xf32>
        %add3A_716 = arith.addf %add3A_701, %unpack3A_714 : vector<16xf32>
        %add3A_717 = arith.constant 1 : i32
        %add3A_718 = vector.broadcast %add3A_717 : i32 to vector<16xi32>
        %add3A_719 = arith.addi %and3A_707, %add3A_718 : vector<16xi32>
        %and3A_720 = arith.constant 63 : i32
        %and3A_721 = vector.broadcast %and3A_720 : i32 to vector<16xi32>
        %and3A_722 = arith.andi %add3A_719, %and3A_721 : vector<16xi32>
        %gather3A_723 = tpu.vector_load_idx %arg17[%add3A_167, %and3A_722] : memref<80x64xi32, #tpu.memory_space<vmem>>[vector<16xi32>, vector<16xi32>], vector<16xi32>,
        %gather3A_724 = tpu.vector_load_idx %arg18[%add3A_167, %and3A_722] : memref<80x64xi32, #tpu.memory_space<vmem>>[vector<16xi32>, vector<16xi32>], vector<16xi32>,
        %bitcast3A_725 = vector.bitcast %gather3A_723 : vector<16xi32> to vector<32xbf16>
        %bitcast3A_726 = vector.bitcast %gather3A_724 : vector<16xi32> to vector<32xbf16>
        %mul3A_727 = arith.mulf %bitcast3A_725, %bitcast3A_726 : vector<32xbf16>
        %unpack3A_728 = tpu.unpack_subelements %mul3A_727, 0 {pack_format = #tpu.pack_format<interleaved>} : vector<32xbf16> -> vector<16xf32>
        %unpack3A_729 = tpu.unpack_subelements %mul3A_727, 1 {pack_format = #tpu.pack_format<interleaved>} : vector<32xbf16> -> vector<16xf32>
        %add3A_730 = arith.addf %add3A_715, %unpack3A_728 : vector<16xf32>
        %add3A_731 = arith.addf %add3A_716, %unpack3A_729 : vector<16xf32>
        %add3A_732 = arith.constant 1 : i32
        %add3A_733 = vector.broadcast %add3A_732 : i32 to vector<16xi32>
        %add3A_734 = arith.addi %and3A_722, %add3A_733 : vector<16xi32>
        %and3A_735 = arith.constant 63 : i32
        %and3A_736 = vector.broadcast %and3A_735 : i32 to vector<16xi32>
        %and3A_737 = arith.andi %add3A_734, %and3A_736 : vector<16xi32>
        %gather3A_738 = tpu.vector_load_idx %arg17[%add3A_167, %and3A_737] : memref<80x64xi32, #tpu.memory_space<vmem>>[vector<16xi32>, vector<16xi32>], vector<16xi32>,
        %gather3A_739 = tpu.vector_load_idx %arg18[%add3A_167, %and3A_737] : memref<80x64xi32, #tpu.memory_space<vmem>>[vector<16xi32>, vector<16xi32>], vector<16xi32>,
        %bitcast3A_740 = vector.bitcast %gather3A_738 : vector<16xi32> to vector<32xbf16>
        %bitcast3A_741 = vector.bitcast %gather3A_739 : vector<16xi32> to vector<32xbf16>
        %mul3A_742 = arith.mulf %bitcast3A_740, %bitcast3A_741 : vector<32xbf16>
        %unpack3A_743 = tpu.unpack_subelements %mul3A_742, 0 {pack_format = #tpu.pack_format<interleaved>} : vector<32xbf16> -> vector<16xf32>
        %unpack3A_744 = tpu.unpack_subelements %mul3A_742, 1 {pack_format = #tpu.pack_format<interleaved>} : vector<32xbf16> -> vector<16xf32>
        %add3A_745 = arith.addf %add3A_730, %unpack3A_743 : vector<16xf32>
        %add3A_746 = arith.addf %add3A_731, %unpack3A_744 : vector<16xf32>
        %add3A_747 = arith.constant 1 : i32
        %add3A_748 = vector.broadcast %add3A_747 : i32 to vector<16xi32>
        %add3A_749 = arith.addi %and3A_737, %add3A_748 : vector<16xi32>
        %and3A_750 = arith.constant 63 : i32
        %and3A_751 = vector.broadcast %and3A_750 : i32 to vector<16xi32>
        %and3A_752 = arith.andi %add3A_749, %and3A_751 : vector<16xi32>
        %gather3A_753 = tpu.vector_load_idx %arg17[%add3A_167, %and3A_752] : memref<80x64xi32, #tpu.memory_space<vmem>>[vector<16xi32>, vector<16xi32>], vector<16xi32>,
        %gather3A_754 = tpu.vector_load_idx %arg18[%add3A_167, %and3A_752] : memref<80x64xi32, #tpu.memory_space<vmem>>[vector<16xi32>, vector<16xi32>], vector<16xi32>,
        %bitcast3A_755 = vector.bitcast %gather3A_753 : vector<16xi32> to vector<32xbf16>
        %bitcast3A_756 = vector.bitcast %gather3A_754 : vector<16xi32> to vector<32xbf16>
        %mul3A_757 = arith.mulf %bitcast3A_755, %bitcast3A_756 : vector<32xbf16>
        %unpack3A_758 = tpu.unpack_subelements %mul3A_757, 0 {pack_format = #tpu.pack_format<interleaved>} : vector<32xbf16> -> vector<16xf32>
        %unpack3A_759 = tpu.unpack_subelements %mul3A_757, 1 {pack_format = #tpu.pack_format<interleaved>} : vector<32xbf16> -> vector<16xf32>
        %add3A_760 = arith.addf %add3A_745, %unpack3A_758 : vector<16xf32>
        %add3A_761 = arith.addf %add3A_746, %unpack3A_759 : vector<16xf32>
        %add3A_762 = arith.constant 1 : i32
        %add3A_763 = vector.broadcast %add3A_762 : i32 to vector<16xi32>
        %add3A_764 = arith.addi %and3A_752, %add3A_763 : vector<16xi32>
        %and3A_765 = arith.constant 63 : i32
        %and3A_766 = vector.broadcast %and3A_765 : i32 to vector<16xi32>
        %and3A_767 = arith.andi %add3A_764, %and3A_766 : vector<16xi32>
        %gather3A_768 = tpu.vector_load_idx %arg17[%add3A_167, %and3A_767] : memref<80x64xi32, #tpu.memory_space<vmem>>[vector<16xi32>, vector<16xi32>], vector<16xi32>,
        %gather3A_769 = tpu.vector_load_idx %arg18[%add3A_167, %and3A_767] : memref<80x64xi32, #tpu.memory_space<vmem>>[vector<16xi32>, vector<16xi32>], vector<16xi32>,
        %bitcast3A_770 = vector.bitcast %gather3A_768 : vector<16xi32> to vector<32xbf16>
        %bitcast3A_771 = vector.bitcast %gather3A_769 : vector<16xi32> to vector<32xbf16>
        %mul3A_772 = arith.mulf %bitcast3A_770, %bitcast3A_771 : vector<32xbf16>
        %unpack3A_773 = tpu.unpack_subelements %mul3A_772, 0 {pack_format = #tpu.pack_format<interleaved>} : vector<32xbf16> -> vector<16xf32>
        %unpack3A_774 = tpu.unpack_subelements %mul3A_772, 1 {pack_format = #tpu.pack_format<interleaved>} : vector<32xbf16> -> vector<16xf32>
        %add3A_775 = arith.addf %add3A_760, %unpack3A_773 : vector<16xf32>
        %add3A_776 = arith.addf %add3A_761, %unpack3A_774 : vector<16xf32>
        %add3A_777 = arith.constant 1 : i32
        %add3A_778 = vector.broadcast %add3A_777 : i32 to vector<16xi32>
        %add3A_779 = arith.addi %and3A_767, %add3A_778 : vector<16xi32>
        %and3A_780 = arith.constant 63 : i32
        %and3A_781 = vector.broadcast %and3A_780 : i32 to vector<16xi32>
        %and3A_782 = arith.andi %add3A_779, %and3A_781 : vector<16xi32>
        %gather3A_783 = tpu.vector_load_idx %arg17[%add3A_167, %and3A_782] : memref<80x64xi32, #tpu.memory_space<vmem>>[vector<16xi32>, vector<16xi32>], vector<16xi32>,
        %gather3A_784 = tpu.vector_load_idx %arg18[%add3A_167, %and3A_782] : memref<80x64xi32, #tpu.memory_space<vmem>>[vector<16xi32>, vector<16xi32>], vector<16xi32>,
        %bitcast3A_785 = vector.bitcast %gather3A_783 : vector<16xi32> to vector<32xbf16>
        %bitcast3A_786 = vector.bitcast %gather3A_784 : vector<16xi32> to vector<32xbf16>
        %mul3A_787 = arith.mulf %bitcast3A_785, %bitcast3A_786 : vector<32xbf16>
        %unpack3A_788 = tpu.unpack_subelements %mul3A_787, 0 {pack_format = #tpu.pack_format<interleaved>} : vector<32xbf16> -> vector<16xf32>
        %unpack3A_789 = tpu.unpack_subelements %mul3A_787, 1 {pack_format = #tpu.pack_format<interleaved>} : vector<32xbf16> -> vector<16xf32>
        %add3A_790 = arith.addf %add3A_775, %unpack3A_788 : vector<16xf32>
        %add3A_791 = arith.addf %add3A_776, %unpack3A_789 : vector<16xf32>
        %add3A_792 = arith.constant 1 : i32
        %add3A_793 = vector.broadcast %add3A_792 : i32 to vector<16xi32>
        %add3A_794 = arith.addi %and3A_782, %add3A_793 : vector<16xi32>
        %and3A_795 = arith.constant 63 : i32
        %and3A_796 = vector.broadcast %and3A_795 : i32 to vector<16xi32>
        %and3A_797 = arith.andi %add3A_794, %and3A_796 : vector<16xi32>
        %gather3A_798 = tpu.vector_load_idx %arg17[%add3A_167, %and3A_797] : memref<80x64xi32, #tpu.memory_space<vmem>>[vector<16xi32>, vector<16xi32>], vector<16xi32>,
        %gather3A_799 = tpu.vector_load_idx %arg18[%add3A_167, %and3A_797] : memref<80x64xi32, #tpu.memory_space<vmem>>[vector<16xi32>, vector<16xi32>], vector<16xi32>,
        %bitcast3A_800 = vector.bitcast %gather3A_798 : vector<16xi32> to vector<32xbf16>
        %bitcast3A_801 = vector.bitcast %gather3A_799 : vector<16xi32> to vector<32xbf16>
        %mul3A_802 = arith.mulf %bitcast3A_800, %bitcast3A_801 : vector<32xbf16>
        %unpack3A_803 = tpu.unpack_subelements %mul3A_802, 0 {pack_format = #tpu.pack_format<interleaved>} : vector<32xbf16> -> vector<16xf32>
        %unpack3A_804 = tpu.unpack_subelements %mul3A_802, 1 {pack_format = #tpu.pack_format<interleaved>} : vector<32xbf16> -> vector<16xf32>
        %add3A_805 = arith.addf %add3A_790, %unpack3A_803 : vector<16xf32>
        %add3A_806 = arith.addf %add3A_791, %unpack3A_804 : vector<16xf32>
        %add3A_807 = arith.constant 1 : i32
        %add3A_808 = vector.broadcast %add3A_807 : i32 to vector<16xi32>
        %add3A_809 = arith.addi %and3A_797, %add3A_808 : vector<16xi32>
        %and3A_810 = arith.constant 63 : i32
        %and3A_811 = vector.broadcast %and3A_810 : i32 to vector<16xi32>
        %and3A_812 = arith.andi %add3A_809, %and3A_811 : vector<16xi32>
        %gather3A_813 = tpu.vector_load_idx %arg17[%add3A_167, %and3A_812] : memref<80x64xi32, #tpu.memory_space<vmem>>[vector<16xi32>, vector<16xi32>], vector<16xi32>,
        %gather3A_814 = tpu.vector_load_idx %arg18[%add3A_167, %and3A_812] : memref<80x64xi32, #tpu.memory_space<vmem>>[vector<16xi32>, vector<16xi32>], vector<16xi32>,
        %bitcast3A_815 = vector.bitcast %gather3A_813 : vector<16xi32> to vector<32xbf16>
        %bitcast3A_816 = vector.bitcast %gather3A_814 : vector<16xi32> to vector<32xbf16>
        %mul3A_817 = arith.mulf %bitcast3A_815, %bitcast3A_816 : vector<32xbf16>
        %unpack3A_818 = tpu.unpack_subelements %mul3A_817, 0 {pack_format = #tpu.pack_format<interleaved>} : vector<32xbf16> -> vector<16xf32>
        %unpack3A_819 = tpu.unpack_subelements %mul3A_817, 1 {pack_format = #tpu.pack_format<interleaved>} : vector<32xbf16> -> vector<16xf32>
        %add3A_820 = arith.addf %add3A_805, %unpack3A_818 : vector<16xf32>
        %add3A_821 = arith.addf %add3A_806, %unpack3A_819 : vector<16xf32>
        %add3A_822 = arith.constant 1 : i32
        %add3A_823 = vector.broadcast %add3A_822 : i32 to vector<16xi32>
        %add3A_824 = arith.addi %and3A_812, %add3A_823 : vector<16xi32>
        %and3A_825 = arith.constant 63 : i32
        %and3A_826 = vector.broadcast %and3A_825 : i32 to vector<16xi32>
        %and3A_827 = arith.andi %add3A_824, %and3A_826 : vector<16xi32>
        %gather3A_828 = tpu.vector_load_idx %arg17[%add3A_167, %and3A_827] : memref<80x64xi32, #tpu.memory_space<vmem>>[vector<16xi32>, vector<16xi32>], vector<16xi32>,
        %gather3A_829 = tpu.vector_load_idx %arg18[%add3A_167, %and3A_827] : memref<80x64xi32, #tpu.memory_space<vmem>>[vector<16xi32>, vector<16xi32>], vector<16xi32>,
        %bitcast3A_830 = vector.bitcast %gather3A_828 : vector<16xi32> to vector<32xbf16>
        %bitcast3A_831 = vector.bitcast %gather3A_829 : vector<16xi32> to vector<32xbf16>
        %mul3A_832 = arith.mulf %bitcast3A_830, %bitcast3A_831 : vector<32xbf16>
        %unpack3A_833 = tpu.unpack_subelements %mul3A_832, 0 {pack_format = #tpu.pack_format<interleaved>} : vector<32xbf16> -> vector<16xf32>
        %unpack3A_834 = tpu.unpack_subelements %mul3A_832, 1 {pack_format = #tpu.pack_format<interleaved>} : vector<32xbf16> -> vector<16xf32>
        %add3A_835 = arith.addf %add3A_820, %unpack3A_833 : vector<16xf32>
        %add3A_836 = arith.addf %add3A_821, %unpack3A_834 : vector<16xf32>
        %add3A_837 = arith.constant 1 : i32
        %add3A_838 = vector.broadcast %add3A_837 : i32 to vector<16xi32>
        %add3A_839 = arith.addi %and3A_827, %add3A_838 : vector<16xi32>
        %and3A_840 = arith.constant 63 : i32
        %and3A_841 = vector.broadcast %and3A_840 : i32 to vector<16xi32>
        %and3A_842 = arith.andi %add3A_839, %and3A_841 : vector<16xi32>
        %gather3A_843 = tpu.vector_load_idx %arg17[%add3A_167, %and3A_842] : memref<80x64xi32, #tpu.memory_space<vmem>>[vector<16xi32>, vector<16xi32>], vector<16xi32>,
        %gather3A_844 = tpu.vector_load_idx %arg18[%add3A_167, %and3A_842] : memref<80x64xi32, #tpu.memory_space<vmem>>[vector<16xi32>, vector<16xi32>], vector<16xi32>,
        %bitcast3A_845 = vector.bitcast %gather3A_843 : vector<16xi32> to vector<32xbf16>
        %bitcast3A_846 = vector.bitcast %gather3A_844 : vector<16xi32> to vector<32xbf16>
        %mul3A_847 = arith.mulf %bitcast3A_845, %bitcast3A_846 : vector<32xbf16>
        %unpack3A_848 = tpu.unpack_subelements %mul3A_847, 0 {pack_format = #tpu.pack_format<interleaved>} : vector<32xbf16> -> vector<16xf32>
        %unpack3A_849 = tpu.unpack_subelements %mul3A_847, 1 {pack_format = #tpu.pack_format<interleaved>} : vector<32xbf16> -> vector<16xf32>
        %add3A_850 = arith.addf %add3A_835, %unpack3A_848 : vector<16xf32>
        %add3A_851 = arith.addf %add3A_836, %unpack3A_849 : vector<16xf32>
        %add3A_852 = arith.constant 1 : i32
        %add3A_853 = vector.broadcast %add3A_852 : i32 to vector<16xi32>
        %add3A_854 = arith.addi %and3A_842, %add3A_853 : vector<16xi32>
        %and3A_855 = arith.constant 63 : i32
        %and3A_856 = vector.broadcast %and3A_855 : i32 to vector<16xi32>
        %and3A_857 = arith.andi %add3A_854, %and3A_856 : vector<16xi32>
        %gather3A_858 = tpu.vector_load_idx %arg17[%add3A_167, %and3A_857] : memref<80x64xi32, #tpu.memory_space<vmem>>[vector<16xi32>, vector<16xi32>], vector<16xi32>,
        %gather3A_859 = tpu.vector_load_idx %arg18[%add3A_167, %and3A_857] : memref<80x64xi32, #tpu.memory_space<vmem>>[vector<16xi32>, vector<16xi32>], vector<16xi32>,
        %bitcast3A_860 = vector.bitcast %gather3A_858 : vector<16xi32> to vector<32xbf16>
        %bitcast3A_861 = vector.bitcast %gather3A_859 : vector<16xi32> to vector<32xbf16>
        %mul3A_862 = arith.mulf %bitcast3A_860, %bitcast3A_861 : vector<32xbf16>
        %unpack3A_863 = tpu.unpack_subelements %mul3A_862, 0 {pack_format = #tpu.pack_format<interleaved>} : vector<32xbf16> -> vector<16xf32>
        %unpack3A_864 = tpu.unpack_subelements %mul3A_862, 1 {pack_format = #tpu.pack_format<interleaved>} : vector<32xbf16> -> vector<16xf32>
        %add3A_865 = arith.addf %add3A_850, %unpack3A_863 : vector<16xf32>
        %add3A_866 = arith.addf %add3A_851, %unpack3A_864 : vector<16xf32>
        %add3A_867 = arith.constant 1 : i32
        %add3A_868 = vector.broadcast %add3A_867 : i32 to vector<16xi32>
        %add3A_869 = arith.addi %and3A_857, %add3A_868 : vector<16xi32>
        %and3A_870 = arith.constant 63 : i32
        %and3A_871 = vector.broadcast %and3A_870 : i32 to vector<16xi32>
        %and3A_872 = arith.andi %add3A_869, %and3A_871 : vector<16xi32>
        %gather3A_873 = tpu.vector_load_idx %arg17[%add3A_167, %and3A_872] : memref<80x64xi32, #tpu.memory_space<vmem>>[vector<16xi32>, vector<16xi32>], vector<16xi32>,
        %gather3A_874 = tpu.vector_load_idx %arg18[%add3A_167, %and3A_872] : memref<80x64xi32, #tpu.memory_space<vmem>>[vector<16xi32>, vector<16xi32>], vector<16xi32>,
        %bitcast3A_875 = vector.bitcast %gather3A_873 : vector<16xi32> to vector<32xbf16>
        %bitcast3A_876 = vector.bitcast %gather3A_874 : vector<16xi32> to vector<32xbf16>
        %mul3A_877 = arith.mulf %bitcast3A_875, %bitcast3A_876 : vector<32xbf16>
        %unpack3A_878 = tpu.unpack_subelements %mul3A_877, 0 {pack_format = #tpu.pack_format<interleaved>} : vector<32xbf16> -> vector<16xf32>
        %unpack3A_879 = tpu.unpack_subelements %mul3A_877, 1 {pack_format = #tpu.pack_format<interleaved>} : vector<32xbf16> -> vector<16xf32>
        %add3A_880 = arith.addf %add3A_865, %unpack3A_878 : vector<16xf32>
        %add3A_881 = arith.addf %add3A_866, %unpack3A_879 : vector<16xf32>
        %add3A_882 = arith.constant 1 : i32
        %add3A_883 = vector.broadcast %add3A_882 : i32 to vector<16xi32>
        %add3A_884 = arith.addi %and3A_872, %add3A_883 : vector<16xi32>
        %and3A_885 = arith.constant 63 : i32
        %and3A_886 = vector.broadcast %and3A_885 : i32 to vector<16xi32>
        %and3A_887 = arith.andi %add3A_884, %and3A_886 : vector<16xi32>
        %gather3A_888 = tpu.vector_load_idx %arg17[%add3A_167, %and3A_887] : memref<80x64xi32, #tpu.memory_space<vmem>>[vector<16xi32>, vector<16xi32>], vector<16xi32>,
        %gather3A_889 = tpu.vector_load_idx %arg18[%add3A_167, %and3A_887] : memref<80x64xi32, #tpu.memory_space<vmem>>[vector<16xi32>, vector<16xi32>], vector<16xi32>,
        %bitcast3A_890 = vector.bitcast %gather3A_888 : vector<16xi32> to vector<32xbf16>
        %bitcast3A_891 = vector.bitcast %gather3A_889 : vector<16xi32> to vector<32xbf16>
        %mul3A_892 = arith.mulf %bitcast3A_890, %bitcast3A_891 : vector<32xbf16>
        %unpack3A_893 = tpu.unpack_subelements %mul3A_892, 0 {pack_format = #tpu.pack_format<interleaved>} : vector<32xbf16> -> vector<16xf32>
        %unpack3A_894 = tpu.unpack_subelements %mul3A_892, 1 {pack_format = #tpu.pack_format<interleaved>} : vector<32xbf16> -> vector<16xf32>
        %add3A_895 = arith.addf %add3A_880, %unpack3A_893 : vector<16xf32>
        %add3A_896 = arith.addf %add3A_881, %unpack3A_894 : vector<16xf32>
        %add3A_897 = arith.constant 1 : i32
        %add3A_898 = vector.broadcast %add3A_897 : i32 to vector<16xi32>
        %add3A_899 = arith.addi %and3A_887, %add3A_898 : vector<16xi32>
        %and3A_900 = arith.constant 63 : i32
        %and3A_901 = vector.broadcast %and3A_900 : i32 to vector<16xi32>
        %and3A_902 = arith.andi %add3A_899, %and3A_901 : vector<16xi32>
        %gather3A_903 = tpu.vector_load_idx %arg17[%add3A_167, %and3A_902] : memref<80x64xi32, #tpu.memory_space<vmem>>[vector<16xi32>, vector<16xi32>], vector<16xi32>,
        %gather3A_904 = tpu.vector_load_idx %arg18[%add3A_167, %and3A_902] : memref<80x64xi32, #tpu.memory_space<vmem>>[vector<16xi32>, vector<16xi32>], vector<16xi32>,
        %bitcast3A_905 = vector.bitcast %gather3A_903 : vector<16xi32> to vector<32xbf16>
        %bitcast3A_906 = vector.bitcast %gather3A_904 : vector<16xi32> to vector<32xbf16>
        %mul3A_907 = arith.mulf %bitcast3A_905, %bitcast3A_906 : vector<32xbf16>
        %unpack3A_908 = tpu.unpack_subelements %mul3A_907, 0 {pack_format = #tpu.pack_format<interleaved>} : vector<32xbf16> -> vector<16xf32>
        %unpack3A_909 = tpu.unpack_subelements %mul3A_907, 1 {pack_format = #tpu.pack_format<interleaved>} : vector<32xbf16> -> vector<16xf32>
        %add3A_910 = arith.addf %add3A_895, %unpack3A_908 : vector<16xf32>
        %add3A_911 = arith.addf %add3A_896, %unpack3A_909 : vector<16xf32>
        %add3A_912 = arith.constant 1 : i32
        %add3A_913 = vector.broadcast %add3A_912 : i32 to vector<16xi32>
        %add3A_914 = arith.addi %and3A_902, %add3A_913 : vector<16xi32>
        %and3A_915 = arith.constant 63 : i32
        %and3A_916 = vector.broadcast %and3A_915 : i32 to vector<16xi32>
        %and3A_917 = arith.andi %add3A_914, %and3A_916 : vector<16xi32>
        %gather3A_918 = tpu.vector_load_idx %arg17[%add3A_167, %and3A_917] : memref<80x64xi32, #tpu.memory_space<vmem>>[vector<16xi32>, vector<16xi32>], vector<16xi32>,
        %gather3A_919 = tpu.vector_load_idx %arg18[%add3A_167, %and3A_917] : memref<80x64xi32, #tpu.memory_space<vmem>>[vector<16xi32>, vector<16xi32>], vector<16xi32>,
        %bitcast3A_920 = vector.bitcast %gather3A_918 : vector<16xi32> to vector<32xbf16>
        %bitcast3A_921 = vector.bitcast %gather3A_919 : vector<16xi32> to vector<32xbf16>
        %mul3A_922 = arith.mulf %bitcast3A_920, %bitcast3A_921 : vector<32xbf16>
        %unpack3A_923 = tpu.unpack_subelements %mul3A_922, 0 {pack_format = #tpu.pack_format<interleaved>} : vector<32xbf16> -> vector<16xf32>
        %unpack3A_924 = tpu.unpack_subelements %mul3A_922, 1 {pack_format = #tpu.pack_format<interleaved>} : vector<32xbf16> -> vector<16xf32>
        %add3A_925 = arith.addf %add3A_910, %unpack3A_923 : vector<16xf32>
        %add3A_926 = arith.addf %add3A_911, %unpack3A_924 : vector<16xf32>
        %add3A_927 = arith.constant 1 : i32
        %add3A_928 = vector.broadcast %add3A_927 : i32 to vector<16xi32>
        %add3A_929 = arith.addi %and3A_917, %add3A_928 : vector<16xi32>
        %and3A_930 = arith.constant 63 : i32
        %and3A_931 = vector.broadcast %and3A_930 : i32 to vector<16xi32>
        %and3A_932 = arith.andi %add3A_929, %and3A_931 : vector<16xi32>
        %gather3A_933 = tpu.vector_load_idx %arg17[%add3A_167, %and3A_932] : memref<80x64xi32, #tpu.memory_space<vmem>>[vector<16xi32>, vector<16xi32>], vector<16xi32>,
        %gather3A_934 = tpu.vector_load_idx %arg18[%add3A_167, %and3A_932] : memref<80x64xi32, #tpu.memory_space<vmem>>[vector<16xi32>, vector<16xi32>], vector<16xi32>,
        %bitcast3A_935 = vector.bitcast %gather3A_933 : vector<16xi32> to vector<32xbf16>
        %bitcast3A_936 = vector.bitcast %gather3A_934 : vector<16xi32> to vector<32xbf16>
        %mul3A_937 = arith.mulf %bitcast3A_935, %bitcast3A_936 : vector<32xbf16>
        %unpack3A_938 = tpu.unpack_subelements %mul3A_937, 0 {pack_format = #tpu.pack_format<interleaved>} : vector<32xbf16> -> vector<16xf32>
        %unpack3A_939 = tpu.unpack_subelements %mul3A_937, 1 {pack_format = #tpu.pack_format<interleaved>} : vector<32xbf16> -> vector<16xf32>
        %add3A_940 = arith.addf %add3A_925, %unpack3A_938 : vector<16xf32>
        %add3A_941 = arith.addf %add3A_926, %unpack3A_939 : vector<16xf32>
        %add3A_942 = arith.constant 1 : i32
        %add3A_943 = vector.broadcast %add3A_942 : i32 to vector<16xi32>
        %add3A_944 = arith.addi %and3A_932, %add3A_943 : vector<16xi32>
        %and3A_945 = arith.constant 63 : i32
        %and3A_946 = vector.broadcast %and3A_945 : i32 to vector<16xi32>
        %and3A_947 = arith.andi %add3A_944, %and3A_946 : vector<16xi32>
        %gather3A_948 = tpu.vector_load_idx %arg17[%add3A_167, %and3A_947] : memref<80x64xi32, #tpu.memory_space<vmem>>[vector<16xi32>, vector<16xi32>], vector<16xi32>,
        %gather3A_949 = tpu.vector_load_idx %arg18[%add3A_167, %and3A_947] : memref<80x64xi32, #tpu.memory_space<vmem>>[vector<16xi32>, vector<16xi32>], vector<16xi32>,
        %bitcast3A_950 = vector.bitcast %gather3A_948 : vector<16xi32> to vector<32xbf16>
        %bitcast3A_951 = vector.bitcast %gather3A_949 : vector<16xi32> to vector<32xbf16>
        %mul3A_952 = arith.mulf %bitcast3A_950, %bitcast3A_951 : vector<32xbf16>
        %unpack3A_953 = tpu.unpack_subelements %mul3A_952, 0 {pack_format = #tpu.pack_format<interleaved>} : vector<32xbf16> -> vector<16xf32>
        %unpack3A_954 = tpu.unpack_subelements %mul3A_952, 1 {pack_format = #tpu.pack_format<interleaved>} : vector<32xbf16> -> vector<16xf32>
        %add3A_955 = arith.addf %add3A_940, %unpack3A_953 : vector<16xf32>
        %add3A_956 = arith.addf %add3A_941, %unpack3A_954 : vector<16xf32>
        %add3A_957 = arith.constant 1 : i32
        %add3A_958 = vector.broadcast %add3A_957 : i32 to vector<16xi32>
        %add3A_959 = arith.addi %and3A_947, %add3A_958 : vector<16xi32>
        %and3A_960 = arith.constant 63 : i32
        %and3A_961 = vector.broadcast %and3A_960 : i32 to vector<16xi32>
        %and3A_962 = arith.andi %add3A_959, %and3A_961 : vector<16xi32>
        %gather3A_963 = tpu.vector_load_idx %arg17[%add3A_167, %and3A_962] : memref<80x64xi32, #tpu.memory_space<vmem>>[vector<16xi32>, vector<16xi32>], vector<16xi32>,
        %gather3A_964 = tpu.vector_load_idx %arg18[%add3A_167, %and3A_962] : memref<80x64xi32, #tpu.memory_space<vmem>>[vector<16xi32>, vector<16xi32>], vector<16xi32>,
        %bitcast3A_965 = vector.bitcast %gather3A_963 : vector<16xi32> to vector<32xbf16>
        %bitcast3A_966 = vector.bitcast %gather3A_964 : vector<16xi32> to vector<32xbf16>
        %mul3A_967 = arith.mulf %bitcast3A_965, %bitcast3A_966 : vector<32xbf16>
        %unpack3A_968 = tpu.unpack_subelements %mul3A_967, 0 {pack_format = #tpu.pack_format<interleaved>} : vector<32xbf16> -> vector<16xf32>
        %unpack3A_969 = tpu.unpack_subelements %mul3A_967, 1 {pack_format = #tpu.pack_format<interleaved>} : vector<32xbf16> -> vector<16xf32>
        %add3A_970 = arith.addf %add3A_955, %unpack3A_968 : vector<16xf32>
        %add3A_971 = arith.addf %add3A_956, %unpack3A_969 : vector<16xf32>
        %add3A_972 = arith.constant 1 : i32
        %add3A_973 = vector.broadcast %add3A_972 : i32 to vector<16xi32>
        %add3A_974 = arith.addi %and3A_962, %add3A_973 : vector<16xi32>
        %and3A_975 = arith.constant 63 : i32
        %and3A_976 = vector.broadcast %and3A_975 : i32 to vector<16xi32>
        %and3A_977 = arith.andi %add3A_974, %and3A_976 : vector<16xi32>
        %gather3A_978 = tpu.vector_load_idx %arg17[%add3A_167, %and3A_977] : memref<80x64xi32, #tpu.memory_space<vmem>>[vector<16xi32>, vector<16xi32>], vector<16xi32>,
        %gather3A_979 = tpu.vector_load_idx %arg18[%add3A_167, %and3A_977] : memref<80x64xi32, #tpu.memory_space<vmem>>[vector<16xi32>, vector<16xi32>], vector<16xi32>,
        %bitcast3A_980 = vector.bitcast %gather3A_978 : vector<16xi32> to vector<32xbf16>
        %bitcast3A_981 = vector.bitcast %gather3A_979 : vector<16xi32> to vector<32xbf16>
        %mul3A_982 = arith.mulf %bitcast3A_980, %bitcast3A_981 : vector<32xbf16>
        %unpack3A_983 = tpu.unpack_subelements %mul3A_982, 0 {pack_format = #tpu.pack_format<interleaved>} : vector<32xbf16> -> vector<16xf32>
        %unpack3A_984 = tpu.unpack_subelements %mul3A_982, 1 {pack_format = #tpu.pack_format<interleaved>} : vector<32xbf16> -> vector<16xf32>
        %add3A_985 = arith.addf %add3A_970, %unpack3A_983 : vector<16xf32>
        %add3A_986 = arith.addf %add3A_971, %unpack3A_984 : vector<16xf32>
        %add3A_987 = arith.constant 1 : i32
        %add3A_988 = vector.broadcast %add3A_987 : i32 to vector<16xi32>
        %add3A_989 = arith.addi %and3A_977, %add3A_988 : vector<16xi32>
        %and3A_990 = arith.constant 63 : i32
        %and3A_991 = vector.broadcast %and3A_990 : i32 to vector<16xi32>
        %and3A_992 = arith.andi %add3A_989, %and3A_991 : vector<16xi32>
        %gather3A_993 = tpu.vector_load_idx %arg17[%add3A_167, %and3A_992] : memref<80x64xi32, #tpu.memory_space<vmem>>[vector<16xi32>, vector<16xi32>], vector<16xi32>,
        %gather3A_994 = tpu.vector_load_idx %arg18[%add3A_167, %and3A_992] : memref<80x64xi32, #tpu.memory_space<vmem>>[vector<16xi32>, vector<16xi32>], vector<16xi32>,
        %bitcast3A_995 = vector.bitcast %gather3A_993 : vector<16xi32> to vector<32xbf16>
        %bitcast3A_996 = vector.bitcast %gather3A_994 : vector<16xi32> to vector<32xbf16>
        %mul3A_997 = arith.mulf %bitcast3A_995, %bitcast3A_996 : vector<32xbf16>
        %unpack3A_998 = tpu.unpack_subelements %mul3A_997, 0 {pack_format = #tpu.pack_format<interleaved>} : vector<32xbf16> -> vector<16xf32>
        %unpack3A_999 = tpu.unpack_subelements %mul3A_997, 1 {pack_format = #tpu.pack_format<interleaved>} : vector<32xbf16> -> vector<16xf32>
        %add3A_1000 = arith.addf %add3A_985, %unpack3A_998 : vector<16xf32>
        %add3A_1001 = arith.addf %add3A_986, %unpack3A_999 : vector<16xf32>
        %add3A_1002 = arith.constant 1 : i32
        %add3A_1003 = vector.broadcast %add3A_1002 : i32 to vector<16xi32>
        %add3A_1004 = arith.addi %and3A_992, %add3A_1003 : vector<16xi32>
        %and3A_1005 = arith.constant 63 : i32
        %and3A_1006 = vector.broadcast %and3A_1005 : i32 to vector<16xi32>
        %and3A_1007 = arith.andi %add3A_1004, %and3A_1006 : vector<16xi32>
        %gather3A_1008 = tpu.vector_load_idx %arg17[%add3A_167, %and3A_1007] : memref<80x64xi32, #tpu.memory_space<vmem>>[vector<16xi32>, vector<16xi32>], vector<16xi32>,
        %gather3A_1009 = tpu.vector_load_idx %arg18[%add3A_167, %and3A_1007] : memref<80x64xi32, #tpu.memory_space<vmem>>[vector<16xi32>, vector<16xi32>], vector<16xi32>,
        %bitcast3A_1010 = vector.bitcast %gather3A_1008 : vector<16xi32> to vector<32xbf16>
        %bitcast3A_1011 = vector.bitcast %gather3A_1009 : vector<16xi32> to vector<32xbf16>
        %mul3A_1012 = arith.mulf %bitcast3A_1010, %bitcast3A_1011 : vector<32xbf16>
        %unpack3A_1013 = tpu.unpack_subelements %mul3A_1012, 0 {pack_format = #tpu.pack_format<interleaved>} : vector<32xbf16> -> vector<16xf32>
        %unpack3A_1014 = tpu.unpack_subelements %mul3A_1012, 1 {pack_format = #tpu.pack_format<interleaved>} : vector<32xbf16> -> vector<16xf32>
        %add3A_1015 = arith.addf %add3A_1000, %unpack3A_1013 : vector<16xf32>
        %add3A_1016 = arith.addf %add3A_1001, %unpack3A_1014 : vector<16xf32>
        %add3A_1017 = arith.constant 1 : i32
        %add3A_1018 = vector.broadcast %add3A_1017 : i32 to vector<16xi32>
        %add3A_1019 = arith.addi %and3A_1007, %add3A_1018 : vector<16xi32>
        %and3A_1020 = arith.constant 63 : i32
        %and3A_1021 = vector.broadcast %and3A_1020 : i32 to vector<16xi32>
        %and3A_1022 = arith.andi %add3A_1019, %and3A_1021 : vector<16xi32>
        %gather3A_1023 = tpu.vector_load_idx %arg17[%add3A_167, %and3A_1022] : memref<80x64xi32, #tpu.memory_space<vmem>>[vector<16xi32>, vector<16xi32>], vector<16xi32>,
        %gather3A_1024 = tpu.vector_load_idx %arg18[%add3A_167, %and3A_1022] : memref<80x64xi32, #tpu.memory_space<vmem>>[vector<16xi32>, vector<16xi32>], vector<16xi32>,
        %bitcast3A_1025 = vector.bitcast %gather3A_1023 : vector<16xi32> to vector<32xbf16>
        %bitcast3A_1026 = vector.bitcast %gather3A_1024 : vector<16xi32> to vector<32xbf16>
        %mul3A_1027 = arith.mulf %bitcast3A_1025, %bitcast3A_1026 : vector<32xbf16>
        %unpack3A_1028 = tpu.unpack_subelements %mul3A_1027, 0 {pack_format = #tpu.pack_format<interleaved>} : vector<32xbf16> -> vector<16xf32>
        %unpack3A_1029 = tpu.unpack_subelements %mul3A_1027, 1 {pack_format = #tpu.pack_format<interleaved>} : vector<32xbf16> -> vector<16xf32>
        %add3A_1030 = arith.addf %add3A_1015, %unpack3A_1028 : vector<16xf32>
        %add3A_1031 = arith.addf %add3A_1016, %unpack3A_1029 : vector<16xf32>
        %add3A_1032 = arith.constant 1 : i32
        %add3A_1033 = vector.broadcast %add3A_1032 : i32 to vector<16xi32>
        %add3A_1034 = arith.addi %and3A_1022, %add3A_1033 : vector<16xi32>
        %and3A_1035 = arith.constant 63 : i32
        %and3A_1036 = vector.broadcast %and3A_1035 : i32 to vector<16xi32>
        %and3A_1037 = arith.andi %add3A_1034, %and3A_1036 : vector<16xi32>
        %gather3A_1038 = tpu.vector_load_idx %arg17[%add3A_167, %and3A_1037] : memref<80x64xi32, #tpu.memory_space<vmem>>[vector<16xi32>, vector<16xi32>], vector<16xi32>,
        %gather3A_1039 = tpu.vector_load_idx %arg18[%add3A_167, %and3A_1037] : memref<80x64xi32, #tpu.memory_space<vmem>>[vector<16xi32>, vector<16xi32>], vector<16xi32>,
        %bitcast3A_1040 = vector.bitcast %gather3A_1038 : vector<16xi32> to vector<32xbf16>
        %bitcast3A_1041 = vector.bitcast %gather3A_1039 : vector<16xi32> to vector<32xbf16>
        %mul3A_1042 = arith.mulf %bitcast3A_1040, %bitcast3A_1041 : vector<32xbf16>
        %unpack3A_1043 = tpu.unpack_subelements %mul3A_1042, 0 {pack_format = #tpu.pack_format<interleaved>} : vector<32xbf16> -> vector<16xf32>
        %unpack3A_1044 = tpu.unpack_subelements %mul3A_1042, 1 {pack_format = #tpu.pack_format<interleaved>} : vector<32xbf16> -> vector<16xf32>
        %add3A_1045 = arith.addf %add3A_1030, %unpack3A_1043 : vector<16xf32>
        %add3A_1046 = arith.addf %add3A_1031, %unpack3A_1044 : vector<16xf32>
        %add3A_1047 = arith.constant 1 : i32
        %add3A_1048 = vector.broadcast %add3A_1047 : i32 to vector<16xi32>
        %add3A_1049 = arith.addi %and3A_1037, %add3A_1048 : vector<16xi32>
        %and3A_1050 = arith.constant 63 : i32
        %and3A_1051 = vector.broadcast %and3A_1050 : i32 to vector<16xi32>
        %and3A_1052 = arith.andi %add3A_1049, %and3A_1051 : vector<16xi32>
        %gather3A_1053 = tpu.vector_load_idx %arg17[%add3A_167, %and3A_1052] : memref<80x64xi32, #tpu.memory_space<vmem>>[vector<16xi32>, vector<16xi32>], vector<16xi32>,
        %gather3A_1054 = tpu.vector_load_idx %arg18[%add3A_167, %and3A_1052] : memref<80x64xi32, #tpu.memory_space<vmem>>[vector<16xi32>, vector<16xi32>], vector<16xi32>,
        %bitcast3A_1055 = vector.bitcast %gather3A_1053 : vector<16xi32> to vector<32xbf16>
        %bitcast3A_1056 = vector.bitcast %gather3A_1054 : vector<16xi32> to vector<32xbf16>
        %mul3A_1057 = arith.mulf %bitcast3A_1055, %bitcast3A_1056 : vector<32xbf16>
        %unpack3A_1058 = tpu.unpack_subelements %mul3A_1057, 0 {pack_format = #tpu.pack_format<interleaved>} : vector<32xbf16> -> vector<16xf32>
        %unpack3A_1059 = tpu.unpack_subelements %mul3A_1057, 1 {pack_format = #tpu.pack_format<interleaved>} : vector<32xbf16> -> vector<16xf32>
        %add3A_1060 = arith.addf %add3A_1045, %unpack3A_1058 : vector<16xf32>
        %add3A_1061 = arith.addf %add3A_1046, %unpack3A_1059 : vector<16xf32>
        %add3A_1062 = arith.constant 1 : i32
        %add3A_1063 = vector.broadcast %add3A_1062 : i32 to vector<16xi32>
        %add3A_1064 = arith.addi %and3A_1052, %add3A_1063 : vector<16xi32>
        %and3A_1065 = arith.constant 63 : i32
        %and3A_1066 = vector.broadcast %and3A_1065 : i32 to vector<16xi32>
        %and3A_1067 = arith.andi %add3A_1064, %and3A_1066 : vector<16xi32>
        %gather3A_1068 = tpu.vector_load_idx %arg17[%add3A_167, %and3A_1067] : memref<80x64xi32, #tpu.memory_space<vmem>>[vector<16xi32>, vector<16xi32>], vector<16xi32>,
        %gather3A_1069 = tpu.vector_load_idx %arg18[%add3A_167, %and3A_1067] : memref<80x64xi32, #tpu.memory_space<vmem>>[vector<16xi32>, vector<16xi32>], vector<16xi32>,
        %bitcast3A_1070 = vector.bitcast %gather3A_1068 : vector<16xi32> to vector<32xbf16>
        %bitcast3A_1071 = vector.bitcast %gather3A_1069 : vector<16xi32> to vector<32xbf16>
        %mul3A_1072 = arith.mulf %bitcast3A_1070, %bitcast3A_1071 : vector<32xbf16>
        %unpack3A_1073 = tpu.unpack_subelements %mul3A_1072, 0 {pack_format = #tpu.pack_format<interleaved>} : vector<32xbf16> -> vector<16xf32>
        %unpack3A_1074 = tpu.unpack_subelements %mul3A_1072, 1 {pack_format = #tpu.pack_format<interleaved>} : vector<32xbf16> -> vector<16xf32>
        %add3A_1075 = arith.addf %add3A_1060, %unpack3A_1073 : vector<16xf32>
        %add3A_1076 = arith.addf %add3A_1061, %unpack3A_1074 : vector<16xf32>
        %add3A_1077 = arith.constant 1 : i32
        %add3A_1078 = vector.broadcast %add3A_1077 : i32 to vector<16xi32>
        %add3A_1079 = arith.addi %and3A_1067, %add3A_1078 : vector<16xi32>
        %and3A_1080 = arith.constant 63 : i32
        %and3A_1081 = vector.broadcast %and3A_1080 : i32 to vector<16xi32>
        %and3A_1082 = arith.andi %add3A_1079, %and3A_1081 : vector<16xi32>
        %gather3A_1083 = tpu.vector_load_idx %arg17[%add3A_167, %and3A_1082] : memref<80x64xi32, #tpu.memory_space<vmem>>[vector<16xi32>, vector<16xi32>], vector<16xi32>,
        %gather3A_1084 = tpu.vector_load_idx %arg18[%add3A_167, %and3A_1082] : memref<80x64xi32, #tpu.memory_space<vmem>>[vector<16xi32>, vector<16xi32>], vector<16xi32>,
        %bitcast3A_1085 = vector.bitcast %gather3A_1083 : vector<16xi32> to vector<32xbf16>
        %bitcast3A_1086 = vector.bitcast %gather3A_1084 : vector<16xi32> to vector<32xbf16>
        %mul3A_1087 = arith.mulf %bitcast3A_1085, %bitcast3A_1086 : vector<32xbf16>
        %unpack3A_1088 = tpu.unpack_subelements %mul3A_1087, 0 {pack_format = #tpu.pack_format<interleaved>} : vector<32xbf16> -> vector<16xf32>
        %unpack3A_1089 = tpu.unpack_subelements %mul3A_1087, 1 {pack_format = #tpu.pack_format<interleaved>} : vector<32xbf16> -> vector<16xf32>
        %add3A_1090 = arith.addf %add3A_1075, %unpack3A_1088 : vector<16xf32>
        %add3A_1091 = arith.addf %add3A_1076, %unpack3A_1089 : vector<16xf32>
        %add3A_1092 = arith.constant 1 : i32
        %add3A_1093 = vector.broadcast %add3A_1092 : i32 to vector<16xi32>
        %add3A_1094 = arith.addi %and3A_1082, %add3A_1093 : vector<16xi32>
        %and3A_1095 = arith.constant 63 : i32
        %and3A_1096 = vector.broadcast %and3A_1095 : i32 to vector<16xi32>
        %and3A_1097 = arith.andi %add3A_1094, %and3A_1096 : vector<16xi32>
        %gather3A_1098 = tpu.vector_load_idx %arg17[%add3A_167, %and3A_1097] : memref<80x64xi32, #tpu.memory_space<vmem>>[vector<16xi32>, vector<16xi32>], vector<16xi32>,
        %gather3A_1099 = tpu.vector_load_idx %arg18[%add3A_167, %and3A_1097] : memref<80x64xi32, #tpu.memory_space<vmem>>[vector<16xi32>, vector<16xi32>], vector<16xi32>,
        %bitcast3A_1100 = vector.bitcast %gather3A_1098 : vector<16xi32> to vector<32xbf16>
        %bitcast3A_1101 = vector.bitcast %gather3A_1099 : vector<16xi32> to vector<32xbf16>
        %mul3A_1102 = arith.mulf %bitcast3A_1100, %bitcast3A_1101 : vector<32xbf16>
        %unpack3A_1103 = tpu.unpack_subelements %mul3A_1102, 0 {pack_format = #tpu.pack_format<interleaved>} : vector<32xbf16> -> vector<16xf32>
        %unpack3A_1104 = tpu.unpack_subelements %mul3A_1102, 1 {pack_format = #tpu.pack_format<interleaved>} : vector<32xbf16> -> vector<16xf32>
        %add3A_1105 = arith.addf %add3A_1090, %unpack3A_1103 : vector<16xf32>
        %add3A_1106 = arith.addf %add3A_1091, %unpack3A_1104 : vector<16xf32>
        %add3A_1107 = arith.constant 1 : i32
        %add3A_1108 = vector.broadcast %add3A_1107 : i32 to vector<16xi32>
        %add3A_1109 = arith.addi %and3A_1097, %add3A_1108 : vector<16xi32>
        %and3A_1110 = arith.constant 63 : i32
        %and3A_1111 = vector.broadcast %and3A_1110 : i32 to vector<16xi32>
        %and3A_1112 = arith.andi %add3A_1109, %and3A_1111 : vector<16xi32>
        %gather3A_1113 = tpu.vector_load_idx %arg17[%add3A_167, %and3A_1112] : memref<80x64xi32, #tpu.memory_space<vmem>>[vector<16xi32>, vector<16xi32>], vector<16xi32>,
        %gather3A_1114 = tpu.vector_load_idx %arg18[%add3A_167, %and3A_1112] : memref<80x64xi32, #tpu.memory_space<vmem>>[vector<16xi32>, vector<16xi32>], vector<16xi32>,
        %bitcast3A_1115 = vector.bitcast %gather3A_1113 : vector<16xi32> to vector<32xbf16>
        %bitcast3A_1116 = vector.bitcast %gather3A_1114 : vector<16xi32> to vector<32xbf16>
        %mul3A_1117 = arith.mulf %bitcast3A_1115, %bitcast3A_1116 : vector<32xbf16>
        %unpack3A_1118 = tpu.unpack_subelements %mul3A_1117, 0 {pack_format = #tpu.pack_format<interleaved>} : vector<32xbf16> -> vector<16xf32>
        %unpack3A_1119 = tpu.unpack_subelements %mul3A_1117, 1 {pack_format = #tpu.pack_format<interleaved>} : vector<32xbf16> -> vector<16xf32>
        %add3A_1120 = arith.addf %add3A_1105, %unpack3A_1118 : vector<16xf32>
        %add3A_1121 = arith.addf %add3A_1106, %unpack3A_1119 : vector<16xf32>
        %add3A_1122 = arith.constant 1 : i32
        %add3A_1123 = vector.broadcast %add3A_1122 : i32 to vector<16xi32>
        %add3A_1124 = arith.addi %and3A_1112, %add3A_1123 : vector<16xi32>
        %and3A_1125 = arith.constant 63 : i32
        %and3A_1126 = vector.broadcast %and3A_1125 : i32 to vector<16xi32>
        %and3A_1127 = arith.andi %add3A_1124, %and3A_1126 : vector<16xi32>
        %add3A_1128 = arith.addf %add3A_1120, %add3A_1121 : vector<16xf32>
        %mul3A_1129 = arith.constant 2 : i32
        %mul3A_1130 = vector.broadcast %mul3A_1129 : i32 to vector<16xi32>
        %mul3A_1131 = arith.muli %get3A_160, %mul3A_1130 : vector<16xi32>
        %mul3A_1132 = arith.constant 2 : i32
        %mul3A_1133 = vector.broadcast %mul3A_1132 : i32 to vector<16xi32>
        %mul3A_1134 = arith.muli %get3A_165, %mul3A_1133 : vector<16xi32>
        %gather3A_1135 = tpu.vector_load_idx %arg13[%mul3A_1131] : memref<20000xf32, #tpu.memory_space<vmem>>[vector<16xi32>], vector<16xf32>,
        %add3A_1136 = arith.constant 1 : i32
        %add3A_1137 = vector.broadcast %add3A_1136 : i32 to vector<16xi32>
        %add3A_1138 = arith.addi %mul3A_1131, %add3A_1137 : vector<16xi32>
        %gather3A_1139 = tpu.vector_load_idx %arg13[%add3A_1138] : memref<20000xf32, #tpu.memory_space<vmem>>[vector<16xi32>], vector<16xf32>,
        %gather3A_1140 = tpu.vector_load_idx %arg13[%mul3A_1134] : memref<20000xf32, #tpu.memory_space<vmem>>[vector<16xi32>], vector<16xf32>,
        %add3A_1141 = arith.constant 1 : i32
        %add3A_1142 = vector.broadcast %add3A_1141 : i32 to vector<16xi32>
        %add3A_1143 = arith.addi %mul3A_1134, %add3A_1142 : vector<16xi32>
        %gather3A_1144 = tpu.vector_load_idx %arg13[%add3A_1143] : memref<20000xf32, #tpu.memory_space<vmem>>[vector<16xi32>], vector<16xf32>,
        %mul3A_1145 = arith.constant 2.000000e+00 : f32
        %mul3A_1146 = vector.broadcast %mul3A_1145 : f32 to vector<16xf32>
        %mul3A_1147 = arith.mulf %mul3A_1146, %gather3A_1139 : vector<16xf32>
        %mul3A_1148 = arith.mulf %mul3A_1147, %gather3A_1144 : vector<16xf32>
        %sub3A_1149 = arith.subf %add3A_1128, %mul3A_1148 : vector<16xf32>
        %mul3A_1150 = arith.mulf %gather3A_1135, %gather3A_1140 : vector<16xf32>
        %abs3A = math.absf %mul3A_1150 : vector<16xf32>
        %max3A = arith.constant 9.99999971E-10 : f32
        %max3A_1151 = vector.broadcast %max3A : f32 to vector<16xf32>
        %max3A_1152 = arith.maximumf %abs3A, %max3A_1151 : vector<16xf32>
        %mul3A_1153 = arith.mulf %sub3A_1149, %sub3A_1149 : vector<16xf32>
        %div3A = arith.divf %mul3A_1153, %max3A_1152 : vector<16xf32>
        %sub3A_1154 = arith.constant 1.000000e+00 : f32
        %sub3A_1155 = vector.broadcast %sub3A_1154 : f32 to vector<16xf32>
        %sub3A_1156 = arith.subf %sub3A_1155, %div3A : vector<16xf32>
        %lt3A_1157 = arith.cmpi slt, %get3A_160, %get3A_15 : vector<16xi32>
        %lt3A_1158 = arith.cmpi slt, %get3A_165, %get3A_15 : vector<16xi32>
        %and3A_1159 = arith.andi %lt3A_1157, %lt3A_1158 : vector<16xi1>
        %broadcast_in_dim3A_1160 = vector.broadcast %lt3A_136 : i1 to vector<16xi1>
        %and3A_1161 = arith.andi %broadcast_in_dim3A_1160, %and3A_1159 : vector<16xi1>
        %jit3A = arith.constant 1.000000e+00 : f32
        %jit3A_1162 = arith.constant 0.000000e+00 : f32
        %broadcast_in_dim3A_1163 = vector.broadcast %jit3A : f32 to vector<16xf32>
        %broadcast_in_dim3A_1164 = vector.broadcast %jit3A_1162 : f32 to vector<16xf32>
        %select_n3A = arith.select %and3A_1161, %broadcast_in_dim3A_1163, %broadcast_in_dim3A_1164 : vector<16xi1>, vector<16xf32>
        %add3A_1165 = arith.addi %sub3A_143, %mul3A_155 : i32
        %add3A_1166 = vector.broadcast %add3A_1165 : i32 to vector<16xi32>
        %add3A_1167 = arith.addi %add3A_1166, %get3A_17 : vector<16xi32>
        %not3A = arith.constant dense<true> : vector<16xi1>
        %not3A_1168 = arith.xori %broadcast_in_dim3A_1160, %not3A : vector<16xi1>
        %lt3A_1169 = arith.constant 10000 : i32
        %lt3A_1170 = vector.broadcast %lt3A_1169 : i32 to vector<16xi32>
        %lt3A_1171 = arith.cmpi slt, %add3A_1167, %lt3A_1170 : vector<16xi32>
        %and3A_1172 = arith.andi %not3A_1168, %lt3A_1171 : vector<16xi1>
        %jit3A_1173 = arith.constant 1.000000e+00 : f32
        %jit3A_1174 = arith.constant 0.000000e+00 : f32
        %broadcast_in_dim3A_1175 = vector.broadcast %jit3A_1173 : f32 to vector<16xf32>
        %broadcast_in_dim3A_1176 = vector.broadcast %jit3A_1174 : f32 to vector<16xf32>
        %select_n3A_1177 = arith.select %and3A_1172, %broadcast_in_dim3A_1175, %broadcast_in_dim3A_1176 : vector<16xi1>, vector<16xf32>
        %get3A_1178 = arith.constant 0 : index
        %get3A_1179 = tpu.vector_load %arg21[%get3A_1178] {strides = array<i32>} : memref<16xf32, #tpu.memory_space<vmem>>, vector<16xf32>,
        %min3A = arith.constant 1.000000e+01 : f32
        %min3A_1180 = vector.broadcast %min3A : f32 to vector<16xf32>
        %min3A_1181 = arith.minimumf %sub3A_1156, %min3A_1180 : vector<16xf32>
        %mul3A_1182 = arith.mulf %min3A_1181, %select_n3A : vector<16xf32>
        %add3A_1183 = arith.addf %get3A_1179, %mul3A_1182 : vector<16xf32>
        %swap3A_1184 = arith.constant 0 : index
        %swap3A_1185 = tpu.vector_load %arg21[%swap3A_1184] {strides = array<i32>} : memref<16xf32, #tpu.memory_space<vmem>>, vector<16xf32>,
        tpu.vector_store %arg21[%swap3A_1184], %add3A_1183 {strides = array<i32>} : memref<16xf32, #tpu.memory_space<vmem>>, vector<16xf32>,
        %get3A_1186 = arith.constant 0 : index
        %get3A_1187 = tpu.vector_load %arg22[%get3A_1186] {strides = array<i32>} : memref<16xf32, #tpu.memory_space<vmem>>, vector<16xf32>,
        %add3A_1188 = arith.addf %get3A_1187, %select_n3A : vector<16xf32>
        %swap3A_1189 = arith.constant 0 : index
        %swap3A_1190 = tpu.vector_load %arg22[%swap3A_1189] {strides = array<i32>} : memref<16xf32, #tpu.memory_space<vmem>>, vector<16xf32>,
        tpu.vector_store %arg22[%swap3A_1189], %add3A_1188 {strides = array<i32>} : memref<16xf32, #tpu.memory_space<vmem>>, vector<16xf32>,
        %get3A_1191 = arith.constant 0 : index
        %get3A_1192 = tpu.vector_load %arg23[%get3A_1191] {strides = array<i32>} : memref<16xf32, #tpu.memory_space<vmem>>, vector<16xf32>,
        %sub3A_1193 = arith.constant 1.000000e+00 : f32
        %sub3A_1194 = vector.broadcast %sub3A_1193 : f32 to vector<16xf32>
        %sub3A_1195 = arith.subf %sub3A_1194, %sub3A_1156 : vector<16xf32>
        %max3A_1196 = arith.constant 0.000000e+00 : f32
        %max3A_1197 = vector.broadcast %max3A_1196 : f32 to vector<16xf32>
        %max3A_1198 = arith.maximumf %sub3A_1195, %max3A_1197 : vector<16xf32>
        %mul3A_1199 = arith.mulf %max3A_1198, %select_n3A_1177 : vector<16xf32>
        %add3A_1200 = arith.addf %get3A_1192, %mul3A_1199 : vector<16xf32>
        %swap3A_1201 = arith.constant 0 : index
        %swap3A_1202 = tpu.vector_load %arg23[%swap3A_1201] {strides = array<i32>} : memref<16xf32, #tpu.memory_space<vmem>>, vector<16xf32>,
        tpu.vector_store %arg23[%swap3A_1201], %add3A_1200 {strides = array<i32>} : memref<16xf32, #tpu.memory_space<vmem>>, vector<16xf32>,
        %scan3A_1203 = arith.constant 0 : i32
        scf.yield %scan3A_1203 : i32
      }
      %scan3A_150 = arith.constant 5 : i32
      %scan3A_151 = arith.constant 0 : i32
      scf.yield %scan3A_151 : i32
    }
    %scan3A_38 = arith.constant 64 : i32
    %dma_wait3A = arith.constant 0 : i32
    %dma_wait3A_39 = arith.constant 0 : i32
    %dma_wait3A_40 = tpu.memref_slice %arg2[%dma_wait3A, %dma_wait3A_39] : memref<10000x64xi32, #tpu.memory_space<hbm>> -> memref<80x64xi32, #tpu.memory_space<hbm>>
    %dma_wait3A_41 = arith.constant 0 : i32
    %dma_wait3A_42 = arith.constant 0 : i32
    %dma_wait3A_43 = tpu.memref_slice %arg2[%dma_wait3A_41, %dma_wait3A_42] : memref<10000x64xi32, #tpu.memory_space<hbm>> -> memref<80x64xi32, #tpu.memory_space<hbm>>
    tpu.wait_dma2 semaphore(%arg24 : memref<!tpu.dma_semaphore, #tpu.memory_space<semaphore_mem>>) src(%dma_wait3A_43 : memref<80x64xi32, #tpu.memory_space<hbm>>) dst(%arg15 : memref<80x64xi32, #tpu.memory_space<vmem>>)
    %dma_wait3A_44 = arith.constant 0 : i32
    %dma_wait3A_45 = arith.constant 0 : i32
    %dma_wait3A_46 = tpu.memref_slice %arg2[%dma_wait3A_44, %dma_wait3A_45] : memref<10000x64xi32, #tpu.memory_space<hbm>> -> memref<80x64xi32, #tpu.memory_space<hbm>>
    %dma_wait3A_47 = arith.constant 0 : i32
    %dma_wait3A_48 = arith.constant 0 : i32
    %dma_wait3A_49 = tpu.memref_slice %arg2[%dma_wait3A_47, %dma_wait3A_48] : memref<10000x64xi32, #tpu.memory_space<hbm>> -> memref<80x64xi32, #tpu.memory_space<hbm>>
    tpu.wait_dma2 semaphore(%arg24 : memref<!tpu.dma_semaphore, #tpu.memory_space<semaphore_mem>>) src(%dma_wait3A_49 : memref<80x64xi32, #tpu.memory_space<hbm>>) dst(%arg16 : memref<80x64xi32, #tpu.memory_space<vmem>>)
    %mul3A_50 = arith.constant 320 : i32
    %mul3A_51 = arith.muli %add3A, %mul3A_50 : i32
    %add3A_52 = arith.constant 10240 : i32
    %add3A_53 = arith.addi %mul3A_51, %add3A_52 : i32
    %sub3A = arith.constant 10000 : i32
    %sub3A_54 = arith.subi %add3A_53, %sub3A : i32
    %scan3A_55 = arith.constant 0 : i32
    %scan3A_56 = arith.constant 0 : i32
    %scan3A_57 = arith.constant 5 : i32
    %scan3A_58 = arith.addi %scan3A_56, %scan3A_57 : i32
    %scan3A_59 = arith.constant 1 : i32
    %scan3A_60 = scf.for %scan3A_62 = %scan3A_56 to %scan3A_58 step %scan3A_59 iter_args(%scan3A_63 = %scan3A_55) -> (i32)  : i32 {
      %mul3A_64 = arith.constant 16 : i32
      %mul3A_65 = arith.muli %scan3A_62, %mul3A_64 : i32
      %add3A_66 = arith.constant 10240 : i32
      %add3A_67 = arith.addi %add3A_66, %mul3A_65 : i32
      %get3A_68 = arith.index_cast %add3A_67 : i32 to index
      %get3A_69 = tpu.vector_load %arg11[%get3A_68] {strides = array<i32>} : memref<10320xi32, #tpu.memory_space<vmem>>, vector<16xi32>,
      %add3A_70 = arith.constant 10240 : i32
      %add3A_71 = arith.addi %add3A_70, %mul3A_65 : i32
      %get3A_72 = arith.index_cast %add3A_71 : i32 to index
      %get3A_73 = tpu.vector_load %arg12[%get3A_72] {strides = array<i32>} : memref<10320xi32, #tpu.memory_space<vmem>>, vector<16xi32>,
      %add3A_74 = vector.broadcast %mul3A_65 : i32 to vector<16xi32>
      %add3A_75 = arith.addi %add3A_74, %get3A_17 : vector<16xi32>
      %broadcast_in_dim3A_76 = arith.constant 0.000000e+00 : f32
      %broadcast_in_dim3A_77 = vector.broadcast %broadcast_in_dim3A_76 : f32 to vector<16xf32>
      %broadcast_in_dim3A_78 = arith.constant 0.000000e+00 : f32
      %broadcast_in_dim3A_79 = vector.broadcast %broadcast_in_dim3A_78 : f32 to vector<16xf32>
      %gather3A = tpu.vector_load_idx %arg15[%add3A_75, %get3A_17] : memref<80x64xi32, #tpu.memory_space<vmem>>[vector<16xi32>, vector<16xi32>], vector<16xi32>,
      %gather3A_80 = tpu.vector_load_idx %arg16[%add3A_75, %get3A_17] : memref<80x64xi32, #tpu.memory_space<vmem>>[vector<16xi32>, vector<16xi32>], vector<16xi32>,
      %bitcast3A = vector.bitcast %gather3A : vector<16xi32> to vector<32xbf16>
      %bitcast3A_81 = vector.bitcast %gather3A_80 : vector<16xi32> to vector<32xbf16>
      %mul3A_82 = arith.mulf %bitcast3A, %bitcast3A_81 : vector<32xbf16>
      %unpack3A = tpu.unpack_subelements %mul3A_82, 0 {pack_format = #tpu.pack_format<interleaved>} : vector<32xbf16> -> vector<16xf32>
      %unpack3A_83 = tpu.unpack_subelements %mul3A_82, 1 {pack_format = #tpu.pack_format<interleaved>} : vector<32xbf16> -> vector<16xf32>
      %add3A_84 = arith.addf %broadcast_in_dim3A_77, %unpack3A : vector<16xf32>
      %add3A_85 = arith.addf %broadcast_in_dim3A_79, %unpack3A_83 : vector<16xf32>
      %add3A_86 = arith.constant 1 : i32
      %add3A_87 = vector.broadcast %add3A_86 : i32 to vector<16xi32>
      %add3A_88 = arith.addi %get3A_17, %add3A_87 : vector<16xi32>
      %and3A = arith.constant 63 : i32
      %and3A_89 = vector.broadcast %and3A : i32 to vector<16xi32>
      %and3A_90 = arith.andi %add3A_88, %and3A_89 : vector<16xi32>
      %gather3A_91 = tpu.vector_load_idx %arg15[%add3A_75, %and3A_90] : memref<80x64xi32, #tpu.memory_space<vmem>>[vector<16xi32>, vector<16xi32>], vector<16xi32>,
      %gather3A_92 = tpu.vector_load_idx %arg16[%add3A_75, %and3A_90] : memref<80x64xi32, #tpu.memory_space<vmem>>[vector<16xi32>, vector<16xi32>], vector<16xi32>,
      %bitcast3A_93 = vector.bitcast %gather3A_91 : vector<16xi32> to vector<32xbf16>
      %bitcast3A_94 = vector.bitcast %gather3A_92 : vector<16xi32> to vector<32xbf16>
      %mul3A_95 = arith.mulf %bitcast3A_93, %bitcast3A_94 : vector<32xbf16>
      %unpack3A_96 = tpu.unpack_subelements %mul3A_95, 0 {pack_format = #tpu.pack_format<interleaved>} : vector<32xbf16> -> vector<16xf32>
      %unpack3A_97 = tpu.unpack_subelements %mul3A_95, 1 {pack_format = #tpu.pack_format<interleaved>} : vector<32xbf16> -> vector<16xf32>
      %add3A_98 = arith.addf %add3A_84, %unpack3A_96 : vector<16xf32>
      %add3A_99 = arith.addf %add3A_85, %unpack3A_97 : vector<16xf32>
      %add3A_100 = arith.constant 1 : i32
      %add3A_101 = vector.broadcast %add3A_100 : i32 to vector<16xi32>
      %add3A_102 = arith.addi %and3A_90, %add3A_101 : vector<16xi32>
      %and3A_103 = arith.constant 63 : i32
      %and3A_104 = vector.broadcast %and3A_103 : i32 to vector<16xi32>
      %and3A_105 = arith.andi %add3A_102, %and3A_104 : vector<16xi32>
      %gather3A_106 = tpu.vector_load_idx %arg15[%add3A_75, %and3A_105] : memref<80x64xi32, #tpu.memory_space<vmem>>[vector<16xi32>, vector<16xi32>], vector<16xi32>,
      %gather3A_107 = tpu.vector_load_idx %arg16[%add3A_75, %and3A_105] : memref<80x64xi32, #tpu.memory_space<vmem>>[vector<16xi32>, vector<16xi32>], vector<16xi32>,
      %bitcast3A_108 = vector.bitcast %gather3A_106 : vector<16xi32> to vector<32xbf16>
      %bitcast3A_109 = vector.bitcast %gather3A_107 : vector<16xi32> to vector<32xbf16>
      %mul3A_110 = arith.mulf %bitcast3A_108, %bitcast3A_109 : vector<32xbf16>
      %unpack3A_111 = tpu.unpack_subelements %mul3A_110, 0 {pack_format = #tpu.pack_format<interleaved>} : vector<32xbf16> -> vector<16xf32>
      %unpack3A_112 = tpu.unpack_subelements %mul3A_110, 1 {pack_format = #tpu.pack_format<interleaved>} : vector<32xbf16> -> vector<16xf32>
      %add3A_113 = arith.addf %add3A_98, %unpack3A_111 : vector<16xf32>
      %add3A_114 = arith.addf %add3A_99, %unpack3A_112 : vector<16xf32>
      %add3A_115 = arith.constant 1 : i32
      %add3A_116 = vector.broadcast %add3A_115 : i32 to vector<16xi32>
      %add3A_117 = arith.addi %and3A_105, %add3A_116 : vector<16xi32>
      %and3A_118 = arith.constant 63 : i32
      %and3A_119 = vector.broadcast %and3A_118 : i32 to vector<16xi32>
      %and3A_120 = arith.andi %add3A_117, %and3A_119 : vector<16xi32>
      %gather3A_121 = tpu.vector_load_idx %arg15[%add3A_75, %and3A_120] : memref<80x64xi32, #tpu.memory_space<vmem>>[vector<16xi32>, vector<16xi32>], vector<16xi32>,
      %gather3A_122 = tpu.vector_load_idx %arg16[%add3A_75, %and3A_120] : memref<80x64xi32, #tpu.memory_space<vmem>>[vector<16xi32>, vector<16xi32>], vector<16xi32>,
      %bitcast3A_123 = vector.bitcast %gather3A_121 : vector<16xi32> to vector<32xbf16>
      %bitcast3A_124 = vector.bitcast %gather3A_122 : vector<16xi32> to vector<32xbf16>
      %mul3A_125 = arith.mulf %bitcast3A_123, %bitcast3A_124 : vector<32xbf16>
      %unpack3A_126 = tpu.unpack_subelements %mul3A_125, 0 {pack_format = #tpu.pack_format<interleaved>} : vector<32xbf16> -> vector<16xf32>
      %unpack3A_127 = tpu.unpack_subelements %mul3A_125, 1 {pack_format = #tpu.pack_format<interleaved>} : vector<32xbf16> -> vector<16xf32>
      %add3A_128 = arith.addf %add3A_113, %unpack3A_126 : vector<16xf32>
      %add3A_129 = arith.addf %add3A_114, %unpack3A_127 : vector<16xf32>
      %add3A_130 = arith.constant 1 : i32
      %add3A_131 = vector.broadcast %add3A_130 : i32 to vector<16xi32>
      %add3A_132 = arith.addi %and3A_120, %add3A_131 : vector<16xi32>
      %and3A_133 = arith.constant 63 : i32
      %and3A_134 = vector.broadcast %and3A_133 : i32 to vector<16xi32>
      %and3A_135 = arith.andi %add3A_132, %and3A_134 : vector<16xi32>
      %gather3A_136 = tpu.vector_load_idx %arg15[%add3A_75, %and3A_135] : memref<80x64xi32, #tpu.memory_space<vmem>>[vector<16xi32>, vector<16xi32>], vector<16xi32>,
      %gather3A_137 = tpu.vector_load_idx %arg16[%add3A_75, %and3A_135] : memref<80x64xi32, #tpu.memory_space<vmem>>[vector<16xi32>, vector<16xi32>], vector<16xi32>,
      %bitcast3A_138 = vector.bitcast %gather3A_136 : vector<16xi32> to vector<32xbf16>
      %bitcast3A_139 = vector.bitcast %gather3A_137 : vector<16xi32> to vector<32xbf16>
      %mul3A_140 = arith.mulf %bitcast3A_138, %bitcast3A_139 : vector<32xbf16>
      %unpack3A_141 = tpu.unpack_subelements %mul3A_140, 0 {pack_format = #tpu.pack_format<interleaved>} : vector<32xbf16> -> vector<16xf32>
      %unpack3A_142 = tpu.unpack_subelements %mul3A_140, 1 {pack_format = #tpu.pack_format<interleaved>} : vector<32xbf16> -> vector<16xf32>
      %add3A_143 = arith.addf %add3A_128, %unpack3A_141 : vector<16xf32>
      %add3A_144 = arith.addf %add3A_129, %unpack3A_142 : vector<16xf32>
      %add3A_145 = arith.constant 1 : i32
      %add3A_146 = vector.broadcast %add3A_145 : i32 to vector<16xi32>
      %add3A_147 = arith.addi %and3A_135, %add3A_146 : vector<16xi32>
      %and3A_148 = arith.constant 63 : i32
      %and3A_149 = vector.broadcast %and3A_148 : i32 to vector<16xi32>
      %and3A_150 = arith.andi %add3A_147, %and3A_149 : vector<16xi32>
      %gather3A_151 = tpu.vector_load_idx %arg15[%add3A_75, %and3A_150] : memref<80x64xi32, #tpu.memory_space<vmem>>[vector<16xi32>, vector<16xi32>], vector<16xi32>,
      %gather3A_152 = tpu.vector_load_idx %arg16[%add3A_75, %and3A_150] : memref<80x64xi32, #tpu.memory_space<vmem>>[vector<16xi32>, vector<16xi32>], vector<16xi32>,
      %bitcast3A_153 = vector.bitcast %gather3A_151 : vector<16xi32> to vector<32xbf16>
      %bitcast3A_154 = vector.bitcast %gather3A_152 : vector<16xi32> to vector<32xbf16>
      %mul3A_155 = arith.mulf %bitcast3A_153, %bitcast3A_154 : vector<32xbf16>
      %unpack3A_156 = tpu.unpack_subelements %mul3A_155, 0 {pack_format = #tpu.pack_format<interleaved>} : vector<32xbf16> -> vector<16xf32>
      %unpack3A_157 = tpu.unpack_subelements %mul3A_155, 1 {pack_format = #tpu.pack_format<interleaved>} : vector<32xbf16> -> vector<16xf32>
      %add3A_158 = arith.addf %add3A_143, %unpack3A_156 : vector<16xf32>
      %add3A_159 = arith.addf %add3A_144, %unpack3A_157 : vector<16xf32>
      %add3A_160 = arith.constant 1 : i32
      %add3A_161 = vector.broadcast %add3A_160 : i32 to vector<16xi32>
      %add3A_162 = arith.addi %and3A_150, %add3A_161 : vector<16xi32>
      %and3A_163 = arith.constant 63 : i32
      %and3A_164 = vector.broadcast %and3A_163 : i32 to vector<16xi32>
      %and3A_165 = arith.andi %add3A_162, %and3A_164 : vector<16xi32>
      %gather3A_166 = tpu.vector_load_idx %arg15[%add3A_75, %and3A_165] : memref<80x64xi32, #tpu.memory_space<vmem>>[vector<16xi32>, vector<16xi32>], vector<16xi32>,
      %gather3A_167 = tpu.vector_load_idx %arg16[%add3A_75, %and3A_165] : memref<80x64xi32, #tpu.memory_space<vmem>>[vector<16xi32>, vector<16xi32>], vector<16xi32>,
      %bitcast3A_168 = vector.bitcast %gather3A_166 : vector<16xi32> to vector<32xbf16>
      %bitcast3A_169 = vector.bitcast %gather3A_167 : vector<16xi32> to vector<32xbf16>
      %mul3A_170 = arith.mulf %bitcast3A_168, %bitcast3A_169 : vector<32xbf16>
      %unpack3A_171 = tpu.unpack_subelements %mul3A_170, 0 {pack_format = #tpu.pack_format<interleaved>} : vector<32xbf16> -> vector<16xf32>
      %unpack3A_172 = tpu.unpack_subelements %mul3A_170, 1 {pack_format = #tpu.pack_format<interleaved>} : vector<32xbf16> -> vector<16xf32>
      %add3A_173 = arith.addf %add3A_158, %unpack3A_171 : vector<16xf32>
      %add3A_174 = arith.addf %add3A_159, %unpack3A_172 : vector<16xf32>
      %add3A_175 = arith.constant 1 : i32
      %add3A_176 = vector.broadcast %add3A_175 : i32 to vector<16xi32>
      %add3A_177 = arith.addi %and3A_165, %add3A_176 : vector<16xi32>
      %and3A_178 = arith.constant 63 : i32
      %and3A_179 = vector.broadcast %and3A_178 : i32 to vector<16xi32>
      %and3A_180 = arith.andi %add3A_177, %and3A_179 : vector<16xi32>
      %gather3A_181 = tpu.vector_load_idx %arg15[%add3A_75, %and3A_180] : memref<80x64xi32, #tpu.memory_space<vmem>>[vector<16xi32>, vector<16xi32>], vector<16xi32>,
      %gather3A_182 = tpu.vector_load_idx %arg16[%add3A_75, %and3A_180] : memref<80x64xi32, #tpu.memory_space<vmem>>[vector<16xi32>, vector<16xi32>], vector<16xi32>,
      %bitcast3A_183 = vector.bitcast %gather3A_181 : vector<16xi32> to vector<32xbf16>
      %bitcast3A_184 = vector.bitcast %gather3A_182 : vector<16xi32> to vector<32xbf16>
      %mul3A_185 = arith.mulf %bitcast3A_183, %bitcast3A_184 : vector<32xbf16>
      %unpack3A_186 = tpu.unpack_subelements %mul3A_185, 0 {pack_format = #tpu.pack_format<interleaved>} : vector<32xbf16> -> vector<16xf32>
      %unpack3A_187 = tpu.unpack_subelements %mul3A_185, 1 {pack_format = #tpu.pack_format<interleaved>} : vector<32xbf16> -> vector<16xf32>
      %add3A_188 = arith.addf %add3A_173, %unpack3A_186 : vector<16xf32>
      %add3A_189 = arith.addf %add3A_174, %unpack3A_187 : vector<16xf32>
      %add3A_190 = arith.constant 1 : i32
      %add3A_191 = vector.broadcast %add3A_190 : i32 to vector<16xi32>
      %add3A_192 = arith.addi %and3A_180, %add3A_191 : vector<16xi32>
      %and3A_193 = arith.constant 63 : i32
      %and3A_194 = vector.broadcast %and3A_193 : i32 to vector<16xi32>
      %and3A_195 = arith.andi %add3A_192, %and3A_194 : vector<16xi32>
      %gather3A_196 = tpu.vector_load_idx %arg15[%add3A_75, %and3A_195] : memref<80x64xi32, #tpu.memory_space<vmem>>[vector<16xi32>, vector<16xi32>], vector<16xi32>,
      %gather3A_197 = tpu.vector_load_idx %arg16[%add3A_75, %and3A_195] : memref<80x64xi32, #tpu.memory_space<vmem>>[vector<16xi32>, vector<16xi32>], vector<16xi32>,
      %bitcast3A_198 = vector.bitcast %gather3A_196 : vector<16xi32> to vector<32xbf16>
      %bitcast3A_199 = vector.bitcast %gather3A_197 : vector<16xi32> to vector<32xbf16>
      %mul3A_200 = arith.mulf %bitcast3A_198, %bitcast3A_199 : vector<32xbf16>
      %unpack3A_201 = tpu.unpack_subelements %mul3A_200, 0 {pack_format = #tpu.pack_format<interleaved>} : vector<32xbf16> -> vector<16xf32>
      %unpack3A_202 = tpu.unpack_subelements %mul3A_200, 1 {pack_format = #tpu.pack_format<interleaved>} : vector<32xbf16> -> vector<16xf32>
      %add3A_203 = arith.addf %add3A_188, %unpack3A_201 : vector<16xf32>
      %add3A_204 = arith.addf %add3A_189, %unpack3A_202 : vector<16xf32>
      %add3A_205 = arith.constant 1 : i32
      %add3A_206 = vector.broadcast %add3A_205 : i32 to vector<16xi32>
      %add3A_207 = arith.addi %and3A_195, %add3A_206 : vector<16xi32>
      %and3A_208 = arith.constant 63 : i32
      %and3A_209 = vector.broadcast %and3A_208 : i32 to vector<16xi32>
      %and3A_210 = arith.andi %add3A_207, %and3A_209 : vector<16xi32>
      %gather3A_211 = tpu.vector_load_idx %arg15[%add3A_75, %and3A_210] : memref<80x64xi32, #tpu.memory_space<vmem>>[vector<16xi32>, vector<16xi32>], vector<16xi32>,
      %gather3A_212 = tpu.vector_load_idx %arg16[%add3A_75, %and3A_210] : memref<80x64xi32, #tpu.memory_space<vmem>>[vector<16xi32>, vector<16xi32>], vector<16xi32>,
      %bitcast3A_213 = vector.bitcast %gather3A_211 : vector<16xi32> to vector<32xbf16>
      %bitcast3A_214 = vector.bitcast %gather3A_212 : vector<16xi32> to vector<32xbf16>
      %mul3A_215 = arith.mulf %bitcast3A_213, %bitcast3A_214 : vector<32xbf16>
      %unpack3A_216 = tpu.unpack_subelements %mul3A_215, 0 {pack_format = #tpu.pack_format<interleaved>} : vector<32xbf16> -> vector<16xf32>
      %unpack3A_217 = tpu.unpack_subelements %mul3A_215, 1 {pack_format = #tpu.pack_format<interleaved>} : vector<32xbf16> -> vector<16xf32>
      %add3A_218 = arith.addf %add3A_203, %unpack3A_216 : vector<16xf32>
      %add3A_219 = arith.addf %add3A_204, %unpack3A_217 : vector<16xf32>
      %add3A_220 = arith.constant 1 : i32
      %add3A_221 = vector.broadcast %add3A_220 : i32 to vector<16xi32>
      %add3A_222 = arith.addi %and3A_210, %add3A_221 : vector<16xi32>
      %and3A_223 = arith.constant 63 : i32
      %and3A_224 = vector.broadcast %and3A_223 : i32 to vector<16xi32>
      %and3A_225 = arith.andi %add3A_222, %and3A_224 : vector<16xi32>
      %gather3A_226 = tpu.vector_load_idx %arg15[%add3A_75, %and3A_225] : memref<80x64xi32, #tpu.memory_space<vmem>>[vector<16xi32>, vector<16xi32>], vector<16xi32>,
      %gather3A_227 = tpu.vector_load_idx %arg16[%add3A_75, %and3A_225] : memref<80x64xi32, #tpu.memory_space<vmem>>[vector<16xi32>, vector<16xi32>], vector<16xi32>,
      %bitcast3A_228 = vector.bitcast %gather3A_226 : vector<16xi32> to vector<32xbf16>
      %bitcast3A_229 = vector.bitcast %gather3A_227 : vector<16xi32> to vector<32xbf16>
      %mul3A_230 = arith.mulf %bitcast3A_228, %bitcast3A_229 : vector<32xbf16>
      %unpack3A_231 = tpu.unpack_subelements %mul3A_230, 0 {pack_format = #tpu.pack_format<interleaved>} : vector<32xbf16> -> vector<16xf32>
      %unpack3A_232 = tpu.unpack_subelements %mul3A_230, 1 {pack_format = #tpu.pack_format<interleaved>} : vector<32xbf16> -> vector<16xf32>
      %add3A_233 = arith.addf %add3A_218, %unpack3A_231 : vector<16xf32>
      %add3A_234 = arith.addf %add3A_219, %unpack3A_232 : vector<16xf32>
      %add3A_235 = arith.constant 1 : i32
      %add3A_236 = vector.broadcast %add3A_235 : i32 to vector<16xi32>
      %add3A_237 = arith.addi %and3A_225, %add3A_236 : vector<16xi32>
      %and3A_238 = arith.constant 63 : i32
      %and3A_239 = vector.broadcast %and3A_238 : i32 to vector<16xi32>
      %and3A_240 = arith.andi %add3A_237, %and3A_239 : vector<16xi32>
      %gather3A_241 = tpu.vector_load_idx %arg15[%add3A_75, %and3A_240] : memref<80x64xi32, #tpu.memory_space<vmem>>[vector<16xi32>, vector<16xi32>], vector<16xi32>,
      %gather3A_242 = tpu.vector_load_idx %arg16[%add3A_75, %and3A_240] : memref<80x64xi32, #tpu.memory_space<vmem>>[vector<16xi32>, vector<16xi32>], vector<16xi32>,
      %bitcast3A_243 = vector.bitcast %gather3A_241 : vector<16xi32> to vector<32xbf16>
      %bitcast3A_244 = vector.bitcast %gather3A_242 : vector<16xi32> to vector<32xbf16>
      %mul3A_245 = arith.mulf %bitcast3A_243, %bitcast3A_244 : vector<32xbf16>
      %unpack3A_246 = tpu.unpack_subelements %mul3A_245, 0 {pack_format = #tpu.pack_format<interleaved>} : vector<32xbf16> -> vector<16xf32>
      %unpack3A_247 = tpu.unpack_subelements %mul3A_245, 1 {pack_format = #tpu.pack_format<interleaved>} : vector<32xbf16> -> vector<16xf32>
      %add3A_248 = arith.addf %add3A_233, %unpack3A_246 : vector<16xf32>
      %add3A_249 = arith.addf %add3A_234, %unpack3A_247 : vector<16xf32>
      %add3A_250 = arith.constant 1 : i32
      %add3A_251 = vector.broadcast %add3A_250 : i32 to vector<16xi32>
      %add3A_252 = arith.addi %and3A_240, %add3A_251 : vector<16xi32>
      %and3A_253 = arith.constant 63 : i32
      %and3A_254 = vector.broadcast %and3A_253 : i32 to vector<16xi32>
      %and3A_255 = arith.andi %add3A_252, %and3A_254 : vector<16xi32>
      %gather3A_256 = tpu.vector_load_idx %arg15[%add3A_75, %and3A_255] : memref<80x64xi32, #tpu.memory_space<vmem>>[vector<16xi32>, vector<16xi32>], vector<16xi32>,
      %gather3A_257 = tpu.vector_load_idx %arg16[%add3A_75, %and3A_255] : memref<80x64xi32, #tpu.memory_space<vmem>>[vector<16xi32>, vector<16xi32>], vector<16xi32>,
      %bitcast3A_258 = vector.bitcast %gather3A_256 : vector<16xi32> to vector<32xbf16>
      %bitcast3A_259 = vector.bitcast %gather3A_257 : vector<16xi32> to vector<32xbf16>
      %mul3A_260 = arith.mulf %bitcast3A_258, %bitcast3A_259 : vector<32xbf16>
      %unpack3A_261 = tpu.unpack_subelements %mul3A_260, 0 {pack_format = #tpu.pack_format<interleaved>} : vector<32xbf16> -> vector<16xf32>
      %unpack3A_262 = tpu.unpack_subelements %mul3A_260, 1 {pack_format = #tpu.pack_format<interleaved>} : vector<32xbf16> -> vector<16xf32>
      %add3A_263 = arith.addf %add3A_248, %unpack3A_261 : vector<16xf32>
      %add3A_264 = arith.addf %add3A_249, %unpack3A_262 : vector<16xf32>
      %add3A_265 = arith.constant 1 : i32
      %add3A_266 = vector.broadcast %add3A_265 : i32 to vector<16xi32>
      %add3A_267 = arith.addi %and3A_255, %add3A_266 : vector<16xi32>
      %and3A_268 = arith.constant 63 : i32
      %and3A_269 = vector.broadcast %and3A_268 : i32 to vector<16xi32>
      %and3A_270 = arith.andi %add3A_267, %and3A_269 : vector<16xi32>
      %gather3A_271 = tpu.vector_load_idx %arg15[%add3A_75, %and3A_270] : memref<80x64xi32, #tpu.memory_space<vmem>>[vector<16xi32>, vector<16xi32>], vector<16xi32>,
      %gather3A_272 = tpu.vector_load_idx %arg16[%add3A_75, %and3A_270] : memref<80x64xi32, #tpu.memory_space<vmem>>[vector<16xi32>, vector<16xi32>], vector<16xi32>,
      %bitcast3A_273 = vector.bitcast %gather3A_271 : vector<16xi32> to vector<32xbf16>
      %bitcast3A_274 = vector.bitcast %gather3A_272 : vector<16xi32> to vector<32xbf16>
      %mul3A_275 = arith.mulf %bitcast3A_273, %bitcast3A_274 : vector<32xbf16>
      %unpack3A_276 = tpu.unpack_subelements %mul3A_275, 0 {pack_format = #tpu.pack_format<interleaved>} : vector<32xbf16> -> vector<16xf32>
      %unpack3A_277 = tpu.unpack_subelements %mul3A_275, 1 {pack_format = #tpu.pack_format<interleaved>} : vector<32xbf16> -> vector<16xf32>
      %add3A_278 = arith.addf %add3A_263, %unpack3A_276 : vector<16xf32>
      %add3A_279 = arith.addf %add3A_264, %unpack3A_277 : vector<16xf32>
      %add3A_280 = arith.constant 1 : i32
      %add3A_281 = vector.broadcast %add3A_280 : i32 to vector<16xi32>
      %add3A_282 = arith.addi %and3A_270, %add3A_281 : vector<16xi32>
      %and3A_283 = arith.constant 63 : i32
      %and3A_284 = vector.broadcast %and3A_283 : i32 to vector<16xi32>
      %and3A_285 = arith.andi %add3A_282, %and3A_284 : vector<16xi32>
      %gather3A_286 = tpu.vector_load_idx %arg15[%add3A_75, %and3A_285] : memref<80x64xi32, #tpu.memory_space<vmem>>[vector<16xi32>, vector<16xi32>], vector<16xi32>,
      %gather3A_287 = tpu.vector_load_idx %arg16[%add3A_75, %and3A_285] : memref<80x64xi32, #tpu.memory_space<vmem>>[vector<16xi32>, vector<16xi32>], vector<16xi32>,
      %bitcast3A_288 = vector.bitcast %gather3A_286 : vector<16xi32> to vector<32xbf16>
      %bitcast3A_289 = vector.bitcast %gather3A_287 : vector<16xi32> to vector<32xbf16>
      %mul3A_290 = arith.mulf %bitcast3A_288, %bitcast3A_289 : vector<32xbf16>
      %unpack3A_291 = tpu.unpack_subelements %mul3A_290, 0 {pack_format = #tpu.pack_format<interleaved>} : vector<32xbf16> -> vector<16xf32>
      %unpack3A_292 = tpu.unpack_subelements %mul3A_290, 1 {pack_format = #tpu.pack_format<interleaved>} : vector<32xbf16> -> vector<16xf32>
      %add3A_293 = arith.addf %add3A_278, %unpack3A_291 : vector<16xf32>
      %add3A_294 = arith.addf %add3A_279, %unpack3A_292 : vector<16xf32>
      %add3A_295 = arith.constant 1 : i32
      %add3A_296 = vector.broadcast %add3A_295 : i32 to vector<16xi32>
      %add3A_297 = arith.addi %and3A_285, %add3A_296 : vector<16xi32>
      %and3A_298 = arith.constant 63 : i32
      %and3A_299 = vector.broadcast %and3A_298 : i32 to vector<16xi32>
      %and3A_300 = arith.andi %add3A_297, %and3A_299 : vector<16xi32>
      %gather3A_301 = tpu.vector_load_idx %arg15[%add3A_75, %and3A_300] : memref<80x64xi32, #tpu.memory_space<vmem>>[vector<16xi32>, vector<16xi32>], vector<16xi32>,
      %gather3A_302 = tpu.vector_load_idx %arg16[%add3A_75, %and3A_300] : memref<80x64xi32, #tpu.memory_space<vmem>>[vector<16xi32>, vector<16xi32>], vector<16xi32>,
      %bitcast3A_303 = vector.bitcast %gather3A_301 : vector<16xi32> to vector<32xbf16>
      %bitcast3A_304 = vector.bitcast %gather3A_302 : vector<16xi32> to vector<32xbf16>
      %mul3A_305 = arith.mulf %bitcast3A_303, %bitcast3A_304 : vector<32xbf16>
      %unpack3A_306 = tpu.unpack_subelements %mul3A_305, 0 {pack_format = #tpu.pack_format<interleaved>} : vector<32xbf16> -> vector<16xf32>
      %unpack3A_307 = tpu.unpack_subelements %mul3A_305, 1 {pack_format = #tpu.pack_format<interleaved>} : vector<32xbf16> -> vector<16xf32>
      %add3A_308 = arith.addf %add3A_293, %unpack3A_306 : vector<16xf32>
      %add3A_309 = arith.addf %add3A_294, %unpack3A_307 : vector<16xf32>
      %add3A_310 = arith.constant 1 : i32
      %add3A_311 = vector.broadcast %add3A_310 : i32 to vector<16xi32>
      %add3A_312 = arith.addi %and3A_300, %add3A_311 : vector<16xi32>
      %and3A_313 = arith.constant 63 : i32
      %and3A_314 = vector.broadcast %and3A_313 : i32 to vector<16xi32>
      %and3A_315 = arith.andi %add3A_312, %and3A_314 : vector<16xi32>
      %gather3A_316 = tpu.vector_load_idx %arg15[%add3A_75, %and3A_315] : memref<80x64xi32, #tpu.memory_space<vmem>>[vector<16xi32>, vector<16xi32>], vector<16xi32>,
      %gather3A_317 = tpu.vector_load_idx %arg16[%add3A_75, %and3A_315] : memref<80x64xi32, #tpu.memory_space<vmem>>[vector<16xi32>, vector<16xi32>], vector<16xi32>,
      %bitcast3A_318 = vector.bitcast %gather3A_316 : vector<16xi32> to vector<32xbf16>
      %bitcast3A_319 = vector.bitcast %gather3A_317 : vector<16xi32> to vector<32xbf16>
      %mul3A_320 = arith.mulf %bitcast3A_318, %bitcast3A_319 : vector<32xbf16>
      %unpack3A_321 = tpu.unpack_subelements %mul3A_320, 0 {pack_format = #tpu.pack_format<interleaved>} : vector<32xbf16> -> vector<16xf32>
      %unpack3A_322 = tpu.unpack_subelements %mul3A_320, 1 {pack_format = #tpu.pack_format<interleaved>} : vector<32xbf16> -> vector<16xf32>
      %add3A_323 = arith.addf %add3A_308, %unpack3A_321 : vector<16xf32>
      %add3A_324 = arith.addf %add3A_309, %unpack3A_322 : vector<16xf32>
      %add3A_325 = arith.constant 1 : i32
      %add3A_326 = vector.broadcast %add3A_325 : i32 to vector<16xi32>
      %add3A_327 = arith.addi %and3A_315, %add3A_326 : vector<16xi32>
      %and3A_328 = arith.constant 63 : i32
      %and3A_329 = vector.broadcast %and3A_328 : i32 to vector<16xi32>
      %and3A_330 = arith.andi %add3A_327, %and3A_329 : vector<16xi32>
      %gather3A_331 = tpu.vector_load_idx %arg15[%add3A_75, %and3A_330] : memref<80x64xi32, #tpu.memory_space<vmem>>[vector<16xi32>, vector<16xi32>], vector<16xi32>,
      %gather3A_332 = tpu.vector_load_idx %arg16[%add3A_75, %and3A_330] : memref<80x64xi32, #tpu.memory_space<vmem>>[vector<16xi32>, vector<16xi32>], vector<16xi32>,
      %bitcast3A_333 = vector.bitcast %gather3A_331 : vector<16xi32> to vector<32xbf16>
      %bitcast3A_334 = vector.bitcast %gather3A_332 : vector<16xi32> to vector<32xbf16>
      %mul3A_335 = arith.mulf %bitcast3A_333, %bitcast3A_334 : vector<32xbf16>
      %unpack3A_336 = tpu.unpack_subelements %mul3A_335, 0 {pack_format = #tpu.pack_format<interleaved>} : vector<32xbf16> -> vector<16xf32>
      %unpack3A_337 = tpu.unpack_subelements %mul3A_335, 1 {pack_format = #tpu.pack_format<interleaved>} : vector<32xbf16> -> vector<16xf32>
      %add3A_338 = arith.addf %add3A_323, %unpack3A_336 : vector<16xf32>
      %add3A_339 = arith.addf %add3A_324, %unpack3A_337 : vector<16xf32>
      %add3A_340 = arith.constant 1 : i32
      %add3A_341 = vector.broadcast %add3A_340 : i32 to vector<16xi32>
      %add3A_342 = arith.addi %and3A_330, %add3A_341 : vector<16xi32>
      %and3A_343 = arith.constant 63 : i32
      %and3A_344 = vector.broadcast %and3A_343 : i32 to vector<16xi32>
      %and3A_345 = arith.andi %add3A_342, %and3A_344 : vector<16xi32>
      %gather3A_346 = tpu.vector_load_idx %arg15[%add3A_75, %and3A_345] : memref<80x64xi32, #tpu.memory_space<vmem>>[vector<16xi32>, vector<16xi32>], vector<16xi32>,
      %gather3A_347 = tpu.vector_load_idx %arg16[%add3A_75, %and3A_345] : memref<80x64xi32, #tpu.memory_space<vmem>>[vector<16xi32>, vector<16xi32>], vector<16xi32>,
      %bitcast3A_348 = vector.bitcast %gather3A_346 : vector<16xi32> to vector<32xbf16>
      %bitcast3A_349 = vector.bitcast %gather3A_347 : vector<16xi32> to vector<32xbf16>
      %mul3A_350 = arith.mulf %bitcast3A_348, %bitcast3A_349 : vector<32xbf16>
      %unpack3A_351 = tpu.unpack_subelements %mul3A_350, 0 {pack_format = #tpu.pack_format<interleaved>} : vector<32xbf16> -> vector<16xf32>
      %unpack3A_352 = tpu.unpack_subelements %mul3A_350, 1 {pack_format = #tpu.pack_format<interleaved>} : vector<32xbf16> -> vector<16xf32>
      %add3A_353 = arith.addf %add3A_338, %unpack3A_351 : vector<16xf32>
      %add3A_354 = arith.addf %add3A_339, %unpack3A_352 : vector<16xf32>
      %add3A_355 = arith.constant 1 : i32
      %add3A_356 = vector.broadcast %add3A_355 : i32 to vector<16xi32>
      %add3A_357 = arith.addi %and3A_345, %add3A_356 : vector<16xi32>
      %and3A_358 = arith.constant 63 : i32
      %and3A_359 = vector.broadcast %and3A_358 : i32 to vector<16xi32>
      %and3A_360 = arith.andi %add3A_357, %and3A_359 : vector<16xi32>
      %gather3A_361 = tpu.vector_load_idx %arg15[%add3A_75, %and3A_360] : memref<80x64xi32, #tpu.memory_space<vmem>>[vector<16xi32>, vector<16xi32>], vector<16xi32>,
      %gather3A_362 = tpu.vector_load_idx %arg16[%add3A_75, %and3A_360] : memref<80x64xi32, #tpu.memory_space<vmem>>[vector<16xi32>, vector<16xi32>], vector<16xi32>,
      %bitcast3A_363 = vector.bitcast %gather3A_361 : vector<16xi32> to vector<32xbf16>
      %bitcast3A_364 = vector.bitcast %gather3A_362 : vector<16xi32> to vector<32xbf16>
      %mul3A_365 = arith.mulf %bitcast3A_363, %bitcast3A_364 : vector<32xbf16>
      %unpack3A_366 = tpu.unpack_subelements %mul3A_365, 0 {pack_format = #tpu.pack_format<interleaved>} : vector<32xbf16> -> vector<16xf32>
      %unpack3A_367 = tpu.unpack_subelements %mul3A_365, 1 {pack_format = #tpu.pack_format<interleaved>} : vector<32xbf16> -> vector<16xf32>
      %add3A_368 = arith.addf %add3A_353, %unpack3A_366 : vector<16xf32>
      %add3A_369 = arith.addf %add3A_354, %unpack3A_367 : vector<16xf32>
      %add3A_370 = arith.constant 1 : i32
      %add3A_371 = vector.broadcast %add3A_370 : i32 to vector<16xi32>
      %add3A_372 = arith.addi %and3A_360, %add3A_371 : vector<16xi32>
      %and3A_373 = arith.constant 63 : i32
      %and3A_374 = vector.broadcast %and3A_373 : i32 to vector<16xi32>
      %and3A_375 = arith.andi %add3A_372, %and3A_374 : vector<16xi32>
      %gather3A_376 = tpu.vector_load_idx %arg15[%add3A_75, %and3A_375] : memref<80x64xi32, #tpu.memory_space<vmem>>[vector<16xi32>, vector<16xi32>], vector<16xi32>,
      %gather3A_377 = tpu.vector_load_idx %arg16[%add3A_75, %and3A_375] : memref<80x64xi32, #tpu.memory_space<vmem>>[vector<16xi32>, vector<16xi32>], vector<16xi32>,
      %bitcast3A_378 = vector.bitcast %gather3A_376 : vector<16xi32> to vector<32xbf16>
      %bitcast3A_379 = vector.bitcast %gather3A_377 : vector<16xi32> to vector<32xbf16>
      %mul3A_380 = arith.mulf %bitcast3A_378, %bitcast3A_379 : vector<32xbf16>
      %unpack3A_381 = tpu.unpack_subelements %mul3A_380, 0 {pack_format = #tpu.pack_format<interleaved>} : vector<32xbf16> -> vector<16xf32>
      %unpack3A_382 = tpu.unpack_subelements %mul3A_380, 1 {pack_format = #tpu.pack_format<interleaved>} : vector<32xbf16> -> vector<16xf32>
      %add3A_383 = arith.addf %add3A_368, %unpack3A_381 : vector<16xf32>
      %add3A_384 = arith.addf %add3A_369, %unpack3A_382 : vector<16xf32>
      %add3A_385 = arith.constant 1 : i32
      %add3A_386 = vector.broadcast %add3A_385 : i32 to vector<16xi32>
      %add3A_387 = arith.addi %and3A_375, %add3A_386 : vector<16xi32>
      %and3A_388 = arith.constant 63 : i32
      %and3A_389 = vector.broadcast %and3A_388 : i32 to vector<16xi32>
      %and3A_390 = arith.andi %add3A_387, %and3A_389 : vector<16xi32>
      %gather3A_391 = tpu.vector_load_idx %arg15[%add3A_75, %and3A_390] : memref<80x64xi32, #tpu.memory_space<vmem>>[vector<16xi32>, vector<16xi32>], vector<16xi32>,
      %gather3A_392 = tpu.vector_load_idx %arg16[%add3A_75, %and3A_390] : memref<80x64xi32, #tpu.memory_space<vmem>>[vector<16xi32>, vector<16xi32>], vector<16xi32>,
      %bitcast3A_393 = vector.bitcast %gather3A_391 : vector<16xi32> to vector<32xbf16>
      %bitcast3A_394 = vector.bitcast %gather3A_392 : vector<16xi32> to vector<32xbf16>
      %mul3A_395 = arith.mulf %bitcast3A_393, %bitcast3A_394 : vector<32xbf16>
      %unpack3A_396 = tpu.unpack_subelements %mul3A_395, 0 {pack_format = #tpu.pack_format<interleaved>} : vector<32xbf16> -> vector<16xf32>
      %unpack3A_397 = tpu.unpack_subelements %mul3A_395, 1 {pack_format = #tpu.pack_format<interleaved>} : vector<32xbf16> -> vector<16xf32>
      %add3A_398 = arith.addf %add3A_383, %unpack3A_396 : vector<16xf32>
      %add3A_399 = arith.addf %add3A_384, %unpack3A_397 : vector<16xf32>
      %add3A_400 = arith.constant 1 : i32
      %add3A_401 = vector.broadcast %add3A_400 : i32 to vector<16xi32>
      %add3A_402 = arith.addi %and3A_390, %add3A_401 : vector<16xi32>
      %and3A_403 = arith.constant 63 : i32
      %and3A_404 = vector.broadcast %and3A_403 : i32 to vector<16xi32>
      %and3A_405 = arith.andi %add3A_402, %and3A_404 : vector<16xi32>
      %gather3A_406 = tpu.vector_load_idx %arg15[%add3A_75, %and3A_405] : memref<80x64xi32, #tpu.memory_space<vmem>>[vector<16xi32>, vector<16xi32>], vector<16xi32>,
      %gather3A_407 = tpu.vector_load_idx %arg16[%add3A_75, %and3A_405] : memref<80x64xi32, #tpu.memory_space<vmem>>[vector<16xi32>, vector<16xi32>], vector<16xi32>,
      %bitcast3A_408 = vector.bitcast %gather3A_406 : vector<16xi32> to vector<32xbf16>
      %bitcast3A_409 = vector.bitcast %gather3A_407 : vector<16xi32> to vector<32xbf16>
      %mul3A_410 = arith.mulf %bitcast3A_408, %bitcast3A_409 : vector<32xbf16>
      %unpack3A_411 = tpu.unpack_subelements %mul3A_410, 0 {pack_format = #tpu.pack_format<interleaved>} : vector<32xbf16> -> vector<16xf32>
      %unpack3A_412 = tpu.unpack_subelements %mul3A_410, 1 {pack_format = #tpu.pack_format<interleaved>} : vector<32xbf16> -> vector<16xf32>
      %add3A_413 = arith.addf %add3A_398, %unpack3A_411 : vector<16xf32>
      %add3A_414 = arith.addf %add3A_399, %unpack3A_412 : vector<16xf32>
      %add3A_415 = arith.constant 1 : i32
      %add3A_416 = vector.broadcast %add3A_415 : i32 to vector<16xi32>
      %add3A_417 = arith.addi %and3A_405, %add3A_416 : vector<16xi32>
      %and3A_418 = arith.constant 63 : i32
      %and3A_419 = vector.broadcast %and3A_418 : i32 to vector<16xi32>
      %and3A_420 = arith.andi %add3A_417, %and3A_419 : vector<16xi32>
      %gather3A_421 = tpu.vector_load_idx %arg15[%add3A_75, %and3A_420] : memref<80x64xi32, #tpu.memory_space<vmem>>[vector<16xi32>, vector<16xi32>], vector<16xi32>,
      %gather3A_422 = tpu.vector_load_idx %arg16[%add3A_75, %and3A_420] : memref<80x64xi32, #tpu.memory_space<vmem>>[vector<16xi32>, vector<16xi32>], vector<16xi32>,
      %bitcast3A_423 = vector.bitcast %gather3A_421 : vector<16xi32> to vector<32xbf16>
      %bitcast3A_424 = vector.bitcast %gather3A_422 : vector<16xi32> to vector<32xbf16>
      %mul3A_425 = arith.mulf %bitcast3A_423, %bitcast3A_424 : vector<32xbf16>
      %unpack3A_426 = tpu.unpack_subelements %mul3A_425, 0 {pack_format = #tpu.pack_format<interleaved>} : vector<32xbf16> -> vector<16xf32>
      %unpack3A_427 = tpu.unpack_subelements %mul3A_425, 1 {pack_format = #tpu.pack_format<interleaved>} : vector<32xbf16> -> vector<16xf32>
      %add3A_428 = arith.addf %add3A_413, %unpack3A_426 : vector<16xf32>
      %add3A_429 = arith.addf %add3A_414, %unpack3A_427 : vector<16xf32>
      %add3A_430 = arith.constant 1 : i32
      %add3A_431 = vector.broadcast %add3A_430 : i32 to vector<16xi32>
      %add3A_432 = arith.addi %and3A_420, %add3A_431 : vector<16xi32>
      %and3A_433 = arith.constant 63 : i32
      %and3A_434 = vector.broadcast %and3A_433 : i32 to vector<16xi32>
      %and3A_435 = arith.andi %add3A_432, %and3A_434 : vector<16xi32>
      %gather3A_436 = tpu.vector_load_idx %arg15[%add3A_75, %and3A_435] : memref<80x64xi32, #tpu.memory_space<vmem>>[vector<16xi32>, vector<16xi32>], vector<16xi32>,
      %gather3A_437 = tpu.vector_load_idx %arg16[%add3A_75, %and3A_435] : memref<80x64xi32, #tpu.memory_space<vmem>>[vector<16xi32>, vector<16xi32>], vector<16xi32>,
      %bitcast3A_438 = vector.bitcast %gather3A_436 : vector<16xi32> to vector<32xbf16>
      %bitcast3A_439 = vector.bitcast %gather3A_437 : vector<16xi32> to vector<32xbf16>
      %mul3A_440 = arith.mulf %bitcast3A_438, %bitcast3A_439 : vector<32xbf16>
      %unpack3A_441 = tpu.unpack_subelements %mul3A_440, 0 {pack_format = #tpu.pack_format<interleaved>} : vector<32xbf16> -> vector<16xf32>
      %unpack3A_442 = tpu.unpack_subelements %mul3A_440, 1 {pack_format = #tpu.pack_format<interleaved>} : vector<32xbf16> -> vector<16xf32>
      %add3A_443 = arith.addf %add3A_428, %unpack3A_441 : vector<16xf32>
      %add3A_444 = arith.addf %add3A_429, %unpack3A_442 : vector<16xf32>
      %add3A_445 = arith.constant 1 : i32
      %add3A_446 = vector.broadcast %add3A_445 : i32 to vector<16xi32>
      %add3A_447 = arith.addi %and3A_435, %add3A_446 : vector<16xi32>
      %and3A_448 = arith.constant 63 : i32
      %and3A_449 = vector.broadcast %and3A_448 : i32 to vector<16xi32>
      %and3A_450 = arith.andi %add3A_447, %and3A_449 : vector<16xi32>
      %gather3A_451 = tpu.vector_load_idx %arg15[%add3A_75, %and3A_450] : memref<80x64xi32, #tpu.memory_space<vmem>>[vector<16xi32>, vector<16xi32>], vector<16xi32>,
      %gather3A_452 = tpu.vector_load_idx %arg16[%add3A_75, %and3A_450] : memref<80x64xi32, #tpu.memory_space<vmem>>[vector<16xi32>, vector<16xi32>], vector<16xi32>,
      %bitcast3A_453 = vector.bitcast %gather3A_451 : vector<16xi32> to vector<32xbf16>
      %bitcast3A_454 = vector.bitcast %gather3A_452 : vector<16xi32> to vector<32xbf16>
      %mul3A_455 = arith.mulf %bitcast3A_453, %bitcast3A_454 : vector<32xbf16>
      %unpack3A_456 = tpu.unpack_subelements %mul3A_455, 0 {pack_format = #tpu.pack_format<interleaved>} : vector<32xbf16> -> vector<16xf32>
      %unpack3A_457 = tpu.unpack_subelements %mul3A_455, 1 {pack_format = #tpu.pack_format<interleaved>} : vector<32xbf16> -> vector<16xf32>
      %add3A_458 = arith.addf %add3A_443, %unpack3A_456 : vector<16xf32>
      %add3A_459 = arith.addf %add3A_444, %unpack3A_457 : vector<16xf32>
      %add3A_460 = arith.constant 1 : i32
      %add3A_461 = vector.broadcast %add3A_460 : i32 to vector<16xi32>
      %add3A_462 = arith.addi %and3A_450, %add3A_461 : vector<16xi32>
      %and3A_463 = arith.constant 63 : i32
      %and3A_464 = vector.broadcast %and3A_463 : i32 to vector<16xi32>
      %and3A_465 = arith.andi %add3A_462, %and3A_464 : vector<16xi32>
      %gather3A_466 = tpu.vector_load_idx %arg15[%add3A_75, %and3A_465] : memref<80x64xi32, #tpu.memory_space<vmem>>[vector<16xi32>, vector<16xi32>], vector<16xi32>,
      %gather3A_467 = tpu.vector_load_idx %arg16[%add3A_75, %and3A_465] : memref<80x64xi32, #tpu.memory_space<vmem>>[vector<16xi32>, vector<16xi32>], vector<16xi32>,
      %bitcast3A_468 = vector.bitcast %gather3A_466 : vector<16xi32> to vector<32xbf16>
      %bitcast3A_469 = vector.bitcast %gather3A_467 : vector<16xi32> to vector<32xbf16>
      %mul3A_470 = arith.mulf %bitcast3A_468, %bitcast3A_469 : vector<32xbf16>
      %unpack3A_471 = tpu.unpack_subelements %mul3A_470, 0 {pack_format = #tpu.pack_format<interleaved>} : vector<32xbf16> -> vector<16xf32>
      %unpack3A_472 = tpu.unpack_subelements %mul3A_470, 1 {pack_format = #tpu.pack_format<interleaved>} : vector<32xbf16> -> vector<16xf32>
      %add3A_473 = arith.addf %add3A_458, %unpack3A_471 : vector<16xf32>
      %add3A_474 = arith.addf %add3A_459, %unpack3A_472 : vector<16xf32>
      %add3A_475 = arith.constant 1 : i32
      %add3A_476 = vector.broadcast %add3A_475 : i32 to vector<16xi32>
      %add3A_477 = arith.addi %and3A_465, %add3A_476 : vector<16xi32>
      %and3A_478 = arith.constant 63 : i32
      %and3A_479 = vector.broadcast %and3A_478 : i32 to vector<16xi32>
      %and3A_480 = arith.andi %add3A_477, %and3A_479 : vector<16xi32>
      %gather3A_481 = tpu.vector_load_idx %arg15[%add3A_75, %and3A_480] : memref<80x64xi32, #tpu.memory_space<vmem>>[vector<16xi32>, vector<16xi32>], vector<16xi32>,
      %gather3A_482 = tpu.vector_load_idx %arg16[%add3A_75, %and3A_480] : memref<80x64xi32, #tpu.memory_space<vmem>>[vector<16xi32>, vector<16xi32>], vector<16xi32>,
      %bitcast3A_483 = vector.bitcast %gather3A_481 : vector<16xi32> to vector<32xbf16>
      %bitcast3A_484 = vector.bitcast %gather3A_482 : vector<16xi32> to vector<32xbf16>
      %mul3A_485 = arith.mulf %bitcast3A_483, %bitcast3A_484 : vector<32xbf16>
      %unpack3A_486 = tpu.unpack_subelements %mul3A_485, 0 {pack_format = #tpu.pack_format<interleaved>} : vector<32xbf16> -> vector<16xf32>
      %unpack3A_487 = tpu.unpack_subelements %mul3A_485, 1 {pack_format = #tpu.pack_format<interleaved>} : vector<32xbf16> -> vector<16xf32>
      %add3A_488 = arith.addf %add3A_473, %unpack3A_486 : vector<16xf32>
      %add3A_489 = arith.addf %add3A_474, %unpack3A_487 : vector<16xf32>
      %add3A_490 = arith.constant 1 : i32
      %add3A_491 = vector.broadcast %add3A_490 : i32 to vector<16xi32>
      %add3A_492 = arith.addi %and3A_480, %add3A_491 : vector<16xi32>
      %and3A_493 = arith.constant 63 : i32
      %and3A_494 = vector.broadcast %and3A_493 : i32 to vector<16xi32>
      %and3A_495 = arith.andi %add3A_492, %and3A_494 : vector<16xi32>
      %gather3A_496 = tpu.vector_load_idx %arg15[%add3A_75, %and3A_495] : memref<80x64xi32, #tpu.memory_space<vmem>>[vector<16xi32>, vector<16xi32>], vector<16xi32>,
      %gather3A_497 = tpu.vector_load_idx %arg16[%add3A_75, %and3A_495] : memref<80x64xi32, #tpu.memory_space<vmem>>[vector<16xi32>, vector<16xi32>], vector<16xi32>,
      %bitcast3A_498 = vector.bitcast %gather3A_496 : vector<16xi32> to vector<32xbf16>
      %bitcast3A_499 = vector.bitcast %gather3A_497 : vector<16xi32> to vector<32xbf16>
      %mul3A_500 = arith.mulf %bitcast3A_498, %bitcast3A_499 : vector<32xbf16>
      %unpack3A_501 = tpu.unpack_subelements %mul3A_500, 0 {pack_format = #tpu.pack_format<interleaved>} : vector<32xbf16> -> vector<16xf32>
      %unpack3A_502 = tpu.unpack_subelements %mul3A_500, 1 {pack_format = #tpu.pack_format<interleaved>} : vector<32xbf16> -> vector<16xf32>
      %add3A_503 = arith.addf %add3A_488, %unpack3A_501 : vector<16xf32>
      %add3A_504 = arith.addf %add3A_489, %unpack3A_502 : vector<16xf32>
      %add3A_505 = arith.constant 1 : i32
      %add3A_506 = vector.broadcast %add3A_505 : i32 to vector<16xi32>
      %add3A_507 = arith.addi %and3A_495, %add3A_506 : vector<16xi32>
      %and3A_508 = arith.constant 63 : i32
      %and3A_509 = vector.broadcast %and3A_508 : i32 to vector<16xi32>
      %and3A_510 = arith.andi %add3A_507, %and3A_509 : vector<16xi32>
      %gather3A_511 = tpu.vector_load_idx %arg15[%add3A_75, %and3A_510] : memref<80x64xi32, #tpu.memory_space<vmem>>[vector<16xi32>, vector<16xi32>], vector<16xi32>,
      %gather3A_512 = tpu.vector_load_idx %arg16[%add3A_75, %and3A_510] : memref<80x64xi32, #tpu.memory_space<vmem>>[vector<16xi32>, vector<16xi32>], vector<16xi32>,
      %bitcast3A_513 = vector.bitcast %gather3A_511 : vector<16xi32> to vector<32xbf16>
      %bitcast3A_514 = vector.bitcast %gather3A_512 : vector<16xi32> to vector<32xbf16>
      %mul3A_515 = arith.mulf %bitcast3A_513, %bitcast3A_514 : vector<32xbf16>
      %unpack3A_516 = tpu.unpack_subelements %mul3A_515, 0 {pack_format = #tpu.pack_format<interleaved>} : vector<32xbf16> -> vector<16xf32>
      %unpack3A_517 = tpu.unpack_subelements %mul3A_515, 1 {pack_format = #tpu.pack_format<interleaved>} : vector<32xbf16> -> vector<16xf32>
      %add3A_518 = arith.addf %add3A_503, %unpack3A_516 : vector<16xf32>
      %add3A_519 = arith.addf %add3A_504, %unpack3A_517 : vector<16xf32>
      %add3A_520 = arith.constant 1 : i32
      %add3A_521 = vector.broadcast %add3A_520 : i32 to vector<16xi32>
      %add3A_522 = arith.addi %and3A_510, %add3A_521 : vector<16xi32>
      %and3A_523 = arith.constant 63 : i32
      %and3A_524 = vector.broadcast %and3A_523 : i32 to vector<16xi32>
      %and3A_525 = arith.andi %add3A_522, %and3A_524 : vector<16xi32>
      %gather3A_526 = tpu.vector_load_idx %arg15[%add3A_75, %and3A_525] : memref<80x64xi32, #tpu.memory_space<vmem>>[vector<16xi32>, vector<16xi32>], vector<16xi32>,
      %gather3A_527 = tpu.vector_load_idx %arg16[%add3A_75, %and3A_525] : memref<80x64xi32, #tpu.memory_space<vmem>>[vector<16xi32>, vector<16xi32>], vector<16xi32>,
      %bitcast3A_528 = vector.bitcast %gather3A_526 : vector<16xi32> to vector<32xbf16>
      %bitcast3A_529 = vector.bitcast %gather3A_527 : vector<16xi32> to vector<32xbf16>
      %mul3A_530 = arith.mulf %bitcast3A_528, %bitcast3A_529 : vector<32xbf16>
      %unpack3A_531 = tpu.unpack_subelements %mul3A_530, 0 {pack_format = #tpu.pack_format<interleaved>} : vector<32xbf16> -> vector<16xf32>
      %unpack3A_532 = tpu.unpack_subelements %mul3A_530, 1 {pack_format = #tpu.pack_format<interleaved>} : vector<32xbf16> -> vector<16xf32>
      %add3A_533 = arith.addf %add3A_518, %unpack3A_531 : vector<16xf32>
      %add3A_534 = arith.addf %add3A_519, %unpack3A_532 : vector<16xf32>
      %add3A_535 = arith.constant 1 : i32
      %add3A_536 = vector.broadcast %add3A_535 : i32 to vector<16xi32>
      %add3A_537 = arith.addi %and3A_525, %add3A_536 : vector<16xi32>
      %and3A_538 = arith.constant 63 : i32
      %and3A_539 = vector.broadcast %and3A_538 : i32 to vector<16xi32>
      %and3A_540 = arith.andi %add3A_537, %and3A_539 : vector<16xi32>
      %gather3A_541 = tpu.vector_load_idx %arg15[%add3A_75, %and3A_540] : memref<80x64xi32, #tpu.memory_space<vmem>>[vector<16xi32>, vector<16xi32>], vector<16xi32>,
      %gather3A_542 = tpu.vector_load_idx %arg16[%add3A_75, %and3A_540] : memref<80x64xi32, #tpu.memory_space<vmem>>[vector<16xi32>, vector<16xi32>], vector<16xi32>,
      %bitcast3A_543 = vector.bitcast %gather3A_541 : vector<16xi32> to vector<32xbf16>
      %bitcast3A_544 = vector.bitcast %gather3A_542 : vector<16xi32> to vector<32xbf16>
      %mul3A_545 = arith.mulf %bitcast3A_543, %bitcast3A_544 : vector<32xbf16>
      %unpack3A_546 = tpu.unpack_subelements %mul3A_545, 0 {pack_format = #tpu.pack_format<interleaved>} : vector<32xbf16> -> vector<16xf32>
      %unpack3A_547 = tpu.unpack_subelements %mul3A_545, 1 {pack_format = #tpu.pack_format<interleaved>} : vector<32xbf16> -> vector<16xf32>
      %add3A_548 = arith.addf %add3A_533, %unpack3A_546 : vector<16xf32>
      %add3A_549 = arith.addf %add3A_534, %unpack3A_547 : vector<16xf32>
      %add3A_550 = arith.constant 1 : i32
      %add3A_551 = vector.broadcast %add3A_550 : i32 to vector<16xi32>
      %add3A_552 = arith.addi %and3A_540, %add3A_551 : vector<16xi32>
      %and3A_553 = arith.constant 63 : i32
      %and3A_554 = vector.broadcast %and3A_553 : i32 to vector<16xi32>
      %and3A_555 = arith.andi %add3A_552, %and3A_554 : vector<16xi32>
      %gather3A_556 = tpu.vector_load_idx %arg15[%add3A_75, %and3A_555] : memref<80x64xi32, #tpu.memory_space<vmem>>[vector<16xi32>, vector<16xi32>], vector<16xi32>,
      %gather3A_557 = tpu.vector_load_idx %arg16[%add3A_75, %and3A_555] : memref<80x64xi32, #tpu.memory_space<vmem>>[vector<16xi32>, vector<16xi32>], vector<16xi32>,
      %bitcast3A_558 = vector.bitcast %gather3A_556 : vector<16xi32> to vector<32xbf16>
      %bitcast3A_559 = vector.bitcast %gather3A_557 : vector<16xi32> to vector<32xbf16>
      %mul3A_560 = arith.mulf %bitcast3A_558, %bitcast3A_559 : vector<32xbf16>
      %unpack3A_561 = tpu.unpack_subelements %mul3A_560, 0 {pack_format = #tpu.pack_format<interleaved>} : vector<32xbf16> -> vector<16xf32>
      %unpack3A_562 = tpu.unpack_subelements %mul3A_560, 1 {pack_format = #tpu.pack_format<interleaved>} : vector<32xbf16> -> vector<16xf32>
      %add3A_563 = arith.addf %add3A_548, %unpack3A_561 : vector<16xf32>
      %add3A_564 = arith.addf %add3A_549, %unpack3A_562 : vector<16xf32>
      %add3A_565 = arith.constant 1 : i32
      %add3A_566 = vector.broadcast %add3A_565 : i32 to vector<16xi32>
      %add3A_567 = arith.addi %and3A_555, %add3A_566 : vector<16xi32>
      %and3A_568 = arith.constant 63 : i32
      %and3A_569 = vector.broadcast %and3A_568 : i32 to vector<16xi32>
      %and3A_570 = arith.andi %add3A_567, %and3A_569 : vector<16xi32>
      %gather3A_571 = tpu.vector_load_idx %arg15[%add3A_75, %and3A_570] : memref<80x64xi32, #tpu.memory_space<vmem>>[vector<16xi32>, vector<16xi32>], vector<16xi32>,
      %gather3A_572 = tpu.vector_load_idx %arg16[%add3A_75, %and3A_570] : memref<80x64xi32, #tpu.memory_space<vmem>>[vector<16xi32>, vector<16xi32>], vector<16xi32>,
      %bitcast3A_573 = vector.bitcast %gather3A_571 : vector<16xi32> to vector<32xbf16>
      %bitcast3A_574 = vector.bitcast %gather3A_572 : vector<16xi32> to vector<32xbf16>
      %mul3A_575 = arith.mulf %bitcast3A_573, %bitcast3A_574 : vector<32xbf16>
      %unpack3A_576 = tpu.unpack_subelements %mul3A_575, 0 {pack_format = #tpu.pack_format<interleaved>} : vector<32xbf16> -> vector<16xf32>
      %unpack3A_577 = tpu.unpack_subelements %mul3A_575, 1 {pack_format = #tpu.pack_format<interleaved>} : vector<32xbf16> -> vector<16xf32>
      %add3A_578 = arith.addf %add3A_563, %unpack3A_576 : vector<16xf32>
      %add3A_579 = arith.addf %add3A_564, %unpack3A_577 : vector<16xf32>
      %add3A_580 = arith.constant 1 : i32
      %add3A_581 = vector.broadcast %add3A_580 : i32 to vector<16xi32>
      %add3A_582 = arith.addi %and3A_570, %add3A_581 : vector<16xi32>
      %and3A_583 = arith.constant 63 : i32
      %and3A_584 = vector.broadcast %and3A_583 : i32 to vector<16xi32>
      %and3A_585 = arith.andi %add3A_582, %and3A_584 : vector<16xi32>
      %gather3A_586 = tpu.vector_load_idx %arg15[%add3A_75, %and3A_585] : memref<80x64xi32, #tpu.memory_space<vmem>>[vector<16xi32>, vector<16xi32>], vector<16xi32>,
      %gather3A_587 = tpu.vector_load_idx %arg16[%add3A_75, %and3A_585] : memref<80x64xi32, #tpu.memory_space<vmem>>[vector<16xi32>, vector<16xi32>], vector<16xi32>,
      %bitcast3A_588 = vector.bitcast %gather3A_586 : vector<16xi32> to vector<32xbf16>
      %bitcast3A_589 = vector.bitcast %gather3A_587 : vector<16xi32> to vector<32xbf16>
      %mul3A_590 = arith.mulf %bitcast3A_588, %bitcast3A_589 : vector<32xbf16>
      %unpack3A_591 = tpu.unpack_subelements %mul3A_590, 0 {pack_format = #tpu.pack_format<interleaved>} : vector<32xbf16> -> vector<16xf32>
      %unpack3A_592 = tpu.unpack_subelements %mul3A_590, 1 {pack_format = #tpu.pack_format<interleaved>} : vector<32xbf16> -> vector<16xf32>
      %add3A_593 = arith.addf %add3A_578, %unpack3A_591 : vector<16xf32>
      %add3A_594 = arith.addf %add3A_579, %unpack3A_592 : vector<16xf32>
      %add3A_595 = arith.constant 1 : i32
      %add3A_596 = vector.broadcast %add3A_595 : i32 to vector<16xi32>
      %add3A_597 = arith.addi %and3A_585, %add3A_596 : vector<16xi32>
      %and3A_598 = arith.constant 63 : i32
      %and3A_599 = vector.broadcast %and3A_598 : i32 to vector<16xi32>
      %and3A_600 = arith.andi %add3A_597, %and3A_599 : vector<16xi32>
      %gather3A_601 = tpu.vector_load_idx %arg15[%add3A_75, %and3A_600] : memref<80x64xi32, #tpu.memory_space<vmem>>[vector<16xi32>, vector<16xi32>], vector<16xi32>,
      %gather3A_602 = tpu.vector_load_idx %arg16[%add3A_75, %and3A_600] : memref<80x64xi32, #tpu.memory_space<vmem>>[vector<16xi32>, vector<16xi32>], vector<16xi32>,
      %bitcast3A_603 = vector.bitcast %gather3A_601 : vector<16xi32> to vector<32xbf16>
      %bitcast3A_604 = vector.bitcast %gather3A_602 : vector<16xi32> to vector<32xbf16>
      %mul3A_605 = arith.mulf %bitcast3A_603, %bitcast3A_604 : vector<32xbf16>
      %unpack3A_606 = tpu.unpack_subelements %mul3A_605, 0 {pack_format = #tpu.pack_format<interleaved>} : vector<32xbf16> -> vector<16xf32>
      %unpack3A_607 = tpu.unpack_subelements %mul3A_605, 1 {pack_format = #tpu.pack_format<interleaved>} : vector<32xbf16> -> vector<16xf32>
      %add3A_608 = arith.addf %add3A_593, %unpack3A_606 : vector<16xf32>
      %add3A_609 = arith.addf %add3A_594, %unpack3A_607 : vector<16xf32>
      %add3A_610 = arith.constant 1 : i32
      %add3A_611 = vector.broadcast %add3A_610 : i32 to vector<16xi32>
      %add3A_612 = arith.addi %and3A_600, %add3A_611 : vector<16xi32>
      %and3A_613 = arith.constant 63 : i32
      %and3A_614 = vector.broadcast %and3A_613 : i32 to vector<16xi32>
      %and3A_615 = arith.andi %add3A_612, %and3A_614 : vector<16xi32>
      %gather3A_616 = tpu.vector_load_idx %arg15[%add3A_75, %and3A_615] : memref<80x64xi32, #tpu.memory_space<vmem>>[vector<16xi32>, vector<16xi32>], vector<16xi32>,
      %gather3A_617 = tpu.vector_load_idx %arg16[%add3A_75, %and3A_615] : memref<80x64xi32, #tpu.memory_space<vmem>>[vector<16xi32>, vector<16xi32>], vector<16xi32>,
      %bitcast3A_618 = vector.bitcast %gather3A_616 : vector<16xi32> to vector<32xbf16>
      %bitcast3A_619 = vector.bitcast %gather3A_617 : vector<16xi32> to vector<32xbf16>
      %mul3A_620 = arith.mulf %bitcast3A_618, %bitcast3A_619 : vector<32xbf16>
      %unpack3A_621 = tpu.unpack_subelements %mul3A_620, 0 {pack_format = #tpu.pack_format<interleaved>} : vector<32xbf16> -> vector<16xf32>
      %unpack3A_622 = tpu.unpack_subelements %mul3A_620, 1 {pack_format = #tpu.pack_format<interleaved>} : vector<32xbf16> -> vector<16xf32>
      %add3A_623 = arith.addf %add3A_608, %unpack3A_621 : vector<16xf32>
      %add3A_624 = arith.addf %add3A_609, %unpack3A_622 : vector<16xf32>
      %add3A_625 = arith.constant 1 : i32
      %add3A_626 = vector.broadcast %add3A_625 : i32 to vector<16xi32>
      %add3A_627 = arith.addi %and3A_615, %add3A_626 : vector<16xi32>
      %and3A_628 = arith.constant 63 : i32
      %and3A_629 = vector.broadcast %and3A_628 : i32 to vector<16xi32>
      %and3A_630 = arith.andi %add3A_627, %and3A_629 : vector<16xi32>
      %gather3A_631 = tpu.vector_load_idx %arg15[%add3A_75, %and3A_630] : memref<80x64xi32, #tpu.memory_space<vmem>>[vector<16xi32>, vector<16xi32>], vector<16xi32>,
      %gather3A_632 = tpu.vector_load_idx %arg16[%add3A_75, %and3A_630] : memref<80x64xi32, #tpu.memory_space<vmem>>[vector<16xi32>, vector<16xi32>], vector<16xi32>,
      %bitcast3A_633 = vector.bitcast %gather3A_631 : vector<16xi32> to vector<32xbf16>
      %bitcast3A_634 = vector.bitcast %gather3A_632 : vector<16xi32> to vector<32xbf16>
      %mul3A_635 = arith.mulf %bitcast3A_633, %bitcast3A_634 : vector<32xbf16>
      %unpack3A_636 = tpu.unpack_subelements %mul3A_635, 0 {pack_format = #tpu.pack_format<interleaved>} : vector<32xbf16> -> vector<16xf32>
      %unpack3A_637 = tpu.unpack_subelements %mul3A_635, 1 {pack_format = #tpu.pack_format<interleaved>} : vector<32xbf16> -> vector<16xf32>
      %add3A_638 = arith.addf %add3A_623, %unpack3A_636 : vector<16xf32>
      %add3A_639 = arith.addf %add3A_624, %unpack3A_637 : vector<16xf32>
      %add3A_640 = arith.constant 1 : i32
      %add3A_641 = vector.broadcast %add3A_640 : i32 to vector<16xi32>
      %add3A_642 = arith.addi %and3A_630, %add3A_641 : vector<16xi32>
      %and3A_643 = arith.constant 63 : i32
      %and3A_644 = vector.broadcast %and3A_643 : i32 to vector<16xi32>
      %and3A_645 = arith.andi %add3A_642, %and3A_644 : vector<16xi32>
      %gather3A_646 = tpu.vector_load_idx %arg15[%add3A_75, %and3A_645] : memref<80x64xi32, #tpu.memory_space<vmem>>[vector<16xi32>, vector<16xi32>], vector<16xi32>,
      %gather3A_647 = tpu.vector_load_idx %arg16[%add3A_75, %and3A_645] : memref<80x64xi32, #tpu.memory_space<vmem>>[vector<16xi32>, vector<16xi32>], vector<16xi32>,
      %bitcast3A_648 = vector.bitcast %gather3A_646 : vector<16xi32> to vector<32xbf16>
      %bitcast3A_649 = vector.bitcast %gather3A_647 : vector<16xi32> to vector<32xbf16>
      %mul3A_650 = arith.mulf %bitcast3A_648, %bitcast3A_649 : vector<32xbf16>
      %unpack3A_651 = tpu.unpack_subelements %mul3A_650, 0 {pack_format = #tpu.pack_format<interleaved>} : vector<32xbf16> -> vector<16xf32>
      %unpack3A_652 = tpu.unpack_subelements %mul3A_650, 1 {pack_format = #tpu.pack_format<interleaved>} : vector<32xbf16> -> vector<16xf32>
      %add3A_653 = arith.addf %add3A_638, %unpack3A_651 : vector<16xf32>
      %add3A_654 = arith.addf %add3A_639, %unpack3A_652 : vector<16xf32>
      %add3A_655 = arith.constant 1 : i32
      %add3A_656 = vector.broadcast %add3A_655 : i32 to vector<16xi32>
      %add3A_657 = arith.addi %and3A_645, %add3A_656 : vector<16xi32>
      %and3A_658 = arith.constant 63 : i32
      %and3A_659 = vector.broadcast %and3A_658 : i32 to vector<16xi32>
      %and3A_660 = arith.andi %add3A_657, %and3A_659 : vector<16xi32>
      %gather3A_661 = tpu.vector_load_idx %arg15[%add3A_75, %and3A_660] : memref<80x64xi32, #tpu.memory_space<vmem>>[vector<16xi32>, vector<16xi32>], vector<16xi32>,
      %gather3A_662 = tpu.vector_load_idx %arg16[%add3A_75, %and3A_660] : memref<80x64xi32, #tpu.memory_space<vmem>>[vector<16xi32>, vector<16xi32>], vector<16xi32>,
      %bitcast3A_663 = vector.bitcast %gather3A_661 : vector<16xi32> to vector<32xbf16>
      %bitcast3A_664 = vector.bitcast %gather3A_662 : vector<16xi32> to vector<32xbf16>
      %mul3A_665 = arith.mulf %bitcast3A_663, %bitcast3A_664 : vector<32xbf16>
      %unpack3A_666 = tpu.unpack_subelements %mul3A_665, 0 {pack_format = #tpu.pack_format<interleaved>} : vector<32xbf16> -> vector<16xf32>
      %unpack3A_667 = tpu.unpack_subelements %mul3A_665, 1 {pack_format = #tpu.pack_format<interleaved>} : vector<32xbf16> -> vector<16xf32>
      %add3A_668 = arith.addf %add3A_653, %unpack3A_666 : vector<16xf32>
      %add3A_669 = arith.addf %add3A_654, %unpack3A_667 : vector<16xf32>
      %add3A_670 = arith.constant 1 : i32
      %add3A_671 = vector.broadcast %add3A_670 : i32 to vector<16xi32>
      %add3A_672 = arith.addi %and3A_660, %add3A_671 : vector<16xi32>
      %and3A_673 = arith.constant 63 : i32
      %and3A_674 = vector.broadcast %and3A_673 : i32 to vector<16xi32>
      %and3A_675 = arith.andi %add3A_672, %and3A_674 : vector<16xi32>
      %gather3A_676 = tpu.vector_load_idx %arg15[%add3A_75, %and3A_675] : memref<80x64xi32, #tpu.memory_space<vmem>>[vector<16xi32>, vector<16xi32>], vector<16xi32>,
      %gather3A_677 = tpu.vector_load_idx %arg16[%add3A_75, %and3A_675] : memref<80x64xi32, #tpu.memory_space<vmem>>[vector<16xi32>, vector<16xi32>], vector<16xi32>,
      %bitcast3A_678 = vector.bitcast %gather3A_676 : vector<16xi32> to vector<32xbf16>
      %bitcast3A_679 = vector.bitcast %gather3A_677 : vector<16xi32> to vector<32xbf16>
      %mul3A_680 = arith.mulf %bitcast3A_678, %bitcast3A_679 : vector<32xbf16>
      %unpack3A_681 = tpu.unpack_subelements %mul3A_680, 0 {pack_format = #tpu.pack_format<interleaved>} : vector<32xbf16> -> vector<16xf32>
      %unpack3A_682 = tpu.unpack_subelements %mul3A_680, 1 {pack_format = #tpu.pack_format<interleaved>} : vector<32xbf16> -> vector<16xf32>
      %add3A_683 = arith.addf %add3A_668, %unpack3A_681 : vector<16xf32>
      %add3A_684 = arith.addf %add3A_669, %unpack3A_682 : vector<16xf32>
      %add3A_685 = arith.constant 1 : i32
      %add3A_686 = vector.broadcast %add3A_685 : i32 to vector<16xi32>
      %add3A_687 = arith.addi %and3A_675, %add3A_686 : vector<16xi32>
      %and3A_688 = arith.constant 63 : i32
      %and3A_689 = vector.broadcast %and3A_688 : i32 to vector<16xi32>
      %and3A_690 = arith.andi %add3A_687, %and3A_689 : vector<16xi32>
      %gather3A_691 = tpu.vector_load_idx %arg15[%add3A_75, %and3A_690] : memref<80x64xi32, #tpu.memory_space<vmem>>[vector<16xi32>, vector<16xi32>], vector<16xi32>,
      %gather3A_692 = tpu.vector_load_idx %arg16[%add3A_75, %and3A_690] : memref<80x64xi32, #tpu.memory_space<vmem>>[vector<16xi32>, vector<16xi32>], vector<16xi32>,
      %bitcast3A_693 = vector.bitcast %gather3A_691 : vector<16xi32> to vector<32xbf16>
      %bitcast3A_694 = vector.bitcast %gather3A_692 : vector<16xi32> to vector<32xbf16>
      %mul3A_695 = arith.mulf %bitcast3A_693, %bitcast3A_694 : vector<32xbf16>
      %unpack3A_696 = tpu.unpack_subelements %mul3A_695, 0 {pack_format = #tpu.pack_format<interleaved>} : vector<32xbf16> -> vector<16xf32>
      %unpack3A_697 = tpu.unpack_subelements %mul3A_695, 1 {pack_format = #tpu.pack_format<interleaved>} : vector<32xbf16> -> vector<16xf32>
      %add3A_698 = arith.addf %add3A_683, %unpack3A_696 : vector<16xf32>
      %add3A_699 = arith.addf %add3A_684, %unpack3A_697 : vector<16xf32>
      %add3A_700 = arith.constant 1 : i32
      %add3A_701 = vector.broadcast %add3A_700 : i32 to vector<16xi32>
      %add3A_702 = arith.addi %and3A_690, %add3A_701 : vector<16xi32>
      %and3A_703 = arith.constant 63 : i32
      %and3A_704 = vector.broadcast %and3A_703 : i32 to vector<16xi32>
      %and3A_705 = arith.andi %add3A_702, %and3A_704 : vector<16xi32>
      %gather3A_706 = tpu.vector_load_idx %arg15[%add3A_75, %and3A_705] : memref<80x64xi32, #tpu.memory_space<vmem>>[vector<16xi32>, vector<16xi32>], vector<16xi32>,
      %gather3A_707 = tpu.vector_load_idx %arg16[%add3A_75, %and3A_705] : memref<80x64xi32, #tpu.memory_space<vmem>>[vector<16xi32>, vector<16xi32>], vector<16xi32>,
      %bitcast3A_708 = vector.bitcast %gather3A_706 : vector<16xi32> to vector<32xbf16>
      %bitcast3A_709 = vector.bitcast %gather3A_707 : vector<16xi32> to vector<32xbf16>
      %mul3A_710 = arith.mulf %bitcast3A_708, %bitcast3A_709 : vector<32xbf16>
      %unpack3A_711 = tpu.unpack_subelements %mul3A_710, 0 {pack_format = #tpu.pack_format<interleaved>} : vector<32xbf16> -> vector<16xf32>
      %unpack3A_712 = tpu.unpack_subelements %mul3A_710, 1 {pack_format = #tpu.pack_format<interleaved>} : vector<32xbf16> -> vector<16xf32>
      %add3A_713 = arith.addf %add3A_698, %unpack3A_711 : vector<16xf32>
      %add3A_714 = arith.addf %add3A_699, %unpack3A_712 : vector<16xf32>
      %add3A_715 = arith.constant 1 : i32
      %add3A_716 = vector.broadcast %add3A_715 : i32 to vector<16xi32>
      %add3A_717 = arith.addi %and3A_705, %add3A_716 : vector<16xi32>
      %and3A_718 = arith.constant 63 : i32
      %and3A_719 = vector.broadcast %and3A_718 : i32 to vector<16xi32>
      %and3A_720 = arith.andi %add3A_717, %and3A_719 : vector<16xi32>
      %gather3A_721 = tpu.vector_load_idx %arg15[%add3A_75, %and3A_720] : memref<80x64xi32, #tpu.memory_space<vmem>>[vector<16xi32>, vector<16xi32>], vector<16xi32>,
      %gather3A_722 = tpu.vector_load_idx %arg16[%add3A_75, %and3A_720] : memref<80x64xi32, #tpu.memory_space<vmem>>[vector<16xi32>, vector<16xi32>], vector<16xi32>,
      %bitcast3A_723 = vector.bitcast %gather3A_721 : vector<16xi32> to vector<32xbf16>
      %bitcast3A_724 = vector.bitcast %gather3A_722 : vector<16xi32> to vector<32xbf16>
      %mul3A_725 = arith.mulf %bitcast3A_723, %bitcast3A_724 : vector<32xbf16>
      %unpack3A_726 = tpu.unpack_subelements %mul3A_725, 0 {pack_format = #tpu.pack_format<interleaved>} : vector<32xbf16> -> vector<16xf32>
      %unpack3A_727 = tpu.unpack_subelements %mul3A_725, 1 {pack_format = #tpu.pack_format<interleaved>} : vector<32xbf16> -> vector<16xf32>
      %add3A_728 = arith.addf %add3A_713, %unpack3A_726 : vector<16xf32>
      %add3A_729 = arith.addf %add3A_714, %unpack3A_727 : vector<16xf32>
      %add3A_730 = arith.constant 1 : i32
      %add3A_731 = vector.broadcast %add3A_730 : i32 to vector<16xi32>
      %add3A_732 = arith.addi %and3A_720, %add3A_731 : vector<16xi32>
      %and3A_733 = arith.constant 63 : i32
      %and3A_734 = vector.broadcast %and3A_733 : i32 to vector<16xi32>
      %and3A_735 = arith.andi %add3A_732, %and3A_734 : vector<16xi32>
      %gather3A_736 = tpu.vector_load_idx %arg15[%add3A_75, %and3A_735] : memref<80x64xi32, #tpu.memory_space<vmem>>[vector<16xi32>, vector<16xi32>], vector<16xi32>,
      %gather3A_737 = tpu.vector_load_idx %arg16[%add3A_75, %and3A_735] : memref<80x64xi32, #tpu.memory_space<vmem>>[vector<16xi32>, vector<16xi32>], vector<16xi32>,
      %bitcast3A_738 = vector.bitcast %gather3A_736 : vector<16xi32> to vector<32xbf16>
      %bitcast3A_739 = vector.bitcast %gather3A_737 : vector<16xi32> to vector<32xbf16>
      %mul3A_740 = arith.mulf %bitcast3A_738, %bitcast3A_739 : vector<32xbf16>
      %unpack3A_741 = tpu.unpack_subelements %mul3A_740, 0 {pack_format = #tpu.pack_format<interleaved>} : vector<32xbf16> -> vector<16xf32>
      %unpack3A_742 = tpu.unpack_subelements %mul3A_740, 1 {pack_format = #tpu.pack_format<interleaved>} : vector<32xbf16> -> vector<16xf32>
      %add3A_743 = arith.addf %add3A_728, %unpack3A_741 : vector<16xf32>
      %add3A_744 = arith.addf %add3A_729, %unpack3A_742 : vector<16xf32>
      %add3A_745 = arith.constant 1 : i32
      %add3A_746 = vector.broadcast %add3A_745 : i32 to vector<16xi32>
      %add3A_747 = arith.addi %and3A_735, %add3A_746 : vector<16xi32>
      %and3A_748 = arith.constant 63 : i32
      %and3A_749 = vector.broadcast %and3A_748 : i32 to vector<16xi32>
      %and3A_750 = arith.andi %add3A_747, %and3A_749 : vector<16xi32>
      %gather3A_751 = tpu.vector_load_idx %arg15[%add3A_75, %and3A_750] : memref<80x64xi32, #tpu.memory_space<vmem>>[vector<16xi32>, vector<16xi32>], vector<16xi32>,
      %gather3A_752 = tpu.vector_load_idx %arg16[%add3A_75, %and3A_750] : memref<80x64xi32, #tpu.memory_space<vmem>>[vector<16xi32>, vector<16xi32>], vector<16xi32>,
      %bitcast3A_753 = vector.bitcast %gather3A_751 : vector<16xi32> to vector<32xbf16>
      %bitcast3A_754 = vector.bitcast %gather3A_752 : vector<16xi32> to vector<32xbf16>
      %mul3A_755 = arith.mulf %bitcast3A_753, %bitcast3A_754 : vector<32xbf16>
      %unpack3A_756 = tpu.unpack_subelements %mul3A_755, 0 {pack_format = #tpu.pack_format<interleaved>} : vector<32xbf16> -> vector<16xf32>
      %unpack3A_757 = tpu.unpack_subelements %mul3A_755, 1 {pack_format = #tpu.pack_format<interleaved>} : vector<32xbf16> -> vector<16xf32>
      %add3A_758 = arith.addf %add3A_743, %unpack3A_756 : vector<16xf32>
      %add3A_759 = arith.addf %add3A_744, %unpack3A_757 : vector<16xf32>
      %add3A_760 = arith.constant 1 : i32
      %add3A_761 = vector.broadcast %add3A_760 : i32 to vector<16xi32>
      %add3A_762 = arith.addi %and3A_750, %add3A_761 : vector<16xi32>
      %and3A_763 = arith.constant 63 : i32
      %and3A_764 = vector.broadcast %and3A_763 : i32 to vector<16xi32>
      %and3A_765 = arith.andi %add3A_762, %and3A_764 : vector<16xi32>
      %gather3A_766 = tpu.vector_load_idx %arg15[%add3A_75, %and3A_765] : memref<80x64xi32, #tpu.memory_space<vmem>>[vector<16xi32>, vector<16xi32>], vector<16xi32>,
      %gather3A_767 = tpu.vector_load_idx %arg16[%add3A_75, %and3A_765] : memref<80x64xi32, #tpu.memory_space<vmem>>[vector<16xi32>, vector<16xi32>], vector<16xi32>,
      %bitcast3A_768 = vector.bitcast %gather3A_766 : vector<16xi32> to vector<32xbf16>
      %bitcast3A_769 = vector.bitcast %gather3A_767 : vector<16xi32> to vector<32xbf16>
      %mul3A_770 = arith.mulf %bitcast3A_768, %bitcast3A_769 : vector<32xbf16>
      %unpack3A_771 = tpu.unpack_subelements %mul3A_770, 0 {pack_format = #tpu.pack_format<interleaved>} : vector<32xbf16> -> vector<16xf32>
      %unpack3A_772 = tpu.unpack_subelements %mul3A_770, 1 {pack_format = #tpu.pack_format<interleaved>} : vector<32xbf16> -> vector<16xf32>
      %add3A_773 = arith.addf %add3A_758, %unpack3A_771 : vector<16xf32>
      %add3A_774 = arith.addf %add3A_759, %unpack3A_772 : vector<16xf32>
      %add3A_775 = arith.constant 1 : i32
      %add3A_776 = vector.broadcast %add3A_775 : i32 to vector<16xi32>
      %add3A_777 = arith.addi %and3A_765, %add3A_776 : vector<16xi32>
      %and3A_778 = arith.constant 63 : i32
      %and3A_779 = vector.broadcast %and3A_778 : i32 to vector<16xi32>
      %and3A_780 = arith.andi %add3A_777, %and3A_779 : vector<16xi32>
      %gather3A_781 = tpu.vector_load_idx %arg15[%add3A_75, %and3A_780] : memref<80x64xi32, #tpu.memory_space<vmem>>[vector<16xi32>, vector<16xi32>], vector<16xi32>,
      %gather3A_782 = tpu.vector_load_idx %arg16[%add3A_75, %and3A_780] : memref<80x64xi32, #tpu.memory_space<vmem>>[vector<16xi32>, vector<16xi32>], vector<16xi32>,
      %bitcast3A_783 = vector.bitcast %gather3A_781 : vector<16xi32> to vector<32xbf16>
      %bitcast3A_784 = vector.bitcast %gather3A_782 : vector<16xi32> to vector<32xbf16>
      %mul3A_785 = arith.mulf %bitcast3A_783, %bitcast3A_784 : vector<32xbf16>
      %unpack3A_786 = tpu.unpack_subelements %mul3A_785, 0 {pack_format = #tpu.pack_format<interleaved>} : vector<32xbf16> -> vector<16xf32>
      %unpack3A_787 = tpu.unpack_subelements %mul3A_785, 1 {pack_format = #tpu.pack_format<interleaved>} : vector<32xbf16> -> vector<16xf32>
      %add3A_788 = arith.addf %add3A_773, %unpack3A_786 : vector<16xf32>
      %add3A_789 = arith.addf %add3A_774, %unpack3A_787 : vector<16xf32>
      %add3A_790 = arith.constant 1 : i32
      %add3A_791 = vector.broadcast %add3A_790 : i32 to vector<16xi32>
      %add3A_792 = arith.addi %and3A_780, %add3A_791 : vector<16xi32>
      %and3A_793 = arith.constant 63 : i32
      %and3A_794 = vector.broadcast %and3A_793 : i32 to vector<16xi32>
      %and3A_795 = arith.andi %add3A_792, %and3A_794 : vector<16xi32>
      %gather3A_796 = tpu.vector_load_idx %arg15[%add3A_75, %and3A_795] : memref<80x64xi32, #tpu.memory_space<vmem>>[vector<16xi32>, vector<16xi32>], vector<16xi32>,
      %gather3A_797 = tpu.vector_load_idx %arg16[%add3A_75, %and3A_795] : memref<80x64xi32, #tpu.memory_space<vmem>>[vector<16xi32>, vector<16xi32>], vector<16xi32>,
      %bitcast3A_798 = vector.bitcast %gather3A_796 : vector<16xi32> to vector<32xbf16>
      %bitcast3A_799 = vector.bitcast %gather3A_797 : vector<16xi32> to vector<32xbf16>
      %mul3A_800 = arith.mulf %bitcast3A_798, %bitcast3A_799 : vector<32xbf16>
      %unpack3A_801 = tpu.unpack_subelements %mul3A_800, 0 {pack_format = #tpu.pack_format<interleaved>} : vector<32xbf16> -> vector<16xf32>
      %unpack3A_802 = tpu.unpack_subelements %mul3A_800, 1 {pack_format = #tpu.pack_format<interleaved>} : vector<32xbf16> -> vector<16xf32>
      %add3A_803 = arith.addf %add3A_788, %unpack3A_801 : vector<16xf32>
      %add3A_804 = arith.addf %add3A_789, %unpack3A_802 : vector<16xf32>
      %add3A_805 = arith.constant 1 : i32
      %add3A_806 = vector.broadcast %add3A_805 : i32 to vector<16xi32>
      %add3A_807 = arith.addi %and3A_795, %add3A_806 : vector<16xi32>
      %and3A_808 = arith.constant 63 : i32
      %and3A_809 = vector.broadcast %and3A_808 : i32 to vector<16xi32>
      %and3A_810 = arith.andi %add3A_807, %and3A_809 : vector<16xi32>
      %gather3A_811 = tpu.vector_load_idx %arg15[%add3A_75, %and3A_810] : memref<80x64xi32, #tpu.memory_space<vmem>>[vector<16xi32>, vector<16xi32>], vector<16xi32>,
      %gather3A_812 = tpu.vector_load_idx %arg16[%add3A_75, %and3A_810] : memref<80x64xi32, #tpu.memory_space<vmem>>[vector<16xi32>, vector<16xi32>], vector<16xi32>,
      %bitcast3A_813 = vector.bitcast %gather3A_811 : vector<16xi32> to vector<32xbf16>
      %bitcast3A_814 = vector.bitcast %gather3A_812 : vector<16xi32> to vector<32xbf16>
      %mul3A_815 = arith.mulf %bitcast3A_813, %bitcast3A_814 : vector<32xbf16>
      %unpack3A_816 = tpu.unpack_subelements %mul3A_815, 0 {pack_format = #tpu.pack_format<interleaved>} : vector<32xbf16> -> vector<16xf32>
      %unpack3A_817 = tpu.unpack_subelements %mul3A_815, 1 {pack_format = #tpu.pack_format<interleaved>} : vector<32xbf16> -> vector<16xf32>
      %add3A_818 = arith.addf %add3A_803, %unpack3A_816 : vector<16xf32>
      %add3A_819 = arith.addf %add3A_804, %unpack3A_817 : vector<16xf32>
      %add3A_820 = arith.constant 1 : i32
      %add3A_821 = vector.broadcast %add3A_820 : i32 to vector<16xi32>
      %add3A_822 = arith.addi %and3A_810, %add3A_821 : vector<16xi32>
      %and3A_823 = arith.constant 63 : i32
      %and3A_824 = vector.broadcast %and3A_823 : i32 to vector<16xi32>
      %and3A_825 = arith.andi %add3A_822, %and3A_824 : vector<16xi32>
      %gather3A_826 = tpu.vector_load_idx %arg15[%add3A_75, %and3A_825] : memref<80x64xi32, #tpu.memory_space<vmem>>[vector<16xi32>, vector<16xi32>], vector<16xi32>,
      %gather3A_827 = tpu.vector_load_idx %arg16[%add3A_75, %and3A_825] : memref<80x64xi32, #tpu.memory_space<vmem>>[vector<16xi32>, vector<16xi32>], vector<16xi32>,
      %bitcast3A_828 = vector.bitcast %gather3A_826 : vector<16xi32> to vector<32xbf16>
      %bitcast3A_829 = vector.bitcast %gather3A_827 : vector<16xi32> to vector<32xbf16>
      %mul3A_830 = arith.mulf %bitcast3A_828, %bitcast3A_829 : vector<32xbf16>
      %unpack3A_831 = tpu.unpack_subelements %mul3A_830, 0 {pack_format = #tpu.pack_format<interleaved>} : vector<32xbf16> -> vector<16xf32>
      %unpack3A_832 = tpu.unpack_subelements %mul3A_830, 1 {pack_format = #tpu.pack_format<interleaved>} : vector<32xbf16> -> vector<16xf32>
      %add3A_833 = arith.addf %add3A_818, %unpack3A_831 : vector<16xf32>
      %add3A_834 = arith.addf %add3A_819, %unpack3A_832 : vector<16xf32>
      %add3A_835 = arith.constant 1 : i32
      %add3A_836 = vector.broadcast %add3A_835 : i32 to vector<16xi32>
      %add3A_837 = arith.addi %and3A_825, %add3A_836 : vector<16xi32>
      %and3A_838 = arith.constant 63 : i32
      %and3A_839 = vector.broadcast %and3A_838 : i32 to vector<16xi32>
      %and3A_840 = arith.andi %add3A_837, %and3A_839 : vector<16xi32>
      %gather3A_841 = tpu.vector_load_idx %arg15[%add3A_75, %and3A_840] : memref<80x64xi32, #tpu.memory_space<vmem>>[vector<16xi32>, vector<16xi32>], vector<16xi32>,
      %gather3A_842 = tpu.vector_load_idx %arg16[%add3A_75, %and3A_840] : memref<80x64xi32, #tpu.memory_space<vmem>>[vector<16xi32>, vector<16xi32>], vector<16xi32>,
      %bitcast3A_843 = vector.bitcast %gather3A_841 : vector<16xi32> to vector<32xbf16>
      %bitcast3A_844 = vector.bitcast %gather3A_842 : vector<16xi32> to vector<32xbf16>
      %mul3A_845 = arith.mulf %bitcast3A_843, %bitcast3A_844 : vector<32xbf16>
      %unpack3A_846 = tpu.unpack_subelements %mul3A_845, 0 {pack_format = #tpu.pack_format<interleaved>} : vector<32xbf16> -> vector<16xf32>
      %unpack3A_847 = tpu.unpack_subelements %mul3A_845, 1 {pack_format = #tpu.pack_format<interleaved>} : vector<32xbf16> -> vector<16xf32>
      %add3A_848 = arith.addf %add3A_833, %unpack3A_846 : vector<16xf32>
      %add3A_849 = arith.addf %add3A_834, %unpack3A_847 : vector<16xf32>
      %add3A_850 = arith.constant 1 : i32
      %add3A_851 = vector.broadcast %add3A_850 : i32 to vector<16xi32>
      %add3A_852 = arith.addi %and3A_840, %add3A_851 : vector<16xi32>
      %and3A_853 = arith.constant 63 : i32
      %and3A_854 = vector.broadcast %and3A_853 : i32 to vector<16xi32>
      %and3A_855 = arith.andi %add3A_852, %and3A_854 : vector<16xi32>
      %gather3A_856 = tpu.vector_load_idx %arg15[%add3A_75, %and3A_855] : memref<80x64xi32, #tpu.memory_space<vmem>>[vector<16xi32>, vector<16xi32>], vector<16xi32>,
      %gather3A_857 = tpu.vector_load_idx %arg16[%add3A_75, %and3A_855] : memref<80x64xi32, #tpu.memory_space<vmem>>[vector<16xi32>, vector<16xi32>], vector<16xi32>,
      %bitcast3A_858 = vector.bitcast %gather3A_856 : vector<16xi32> to vector<32xbf16>
      %bitcast3A_859 = vector.bitcast %gather3A_857 : vector<16xi32> to vector<32xbf16>
      %mul3A_860 = arith.mulf %bitcast3A_858, %bitcast3A_859 : vector<32xbf16>
      %unpack3A_861 = tpu.unpack_subelements %mul3A_860, 0 {pack_format = #tpu.pack_format<interleaved>} : vector<32xbf16> -> vector<16xf32>
      %unpack3A_862 = tpu.unpack_subelements %mul3A_860, 1 {pack_format = #tpu.pack_format<interleaved>} : vector<32xbf16> -> vector<16xf32>
      %add3A_863 = arith.addf %add3A_848, %unpack3A_861 : vector<16xf32>
      %add3A_864 = arith.addf %add3A_849, %unpack3A_862 : vector<16xf32>
      %add3A_865 = arith.constant 1 : i32
      %add3A_866 = vector.broadcast %add3A_865 : i32 to vector<16xi32>
      %add3A_867 = arith.addi %and3A_855, %add3A_866 : vector<16xi32>
      %and3A_868 = arith.constant 63 : i32
      %and3A_869 = vector.broadcast %and3A_868 : i32 to vector<16xi32>
      %and3A_870 = arith.andi %add3A_867, %and3A_869 : vector<16xi32>
      %gather3A_871 = tpu.vector_load_idx %arg15[%add3A_75, %and3A_870] : memref<80x64xi32, #tpu.memory_space<vmem>>[vector<16xi32>, vector<16xi32>], vector<16xi32>,
      %gather3A_872 = tpu.vector_load_idx %arg16[%add3A_75, %and3A_870] : memref<80x64xi32, #tpu.memory_space<vmem>>[vector<16xi32>, vector<16xi32>], vector<16xi32>,
      %bitcast3A_873 = vector.bitcast %gather3A_871 : vector<16xi32> to vector<32xbf16>
      %bitcast3A_874 = vector.bitcast %gather3A_872 : vector<16xi32> to vector<32xbf16>
      %mul3A_875 = arith.mulf %bitcast3A_873, %bitcast3A_874 : vector<32xbf16>
      %unpack3A_876 = tpu.unpack_subelements %mul3A_875, 0 {pack_format = #tpu.pack_format<interleaved>} : vector<32xbf16> -> vector<16xf32>
      %unpack3A_877 = tpu.unpack_subelements %mul3A_875, 1 {pack_format = #tpu.pack_format<interleaved>} : vector<32xbf16> -> vector<16xf32>
      %add3A_878 = arith.addf %add3A_863, %unpack3A_876 : vector<16xf32>
      %add3A_879 = arith.addf %add3A_864, %unpack3A_877 : vector<16xf32>
      %add3A_880 = arith.constant 1 : i32
      %add3A_881 = vector.broadcast %add3A_880 : i32 to vector<16xi32>
      %add3A_882 = arith.addi %and3A_870, %add3A_881 : vector<16xi32>
      %and3A_883 = arith.constant 63 : i32
      %and3A_884 = vector.broadcast %and3A_883 : i32 to vector<16xi32>
      %and3A_885 = arith.andi %add3A_882, %and3A_884 : vector<16xi32>
      %gather3A_886 = tpu.vector_load_idx %arg15[%add3A_75, %and3A_885] : memref<80x64xi32, #tpu.memory_space<vmem>>[vector<16xi32>, vector<16xi32>], vector<16xi32>,
      %gather3A_887 = tpu.vector_load_idx %arg16[%add3A_75, %and3A_885] : memref<80x64xi32, #tpu.memory_space<vmem>>[vector<16xi32>, vector<16xi32>], vector<16xi32>,
      %bitcast3A_888 = vector.bitcast %gather3A_886 : vector<16xi32> to vector<32xbf16>
      %bitcast3A_889 = vector.bitcast %gather3A_887 : vector<16xi32> to vector<32xbf16>
      %mul3A_890 = arith.mulf %bitcast3A_888, %bitcast3A_889 : vector<32xbf16>
      %unpack3A_891 = tpu.unpack_subelements %mul3A_890, 0 {pack_format = #tpu.pack_format<interleaved>} : vector<32xbf16> -> vector<16xf32>
      %unpack3A_892 = tpu.unpack_subelements %mul3A_890, 1 {pack_format = #tpu.pack_format<interleaved>} : vector<32xbf16> -> vector<16xf32>
      %add3A_893 = arith.addf %add3A_878, %unpack3A_891 : vector<16xf32>
      %add3A_894 = arith.addf %add3A_879, %unpack3A_892 : vector<16xf32>
      %add3A_895 = arith.constant 1 : i32
      %add3A_896 = vector.broadcast %add3A_895 : i32 to vector<16xi32>
      %add3A_897 = arith.addi %and3A_885, %add3A_896 : vector<16xi32>
      %and3A_898 = arith.constant 63 : i32
      %and3A_899 = vector.broadcast %and3A_898 : i32 to vector<16xi32>
      %and3A_900 = arith.andi %add3A_897, %and3A_899 : vector<16xi32>
      %gather3A_901 = tpu.vector_load_idx %arg15[%add3A_75, %and3A_900] : memref<80x64xi32, #tpu.memory_space<vmem>>[vector<16xi32>, vector<16xi32>], vector<16xi32>,
      %gather3A_902 = tpu.vector_load_idx %arg16[%add3A_75, %and3A_900] : memref<80x64xi32, #tpu.memory_space<vmem>>[vector<16xi32>, vector<16xi32>], vector<16xi32>,
      %bitcast3A_903 = vector.bitcast %gather3A_901 : vector<16xi32> to vector<32xbf16>
      %bitcast3A_904 = vector.bitcast %gather3A_902 : vector<16xi32> to vector<32xbf16>
      %mul3A_905 = arith.mulf %bitcast3A_903, %bitcast3A_904 : vector<32xbf16>
      %unpack3A_906 = tpu.unpack_subelements %mul3A_905, 0 {pack_format = #tpu.pack_format<interleaved>} : vector<32xbf16> -> vector<16xf32>
      %unpack3A_907 = tpu.unpack_subelements %mul3A_905, 1 {pack_format = #tpu.pack_format<interleaved>} : vector<32xbf16> -> vector<16xf32>
      %add3A_908 = arith.addf %add3A_893, %unpack3A_906 : vector<16xf32>
      %add3A_909 = arith.addf %add3A_894, %unpack3A_907 : vector<16xf32>
      %add3A_910 = arith.constant 1 : i32
      %add3A_911 = vector.broadcast %add3A_910 : i32 to vector<16xi32>
      %add3A_912 = arith.addi %and3A_900, %add3A_911 : vector<16xi32>
      %and3A_913 = arith.constant 63 : i32
      %and3A_914 = vector.broadcast %and3A_913 : i32 to vector<16xi32>
      %and3A_915 = arith.andi %add3A_912, %and3A_914 : vector<16xi32>
      %gather3A_916 = tpu.vector_load_idx %arg15[%add3A_75, %and3A_915] : memref<80x64xi32, #tpu.memory_space<vmem>>[vector<16xi32>, vector<16xi32>], vector<16xi32>,
      %gather3A_917 = tpu.vector_load_idx %arg16[%add3A_75, %and3A_915] : memref<80x64xi32, #tpu.memory_space<vmem>>[vector<16xi32>, vector<16xi32>], vector<16xi32>,
      %bitcast3A_918 = vector.bitcast %gather3A_916 : vector<16xi32> to vector<32xbf16>
      %bitcast3A_919 = vector.bitcast %gather3A_917 : vector<16xi32> to vector<32xbf16>
      %mul3A_920 = arith.mulf %bitcast3A_918, %bitcast3A_919 : vector<32xbf16>
      %unpack3A_921 = tpu.unpack_subelements %mul3A_920, 0 {pack_format = #tpu.pack_format<interleaved>} : vector<32xbf16> -> vector<16xf32>
      %unpack3A_922 = tpu.unpack_subelements %mul3A_920, 1 {pack_format = #tpu.pack_format<interleaved>} : vector<32xbf16> -> vector<16xf32>
      %add3A_923 = arith.addf %add3A_908, %unpack3A_921 : vector<16xf32>
      %add3A_924 = arith.addf %add3A_909, %unpack3A_922 : vector<16xf32>
      %add3A_925 = arith.constant 1 : i32
      %add3A_926 = vector.broadcast %add3A_925 : i32 to vector<16xi32>
      %add3A_927 = arith.addi %and3A_915, %add3A_926 : vector<16xi32>
      %and3A_928 = arith.constant 63 : i32
      %and3A_929 = vector.broadcast %and3A_928 : i32 to vector<16xi32>
      %and3A_930 = arith.andi %add3A_927, %and3A_929 : vector<16xi32>
      %gather3A_931 = tpu.vector_load_idx %arg15[%add3A_75, %and3A_930] : memref<80x64xi32, #tpu.memory_space<vmem>>[vector<16xi32>, vector<16xi32>], vector<16xi32>,
      %gather3A_932 = tpu.vector_load_idx %arg16[%add3A_75, %and3A_930] : memref<80x64xi32, #tpu.memory_space<vmem>>[vector<16xi32>, vector<16xi32>], vector<16xi32>,
      %bitcast3A_933 = vector.bitcast %gather3A_931 : vector<16xi32> to vector<32xbf16>
      %bitcast3A_934 = vector.bitcast %gather3A_932 : vector<16xi32> to vector<32xbf16>
      %mul3A_935 = arith.mulf %bitcast3A_933, %bitcast3A_934 : vector<32xbf16>
      %unpack3A_936 = tpu.unpack_subelements %mul3A_935, 0 {pack_format = #tpu.pack_format<interleaved>} : vector<32xbf16> -> vector<16xf32>
      %unpack3A_937 = tpu.unpack_subelements %mul3A_935, 1 {pack_format = #tpu.pack_format<interleaved>} : vector<32xbf16> -> vector<16xf32>
      %add3A_938 = arith.addf %add3A_923, %unpack3A_936 : vector<16xf32>
      %add3A_939 = arith.addf %add3A_924, %unpack3A_937 : vector<16xf32>
      %add3A_940 = arith.constant 1 : i32
      %add3A_941 = vector.broadcast %add3A_940 : i32 to vector<16xi32>
      %add3A_942 = arith.addi %and3A_930, %add3A_941 : vector<16xi32>
      %and3A_943 = arith.constant 63 : i32
      %and3A_944 = vector.broadcast %and3A_943 : i32 to vector<16xi32>
      %and3A_945 = arith.andi %add3A_942, %and3A_944 : vector<16xi32>
      %gather3A_946 = tpu.vector_load_idx %arg15[%add3A_75, %and3A_945] : memref<80x64xi32, #tpu.memory_space<vmem>>[vector<16xi32>, vector<16xi32>], vector<16xi32>,
      %gather3A_947 = tpu.vector_load_idx %arg16[%add3A_75, %and3A_945] : memref<80x64xi32, #tpu.memory_space<vmem>>[vector<16xi32>, vector<16xi32>], vector<16xi32>,
      %bitcast3A_948 = vector.bitcast %gather3A_946 : vector<16xi32> to vector<32xbf16>
      %bitcast3A_949 = vector.bitcast %gather3A_947 : vector<16xi32> to vector<32xbf16>
      %mul3A_950 = arith.mulf %bitcast3A_948, %bitcast3A_949 : vector<32xbf16>
      %unpack3A_951 = tpu.unpack_subelements %mul3A_950, 0 {pack_format = #tpu.pack_format<interleaved>} : vector<32xbf16> -> vector<16xf32>
      %unpack3A_952 = tpu.unpack_subelements %mul3A_950, 1 {pack_format = #tpu.pack_format<interleaved>} : vector<32xbf16> -> vector<16xf32>
      %add3A_953 = arith.addf %add3A_938, %unpack3A_951 : vector<16xf32>
      %add3A_954 = arith.addf %add3A_939, %unpack3A_952 : vector<16xf32>
      %add3A_955 = arith.constant 1 : i32
      %add3A_956 = vector.broadcast %add3A_955 : i32 to vector<16xi32>
      %add3A_957 = arith.addi %and3A_945, %add3A_956 : vector<16xi32>
      %and3A_958 = arith.constant 63 : i32
      %and3A_959 = vector.broadcast %and3A_958 : i32 to vector<16xi32>
      %and3A_960 = arith.andi %add3A_957, %and3A_959 : vector<16xi32>
      %gather3A_961 = tpu.vector_load_idx %arg15[%add3A_75, %and3A_960] : memref<80x64xi32, #tpu.memory_space<vmem>>[vector<16xi32>, vector<16xi32>], vector<16xi32>,
      %gather3A_962 = tpu.vector_load_idx %arg16[%add3A_75, %and3A_960] : memref<80x64xi32, #tpu.memory_space<vmem>>[vector<16xi32>, vector<16xi32>], vector<16xi32>,
      %bitcast3A_963 = vector.bitcast %gather3A_961 : vector<16xi32> to vector<32xbf16>
      %bitcast3A_964 = vector.bitcast %gather3A_962 : vector<16xi32> to vector<32xbf16>
      %mul3A_965 = arith.mulf %bitcast3A_963, %bitcast3A_964 : vector<32xbf16>
      %unpack3A_966 = tpu.unpack_subelements %mul3A_965, 0 {pack_format = #tpu.pack_format<interleaved>} : vector<32xbf16> -> vector<16xf32>
      %unpack3A_967 = tpu.unpack_subelements %mul3A_965, 1 {pack_format = #tpu.pack_format<interleaved>} : vector<32xbf16> -> vector<16xf32>
      %add3A_968 = arith.addf %add3A_953, %unpack3A_966 : vector<16xf32>
      %add3A_969 = arith.addf %add3A_954, %unpack3A_967 : vector<16xf32>
      %add3A_970 = arith.constant 1 : i32
      %add3A_971 = vector.broadcast %add3A_970 : i32 to vector<16xi32>
      %add3A_972 = arith.addi %and3A_960, %add3A_971 : vector<16xi32>
      %and3A_973 = arith.constant 63 : i32
      %and3A_974 = vector.broadcast %and3A_973 : i32 to vector<16xi32>
      %and3A_975 = arith.andi %add3A_972, %and3A_974 : vector<16xi32>
      %gather3A_976 = tpu.vector_load_idx %arg15[%add3A_75, %and3A_975] : memref<80x64xi32, #tpu.memory_space<vmem>>[vector<16xi32>, vector<16xi32>], vector<16xi32>,
      %gather3A_977 = tpu.vector_load_idx %arg16[%add3A_75, %and3A_975] : memref<80x64xi32, #tpu.memory_space<vmem>>[vector<16xi32>, vector<16xi32>], vector<16xi32>,
      %bitcast3A_978 = vector.bitcast %gather3A_976 : vector<16xi32> to vector<32xbf16>
      %bitcast3A_979 = vector.bitcast %gather3A_977 : vector<16xi32> to vector<32xbf16>
      %mul3A_980 = arith.mulf %bitcast3A_978, %bitcast3A_979 : vector<32xbf16>
      %unpack3A_981 = tpu.unpack_subelements %mul3A_980, 0 {pack_format = #tpu.pack_format<interleaved>} : vector<32xbf16> -> vector<16xf32>
      %unpack3A_982 = tpu.unpack_subelements %mul3A_980, 1 {pack_format = #tpu.pack_format<interleaved>} : vector<32xbf16> -> vector<16xf32>
      %add3A_983 = arith.addf %add3A_968, %unpack3A_981 : vector<16xf32>
      %add3A_984 = arith.addf %add3A_969, %unpack3A_982 : vector<16xf32>
      %add3A_985 = arith.constant 1 : i32
      %add3A_986 = vector.broadcast %add3A_985 : i32 to vector<16xi32>
      %add3A_987 = arith.addi %and3A_975, %add3A_986 : vector<16xi32>
      %and3A_988 = arith.constant 63 : i32
      %and3A_989 = vector.broadcast %and3A_988 : i32 to vector<16xi32>
      %and3A_990 = arith.andi %add3A_987, %and3A_989 : vector<16xi32>
      %gather3A_991 = tpu.vector_load_idx %arg15[%add3A_75, %and3A_990] : memref<80x64xi32, #tpu.memory_space<vmem>>[vector<16xi32>, vector<16xi32>], vector<16xi32>,
      %gather3A_992 = tpu.vector_load_idx %arg16[%add3A_75, %and3A_990] : memref<80x64xi32, #tpu.memory_space<vmem>>[vector<16xi32>, vector<16xi32>], vector<16xi32>,
      %bitcast3A_993 = vector.bitcast %gather3A_991 : vector<16xi32> to vector<32xbf16>
      %bitcast3A_994 = vector.bitcast %gather3A_992 : vector<16xi32> to vector<32xbf16>
      %mul3A_995 = arith.mulf %bitcast3A_993, %bitcast3A_994 : vector<32xbf16>
      %unpack3A_996 = tpu.unpack_subelements %mul3A_995, 0 {pack_format = #tpu.pack_format<interleaved>} : vector<32xbf16> -> vector<16xf32>
      %unpack3A_997 = tpu.unpack_subelements %mul3A_995, 1 {pack_format = #tpu.pack_format<interleaved>} : vector<32xbf16> -> vector<16xf32>
      %add3A_998 = arith.addf %add3A_983, %unpack3A_996 : vector<16xf32>
      %add3A_999 = arith.addf %add3A_984, %unpack3A_997 : vector<16xf32>
      %add3A_1000 = arith.constant 1 : i32
      %add3A_1001 = vector.broadcast %add3A_1000 : i32 to vector<16xi32>
      %add3A_1002 = arith.addi %and3A_990, %add3A_1001 : vector<16xi32>
      %and3A_1003 = arith.constant 63 : i32
      %and3A_1004 = vector.broadcast %and3A_1003 : i32 to vector<16xi32>
      %and3A_1005 = arith.andi %add3A_1002, %and3A_1004 : vector<16xi32>
      %gather3A_1006 = tpu.vector_load_idx %arg15[%add3A_75, %and3A_1005] : memref<80x64xi32, #tpu.memory_space<vmem>>[vector<16xi32>, vector<16xi32>], vector<16xi32>,
      %gather3A_1007 = tpu.vector_load_idx %arg16[%add3A_75, %and3A_1005] : memref<80x64xi32, #tpu.memory_space<vmem>>[vector<16xi32>, vector<16xi32>], vector<16xi32>,
      %bitcast3A_1008 = vector.bitcast %gather3A_1006 : vector<16xi32> to vector<32xbf16>
      %bitcast3A_1009 = vector.bitcast %gather3A_1007 : vector<16xi32> to vector<32xbf16>
      %mul3A_1010 = arith.mulf %bitcast3A_1008, %bitcast3A_1009 : vector<32xbf16>
      %unpack3A_1011 = tpu.unpack_subelements %mul3A_1010, 0 {pack_format = #tpu.pack_format<interleaved>} : vector<32xbf16> -> vector<16xf32>
      %unpack3A_1012 = tpu.unpack_subelements %mul3A_1010, 1 {pack_format = #tpu.pack_format<interleaved>} : vector<32xbf16> -> vector<16xf32>
      %add3A_1013 = arith.addf %add3A_998, %unpack3A_1011 : vector<16xf32>
      %add3A_1014 = arith.addf %add3A_999, %unpack3A_1012 : vector<16xf32>
      %add3A_1015 = arith.constant 1 : i32
      %add3A_1016 = vector.broadcast %add3A_1015 : i32 to vector<16xi32>
      %add3A_1017 = arith.addi %and3A_1005, %add3A_1016 : vector<16xi32>
      %and3A_1018 = arith.constant 63 : i32
      %and3A_1019 = vector.broadcast %and3A_1018 : i32 to vector<16xi32>
      %and3A_1020 = arith.andi %add3A_1017, %and3A_1019 : vector<16xi32>
      %gather3A_1021 = tpu.vector_load_idx %arg15[%add3A_75, %and3A_1020] : memref<80x64xi32, #tpu.memory_space<vmem>>[vector<16xi32>, vector<16xi32>], vector<16xi32>,
      %gather3A_1022 = tpu.vector_load_idx %arg16[%add3A_75, %and3A_1020] : memref<80x64xi32, #tpu.memory_space<vmem>>[vector<16xi32>, vector<16xi32>], vector<16xi32>,
      %bitcast3A_1023 = vector.bitcast %gather3A_1021 : vector<16xi32> to vector<32xbf16>
      %bitcast3A_1024 = vector.bitcast %gather3A_1022 : vector<16xi32> to vector<32xbf16>
      %mul3A_1025 = arith.mulf %bitcast3A_1023, %bitcast3A_1024 : vector<32xbf16>
      %unpack3A_1026 = tpu.unpack_subelements %mul3A_1025, 0 {pack_format = #tpu.pack_format<interleaved>} : vector<32xbf16> -> vector<16xf32>
      %unpack3A_1027 = tpu.unpack_subelements %mul3A_1025, 1 {pack_format = #tpu.pack_format<interleaved>} : vector<32xbf16> -> vector<16xf32>
      %add3A_1028 = arith.addf %add3A_1013, %unpack3A_1026 : vector<16xf32>
      %add3A_1029 = arith.addf %add3A_1014, %unpack3A_1027 : vector<16xf32>
      %add3A_1030 = arith.constant 1 : i32
      %add3A_1031 = vector.broadcast %add3A_1030 : i32 to vector<16xi32>
      %add3A_1032 = arith.addi %and3A_1020, %add3A_1031 : vector<16xi32>
      %and3A_1033 = arith.constant 63 : i32
      %and3A_1034 = vector.broadcast %and3A_1033 : i32 to vector<16xi32>
      %and3A_1035 = arith.andi %add3A_1032, %and3A_1034 : vector<16xi32>
      %add3A_1036 = arith.addf %add3A_1028, %add3A_1029 : vector<16xf32>
      %mul3A_1037 = arith.constant 2 : i32
      %mul3A_1038 = vector.broadcast %mul3A_1037 : i32 to vector<16xi32>
      %mul3A_1039 = arith.muli %get3A_69, %mul3A_1038 : vector<16xi32>
      %mul3A_1040 = arith.constant 2 : i32
      %mul3A_1041 = vector.broadcast %mul3A_1040 : i32 to vector<16xi32>
      %mul3A_1042 = arith.muli %get3A_73, %mul3A_1041 : vector<16xi32>
      %gather3A_1043 = tpu.vector_load_idx %arg13[%mul3A_1039] : memref<20000xf32, #tpu.memory_space<vmem>>[vector<16xi32>], vector<16xf32>,
      %add3A_1044 = arith.constant 1 : i32
      %add3A_1045 = vector.broadcast %add3A_1044 : i32 to vector<16xi32>
      %add3A_1046 = arith.addi %mul3A_1039, %add3A_1045 : vector<16xi32>
      %gather3A_1047 = tpu.vector_load_idx %arg13[%add3A_1046] : memref<20000xf32, #tpu.memory_space<vmem>>[vector<16xi32>], vector<16xf32>,
      %gather3A_1048 = tpu.vector_load_idx %arg13[%mul3A_1042] : memref<20000xf32, #tpu.memory_space<vmem>>[vector<16xi32>], vector<16xf32>,
      %add3A_1049 = arith.constant 1 : i32
      %add3A_1050 = vector.broadcast %add3A_1049 : i32 to vector<16xi32>
      %add3A_1051 = arith.addi %mul3A_1042, %add3A_1050 : vector<16xi32>
      %gather3A_1052 = tpu.vector_load_idx %arg13[%add3A_1051] : memref<20000xf32, #tpu.memory_space<vmem>>[vector<16xi32>], vector<16xf32>,
      %mul3A_1053 = arith.constant 2.000000e+00 : f32
      %mul3A_1054 = vector.broadcast %mul3A_1053 : f32 to vector<16xf32>
      %mul3A_1055 = arith.mulf %mul3A_1054, %gather3A_1047 : vector<16xf32>
      %mul3A_1056 = arith.mulf %mul3A_1055, %gather3A_1052 : vector<16xf32>
      %sub3A_1057 = arith.subf %add3A_1036, %mul3A_1056 : vector<16xf32>
      %mul3A_1058 = arith.mulf %gather3A_1043, %gather3A_1048 : vector<16xf32>
      %abs3A = math.absf %mul3A_1058 : vector<16xf32>
      %max3A = arith.constant 9.99999971E-10 : f32
      %max3A_1059 = vector.broadcast %max3A : f32 to vector<16xf32>
      %max3A_1060 = arith.maximumf %abs3A, %max3A_1059 : vector<16xf32>
      %mul3A_1061 = arith.mulf %sub3A_1057, %sub3A_1057 : vector<16xf32>
      %div3A = arith.divf %mul3A_1061, %max3A_1060 : vector<16xf32>
      %sub3A_1062 = arith.constant 1.000000e+00 : f32
      %sub3A_1063 = vector.broadcast %sub3A_1062 : f32 to vector<16xf32>
      %sub3A_1064 = arith.subf %sub3A_1063, %div3A : vector<16xf32>
      %lt3A = arith.cmpi slt, %get3A_69, %get3A_15 : vector<16xi32>
      %lt3A_1065 = arith.cmpi slt, %get3A_73, %get3A_15 : vector<16xi32>
      %and3A_1066 = arith.andi %lt3A, %lt3A_1065 : vector<16xi1>
      %broadcast_in_dim3A_1067 = arith.constant false
      %broadcast_in_dim3A_1068 = vector.broadcast %broadcast_in_dim3A_1067 : i1 to vector<16xi1>
      %and3A_1069 = arith.andi %broadcast_in_dim3A_1068, %and3A_1066 : vector<16xi1>
      %jit3A = arith.constant 1.000000e+00 : f32
      %jit3A_1070 = arith.constant 0.000000e+00 : f32
      %broadcast_in_dim3A_1071 = vector.broadcast %jit3A : f32 to vector<16xf32>
      %broadcast_in_dim3A_1072 = vector.broadcast %jit3A_1070 : f32 to vector<16xf32>
      %select_n3A = arith.select %and3A_1069, %broadcast_in_dim3A_1071, %broadcast_in_dim3A_1072 : vector<16xi1>, vector<16xf32>
      %add3A_1073 = arith.addi %sub3A_54, %mul3A_65 : i32
      %add3A_1074 = vector.broadcast %add3A_1073 : i32 to vector<16xi32>
      %add3A_1075 = arith.addi %add3A_1074, %get3A_17 : vector<16xi32>
      %not3A = arith.constant dense<true> : vector<16xi1>
      %not3A_1076 = arith.xori %broadcast_in_dim3A_1068, %not3A : vector<16xi1>
      %lt3A_1077 = arith.constant 10000 : i32
      %lt3A_1078 = vector.broadcast %lt3A_1077 : i32 to vector<16xi32>
      %lt3A_1079 = arith.cmpi slt, %add3A_1075, %lt3A_1078 : vector<16xi32>
      %and3A_1080 = arith.andi %not3A_1076, %lt3A_1079 : vector<16xi1>
      %jit3A_1081 = arith.constant 1.000000e+00 : f32
      %jit3A_1082 = arith.constant 0.000000e+00 : f32
      %broadcast_in_dim3A_1083 = vector.broadcast %jit3A_1081 : f32 to vector<16xf32>
      %broadcast_in_dim3A_1084 = vector.broadcast %jit3A_1082 : f32 to vector<16xf32>
      %select_n3A_1085 = arith.select %and3A_1080, %broadcast_in_dim3A_1083, %broadcast_in_dim3A_1084 : vector<16xi1>, vector<16xf32>
      %get3A_1086 = arith.constant 0 : index
      %get3A_1087 = tpu.vector_load %arg21[%get3A_1086] {strides = array<i32>} : memref<16xf32, #tpu.memory_space<vmem>>, vector<16xf32>,
      %min3A = arith.constant 1.000000e+01 : f32
      %min3A_1088 = vector.broadcast %min3A : f32 to vector<16xf32>
      %min3A_1089 = arith.minimumf %sub3A_1064, %min3A_1088 : vector<16xf32>
      %mul3A_1090 = arith.mulf %min3A_1089, %select_n3A : vector<16xf32>
      %add3A_1091 = arith.addf %get3A_1087, %mul3A_1090 : vector<16xf32>
      %swap3A_1092 = arith.constant 0 : index
      %swap3A_1093 = tpu.vector_load %arg21[%swap3A_1092] {strides = array<i32>} : memref<16xf32, #tpu.memory_space<vmem>>, vector<16xf32>,
      tpu.vector_store %arg21[%swap3A_1092], %add3A_1091 {strides = array<i32>} : memref<16xf32, #tpu.memory_space<vmem>>, vector<16xf32>,
      %get3A_1094 = arith.constant 0 : index
      %get3A_1095 = tpu.vector_load %arg22[%get3A_1094] {strides = array<i32>} : memref<16xf32, #tpu.memory_space<vmem>>, vector<16xf32>,
      %add3A_1096 = arith.addf %get3A_1095, %select_n3A : vector<16xf32>
      %swap3A_1097 = arith.constant 0 : index
      %swap3A_1098 = tpu.vector_load %arg22[%swap3A_1097] {strides = array<i32>} : memref<16xf32, #tpu.memory_space<vmem>>, vector<16xf32>,
      tpu.vector_store %arg22[%swap3A_1097], %add3A_1096 {strides = array<i32>} : memref<16xf32, #tpu.memory_space<vmem>>, vector<16xf32>,
      %get3A_1099 = arith.constant 0 : index
      %get3A_1100 = tpu.vector_load %arg23[%get3A_1099] {strides = array<i32>} : memref<16xf32, #tpu.memory_space<vmem>>, vector<16xf32>,
      %sub3A_1101 = arith.constant 1.000000e+00 : f32
      %sub3A_1102 = vector.broadcast %sub3A_1101 : f32 to vector<16xf32>
      %sub3A_1103 = arith.subf %sub3A_1102, %sub3A_1064 : vector<16xf32>
      %max3A_1104 = arith.constant 0.000000e+00 : f32
      %max3A_1105 = vector.broadcast %max3A_1104 : f32 to vector<16xf32>
      %max3A_1106 = arith.maximumf %sub3A_1103, %max3A_1105 : vector<16xf32>
      %mul3A_1107 = arith.mulf %max3A_1106, %select_n3A_1085 : vector<16xf32>
      %add3A_1108 = arith.addf %get3A_1100, %mul3A_1107 : vector<16xf32>
      %swap3A_1109 = arith.constant 0 : index
      %swap3A_1110 = tpu.vector_load %arg23[%swap3A_1109] {strides = array<i32>} : memref<16xf32, #tpu.memory_space<vmem>>, vector<16xf32>,
      tpu.vector_store %arg23[%swap3A_1109], %add3A_1108 {strides = array<i32>} : memref<16xf32, #tpu.memory_space<vmem>>, vector<16xf32>,
      %scan3A_1111 = arith.constant 0 : i32
      scf.yield %scan3A_1111 : i32
    }
    %scan3A_61 = arith.constant 5 : i32
    "tpu.region"() ({
      %run_scoped3A = tpu.sem_alloc : memref<!tpu.dma_semaphore, #tpu.memory_space<semaphore_mem>>
      %dma_start3A_62 = arith.constant 0 : i32
      %dma_start3A_63 = tpu.memref_slice %arg8[%add3A, %dma_start3A_62] : memref<32x16xf32, #tpu.memory_space<hbm>> -> memref<1x16xf32, #tpu.memory_space<hbm>>
      %dma_start3A_64 = tpu.memref_squeeze %dma_start3A_63 : memref<1x16xf32, #tpu.memory_space<hbm>> -> memref<16xf32, #tpu.memory_space<hbm>>
      %dma_start3A_65 = arith.constant 0 : i32
      %dma_start3A_66 = tpu.memref_slice %arg8[%add3A, %dma_start3A_65] : memref<32x16xf32, #tpu.memory_space<hbm>> -> memref<1x16xf32, #tpu.memory_space<hbm>>
      %dma_start3A_67 = tpu.memref_squeeze %dma_start3A_66 : memref<1x16xf32, #tpu.memory_space<hbm>> -> memref<16xf32, #tpu.memory_space<hbm>>
      tpu.enqueue_dma source(%arg21 : memref<16xf32, #tpu.memory_space<vmem>>) target(%dma_start3A_67 : memref<16xf32, #tpu.memory_space<hbm>>) target_semaphore(%run_scoped3A : memref<!tpu.dma_semaphore, #tpu.memory_space<semaphore_mem>>)
      %dma_wait3A_68 = arith.constant 0 : i32
      %dma_wait3A_69 = tpu.memref_slice %arg8[%add3A, %dma_wait3A_68] : memref<32x16xf32, #tpu.memory_space<hbm>> -> memref<1x16xf32, #tpu.memory_space<hbm>>
      %dma_wait3A_70 = tpu.memref_squeeze %dma_wait3A_69 : memref<1x16xf32, #tpu.memory_space<hbm>> -> memref<16xf32, #tpu.memory_space<hbm>>
      %dma_wait3A_71 = arith.constant 0 : i32
      %dma_wait3A_72 = tpu.memref_slice %arg8[%add3A, %dma_wait3A_71] : memref<32x16xf32, #tpu.memory_space<hbm>> -> memref<1x16xf32, #tpu.memory_space<hbm>>
      %dma_wait3A_73 = tpu.memref_squeeze %dma_wait3A_72 : memref<1x16xf32, #tpu.memory_space<hbm>> -> memref<16xf32, #tpu.memory_space<hbm>>
      tpu.wait_dma2 semaphore(%run_scoped3A : memref<!tpu.dma_semaphore, #tpu.memory_space<semaphore_mem>>) src(%arg21 : memref<16xf32, #tpu.memory_space<vmem>>) dst(%dma_wait3A_73 : memref<16xf32, #tpu.memory_space<hbm>>)
      tpu.yield
    }) : () -> ()
    "tpu.region"() ({
      %run_scoped3A = tpu.sem_alloc : memref<!tpu.dma_semaphore, #tpu.memory_space<semaphore_mem>>
      %dma_start3A_62 = arith.constant 0 : i32
      %dma_start3A_63 = tpu.memref_slice %arg9[%add3A, %dma_start3A_62] : memref<32x16xf32, #tpu.memory_space<hbm>> -> memref<1x16xf32, #tpu.memory_space<hbm>>
      %dma_start3A_64 = tpu.memref_squeeze %dma_start3A_63 : memref<1x16xf32, #tpu.memory_space<hbm>> -> memref<16xf32, #tpu.memory_space<hbm>>
      %dma_start3A_65 = arith.constant 0 : i32
      %dma_start3A_66 = tpu.memref_slice %arg9[%add3A, %dma_start3A_65] : memref<32x16xf32, #tpu.memory_space<hbm>> -> memref<1x16xf32, #tpu.memory_space<hbm>>
      %dma_start3A_67 = tpu.memref_squeeze %dma_start3A_66 : memref<1x16xf32, #tpu.memory_space<hbm>> -> memref<16xf32, #tpu.memory_space<hbm>>
      tpu.enqueue_dma source(%arg22 : memref<16xf32, #tpu.memory_space<vmem>>) target(%dma_start3A_67 : memref<16xf32, #tpu.memory_space<hbm>>) target_semaphore(%run_scoped3A : memref<!tpu.dma_semaphore, #tpu.memory_space<semaphore_mem>>)
      %dma_wait3A_68 = arith.constant 0 : i32
      %dma_wait3A_69 = tpu.memref_slice %arg9[%add3A, %dma_wait3A_68] : memref<32x16xf32, #tpu.memory_space<hbm>> -> memref<1x16xf32, #tpu.memory_space<hbm>>
      %dma_wait3A_70 = tpu.memref_squeeze %dma_wait3A_69 : memref<1x16xf32, #tpu.memory_space<hbm>> -> memref<16xf32, #tpu.memory_space<hbm>>
      %dma_wait3A_71 = arith.constant 0 : i32
      %dma_wait3A_72 = tpu.memref_slice %arg9[%add3A, %dma_wait3A_71] : memref<32x16xf32, #tpu.memory_space<hbm>> -> memref<1x16xf32, #tpu.memory_space<hbm>>
      %dma_wait3A_73 = tpu.memref_squeeze %dma_wait3A_72 : memref<1x16xf32, #tpu.memory_space<hbm>> -> memref<16xf32, #tpu.memory_space<hbm>>
      tpu.wait_dma2 semaphore(%run_scoped3A : memref<!tpu.dma_semaphore, #tpu.memory_space<semaphore_mem>>) src(%arg22 : memref<16xf32, #tpu.memory_space<vmem>>) dst(%dma_wait3A_73 : memref<16xf32, #tpu.memory_space<hbm>>)
      tpu.yield
    }) : () -> ()
    "tpu.region"() ({
      %run_scoped3A = tpu.sem_alloc : memref<!tpu.dma_semaphore, #tpu.memory_space<semaphore_mem>>
      %dma_start3A_62 = arith.constant 0 : i32
      %dma_start3A_63 = tpu.memref_slice %arg10[%add3A, %dma_start3A_62] : memref<32x16xf32, #tpu.memory_space<hbm>> -> memref<1x16xf32, #tpu.memory_space<hbm>>
      %dma_start3A_64 = tpu.memref_squeeze %dma_start3A_63 : memref<1x16xf32, #tpu.memory_space<hbm>> -> memref<16xf32, #tpu.memory_space<hbm>>
      %dma_start3A_65 = arith.constant 0 : i32
      %dma_start3A_66 = tpu.memref_slice %arg10[%add3A, %dma_start3A_65] : memref<32x16xf32, #tpu.memory_space<hbm>> -> memref<1x16xf32, #tpu.memory_space<hbm>>
      %dma_start3A_67 = tpu.memref_squeeze %dma_start3A_66 : memref<1x16xf32, #tpu.memory_space<hbm>> -> memref<16xf32, #tpu.memory_space<hbm>>
      tpu.enqueue_dma source(%arg23 : memref<16xf32, #tpu.memory_space<vmem>>) target(%dma_start3A_67 : memref<16xf32, #tpu.memory_space<hbm>>) target_semaphore(%run_scoped3A : memref<!tpu.dma_semaphore, #tpu.memory_space<semaphore_mem>>)
      %dma_wait3A_68 = arith.constant 0 : i32
      %dma_wait3A_69 = tpu.memref_slice %arg10[%add3A, %dma_wait3A_68] : memref<32x16xf32, #tpu.memory_space<hbm>> -> memref<1x16xf32, #tpu.memory_space<hbm>>
      %dma_wait3A_70 = tpu.memref_squeeze %dma_wait3A_69 : memref<1x16xf32, #tpu.memory_space<hbm>> -> memref<16xf32, #tpu.memory_space<hbm>>
      %dma_wait3A_71 = arith.constant 0 : i32
      %dma_wait3A_72 = tpu.memref_slice %arg10[%add3A, %dma_wait3A_71] : memref<32x16xf32, #tpu.memory_space<hbm>> -> memref<1x16xf32, #tpu.memory_space<hbm>>
      %dma_wait3A_73 = tpu.memref_squeeze %dma_wait3A_72 : memref<1x16xf32, #tpu.memory_space<hbm>> -> memref<16xf32, #tpu.memory_space<hbm>>
      tpu.wait_dma2 semaphore(%run_scoped3A : memref<!tpu.dma_semaphore, #tpu.memory_space<semaphore_mem>>) src(%arg23 : memref<16xf32, #tpu.memory_space<vmem>>) dst(%dma_wait3A_73 : memref<16xf32, #tpu.memory_space<hbm>>)
      tpu.yield
    }) : () -> ()
    return
  }
}

</mosaic_0001>

<sc_bundles>
// kernel: _uhg_loss_sc.3.cloned.1.call-start
scs
__scs_entry_jumppad:
0x0: {  	(pc) =	sbr.rel $0x88, $3  }
0x1: {  	(tag) =	ssettag $0x0;
	lr =	simm.s32 $0x1  }
0x2: {  	[smem:$0x3F9C] =	sst lr;
	_ =	strace $0xD0000000  }
0x3: {  	_ = 	snop  }
0x4: {  	_ = 	snop  }
0x5: {  	_ = 	snop  }
0x6: {  	_ = 	snop  }
0x7: {  	_ = 	snop  }
__scs_overlays_trampoline_lowered:
0x8: {  	[smem:$0x3FAB] =	sst s0  }
0x9: {  	[smem:$0x3FAC] =	sst s1  }
0xa: {  	[smem:$0x3FAD] =	sst s2  }
0xb: {  	[smem:$0x3FAE] =	sst s3  }
0xc: {  	[smem:$0x3FAF] =	sst s4  }
0xd: {  	[smem:$0x3FB0] =	sst s5  }
0xe: {  	[smem:$0x3FB1] =	sst s6  }
0xf: {  	[smem:$0x3FB2] =	sst s7  }
0x10: {  	[smem:$0x3FB3] =	sst s8  }
0x11: {  	[smem:$0x3FB4] =	sst s9;
	s0 =	simm.s32 @!p0 $0x0  }
0x12: {  	s1 =	sld [smem:$0x3F9A];
	s0 =	simm.s32 @p0 $0x1  }
0x13: {  	[smem:$0x3FB5] =	sst s0;
	s0 =	simm.s32 @!p1 $0x0  }
0x14: {  	s2 =	sld [smem:$0x3F99];
	s0 =	simm.s32 @p1 $0x1  }
0x15: {  	[smem:$0x3FB6] =	sst s0;
	s0 =	simm.s32 @!p2 $0x0  }
0x16: {  	s3 =	sld [smem:$0x3FDB];
	s0 =	simm.s32 @p2 $0x1  }
0x17: {  	s4 =	simm.s32 $0x1BF5;
	[smem:$0x3FB8] =	sst s0  }
0x18: {  	s0 =	sld [smem:$0x3F9B];
	_ =	swait.ge [sflag:s4], $0x0  }
0x19: {  	s7 =	sld [smem:$0x3F9C]  }
0x1a: {  	s8 =	sadd.s32 $0xFFFFE003, lr  }
0x1b: {  	s9 =	sadd.s32 $0xFFFFFEF7, lr;
	s5 =	simm.s32 $0xFFFFFFFF;
	p2 =	slt.u32 s8, $0xFFFFF086  }
0x1c: {  	p1 =	slt.u32 s9, $0xF7A;
	s5 =	simm.s32 @!p2 $0x0  }
0x1d: {  	s5 =	simm.s32 @p1 $0x1;
	p0 =	seq.s32 s7, s2  }
0x1e: {  	s7 =	smul.u32 @!p0 $0xF7A, s2;
	p2 =	seq.s32 @!p0 s5, $0x0  }
0x1f: {  	s9 =	smul.u32 $0xF7A, s1;
	s8 =	simm.s32 @!p0 $0x1BF5;
	p2 =	por !p2, p0  }
0x20: {  	[sflag:s8] =	ssyncset.s32 @!p0 $0xFFFFF086;
	s6 =	sadd.s32 @!p0 s3, s7;
	s7 =	simm.s32 @!p0 $0x108  }
0x21: {  	s3 =	sadd.s32 s3, s9;
	s6 =	sadd.s32 @!p0 $0x88, s6;
	s7 =	simm.s32 @p2 $0x1082  }
0x22: {  	[simem:s7], [sflag:s8] =	dma.local @!p0 [hbm:s6], $0xF7A  }
0x23: {  	s9 =	sor.u32 $0xD0000000, s2;
	s6 =	simm.s32 $0x108;
	_ =	swait.ge @!p0 [sflag:s8], $0x0  }
0x24: {  	s3 =	sadd.s32 $0x88, s3;
	s6 =	simm.s32 @!p1 $0x1082;
	[sflag:s4] =	ssyncset.s32 $0xFFFFF086  }
0x25: {  	[simem:s6], [sflag:s4] =	dma.local [hbm:s3], $0xF7A  }
0x26: {  	[smem:$0x3F9C] =	sst s1;
	(tag) =	ssettag s2;
	_ =	strace s9  }
0x27: {  	s1 =	sld [smem:$0x3FAC]  }
0x28: {  	s2 =	sld [smem:$0x3FAD]  }
0x29: {  	s4 =	sld [smem:$0x3FAF]  }
0x2a: {  	p0 =	seq.s32 s5, $0x0;
	s5 =	sld [smem:$0x3FB0]  }
0x2b: {  	s6 =	sld [smem:$0x3FB1]  }
0x2c: {  	s7 =	sld [smem:$0x3FB2]  }
0x2d: {  	s3 =	simm.s32 $0x108;
	s8 =	sld [smem:$0x3FB3]  }
0x2e: {  	s3 =	simm.s32 @!p0 $0x1082;
	s9 =	sld [smem:$0x3FB4]  }
0x2f: {  	lr =	sadd.s32 s0, s3;
	s0 =	sld [smem:$0x3FAB]  }
0x30: {  	s3 =	sld [smem:$0x3FAE]  }
0x31: {  	[smem:$0x3FB7] =	sst s10  }
0x32: {  	s10 =	sld [smem:$0x3FB5];
	_ =	sdelay $0x3  }
0x33: {  	p0 =	seq.s32 s10, $0x1;
	s10 =	sld [smem:$0x3FB7];
	_ =	sdelay $0x3  }
0x34: {  	[smem:$0x3FB7] =	sst s10  }
0x35: {  	s10 =	sld [smem:$0x3FB6];
	_ =	sdelay $0x3  }
0x36: {  	p1 =	seq.s32 s10, $0x1;
	s10 =	sld [smem:$0x3FB7];
	_ =	sdelay $0x3  }
0x37: {  	[smem:$0x3FB7] =	sst s10  }
0x38: {  	s10 =	sld [smem:$0x3FB8]  }
0x39: {  	_ = 	snop;
	(pc) =	sbr.ind lr, $3  }
0x3a: {  	_ = 	snop  }
0x3b: {  	_ = 	snop  }
0x3c: {  	p2 =	seq.s32 s10, $0x1;
	s10 =	sld [smem:$0x3FB7]  }
0x3d: {  	_ =	shalt  }
0x3e: {  	_ =	shalt  }
0x3f: {  	_ =	shalt  }
0x40: {  	_ =	shalt  }
0x41: {  	_ =	shalt  }
0x42: {  	_ =	shalt  }
0x43: {  	_ =	shalt  }
0x44: {  	_ =	shalt  }
0x45: {  	_ =	shalt  }
0x46: {  	_ =	shalt  }
0x47: {  	_ =	shalt  }
0x48: {  	_ =	shalt  }
0x49: {  	_ =	shalt  }
0x4a: {  	_ =	shalt  }
0x4b: {  	_ =	shalt  }
0x4c: {  	_ =	shalt  }
0x4d: {  	_ =	shalt  }
0x4e: {  	_ =	shalt  }
0x4f: {  	_ =	shalt  }
0x50: {  	_ =	shalt  }
0x51: {  	_ =	shalt  }
0x52: {  	_ =	shalt  }
0x53: {  	_ =	shalt  }
0x54: {  	_ =	shalt  }
0x55: {  	_ =	shalt  }
0x56: {  	_ =	shalt  }
0x57: {  	_ =	shalt  }
0x58: {  	_ =	shalt  }
0x59: {  	_ =	shalt  }
0x5a: {  	_ =	shalt  }
0x5b: {  	_ =	shalt  }
0x5c: {  	_ =	shalt  }
0x5d: {  	_ =	shalt  }
0x5e: {  	_ =	shalt  }
0x5f: {  	_ =	shalt  }
0x60: {  	_ =	shalt  }
0x61: {  	_ =	shalt  }
0x62: {  	_ =	shalt  }
0x63: {  	_ =	shalt  }
0x64: {  	_ =	shalt  }
0x65: {  	_ =	shalt  }
0x66: {  	_ =	shalt  }
0x67: {  	_ =	shalt  }
0x68: {  	_ =	shalt  }
0x69: {  	_ =	shalt  }
0x6a: {  	_ =	shalt  }
0x6b: {  	_ =	shalt  }
0x6c: {  	_ =	shalt  }
0x6d: {  	_ =	shalt  }
0x6e: {  	_ =	shalt  }
0x6f: {  	_ =	shalt  }
0x70: {  	_ =	shalt  }
0x71: {  	_ =	shalt  }
0x72: {  	_ =	shalt  }
0x73: {  	_ =	shalt  }
0x74: {  	_ =	shalt  }
0x75: {  	_ =	shalt  }
0x76: {  	_ =	shalt  }
0x77: {  	_ =	shalt  }
0x78: {  	_ =	shalt  }
0x79: {  	_ =	shalt  }
0x7a: {  	_ =	shalt  }
0x7b: {  	_ =	shalt  }
0x7c: {  	_ =	shalt  }
0x7d: {  	_ =	shalt  }
0x7e: {  	_ =	shalt  }
0x7f: {  	_ =	shalt  }
0x80: {  	_ =	shalt  }
0x81: {  	_ =	shalt  }
0x82: {  	_ =	shalt  }
0x83: {  	_ =	shalt  }
0x84: {  	_ =	shalt  }
0x85: {  	_ =	shalt  }
0x86: {  	_ =	shalt  }
0x87: {  	_ =	shalt  }
.Lfunc_end0:
.L_simem_size_0:
called_computation_lowered:
.L_overlay_start_0:
0x88: {  	s2 =	sld [smem:$0x3FD9]  }
0x89: {  	s3 =	sld [smem:$0x3FFE];
	_ =	sdelay $0x1  }
0x8a: {  	s1 =	srdreg.scid  }
0x8b: {  	s0 =	sand.u32 $0x1, s1  }
0x8c: {  	s14 =	sshll.u32 s0, $0xA;
	s2 =	sadd.s32 s3, s2  }
0x8d: {  	s2 =	sadd.s32 s2, s14  }
0x8e: {  	[smem:$0x3FC3] =	sst s2  }
0x8f: {  	_ = 	snop  }
0x90: {  	s2 =	sld [smem:$0x3FC8]  }
0x91: {  	s15 =	sld [smem:$0x3FD0]  }
0x92: {  	s4 =	sld [smem:$0x3FC7]  }
0x93: {  	s5 =	sld [smem:$0x3FC6]  }
0x94: {  	s7 =	simm.s32 $0xA;
	s8 =	simm.s32 $0x10;
	s6 =	sld [smem:$0x3FC5]  }
0x95: {  	[smem:s8], [sflag:s7] =	dma.local [hbm:s15], $0x1  }
0x96: {  	_ =	swait.eq [sflag:s7], $0x1  }
0x97: {  	s16 =	sld [smem:$0x10];
	[sflag:s7] =	ssyncset.done $0x0  }
0x98: {  	s17 =	sld [smem:$0x11];
	[sflag:s7] =	ssyncadd.s32 $0xFFFFFFFF  }
0x99: {  	s18 =	sld [smem:$0x12];
	(tm) =	ssettm $0x1  }
0x9a: {  	s9 =	sld [smem:$0x3FFB];
	_ =	sdelay $0x3  }
0x9b: {  	_ =	strace s9  }
0x9c: {  	s9 =	sld [smem:$0x3FFC];
	_ =	sdelay $0x3  }
0x9d: {  	_ =	strace s9  }
0x9e: {  	s9 =	sld [smem:$0x3FFD];
	_ =	sdelay $0x3  }
0x9f: {  	_ =	strace s9  }
0xa0: {  	_ =	strace $0x8FFFFFFF  }
0xa1: {  	s19 =	sld [smem:$0x3FDB];
	_ =	sdelay $0x1  }
0xa2: {  	s10 =	simm.s32 $_scs_section_size  }
0xa3: {  	s11 =	simm.s32 $_size__tile_overlayer_lowered;
	s12 =	simm.s32 $_tile_overlayer_lowered  }
0xa4: {  	s22 =	simm.s32 $0x1BFF;
	s21 =	sshll.u32 s12, $0x1;
	s9 =	sadd.s32 s10, s19  }
0xa5: {  	s13 =	simm.s32 $0x0;
	s20 =	sshll.u32 s11, $0x1;
	s11 =	sadd.s32 s21, s9  }
0xa6: {  	[timem:s13], [sflag:s22] =	dma.local [hbm:s11], s20  }
0xa7: {  	_ =	swait.ge [sflag:s22], s20  }
0xa8: {  	s10 =	ssub.s32 $0x0, s20;
	[sflag:s22] =	ssyncset.done $0x0  }
0xa9: {  	[sflag:s22] =	ssyncadd.s32 s10;
	_ =	sdelay $0x1  }
0xaa: {  	s23 =	simm.s32 $0x1B8B  }
0xab: {  	_ =	swait.ge [sflag:s23], $0x1  }
0xac: {  	[sflag:s23] =	ssyncset.done $0x0  }
0xad: {  	s25 =	simm.s32 $0x1B8E;
	s24 =	sld [smem:$0x3FFE];
	[sflag:s23] =	ssyncadd.s32 $0xFFFFFFFF  }
0xae: {  	s26 =	simm.s32 $execute0_lowered;
	[smem:$0x3FD2] =	sst s25  }
0xaf: {  	s11 =	sshll.u32 s26, $0x1;
	_ =	strace $0x80000046;
	[dreg:$0x1] =	wrdreg $0xFFFFFFFF  }
0xb0: {  	s28 =	simm.s32 $_size_execute0_lowered;
	s9 =	sadd.s32 s9, s11;
	[dreg:$0x0] =	wrdreg $0x0  }
0xb1: {  	s11 =	sshll.u32 s28, $0x1;
	[dreg:$0x2] =	wrdreg s9  }
0xb2: {  	[dreg:$0x3] =	wrdreg s11  }
0xb3: {  	[dreg:$0x4] =	wrdreg $0xC0  }
0xb4: {  	_ =	task [dreg:s13], $0x5FFFF  }
0xb5: {  	[dreg:$0x1] =	wrdreg $0xFFFFFFFF  }
0xb6: {  	[dreg:$0x0] =	wrdreg $0x60  }
0xb7: {  	[dreg:$0x2] =	wrdreg s24  }
0xb8: {  	[dreg:$0x3] =	wrdreg s2  }
0xb9: {  	[dreg:$0x4] =	wrdreg s4  }
0xba: {  	[dreg:$0x5] =	wrdreg s5  }
0xbb: {  	[dreg:$0x6] =	wrdreg s6  }
0xbc: {  	[dreg:$0x7] =	wrdreg s16  }
0xbd: {  	[dreg:$0x8] =	wrdreg s18  }
0xbe: {  	[dreg:$0x9] =	wrdreg s17  }
0xbf: {  	[dreg:$0xa] =	wrdreg $0x9EC00  }
0xc0: {  	[dreg:$0xb] =	wrdreg $0x9  }
0xc1: {  	_ =	task.clear_ibuf [dreg:s13], $0xCFFFF;
	_ =	strace $0x90000046  }
0xc2: {  	s29 =	simm.s32 $0x9;
	_ =	strace $0x80000048  }
0xc3: {  	_ =	swait.ge [sflag:s29], $0x1  }
0xc4: {  	[sflag:s29] =	ssyncadd.s32 $0xFFFFFFFF  }
0xc5: {  	_ =	strace $0x90000048  }
0xc6: {  	_ =	sfence  }
0xc7: {  	s30 =	sld [smem:$0x0];
	_ =	sdelay $0x2  }
0xc8: {  	s31 =	sshll.u32 s1, $0xD;
	s1 =	sshrl.u32 s1, $0x2  }
0xc9: {  	s3 =	sand.u32 $0x4000, s31;
	s1 =	sadd.s32 s1, s30  }
0xca: {  	s0 =	sor.u32 s3, s0;
	s1 =	sshll.u32 s1, $0x11  }
0xcb: {  	s0 =	sor.u32 s1, s0  }
0xcc: {  	s0 =	sadd.s32 $0x8F2B, s0  }
0xcd: {  	[sflag:s0] =	ssyncadd.remote.s32 $0x1  }
0xce: {  	_ =	sfence.sel $0xFFFF  }
0xcf: {  	[dreg:$0x0] =	wrdreg $0xFFFFFFFF;
	(pc) =	sbr.abs _section_cstart, $3  }
0xd0: {  	[dreg:$0x1] =	wrdreg $0xFFFFFFFF  }
0xd1: {  	_ =	task.clear_ibuf [dreg:s13], $0x2FFFF;
	_ =	strace $0x9FFFFFFF  }
0xd2: {  	(tm) =	ssettm $0x7FFFFFFF  }
0xd3: {  	_ =	shalt  }
tec
execute0_lowered:
.L_overlay_start_1:
0x0: {  	(tag) =	ssettag $0x1  }
0x1: {  	s0 =	rddreg [dreg:$0x0]  }
0x2: {  	s1 =	rddreg [dreg:$0x2]  }
0x3: {  	s2 =	rddreg [dreg:$0x3]  }
0x4: {  	s3 =	rddreg [dreg:$0x6]  }
0x5: {  	s6 =	rddreg [dreg:$0x7]  }
0x6: {  	s4 =	rddreg [dreg:$0x8]  }
0x7: {  	s7 =	srdreg.scid;
	s9 =	stileid.u32;
	s5 =	simm.s32 $0x0  }
0x8: {  	s28 =	simm.s32 $0x50;
	s29 =	simm.s32 $0x16300;
	s30 =	simm.s32 $0x17700  }
0x9: {  	s31 =	simm.s32 $0x1;
	s10 =	sand.u32 $0x1, s7;
	s19 =	sshll.u32 s9, $0x1  }
0xa: {  	[smem:$0x7FF] =	sst s5;
	s13 =	sadd.s32 $0x800, s0;
	s15 =	smul.u32 $0x280, s9  }
0xb: {  	p0 =	sne.s32 s9, $0x0;
	s7 =	sor.u32 s10, s19;
	_ =	strace $0x80000047  }
0xc: {  	s12 =	ssub.s32 $0x2, s10;
	[dreg:$0xa] =	wrdreg s13;
	s21 =	smul.u32 $0x140, s10  }
0xd: {  	s18 =	sshrl.u32 @!p0 s4, $0x3;
	s19 =	simm.s32 $0x3;
	s8 =	smul.u32 $0x2710, s7  }
0xe: {  	s11 =	sshll.u32 s7, $0x1;
	s7 =	smul.u32 $0x140, s7;
	s20 =	sshrl.u32 s12, $0x1  }
0xf: {  	s0 =	sadd.s32 s11, s0;
	s22 =	ssub.s32 s12, s20;
	s3 =	sadd.s32 s3, s11  }
0x10: {  	s25 =	sadd.s32 s6, s11;
	s20 =	simm.s32 $0x0;
	[dreg:$0xd] =	wrdreg s3  }
0x11: {  	s8 =	sshrl.u32 s8, $0x3;
	s14 =	sshrl.u32 s7, $0x3;
	[dreg:$0xe] =	wrdreg s25  }
0x12: {  	s0 =	sadd.s32 $0x14200, s0;
	s26 =	smax.u32 s22, $0x1;
	s25 =	simm.s32 $0x13B00  }
0x13: {  	s7 =	sadd.s32 s1, s8;
	s8 =	sadd.s32 s2, s14;
	[dreg:$0xf] =	wrdreg s0  }
0x14: {  	s1 =	sadd.s32 s21, s15;
	[dreg:$0x10] =	wrdreg s26;
	s23 =	sadd.s32 $0x9C40, s7  }
0x15: {  	s26 =	simm.s32 $0x14F00;
	s24 =	sadd.s32 $0x500, s8;
	[dreg:$0xb] =	wrdreg s23  }
0x16: {  	s2 =	sadd.s32 $0xFFFFD8F0, s1;
	s17 =	sadd.s32 $0xF0, s1;
	[dreg:$0xc] =	wrdreg s24  }
0x17: {  	v20 =	vimm.f32 $0.0e+00;
	vm0 =	vmxor vm0, vm0;
	s23 =	sadd.s32 $0xFFFFD940, s1;
	s24 =	simm.s32 $0x50A0;
	s1 =	simm.s32 $0x2  }
.LBB2_1:
0x18: {  	s0 =	simm.s32 @!p0 $0x1C03;
	s3 =	rddreg [dreg:$0xa]  }
0x19: {  	[spmem:s18], [sflag:s0] =	dma.local @!p0 [hbm:s3], $0x13880  }
0x1a: {  	s0 =	simm.s32 @!p0 $0x3  }
0x1b: {  	_ =	swait.ge @!p0 [sflag:s0], $0x13880  }
0x1c: {  	[sflag:s0] =	ssyncset.done @!p0 $0x0  }
0x1d: {  	[sflag:s0] =	ssyncadd.s32 @!p0 $0xFFFEC780  }
0x1e: {  	[tilespmem:s5], [sflag:$0x3] =	stream.linear.gather [hbm4b:s7+s5], $0x2710, $0x38;
	[tilespmem:$0x18B50] =	vst v63  }
0x1f: {  	_ =	swait.ge [sflag:s19], $0x2710  }
0x20: {  	[sflag:s19] =	ssyncset.done $0x0  }
0x21: {  	s12 =	simm.s32 $0x2850;
	s9 =	rddreg [dreg:$0xb];
	[sflag:s19] =	ssyncadd.s32 $0xFFFFD8F0  }
0x22: {  	[tilespmem:s12], [sflag:$0x3] =	stream.linear.gather [hbm4b:s9+s5], $0x2710, $0x38;
	[tilespmem:$0x18B50] =	vst v63  }
0x23: {  	_ =	swait.ge [sflag:s19], $0x2710  }
0x24: {  	[sflag:s19] =	ssyncset.done $0x0  }
0x25: {  	s10 =	simm.s32 $0x2710;
	[sflag:s19] =	ssyncadd.s32 $0xFFFFD8F0  }
0x26: {  	[tilespmem:s10], [sflag:$0x3] =	stream.linear.gather [hbm4b:s8+s5], $0x140, $0x38;
	[tilespmem:$0x18B50] =	vst v63  }
0x27: {  	_ =	swait.ge [sflag:s19], $0x140  }
0x28: {  	[sflag:s19] =	ssyncset.done $0x0  }
0x29: {  	s13 =	simm.s32 $0x4F60;
	s11 =	rddreg [dreg:$0xc];
	[sflag:s19] =	ssyncadd.s32 $0xFFFFFEC0  }
0x2a: {  	[tilespmem:s13], [sflag:$0x3] =	stream.linear.gather [hbm4b:s11+s5], $0x140, $0x38;
	[tilespmem:$0x18B50] =	vst v63  }
0x2b: {  	_ =	swait.ge [sflag:s19], $0x140  }
0x2c: {  	[sflag:s19] =	ssyncset.done $0x0  }
0x2d: {  	[sflag:s19] =	ssyncadd.s32 $0xFFFFFEC0  }
0x2e: {  	s15 =	simm.s32 $0x18B00;
	s14 =	rddreg [dreg:$0x4]  }
0x2f: {  	[tilespmem:s15], [sflag:$0x3] =	stream.linear.gather [hbm4b:s14+s5], $0x10, $0x38;
	[tilespmem:$0x18B50] =	vst v63  }
0x30: {  	_ =	swait.ge [sflag:s19], $0x10  }
0x31: {  	[sflag:s19] =	ssyncset.done $0x0  }
0x32: {  	[sflag:s19] =	ssyncadd.s32 $0xFFFFFFF0  }
0x33: {  	s21 =	simm.s32 $0x18B10;
	s16 =	rddreg [dreg:$0x5]  }
0x34: {  	[tilespmem:s21], [sflag:$0x3] =	stream.linear.gather [hbm4b:s16+s5], $0x10, $0x38;
	[tilespmem:$0x18B50] =	vst v63  }
0x35: {  	_ =	swait.ge [sflag:s19], $0x10  }
0x36: {  	[sflag:s19] =	ssyncset.done $0x0  }
0x37: {  	[sflag:s19] =	ssyncadd.s32 $0xFFFFFFF0  }
0x38: {  	s22 =	rddreg [dreg:$0x1]  }
0x39: {  	[tilespmem:s24], [sflag:$0x3] =	stream.linear.gather [hbm4b:s22+s5], $0x4E20, $0x38;
	[tilespmem:$0x18B50] =	vst v63  }
0x3a: {  	_ =	swait.ge [sflag:s19], $0x4E20  }
0x3b: {  	[sflag:s19] =	ssyncset.done $0x0  }
0x3c: {  	[sflag:s19] =	ssyncadd.s32 $0xFFFFB1E0  }
0x3d: {  	v2 =	vld [tilespmem:$0x18B10];
	_ =	sdelay $0x4  }
0x3e: {  	v0 =	vadd.s32 $0x1, v2  }
0x3f: {  	v1 =	vadd.s32 $0x2, v2;
	v21 =	vand.u32 $0x3F, v0;
	v0 =	vadd.s32 $0x3, v2  }
0x40: {  	v22 =	vand.u32 $0x3F, v1;
	v1 =	vadd.s32 $0x4, v2;
	v0 =	vand.u32 $0x3F, v0  }
0x41: {  	v3 =	vadd.s32 $0x5, v2;
	[tilespmem:$0x1FC30] =	vst v0;
	v0 =	vand.u32 $0x3F, v1  }
0x42: {  	[tilespmem:$0x1FC40] =	vst v0;
	v0 =	vand.u32 $0x3F, v3  }
0x43: {  	[tilespmem:$0x1FC50] =	vst v0;
	v0 =	vadd.s32 $0x6, v2  }
0x44: {  	v1 =	vadd.s32 $0x7, v2;
	v0 =	vand.u32 $0x3F, v0  }
0x45: {  	v3 =	vadd.s32 $0x8, v2;
	[tilespmem:$0x1FC60] =	vst v0;
	v0 =	vand.u32 $0x3F, v1  }
0x46: {  	v4 =	vand.u32 $0x7, v2;
	[tilespmem:$0x1FC70] =	vst v0;
	v0 =	vand.u32 $0x38, v3  }
0x47: {  	v0 =	vor.u32 v0, v4  }
0x48: {  	[tilespmem:$0x1FC80] =	vst v0;
	v0 =	vadd.s32 $0x9, v2  }
0x49: {  	v1 =	vadd.s32 $0xA, v2;
	v0 =	vand.u32 $0x3F, v0  }
0x4a: {  	[tilespmem:$0x1FC90] =	vst v0;
	v0 =	vand.u32 $0x3F, v1  }
0x4b: {  	[tilespmem:$0x1FCA0] =	vst v0;
	v0 =	vadd.s32 $0xB, v2  }
0x4c: {  	v0 =	vand.u32 $0x3F, v0  }
0x4d: {  	[tilespmem:$0x1FCB0] =	vst v0;
	v0 =	vadd.s32 $0xC, v2  }
0x4e: {  	v1 =	vadd.s32 $0xD, v2;
	v0 =	vand.u32 $0x3F, v0  }
0x4f: {  	[tilespmem:$0x1FCC0] =	vst v0;
	v0 =	vand.u32 $0x3F, v1  }
0x50: {  	[tilespmem:$0x1FCD0] =	vst v0;
	v0 =	vadd.s32 $0xE, v2  }
0x51: {  	v0 =	vand.u32 $0x3F, v0  }
0x52: {  	[tilespmem:$0x1FCE0] =	vst v0;
	v0 =	vadd.s32 $0xF, v2  }
0x53: {  	v1 =	vadd.s32 $0x10, v2;
	v0 =	vand.u32 $0x3F, v0  }
0x54: {  	[tilespmem:$0x1FCF0] =	vst v0;
	v0 =	vand.u32 $0x38, v1  }
0x55: {  	v1 =	vadd.s32 $0x11, v2;
	v0 =	vor.u32 v0, v4  }
0x56: {  	[tilespmem:$0x1FD00] =	vst v0;
	v0 =	vand.u32 $0x3F, v1  }
0x57: {  	[tilespmem:$0x1FD10] =	vst v0;
	v0 =	vadd.s32 $0x12, v2  }
0x58: {  	v0 =	vand.u32 $0x3F, v0  }
0x59: {  	[tilespmem:$0x1FD20] =	vst v0;
	v0 =	vadd.s32 $0x13, v2  }
0x5a: {  	v1 =	vadd.s32 $0x14, v2;
	v0 =	vand.u32 $0x3F, v0  }
0x5b: {  	[tilespmem:$0x1FD30] =	vst v0;
	v0 =	vand.u32 $0x3F, v1  }
0x5c: {  	[tilespmem:$0x1FD40] =	vst v0;
	v0 =	vadd.s32 $0x15, v2  }
0x5d: {  	v0 =	vand.u32 $0x3F, v0  }
0x5e: {  	[tilespmem:$0x1FD50] =	vst v0;
	v0 =	vadd.s32 $0x16, v2  }
0x5f: {  	v1 =	vadd.s32 $0x17, v2;
	v0 =	vand.u32 $0x3F, v0  }
0x60: {  	[tilespmem:$0x1FD60] =	vst v0;
	v0 =	vand.u32 $0x3F, v1  }
0x61: {  	[tilespmem:$0x1FD70] =	vst v0;
	v0 =	vadd.s32 $0x18, v2  }
0x62: {  	v0 =	vand.u32 $0x38, v0  }
0x63: {  	v1 =	vadd.s32 $0x19, v2;
	v0 =	vor.u32 v0, v4  }
0x64: {  	v3 =	vadd.s32 $0x1A, v2;
	[tilespmem:$0x1FD80] =	vst v0;
	v0 =	vand.u32 $0x3F, v1  }
0x65: {  	[tilespmem:$0x1FD90] =	vst v0;
	v0 =	vand.u32 $0x3F, v3  }
0x66: {  	[tilespmem:$0x1FDA0] =	vst v0;
	v0 =	vadd.s32 $0x1B, v2  }
0x67: {  	v1 =	vadd.s32 $0x1C, v2;
	v0 =	vand.u32 $0x3F, v0  }
0x68: {  	v3 =	vadd.s32 $0x1D, v2;
	[tilespmem:$0x1FDB0] =	vst v0;
	v0 =	vand.u32 $0x3F, v1  }
0x69: {  	[tilespmem:$0x1FDC0] =	vst v0;
	v0 =	vand.u32 $0x3F, v3  }
0x6a: {  	[tilespmem:$0x1FDD0] =	vst v0;
	v0 =	vadd.s32 $0x1E, v2  }
0x6b: {  	v1 =	vadd.s32 $0x1F, v2;
	v0 =	vand.u32 $0x3F, v0  }
0x6c: {  	v5 =	vxor.u32 $0x20, v2;
	[tilespmem:$0x1FDE0] =	vst v0;
	v0 =	vand.u32 $0x3F, v1  }
0x6d: {  	[tilespmem:$0x1FDF0] =	vst v0;
	v0 =	vand.u32 $0x38, v5  }
0x6e: {  	v0 =	vor.u32 v0, v4  }
0x6f: {  	[tilespmem:$0x1FE00] =	vst v0;
	v0 =	vadd.s32 $0x1, v5  }
0x70: {  	v1 =	vadd.s32 $0x2, v5;
	v0 =	vand.u32 $0x3F, v0  }
0x71: {  	[tilespmem:$0x1FE10] =	vst v0;
	v0 =	vand.u32 $0x3F, v1  }
0x72: {  	[tilespmem:$0x1FE20] =	vst v0;
	v0 =	vadd.s32 $0x3, v5  }
0x73: {  	v0 =	vand.u32 $0x3F, v0  }
0x74: {  	[tilespmem:$0x1FE30] =	vst v0;
	v0 =	vadd.s32 $0x4, v5  }
0x75: {  	v1 =	vadd.s32 $0x5, v5;
	v0 =	vand.u32 $0x3F, v0  }
0x76: {  	[tilespmem:$0x1FE40] =	vst v0;
	v0 =	vand.u32 $0x3F, v1  }
0x77: {  	[tilespmem:$0x1FE50] =	vst v0;
	v0 =	vadd.s32 $0x6, v5  }
0x78: {  	v0 =	vand.u32 $0x3F, v0  }
0x79: {  	[tilespmem:$0x1FE60] =	vst v0;
	v0 =	vadd.s32 $0x7, v5  }
0x7a: {  	v1 =	vadd.s32 $0x8, v5;
	v0 =	vand.u32 $0x3F, v0  }
0x7b: {  	[tilespmem:$0x1FE70] =	vst v0;
	v0 =	vand.u32 $0x38, v1  }
0x7c: {  	v1 =	vadd.s32 $0x9, v5;
	v0 =	vor.u32 v0, v4  }
0x7d: {  	[tilespmem:$0x1FE80] =	vst v0;
	v0 =	vand.u32 $0x3F, v1  }
0x7e: {  	[tilespmem:$0x1FE90] =	vst v0;
	v0 =	vadd.s32 $0xA, v5  }
0x7f: {  	v0 =	vand.u32 $0x3F, v0  }
0x80: {  	[tilespmem:$0x1FEA0] =	vst v0;
	v0 =	vadd.s32 $0xB, v5  }
0x81: {  	v1 =	vadd.s32 $0xC, v5;
	v0 =	vand.u32 $0x3F, v0  }
0x82: {  	[tilespmem:$0x1FEB0] =	vst v0;
	v0 =	vand.u32 $0x3F, v1  }
0x83: {  	[tilespmem:$0x1FEC0] =	vst v0;
	v0 =	vadd.s32 $0xD, v5  }
0x84: {  	v0 =	vand.u32 $0x3F, v0  }
0x85: {  	[tilespmem:$0x1FED0] =	vst v0;
	v0 =	vadd.s32 $0xE, v5  }
0x86: {  	v0 =	vand.u32 $0x3F, v0  }
0x87: {  	v1 =	vadd.s32 $0x10, v5;
	[tilespmem:$0x1FEE0] =	vst v0;
	v0 =	vadd.s32 $0xF, v5  }
0x88: {  	v1 =	vand.u32 $0x38, v1;
	v0 =	vand.u32 $0x3F, v0  }
0x89: {  	[tilespmem:$0x1FEF0] =	vst v0;
	v0 =	vor.u32 v1, v4  }
0x8a: {  	[tilespmem:$0x1FF00] =	vst v0;
	v0 =	vadd.s32 $0x11, v5  }
0x8b: {  	v0 =	vand.u32 $0x3F, v0  }
0x8c: {  	[tilespmem:$0x1FF10] =	vst v0;
	v0 =	vadd.s32 $0x12, v5  }
0x8d: {  	[tilespmem:$0x18B20] =	vst v20;
	v1 =	vadd.s32 $0x13, v5;
	v0 =	vand.u32 $0x3F, v0  }
0x8e: {  	[tilespmem:$0x1FF20] =	vst v0;
	v0 =	vand.u32 $0x3F, v1  }
0x8f: {  	[tilespmem:$0x1FF30] =	vst v0;
	v0 =	vadd.s32 $0x14, v5  }
0x90: {  	[tilespmem:$0x18B30] =	vst v20;
	v0 =	vand.u32 $0x3F, v0  }
0x91: {  	[tilespmem:$0x1FF40] =	vst v0;
	v0 =	vadd.s32 $0x15, v5  }
0x92: {  	[tilespmem:$0x18B40] =	vst v20;
	v1 =	vadd.s32 $0x16, v5;
	v0 =	vand.u32 $0x3F, v0  }
0x93: {  	[tilespmem:$0x1FF50] =	vst v0;
	v0 =	vand.u32 $0x3F, v1  }
0x94: {  	[tilespmem:$0x1FF60] =	vst v0;
	v0 =	vadd.s32 $0x18, v5  }
0x95: {  	v3 =	vld [tilespmem:$0x18B00];
	[bflag:$0x0] =	sbarrier.arrive $0xFFFF;
	v0 =	vand.u32 $0x38, v0  }
0x96: {  	v6 =	vadd.s32 $0x19, v5;
	[tilespmem:s25], [sflag:$0x1] =	stream.indirect.gather [spmem:s4], $0x40, s5, s28, $0xb8;
	v0 =	vor.u32 v0, v4;
	[tilespmem:$0x18B50] =	vst v63  }
0x97: {  	v1 =	vadd.s32 $0x17, v5;
	[tilespmem:$0x1FF80] =	vst v0;
	v0 =	vand.u32 $0x3F, v6  }
0x98: {  	v1 =	vand.u32 $0x3F, v1;
	[tilespmem:$0x1FF90] =	vst v0;
	v0 =	vadd.s32 $0x1A, v5  }
0x99: {  	[tilespmem:$0x1FF70] =	vst v1;
	v1 =	vadd.s32 $0x1B, v5;
	v0 =	vand.u32 $0x3F, v0  }
0x9a: {  	v4 =	vadd.s32 $0x1C, v5;
	[tilespmem:$0x1FFA0] =	vst v0;
	v0 =	vand.u32 $0x3F, v1  }
0x9b: {  	[tilespmem:$0x1FFB0] =	vst v0;
	v0 =	vand.u32 $0x3F, v4  }
0x9c: {  	[tilespmem:$0x1FFC0] =	vst v0;
	v0 =	vadd.s32 $0x1D, v5  }
0x9d: {  	[tilespmem:s26], [sflag:$0x1] =	stream.indirect.gather [spmem:s4], $0x40, s12, s28, $0xb8;
	v1 =	vadd.s32 $0x1E, v5;
	v0 =	vand.u32 $0x3F, v0;
	[tilespmem:$0x18B50] =	vst v63  }
0x9e: {  	v4 =	vadd.s32 $0x1F, v5;
	[tilespmem:$0x1FFD0] =	vst v0;
	v0 =	vand.u32 $0x3F, v1  }
0x9f: {  	s6 =	simm.s32 $0x0;
	s0 =	simm.s32 $0x50;
	s13 =	simm.s32 $0x0;
	[tilespmem:$0x1FFE0] =	vst v0;
	v0 =	vand.u32 $0x3F, v4  }
0xa0: {  	s15 =	smov.u32 s2;
	s16 =	smov.u32 s23;
	s22 =	simm.s32 $0x28A0;
	[tilespmem:$0x1FFF0] =	vst v0  }
.LBB2_2:
0xa1: {  	s9 =	sshllo.u32 s6, $0x1  }
0xa2: {  	s3 =	smul.u32 $0x50, s9;
	_ =	sdelay $0x1  }
0xa3: {  	[tilespmem:s29], [sflag:$0x2] =	stream.indirect.gather [spmem:s4], $0x40, s3, s28, $0xb8;
	[tilespmem:$0x18B50] =	vst v63  }
0xa4: {  	s3 =	sadd.s32 $0x2850, s3  }
0xa5: {  	[tilespmem:s30], [sflag:$0x2] =	stream.indirect.gather [spmem:s4], $0x40, s3, s28, $0xb8;
	[tilespmem:$0x18B50] =	vst v63  }
0xa6: {  	_ =	swait.ge [sflag:s31], $0x1400  }
0xa7: {  	[sflag:s31] =	ssyncset.done $0x0  }
0xa8: {  	[sflag:s31] =	ssyncadd.s32 $0xFFFFEC00  }
0xa9: {  	_ =	swait.ge [sflag:s31], $0x1400  }
0xaa: {  	v11 =	vld [tilespmem:$0x1FC30]  }
0xab: {  	v13 =	vld [tilespmem:$0x1FC40]  }
0xac: {  	v15 =	vld [tilespmem:$0x1FC50]  }
0xad: {  	v16 =	vld [tilespmem:$0x1FC60]  }
0xae: {  	v19 =	vld [tilespmem:$0x1FC70]  }
0xaf: {  	v50 =	vld [tilespmem:$0x1FDC0]  }
0xb0: {  	v51 =	vld [tilespmem:$0x1FDD0]  }
0xb1: {  	v52 =	vld [tilespmem:$0x1FDE0]  }
0xb2: {  	v53 =	vld [tilespmem:$0x1FDF0]  }
0xb3: {  	v54 =	vld [tilespmem:$0x1FE00]  }
0xb4: {  	v55 =	vld [tilespmem:$0x1FE10]  }
0xb5: {  	v56 =	vld [tilespmem:$0x1FE20]  }
0xb6: {  	v57 =	vld [tilespmem:$0x1FE30]  }
0xb7: {  	v58 =	vld [tilespmem:$0x1FE40]  }
0xb8: {  	v59 =	vld [tilespmem:$0x1FE50]  }
0xb9: {  	v60 =	vld [tilespmem:$0x1FE60]  }
0xba: {  	v61 =	vld [tilespmem:$0x1FE70]  }
0xbb: {  	v62 =	vld [tilespmem:$0x1FE80]  }
0xbc: {  	v63 =	vld [tilespmem:$0x1FE90]  }
0xbd: {  	v1 =	vld [tilespmem:$0x1FEA0]  }
0xbe: {  	v0 =	vld [tilespmem:$0x1FEB0]  }
0xbf: {  	v25 =	vld [tilespmem:$0x1FEC0]  }
0xc0: {  	v26 =	vld [tilespmem:$0x1FED0]  }
0xc1: {  	v27 =	vld [tilespmem:$0x1FEE0]  }
0xc2: {  	v28 =	vld [tilespmem:$0x1FEF0]  }
0xc3: {  	v29 =	vld [tilespmem:$0x1FF00]  }
0xc4: {  	v30 =	vld [tilespmem:$0x1FF10]  }
0xc5: {  	v31 =	vld [tilespmem:$0x1FF20]  }
0xc6: {  	v32 =	vld [tilespmem:$0x1FF30]  }
0xc7: {  	v33 =	vld [tilespmem:$0x1FF40]  }
0xc8: {  	v34 =	vld [tilespmem:$0x1FF50]  }
0xc9: {  	v35 =	vld [tilespmem:$0x1FF60]  }
0xca: {  	v36 =	vld [tilespmem:$0x1FF70]  }
0xcb: {  	v37 =	vld [tilespmem:$0x1FF80]  }
0xcc: {  	v38 =	vld [tilespmem:$0x1FF90]  }
0xcd: {  	v39 =	vld [tilespmem:$0x1FFA0]  }
0xce: {  	v40 =	vld [tilespmem:$0x1FFB0]  }
0xcf: {  	v41 =	vld [tilespmem:$0x1FFC0]  }
0xd0: {  	p1 =	sne.s32 s6, $0x3F;
	v42 =	vld [tilespmem:$0x1FFD0]  }
0xd1: {  	vm1 =	vmmov vm0;
	s10 =	smul.u32 $0xA0, s6;
	s11 =	simm.s32 $0x0;
	[sflag:s31] =	ssyncset.done $0x0;
	v43 =	vld [tilespmem:$0x1FFE0]  }
0xd2: {  	s21 =	smov.u32 s12;
	vm1 =	vmneg @p1 vm1;
	s3 =	smov.u32 s13;
	v44 =	vld [tilespmem:$0x1FFF0];
	[sflag:s31] =	ssyncadd.s32 $0xFFFFEC00  }
.LBB2_3:
0xd3: {  	v4 =	vadd.s32 s11, v2  }
0xd4: {  	v6 =	vshll.u32 v4, $0x6  }
0xd5: {  	v7 =	vadd.s32 v2, v6;
	_ =	sdelay $0x1  }
0xd6: {  	v8 =	vor.u32 v21, v6;
	_ =	sdelay $0x1  }
0xd7: {  	v20 =	vld [tilespmem:$0x1FC80];
	v9 =	vor.u32 v22, v6  }
0xd8: {  	v10 =	vld.idx.msk [tilespmem:v7+s25+$0x0], $0xffff  }
0xd9: {  	v46 =	vmov v13;
	v13 =	vor.u32 v13, v6;
	v7 =	vld.idx.msk [tilespmem:v7+s26+$0x0], $0xffff  }
0xda: {  	v45 =	vmov v11;
	v11 =	vor.u32 v11, v6;
	v12 =	vld.idx.msk [tilespmem:v8+s25+$0x0], $0xffff  }
0xdb: {  	v8 =	vld.idx.msk [tilespmem:v8+s26+$0x0], $0xffff  }
0xdc: {  	v14 =	vld.idx.msk [tilespmem:v9+s25+$0x0], $0xffff  }
0xdd: {  	v47 =	vmov v15;
	v15 =	vor.u32 v15, v6;
	v9 =	vld.idx.msk [tilespmem:v9+s26+$0x0], $0xffff  }
0xde: {  	v18 =	vld.idx.msk [tilespmem:v13+s25+$0x0], $0xffff  }
0xdf: {  	v48 =	vmov v16;
	v16 =	vor.u32 v16, v6;
	v7 =	vmul.bf16 v7, v10;
	v10 =	vld.idx.msk [tilespmem:v11+s25+$0x0], $0xffff  }
0xe0: {  	v11 =	vld.idx.msk [tilespmem:v11+s26+$0x0], $0xffff  }
0xe1: {  	v8 =	vmul.bf16 v8, v12;
	v12 =	vld.idx.msk [tilespmem:v13+s26+$0x0], $0xffff;
	v17 =	vunpack.i.u.bf16.f32 v7;
	v7 =	vunpack.i.l.bf16.f32 v7  }
0xe2: {  	v9 =	vmul.bf16 v9, v14;
	v14 =	vld.idx.msk [tilespmem:v15+s25+$0x0], $0xffff;
	v7 =	vadd.f32 $0.0e+00, v7;
	v17 =	vadd.f32 $0.0e+00, v17  }
0xe3: {  	v49 =	vmovc v19;
	v13 =	vor.u32 v19, v6;
	v15 =	vld.idx.msk [tilespmem:v15+s26+$0x0], $0xffff;
	v19 =	vunpack.i.u.bf16.f32 v8;
	v8 =	vunpack.i.l.bf16.f32 v8  }
0xe4: {  	v20 =	vor.u32 v20, v6;
	v7 =	vadd.f32 v8, v7;
	v8 =	vadd.f32 v19, v17;
	v19 =	vld.idx.msk [tilespmem:v16+s25+$0x0], $0xffff  }
0xe5: {  	v10 =	vmul.bf16 v11, v10;
	v11 =	vld.idx.msk [tilespmem:v16+s26+$0x0], $0xffff  }
0xe6: {  	v16 =	vld [tilespmem:$0x1FC90]  }
0xe7: {  	v17 =	vunpack.i.u.bf16.f32 v9;
	v9 =	vunpack.i.l.bf16.f32 v9  }
0xe8: {  	v7 =	vadd.f32 v9, v7;
	v8 =	vadd.f32 v17, v8;
	v9 =	vmul.bf16 v12, v18;
	v18 =	vld [tilespmem:$0x1FCA0]  }
0xe9: {  	v14 =	vmul.bf16 v15, v14;
	v15 =	vld.idx.msk [tilespmem:v20+s26+$0x0], $0xffff;
	v17 =	vunpack.i.u.bf16.f32 v10  }
0xea: {  	v8 =	vadd.f32 v17, v8;
	v17 =	vld.idx.msk [tilespmem:v20+s25+$0x0], $0xffff  }
0xeb: {  	v10 =	vunpack.i.l.bf16.f32 v10;
	v20 =	vld [tilespmem:$0x1FCB0];
	v16 =	vor.u32 v16, v6  }
0xec: {  	v12 =	vld.idx.msk [tilespmem:v13+s25+$0x0], $0xffff;
	v7 =	vadd.f32 v10, v7  }
0xed: {  	v13 =	vld.idx.msk [tilespmem:v13+s26+$0x0], $0xffff;
	v10 =	vunpack.i.u.bf16.f32 v9;
	v9 =	vunpack.i.l.bf16.f32 v9;
	v18 =	vor.u32 v18, v6  }
0xee: {  	v7 =	vadd.f32 v9, v7;
	v9 =	vmul.bf16 v11, v19;
	v19 =	vld [tilespmem:$0x1FCC0];
	_ =	sdelay $0x1  }
0xef: {  	v8 =	vadd.f32 v10, v8;
	v20 =	vor.u32 v20, v6;
	v10 =	vld.idx.msk [tilespmem:v16+s25+$0x0], $0xffff  }
0xf0: {  	v11 =	vunpack.i.u.bf16.f32 v14;
	v14 =	vunpack.i.l.bf16.f32 v14;
	v16 =	vld.idx.msk [tilespmem:v16+s26+$0x0], $0xffff  }
0xf1: {  	v7 =	vadd.f32 v14, v7;
	v14 =	vld.idx.msk [tilespmem:v18+s25+$0x0], $0xffff  }
0xf2: {  	v12 =	vmul.bf16 v13, v12;
	v8 =	vadd.f32 v11, v8;
	v19 =	vor.u32 v19, v6;
	v13 =	vld.idx.msk [tilespmem:v18+s26+$0x0], $0xffff  }
0xf3: {  	v11 =	vunpack.i.u.bf16.f32 v9;
	v18 =	vld [tilespmem:$0x1FCD0]  }
0xf4: {  	v9 =	vunpack.i.l.bf16.f32 v9;
	v8 =	vadd.f32 v11, v8;
	v11 =	vld.idx.msk [tilespmem:v20+s25+$0x0], $0xffff  }
0xf5: {  	v7 =	vadd.f32 v9, v7;
	v9 =	vmul.bf16 v15, v17;
	v17 =	vld.idx.msk [tilespmem:v20+s26+$0x0], $0xffff  }
0xf6: {  	v15 =	vunpack.i.u.bf16.f32 v12;
	v20 =	vld [tilespmem:$0x1FCE0]  }
0xf7: {  	v8 =	vadd.f32 v15, v8;
	v15 =	vld.idx.msk [tilespmem:v19+s25+$0x0], $0xffff  }
0xf8: {  	v10 =	vmul.bf16 v16, v10;
	v16 =	vld.idx.msk [tilespmem:v19+s26+$0x0], $0xffff;
	v18 =	vor.u32 v18, v6  }
0xf9: {  	v19 =	vld [tilespmem:$0x1FCF0];
	_ =	sdelay $0x1  }
0xfa: {  	v12 =	vunpack.i.l.bf16.f32 v12;
	v20 =	vor.u32 v20, v6  }
0xfb: {  	v7 =	vadd.f32 v12, v7;
	v12 =	vunpack.i.u.bf16.f32 v9  }
0xfc: {  	v9 =	vunpack.i.l.bf16.f32 v9;
	v8 =	vadd.f32 v12, v8;
	v12 =	vld.idx.msk [tilespmem:v18+s25+$0x0], $0xffff  }
0xfd: {  	v7 =	vadd.f32 v9, v7;
	v9 =	vmul.bf16 v13, v14;
	v19 =	vor.u32 v19, v6;
	v14 =	vld.idx.msk [tilespmem:v18+s26+$0x0], $0xffff  }
0xfe: {  	v13 =	vunpack.i.u.bf16.f32 v10;
	v18 =	vld [tilespmem:$0x1FD00]  }
0xff: {  	v8 =	vadd.f32 v13, v8;
	v13 =	vld.idx.msk [tilespmem:v20+s25+$0x0], $0xffff  }
0x100: {  	v10 =	vunpack.i.l.bf16.f32 v10;
	v11 =	vmul.bf16 v17, v11;
	v17 =	vld.idx.msk [tilespmem:v20+s26+$0x0], $0xffff  }
0x101: {  	v7 =	vadd.f32 v10, v7;
	v10 =	vunpack.i.u.bf16.f32 v9;
	v20 =	vld [tilespmem:$0x1FD10]  }
0x102: {  	v9 =	vunpack.i.l.bf16.f32 v9;
	v8 =	vadd.f32 v10, v8;
	v10 =	vld.idx.msk [tilespmem:v19+s25+$0x0], $0xffff  }
0x103: {  	v7 =	vadd.f32 v9, v7;
	v9 =	vmul.bf16 v16, v15;
	v16 =	vld.idx.msk [tilespmem:v19+s26+$0x0], $0xffff;
	v18 =	vor.u32 v18, v6  }
0x104: {  	v19 =	vld [tilespmem:$0x1FD20];
	_ =	sdelay $0x1  }
0x105: {  	v20 =	vor.u32 v20, v6  }
0x106: {  	v15 =	vunpack.i.u.bf16.f32 v11  }
0x107: {  	v8 =	vadd.f32 v15, v8;
	v15 =	vld.idx.msk [tilespmem:v18+s25+$0x0], $0xffff  }
0x108: {  	v11 =	vunpack.i.l.bf16.f32 v11;
	v12 =	vmul.bf16 v14, v12;
	v19 =	vor.u32 v19, v6;
	v14 =	vld.idx.msk [tilespmem:v18+s26+$0x0], $0xffff  }
0x109: {  	v7 =	vadd.f32 v11, v7;
	v11 =	vunpack.i.u.bf16.f32 v9;
	v18 =	vld [tilespmem:$0x1FD30]  }
0x10a: {  	v9 =	vunpack.i.l.bf16.f32 v9;
	v8 =	vadd.f32 v11, v8;
	v11 =	vld.idx.msk [tilespmem:v20+s25+$0x0], $0xffff  }
0x10b: {  	v7 =	vadd.f32 v9, v7;
	v9 =	vmul.bf16 v17, v13;
	v17 =	vld.idx.msk [tilespmem:v20+s26+$0x0], $0xffff  }
0x10c: {  	v13 =	vunpack.i.u.bf16.f32 v12;
	v20 =	vld [tilespmem:$0x1FD40]  }
0x10d: {  	v8 =	vadd.f32 v13, v8;
	v13 =	vld.idx.msk [tilespmem:v19+s25+$0x0], $0xffff  }
0x10e: {  	v10 =	vmul.bf16 v16, v10;
	v16 =	vld.idx.msk [tilespmem:v19+s26+$0x0], $0xffff;
	v18 =	vor.u32 v18, v6  }
0x10f: {  	v19 =	vld [tilespmem:$0x1FD50];
	_ =	sdelay $0x1  }
0x110: {  	v12 =	vunpack.i.l.bf16.f32 v12;
	v20 =	vor.u32 v20, v6  }
0x111: {  	v7 =	vadd.f32 v12, v7;
	v12 =	vunpack.i.u.bf16.f32 v9  }
0x112: {  	v9 =	vunpack.i.l.bf16.f32 v9;
	v8 =	vadd.f32 v12, v8;
	v12 =	vld.idx.msk [tilespmem:v18+s25+$0x0], $0xffff  }
0x113: {  	v7 =	vadd.f32 v9, v7;
	v9 =	vmul.bf16 v14, v15;
	v19 =	vor.u32 v19, v6;
	v15 =	vld.idx.msk [tilespmem:v18+s26+$0x0], $0xffff  }
0x114: {  	v14 =	vunpack.i.u.bf16.f32 v10;
	v18 =	vld [tilespmem:$0x1FD60]  }
0x115: {  	v8 =	vadd.f32 v14, v8;
	v14 =	vld.idx.msk [tilespmem:v20+s25+$0x0], $0xffff  }
0x116: {  	v10 =	vunpack.i.l.bf16.f32 v10;
	v11 =	vmul.bf16 v17, v11;
	v17 =	vld.idx.msk [tilespmem:v20+s26+$0x0], $0xffff  }
0x117: {  	v7 =	vadd.f32 v10, v7;
	v10 =	vunpack.i.u.bf16.f32 v9;
	v20 =	vld [tilespmem:$0x1FD70]  }
0x118: {  	v9 =	vunpack.i.l.bf16.f32 v9;
	v8 =	vadd.f32 v10, v8;
	v10 =	vld.idx.msk [tilespmem:v19+s25+$0x0], $0xffff  }
0x119: {  	v7 =	vadd.f32 v9, v7;
	v9 =	vmul.bf16 v16, v13;
	v16 =	vld.idx.msk [tilespmem:v19+s26+$0x0], $0xffff;
	v18 =	vor.u32 v18, v6  }
0x11a: {  	v19 =	vld [tilespmem:$0x1FD80];
	_ =	sdelay $0x1  }
0x11b: {  	v20 =	vor.u32 v20, v6  }
0x11c: {  	v13 =	vunpack.i.u.bf16.f32 v11  }
0x11d: {  	v8 =	vadd.f32 v13, v8;
	v13 =	vld.idx.msk [tilespmem:v18+s25+$0x0], $0xffff  }
0x11e: {  	v11 =	vunpack.i.l.bf16.f32 v11;
	v12 =	vmul.bf16 v15, v12;
	v19 =	vor.u32 v19, v6;
	v15 =	vld.idx.msk [tilespmem:v18+s26+$0x0], $0xffff  }
0x11f: {  	v7 =	vadd.f32 v11, v7;
	v11 =	vunpack.i.u.bf16.f32 v9;
	v18 =	vld [tilespmem:$0x1FD90]  }
0x120: {  	v9 =	vunpack.i.l.bf16.f32 v9;
	v8 =	vadd.f32 v11, v8;
	v11 =	vld.idx.msk [tilespmem:v20+s25+$0x0], $0xffff  }
0x121: {  	v7 =	vadd.f32 v9, v7;
	v9 =	vmul.bf16 v17, v14;
	v17 =	vld.idx.msk [tilespmem:v20+s26+$0x0], $0xffff  }
0x122: {  	v14 =	vunpack.i.u.bf16.f32 v12;
	v20 =	vld [tilespmem:$0x1FDA0]  }
0x123: {  	v8 =	vadd.f32 v14, v8;
	v14 =	vld.idx.msk [tilespmem:v19+s25+$0x0], $0xffff  }
0x124: {  	v10 =	vmul.bf16 v16, v10;
	v16 =	vld.idx.msk [tilespmem:v19+s26+$0x0], $0xffff  }
0x125: {  	v19 =	vld [tilespmem:$0x1FDB0]  }
0x126: {  	v18 =	vor.u32 v18, v6;
	_ =	sdelay $0x1  }
0x127: {  	v12 =	vunpack.i.l.bf16.f32 v12;
	v20 =	vor.u32 v20, v6  }
0x128: {  	v5 =	vld [tilespmem:s21+$0x0];
	v7 =	vadd.f32 v12, v7  }
0x129: {  	v4 =	vld [tilespmem:s3+$0x0];
	v12 =	vunpack.i.u.bf16.f32 v9;
	v9 =	vunpack.i.l.bf16.f32 v9;
	v19 =	vor.u32 v19, v6  }
0x12a: {  	v7 =	vadd.f32 v9, v7;
	v8 =	vadd.f32 v12, v8;
	v9 =	vmul.bf16 v15, v13;
	v12 =	vld.idx.msk [tilespmem:v18+s25+$0x0], $0xffff  }
0x12b: {  	v13 =	vunpack.i.u.bf16.f32 v10;
	v10 =	vunpack.i.l.bf16.f32 v10;
	v15 =	vld.idx.msk [tilespmem:v18+s26+$0x0], $0xffff;
	v18 =	vor.u32 v50, v6  }
0x12c: {  	v7 =	vadd.f32 v10, v7;
	v8 =	vadd.f32 v13, v8;
	v10 =	vunpack.i.u.bf16.f32 v9;
	v13 =	vld.idx.msk [tilespmem:v20+s25+$0x0], $0xffff  }
0x12d: {  	v9 =	vunpack.i.l.bf16.f32 v9;
	v11 =	vmul.bf16 v17, v11;
	v17 =	vld.idx.msk [tilespmem:v20+s26+$0x0], $0xffff;
	v20 =	vor.u32 v51, v6  }
0x12e: {  	v7 =	vadd.f32 v9, v7;
	v8 =	vadd.f32 v10, v8;
	v9 =	vmul.bf16 v16, v14;
	v10 =	vld.idx.msk [tilespmem:v19+s25+$0x0], $0xffff  }
0x12f: {  	v14 =	vunpack.i.u.bf16.f32 v11;
	v11 =	vunpack.i.l.bf16.f32 v11;
	v16 =	vld.idx.msk [tilespmem:v19+s26+$0x0], $0xffff;
	v19 =	vor.u32 v52, v6  }
0x130: {  	v7 =	vadd.f32 v11, v7;
	v8 =	vadd.f32 v14, v8;
	v11 =	vunpack.i.u.bf16.f32 v9;
	v14 =	vld.idx.msk [tilespmem:v18+s25+$0x0], $0xffff  }
0x131: {  	v9 =	vunpack.i.l.bf16.f32 v9;
	v12 =	vmul.bf16 v15, v12;
	v15 =	vld.idx.msk [tilespmem:v18+s26+$0x0], $0xffff;
	v18 =	vor.u32 v53, v6  }
0x132: {  	v7 =	vadd.f32 v9, v7;
	v8 =	vadd.f32 v11, v8;
	v9 =	vmul.bf16 v17, v13;
	v11 =	vld.idx.msk [tilespmem:v20+s25+$0x0], $0xffff  }
0x133: {  	v13 =	vunpack.i.u.bf16.f32 v12;
	v12 =	vunpack.i.l.bf16.f32 v12;
	v17 =	vld.idx.msk [tilespmem:v20+s26+$0x0], $0xffff;
	v20 =	vor.u32 v54, v6  }
0x134: {  	v7 =	vadd.f32 v12, v7;
	v8 =	vadd.f32 v13, v8;
	v12 =	vunpack.i.u.bf16.f32 v9;
	v13 =	vld.idx.msk [tilespmem:v19+s25+$0x0], $0xffff  }
0x135: {  	v9 =	vunpack.i.l.bf16.f32 v9;
	v10 =	vmul.bf16 v16, v10;
	v16 =	vld.idx.msk [tilespmem:v19+s26+$0x0], $0xffff;
	v19 =	vor.u32 v55, v6  }
0x136: {  	v7 =	vadd.f32 v9, v7;
	v8 =	vadd.f32 v12, v8;
	v9 =	vmul.bf16 v15, v14;
	v12 =	vld.idx.msk [tilespmem:v18+s25+$0x0], $0xffff  }
0x137: {  	v15 =	vld.idx.msk [tilespmem:v18+s26+$0x0], $0xffff;
	v18 =	vor.u32 v56, v6;
	v14 =	vunpack.i.u.bf16.f32 v10;
	v10 =	vunpack.i.l.bf16.f32 v10  }
0x138: {  	v7 =	vadd.f32 v10, v7;
	v8 =	vadd.f32 v14, v8;
	v10 =	vunpack.i.u.bf16.f32 v9;
	v14 =	vld.idx.msk [tilespmem:v20+s25+$0x0], $0xffff  }
0x139: {  	v9 =	vunpack.i.l.bf16.f32 v9;
	v11 =	vmul.bf16 v17, v11;
	v17 =	vld.idx.msk [tilespmem:v20+s26+$0x0], $0xffff;
	v20 =	vor.u32 v57, v6  }
0x13a: {  	v7 =	vadd.f32 v9, v7;
	v8 =	vadd.f32 v10, v8;
	v9 =	vmul.bf16 v16, v13;
	v10 =	vld.idx.msk [tilespmem:v19+s25+$0x0], $0xffff  }
0x13b: {  	v13 =	vunpack.i.u.bf16.f32 v11;
	v11 =	vunpack.i.l.bf16.f32 v11;
	v16 =	vld.idx.msk [tilespmem:v19+s26+$0x0], $0xffff;
	v19 =	vor.u32 v58, v6  }
0x13c: {  	v12 =	vmul.bf16 v15, v12;
	v15 =	vld.idx.msk [tilespmem:v18+s26+$0x0], $0xffff;
	v7 =	vadd.f32 v11, v7;
	v8 =	vadd.f32 v13, v8  }
0x13d: {  	v11 =	vunpack.i.u.bf16.f32 v9;
	v13 =	vld.idx.msk [tilespmem:v18+s25+$0x0], $0xffff;
	v9 =	vunpack.i.l.bf16.f32 v9;
	v18 =	vor.u32 v59, v6  }
0x13e: {  	v7 =	vadd.f32 v9, v7;
	v8 =	vadd.f32 v11, v8;
	v9 =	vmul.bf16 v17, v14;
	v11 =	vld.idx.msk [tilespmem:v20+s25+$0x0], $0xffff  }
0x13f: {  	v14 =	vunpack.i.u.bf16.f32 v12;
	v12 =	vunpack.i.l.bf16.f32 v12;
	v17 =	vld.idx.msk [tilespmem:v20+s26+$0x0], $0xffff;
	v20 =	vor.u32 v60, v6  }
0x140: {  	v10 =	vmul.bf16 v16, v10;
	v16 =	vld.idx.msk [tilespmem:v19+s26+$0x0], $0xffff;
	v7 =	vadd.f32 v12, v7;
	v8 =	vadd.f32 v14, v8  }
0x141: {  	v12 =	vunpack.i.u.bf16.f32 v9;
	v14 =	vld.idx.msk [tilespmem:v19+s25+$0x0], $0xffff;
	v9 =	vunpack.i.l.bf16.f32 v9;
	v19 =	vor.u32 v61, v6  }
0x142: {  	v7 =	vadd.f32 v9, v7;
	v8 =	vadd.f32 v12, v8;
	v9 =	vmul.bf16 v15, v13;
	v12 =	vld.idx.msk [tilespmem:v18+s25+$0x0], $0xffff  }
0x143: {  	v13 =	vunpack.i.u.bf16.f32 v10;
	v10 =	vunpack.i.l.bf16.f32 v10;
	v15 =	vld.idx.msk [tilespmem:v18+s26+$0x0], $0xffff;
	v18 =	vor.u32 v62, v6  }
0x144: {  	v11 =	vmul.bf16 v17, v11;
	v17 =	vld.idx.msk [tilespmem:v20+s26+$0x0], $0xffff;
	v7 =	vadd.f32 v10, v7;
	v8 =	vadd.f32 v13, v8  }
0x145: {  	v10 =	vunpack.i.u.bf16.f32 v9;
	v13 =	vld.idx.msk [tilespmem:v20+s25+$0x0], $0xffff;
	v9 =	vunpack.i.l.bf16.f32 v9;
	v20 =	vor.u32 v63, v6  }
0x146: {  	v7 =	vadd.f32 v9, v7;
	v8 =	vadd.f32 v10, v8;
	v9 =	vmul.bf16 v16, v14;
	v10 =	vld.idx.msk [tilespmem:v19+s25+$0x0], $0xffff  }
0x147: {  	v14 =	vunpack.i.u.bf16.f32 v11;
	v11 =	vunpack.i.l.bf16.f32 v11;
	v16 =	vld.idx.msk [tilespmem:v19+s26+$0x0], $0xffff;
	v19 =	vor.u32 v1, v6  }
0x148: {  	v12 =	vmul.bf16 v15, v12;
	v15 =	vld.idx.msk [tilespmem:v18+s26+$0x0], $0xffff;
	v7 =	vadd.f32 v11, v7;
	v8 =	vadd.f32 v14, v8  }
0x149: {  	v11 =	vunpack.i.u.bf16.f32 v9;
	v14 =	vld.idx.msk [tilespmem:v18+s25+$0x0], $0xffff;
	v9 =	vunpack.i.l.bf16.f32 v9;
	v18 =	vor.u32 v0, v6  }
0x14a: {  	v7 =	vadd.f32 v9, v7;
	v8 =	vadd.f32 v11, v8;
	v9 =	vmul.bf16 v17, v13;
	v11 =	vld.idx.msk [tilespmem:v20+s25+$0x0], $0xffff  }
0x14b: {  	v13 =	vunpack.i.u.bf16.f32 v12;
	v12 =	vunpack.i.l.bf16.f32 v12;
	v17 =	vld.idx.msk [tilespmem:v20+s26+$0x0], $0xffff;
	v20 =	vor.u32 v25, v6  }
0x14c: {  	v10 =	vmul.bf16 v16, v10;
	v16 =	vld.idx.msk [tilespmem:v19+s26+$0x0], $0xffff;
	v7 =	vadd.f32 v12, v7;
	v8 =	vadd.f32 v13, v8  }
0x14d: {  	v12 =	vunpack.i.u.bf16.f32 v9;
	v13 =	vld.idx.msk [tilespmem:v19+s25+$0x0], $0xffff;
	v9 =	vunpack.i.l.bf16.f32 v9;
	v19 =	vor.u32 v26, v6  }
0x14e: {  	v7 =	vadd.f32 v9, v7;
	v8 =	vadd.f32 v12, v8;
	v9 =	vmul.bf16 v15, v14;
	v12 =	vld.idx.msk [tilespmem:v18+s25+$0x0], $0xffff  }
0x14f: {  	v14 =	vunpack.i.u.bf16.f32 v10;
	v10 =	vunpack.i.l.bf16.f32 v10;
	v15 =	vld.idx.msk [tilespmem:v18+s26+$0x0], $0xffff;
	v18 =	vor.u32 v27, v6  }
0x150: {  	v11 =	vmul.bf16 v17, v11;
	v17 =	vld.idx.msk [tilespmem:v20+s26+$0x0], $0xffff;
	v7 =	vadd.f32 v10, v7;
	v8 =	vadd.f32 v14, v8  }
0x151: {  	v10 =	vunpack.i.u.bf16.f32 v9;
	v14 =	vld.idx.msk [tilespmem:v20+s25+$0x0], $0xffff;
	v9 =	vunpack.i.l.bf16.f32 v9;
	v20 =	vor.u32 v28, v6  }
0x152: {  	v7 =	vadd.f32 v9, v7;
	v8 =	vadd.f32 v10, v8;
	v9 =	vmul.bf16 v16, v13;
	v10 =	vld.idx.msk [tilespmem:v19+s25+$0x0], $0xffff  }
0x153: {  	v13 =	vunpack.i.u.bf16.f32 v11;
	v11 =	vunpack.i.l.bf16.f32 v11;
	v16 =	vld.idx.msk [tilespmem:v19+s26+$0x0], $0xffff;
	v19 =	vor.u32 v29, v6  }
0x154: {  	v12 =	vmul.bf16 v15, v12;
	v15 =	vld.idx.msk [tilespmem:v18+s26+$0x0], $0xffff;
	v7 =	vadd.f32 v11, v7;
	v8 =	vadd.f32 v13, v8  }
0x155: {  	v11 =	vunpack.i.u.bf16.f32 v9;
	v13 =	vld.idx.msk [tilespmem:v18+s25+$0x0], $0xffff;
	v9 =	vunpack.i.l.bf16.f32 v9;
	v18 =	vor.u32 v30, v6  }
0x156: {  	v7 =	vadd.f32 v9, v7;
	v8 =	vadd.f32 v11, v8;
	v9 =	vmul.bf16 v17, v14;
	v11 =	vld.idx.msk [tilespmem:v20+s25+$0x0], $0xffff  }
0x157: {  	v14 =	vunpack.i.u.bf16.f32 v12;
	v12 =	vunpack.i.l.bf16.f32 v12;
	v17 =	vld.idx.msk [tilespmem:v20+s26+$0x0], $0xffff;
	v20 =	vor.u32 v31, v6  }
0x158: {  	v10 =	vmul.bf16 v16, v10;
	v16 =	vld.idx.msk [tilespmem:v19+s26+$0x0], $0xffff;
	v7 =	vadd.f32 v12, v7;
	v8 =	vadd.f32 v14, v8  }
0x159: {  	v12 =	vunpack.i.u.bf16.f32 v9;
	v14 =	vld.idx.msk [tilespmem:v19+s25+$0x0], $0xffff;
	v9 =	vunpack.i.l.bf16.f32 v9;
	v19 =	vor.u32 v32, v6  }
0x15a: {  	v7 =	vadd.f32 v9, v7;
	v8 =	vadd.f32 v12, v8;
	v9 =	vmul.bf16 v15, v13;
	v12 =	vld.idx.msk [tilespmem:v18+s25+$0x0], $0xffff  }
0x15b: {  	v13 =	vunpack.i.u.bf16.f32 v10;
	v10 =	vunpack.i.l.bf16.f32 v10;
	v15 =	vld.idx.msk [tilespmem:v18+s26+$0x0], $0xffff;
	v18 =	vor.u32 v33, v6  }
0x15c: {  	v11 =	vmul.bf16 v17, v11;
	v17 =	vld.idx.msk [tilespmem:v20+s26+$0x0], $0xffff;
	v7 =	vadd.f32 v10, v7;
	v8 =	vadd.f32 v13, v8  }
0x15d: {  	v10 =	vunpack.i.u.bf16.f32 v9;
	v13 =	vld.idx.msk [tilespmem:v20+s25+$0x0], $0xffff;
	v9 =	vunpack.i.l.bf16.f32 v9;
	v20 =	vor.u32 v34, v6  }
0x15e: {  	v7 =	vadd.f32 v9, v7;
	v8 =	vadd.f32 v10, v8;
	v9 =	vmul.bf16 v16, v14;
	v10 =	vld.idx.msk [tilespmem:v19+s25+$0x0], $0xffff  }
0x15f: {  	v14 =	vunpack.i.u.bf16.f32 v11;
	v11 =	vunpack.i.l.bf16.f32 v11;
	v16 =	vld.idx.msk [tilespmem:v19+s26+$0x0], $0xffff;
	v19 =	vor.u32 v35, v6  }
0x160: {  	v12 =	vmul.bf16 v15, v12;
	v15 =	vld.idx.msk [tilespmem:v18+s26+$0x0], $0xffff;
	v7 =	vadd.f32 v11, v7;
	v8 =	vadd.f32 v14, v8  }
0x161: {  	v11 =	vunpack.i.u.bf16.f32 v9;
	v14 =	vld.idx.msk [tilespmem:v18+s25+$0x0], $0xffff;
	v9 =	vunpack.i.l.bf16.f32 v9;
	v18 =	vor.u32 v36, v6  }
0x162: {  	v7 =	vadd.f32 v9, v7;
	v8 =	vadd.f32 v11, v8;
	v9 =	vmul.bf16 v17, v13;
	v11 =	vld.idx.msk [tilespmem:v20+s25+$0x0], $0xffff  }
0x163: {  	v13 =	vunpack.i.u.bf16.f32 v12;
	v12 =	vunpack.i.l.bf16.f32 v12;
	v17 =	vld.idx.msk [tilespmem:v20+s26+$0x0], $0xffff;
	v20 =	vor.u32 v37, v6  }
0x164: {  	v10 =	vmul.bf16 v16, v10;
	v16 =	vld.idx.msk [tilespmem:v19+s26+$0x0], $0xffff;
	v7 =	vadd.f32 v12, v7;
	v8 =	vadd.f32 v13, v8  }
0x165: {  	v12 =	vunpack.i.u.bf16.f32 v9;
	v13 =	vld.idx.msk [tilespmem:v19+s25+$0x0], $0xffff;
	v9 =	vunpack.i.l.bf16.f32 v9;
	v19 =	vor.u32 v38, v6  }
0x166: {  	v7 =	vadd.f32 v9, v7;
	v8 =	vadd.f32 v12, v8;
	v9 =	vmul.bf16 v15, v14;
	v12 =	vld.idx.msk [tilespmem:v18+s25+$0x0], $0xffff  }
0x167: {  	v14 =	vunpack.i.u.bf16.f32 v10;
	v10 =	vunpack.i.l.bf16.f32 v10;
	v15 =	vld.idx.msk [tilespmem:v18+s26+$0x0], $0xffff;
	v18 =	vor.u32 v39, v6  }
0x168: {  	v11 =	vmul.bf16 v17, v11;
	v17 =	vld.idx.msk [tilespmem:v20+s26+$0x0], $0xffff;
	v7 =	vadd.f32 v10, v7;
	v8 =	vadd.f32 v14, v8  }
0x169: {  	v10 =	vunpack.i.u.bf16.f32 v9;
	v14 =	vld.idx.msk [tilespmem:v20+s25+$0x0], $0xffff;
	v9 =	vunpack.i.l.bf16.f32 v9;
	v20 =	vor.u32 v40, v6  }
0x16a: {  	v7 =	vadd.f32 v9, v7;
	v8 =	vadd.f32 v10, v8;
	v9 =	vmul.bf16 v16, v13;
	v10 =	vld.idx.msk [tilespmem:v19+s25+$0x0], $0xffff  }
0x16b: {  	v13 =	vunpack.i.u.bf16.f32 v11;
	v11 =	vunpack.i.l.bf16.f32 v11;
	v16 =	vld.idx.msk [tilespmem:v19+s26+$0x0], $0xffff;
	v19 =	vor.u32 v41, v6  }
0x16c: {  	v12 =	vmul.bf16 v15, v12;
	v15 =	vld.idx.msk [tilespmem:v18+s26+$0x0], $0xffff;
	v7 =	vadd.f32 v11, v7;
	v8 =	vadd.f32 v13, v8  }
0x16d: {  	v11 =	vunpack.i.u.bf16.f32 v9;
	v13 =	vld.idx.msk [tilespmem:v18+s25+$0x0], $0xffff;
	v9 =	vunpack.i.l.bf16.f32 v9;
	v18 =	vor.u32 v42, v6  }
0x16e: {  	v14 =	vmul.bf16 v17, v14;
	v17 =	vld.idx.msk [tilespmem:v20+s26+$0x0], $0xffff;
	v7 =	vadd.f32 v9, v7  }
0x16f: {  	v8 =	vadd.f32 v11, v8;
	v9 =	vld.idx.msk [tilespmem:v20+s25+$0x0], $0xffff;
	v11 =	vunpack.i.l.bf16.f32 v12;
	v20 =	vor.u32 v43, v6  }
0x170: {  	v23 =	vmovc v21;
	v21 =	vshll.u32 v4, $0x1;
	v12 =	vunpack.i.u.bf16.f32 v12;
	v7 =	vadd.f32 v11, v7;
	v11 =	vld.idx.msk [tilespmem:v19+s25+$0x0], $0xffff  }
0x171: {  	v6 =	vor.u32 v44, v6;
	v8 =	vadd.f32 v12, v8;
	v19 =	vld.idx.msk [tilespmem:v19+s26+$0x0], $0xffff  }
0x172: {  	v10 =	vmul.bf16 v16, v10;
	v12 =	vunpack.i.u.bf16.f32 v14;
	v16 =	vld.idx.msk [tilespmem:v18+s25+$0x0], $0xffff  }
0x173: {  	v24 =	vmovc v22;
	v22 =	vshll.u32 v5, $0x1;
	v14 =	vunpack.i.l.bf16.f32 v14;
	v8 =	vadd.f32 v12, v8;
	v12 =	vld.idx.msk [tilespmem:v18+s26+$0x0], $0xffff  }
0x174: {  	v13 =	vmul.bf16 v15, v13;
	v7 =	vadd.f32 v14, v7;
	v15 =	vld.idx.msk [tilespmem:v20+s25+$0x0], $0xffff  }
0x175: {  	v14 =	vunpack.i.u.bf16.f32 v10;
	v10 =	vunpack.i.l.bf16.f32 v10;
	v9 =	vmul.bf16 v17, v9;
	v17 =	vld.idx.msk [tilespmem:v21+s24+$0x0], $0xffff  }
0x176: {  	v18 =	vld.idx.msk [tilespmem:v6+s25+$0x0], $0xffff;
	v7 =	vadd.f32 v10, v7;
	v8 =	vadd.f32 v14, v8  }
0x177: {  	v10 =	vld.idx.msk [tilespmem:v20+s26+$0x0], $0xffff;
	v14 =	vunpack.i.u.bf16.f32 v13;
	v13 =	vunpack.i.l.bf16.f32 v13  }
0x178: {  	v11 =	vmul.bf16 v19, v11;
	v7 =	vadd.f32 v13, v7;
	v8 =	vadd.f32 v14, v8;
	v14 =	vld.idx.msk [tilespmem:v22+s24+$0x0], $0xffff  }
0x179: {  	v6 =	vld.idx.msk [tilespmem:v6+s26+$0x0], $0xffff;
	v19 =	vor.u32 $0x1, v21;
	v13 =	vunpack.i.u.bf16.f32 v9;
	v9 =	vunpack.i.l.bf16.f32 v9  }
0x17a: {  	v7 =	vadd.f32 v9, v7;
	v8 =	vadd.f32 v13, v8;
	v9 =	vmul.bf16 v12, v16  }
0x17b: {  	v12 =	vunpack.i.u.bf16.f32 v11;
	v11 =	vunpack.i.l.bf16.f32 v11;
	v13 =	vor.u32 $0x1, v22  }
0x17c: {  	v10 =	vmul.bf16 v10, v15;
	v7 =	vadd.f32 v11, v7;
	v8 =	vadd.f32 v12, v8  }
0x17d: {  	v12 =	vunpack.i.u.bf16.f32 v9;
	v9 =	vunpack.i.l.bf16.f32 v9;
	v11 =	vmul.f32 v14, v17  }
0x17e: {  	v6 =	vmul.bf16 v6, v18;
	v7 =	vadd.f32 v9, v7;
	v9 =	vld.idx.msk [tilespmem:v19+s24+$0x0], $0xffff  }
0x17f: {  	v8 =	vadd.f32 v12, v8;
	v12 =	vunpack.i.l.bf16.f32 v10;
	v11 =	vand.u32 $0x7FFFFFFF, v11  }
0x180: {  	v10 =	vunpack.i.u.bf16.f32 v10;
	v7 =	vadd.f32 v12, v7;
	v12 =	vld.idx.msk [tilespmem:v13+s24+$0x0], $0xffff;
	v11 =	vmax.f32 v11, $9.999999710e-10  }
0x181: {  	v8 =	vadd.f32 v10, v8;
	v10 =	vunpack.i.l.bf16.f32 v6;
	(erf) = vrcp.f32 v11  }
0x182: {  	v6 =	vunpack.i.u.bf16.f32 v6;
	v7 =	vadd.f32 v10, v7  }
0x183: {  	v6 =	vadd.f32 v6, v8;
	v8 =	vadd.f32 v9, v9;
	_ =	sdelay $0x1  }
0x184: {  	v6 =	vadd.f32 v7, v6;
	v7 =	vmul.f32 v12, v8;
	_ =	sdelay $0x1  }
0x185: {  	v6 =	vsub.f32 v6, v7;
	_ =	sdelay $0x1  }
0x186: {  	v6 =	vmul.f32 v6, v6  }
0x187: {  	v7 =	vpop (erf)  }
0x188: {  	vm3 =	vlt.s32 v5, v3;
	vm2 =	vlt.s32 v4, v3;
	v6 =	vmul.f32 v7, v6  }
0x189: {  	vm2 =	vmand vm2, vm3  }
0x18a: {  	s14 =	sadd.s32 s11, s15;
	vm2 =	vmand vm1, vm2;
	v20 =	vimm.f32 $0.0e+00;
	v8 =	vld [tilespmem:$0x18B30];
	v4 =	vsub.f32 $1.000000000e+00, v6  }
0x18b: {  	v5 =	vld [tilespmem:$0x18B20];
	v7 =	vadd.s32 s14, v2;
	v6 =	vsel vm2, $0x3F800000, v20  }
0x18c: {  	v9 =	vld [tilespmem:$0x18B40];
	vm2 =	vgt.s32 v7, $0x270F;
	v7 =	vmin.f32 v4, $1.000000000e+01;
	v4 =	vsub.f32 $1.000000000e+00, v4  }
0x18d: {  	v21 =	vimm.f32 $1.000000000e+00;
	vm2 =	vmor vm1, vm2  }
0x18e: {  	p1 =	sne.s32 s11, $0x40;
	v10 =	vsel vm2, $0x0, v21;
	v7 =	vmul.f32 v7, v6;
	v4 =	vmax.f32 v4, $0.0e+00  }
.Ltmp0:
0x18f: {  	v6 =	vadd.f32 v8, v6;
	v4 =	vmul.f32 v4, v10;
	(pc) =	sbr.rel @p1 .LBB2_3-.Ltmp0, $4  }
0x190: {  	v5 =	vadd.f32 v7, v5  }
0x191: {  	[tilespmem:$0x18B30] =	vst v6;
	v4 =	vadd.f32 v4, v9  }
0x192: {  	v16 =	vmov v48;
	v22 =	vmov v24;
	[tilespmem:$0x18B20] =	vst v5  }
0x193: {  	s21 =	sadd.s32 $0x10, s21;
	s11 =	sadd.s32 $0x10, s11;
	s3 =	sadd.s32 $0x10, s3;
	v15 =	vmovc v47;
	v19 =	vmovc v49;
	v13 =	vmov v46;
	v11 =	vmov v45;
	v21 =	vmov v23;
	[tilespmem:$0x18B40] =	vst v4  }
0x194: {  	s3 =	sadd.s32 $0xA0, s10  }
0x195: {  	[tilespmem:s25], [sflag:$0x1] =	stream.indirect.gather [spmem:s4], $0x40, s3, s28, $0xb8;
	[tilespmem:$0x18B50] =	vst v63  }
0x196: {  	s21 =	sadd.s32 $0x28F0, s10  }
0x197: {  	[tilespmem:s26], [sflag:$0x1] =	stream.indirect.gather [spmem:s4], $0x40, s21, s28, $0xb8;
	[tilespmem:$0x18B50] =	vst v63  }
0x198: {  	_ =	swait.ge [sflag:s1], $0x1400  }
0x199: {  	[sflag:s1] =	ssyncset.done $0x0  }
0x19a: {  	[sflag:s1] =	ssyncadd.s32 $0xFFFFEC00  }
0x19b: {  	_ =	swait.ge [sflag:s1], $0x1400  }
0x19c: {  	p1 =	slt.u32 s9, $0x7D;
	vm1 =	vmmov vm0;
	s9 =	simm.s32 $0x0;
	[sflag:s1] =	ssyncset.done $0x0  }
0x19d: {  	s10 =	smov.u32 s22;
	vm1 =	vmneg @p1 vm1;
	s3 =	smov.u32 s0;
	[sflag:s1] =	ssyncadd.s32 $0xFFFFEC00  }
.LBB2_5:
0x19e: {  	v4 =	vadd.s32 s9, v2  }
0x19f: {  	v6 =	vshll.u32 v4, $0x6  }
0x1a0: {  	v7 =	vadd.s32 v2, v6;
	_ =	sdelay $0x1  }
0x1a1: {  	v8 =	vor.u32 v21, v6;
	_ =	sdelay $0x1  }
0x1a2: {  	v20 =	vld [tilespmem:$0x1FC80];
	v9 =	vor.u32 v22, v6  }
0x1a3: {  	v10 =	vld.idx.msk [tilespmem:v7+s29+$0x0], $0xffff  }
0x1a4: {  	v13 =	vor.u32 v46, v6;
	v7 =	vld.idx.msk [tilespmem:v7+s30+$0x0], $0xffff  }
0x1a5: {  	v11 =	vor.u32 v45, v6;
	v12 =	vld.idx.msk [tilespmem:v8+s29+$0x0], $0xffff  }
0x1a6: {  	v8 =	vld.idx.msk [tilespmem:v8+s30+$0x0], $0xffff  }
0x1a7: {  	v14 =	vld.idx.msk [tilespmem:v9+s29+$0x0], $0xffff  }
0x1a8: {  	v15 =	vor.u32 v47, v6;
	v9 =	vld.idx.msk [tilespmem:v9+s30+$0x0], $0xffff  }
0x1a9: {  	v18 =	vld.idx.msk [tilespmem:v13+s29+$0x0], $0xffff  }
0x1aa: {  	v16 =	vor.u32 v48, v6;
	v7 =	vmul.bf16 v7, v10;
	v10 =	vld.idx.msk [tilespmem:v11+s29+$0x0], $0xffff  }
0x1ab: {  	v11 =	vld.idx.msk [tilespmem:v11+s30+$0x0], $0xffff  }
0x1ac: {  	v8 =	vmul.bf16 v8, v12;
	v12 =	vld.idx.msk [tilespmem:v13+s30+$0x0], $0xffff;
	v17 =	vunpack.i.u.bf16.f32 v7;
	v7 =	vunpack.i.l.bf16.f32 v7  }
0x1ad: {  	v9 =	vmul.bf16 v9, v14;
	v14 =	vld.idx.msk [tilespmem:v15+s29+$0x0], $0xffff;
	v7 =	vadd.f32 $0.0e+00, v7;
	v17 =	vadd.f32 $0.0e+00, v17  }
0x1ae: {  	v13 =	vor.u32 v19, v6;
	v15 =	vld.idx.msk [tilespmem:v15+s30+$0x0], $0xffff;
	v19 =	vunpack.i.u.bf16.f32 v8;
	v8 =	vunpack.i.l.bf16.f32 v8  }
0x1af: {  	v20 =	vor.u32 v20, v6;
	v7 =	vadd.f32 v8, v7;
	v8 =	vadd.f32 v19, v17;
	v19 =	vld.idx.msk [tilespmem:v16+s29+$0x0], $0xffff  }
0x1b0: {  	v10 =	vmul.bf16 v11, v10;
	v11 =	vld.idx.msk [tilespmem:v16+s30+$0x0], $0xffff  }
0x1b1: {  	v16 =	vld [tilespmem:$0x1FC90]  }
0x1b2: {  	v17 =	vunpack.i.u.bf16.f32 v9;
	v9 =	vunpack.i.l.bf16.f32 v9  }
0x1b3: {  	v7 =	vadd.f32 v9, v7;
	v8 =	vadd.f32 v17, v8;
	v9 =	vmul.bf16 v12, v18;
	v18 =	vld [tilespmem:$0x1FCA0]  }
0x1b4: {  	v14 =	vmul.bf16 v15, v14;
	v15 =	vld.idx.msk [tilespmem:v20+s30+$0x0], $0xffff;
	v17 =	vunpack.i.u.bf16.f32 v10  }
0x1b5: {  	v8 =	vadd.f32 v17, v8;
	v17 =	vld.idx.msk [tilespmem:v20+s29+$0x0], $0xffff  }
0x1b6: {  	v10 =	vunpack.i.l.bf16.f32 v10;
	v20 =	vld [tilespmem:$0x1FCB0];
	v16 =	vor.u32 v16, v6  }
0x1b7: {  	v12 =	vld.idx.msk [tilespmem:v13+s29+$0x0], $0xffff;
	v7 =	vadd.f32 v10, v7  }
0x1b8: {  	v13 =	vld.idx.msk [tilespmem:v13+s30+$0x0], $0xffff;
	v10 =	vunpack.i.u.bf16.f32 v9;
	v9 =	vunpack.i.l.bf16.f32 v9;
	v18 =	vor.u32 v18, v6  }
0x1b9: {  	v7 =	vadd.f32 v9, v7;
	v9 =	vmul.bf16 v11, v19;
	v19 =	vld [tilespmem:$0x1FCC0];
	_ =	sdelay $0x1  }
0x1ba: {  	v8 =	vadd.f32 v10, v8;
	v20 =	vor.u32 v20, v6;
	v10 =	vld.idx.msk [tilespmem:v16+s29+$0x0], $0xffff  }
0x1bb: {  	v11 =	vunpack.i.u.bf16.f32 v14;
	v14 =	vunpack.i.l.bf16.f32 v14;
	v16 =	vld.idx.msk [tilespmem:v16+s30+$0x0], $0xffff  }
0x1bc: {  	v7 =	vadd.f32 v14, v7;
	v14 =	vld.idx.msk [tilespmem:v18+s29+$0x0], $0xffff  }
0x1bd: {  	v12 =	vmul.bf16 v13, v12;
	v8 =	vadd.f32 v11, v8;
	v19 =	vor.u32 v19, v6;
	v13 =	vld.idx.msk [tilespmem:v18+s30+$0x0], $0xffff  }
0x1be: {  	v11 =	vunpack.i.u.bf16.f32 v9;
	v18 =	vld [tilespmem:$0x1FCD0]  }
0x1bf: {  	v9 =	vunpack.i.l.bf16.f32 v9;
	v8 =	vadd.f32 v11, v8;
	v11 =	vld.idx.msk [tilespmem:v20+s29+$0x0], $0xffff  }
0x1c0: {  	v7 =	vadd.f32 v9, v7;
	v9 =	vmul.bf16 v15, v17;
	v17 =	vld.idx.msk [tilespmem:v20+s30+$0x0], $0xffff  }
0x1c1: {  	v15 =	vunpack.i.u.bf16.f32 v12;
	v20 =	vld [tilespmem:$0x1FCE0]  }
0x1c2: {  	v8 =	vadd.f32 v15, v8;
	v15 =	vld.idx.msk [tilespmem:v19+s29+$0x0], $0xffff  }
0x1c3: {  	v10 =	vmul.bf16 v16, v10;
	v16 =	vld.idx.msk [tilespmem:v19+s30+$0x0], $0xffff;
	v18 =	vor.u32 v18, v6  }
0x1c4: {  	v19 =	vld [tilespmem:$0x1FCF0];
	_ =	sdelay $0x1  }
0x1c5: {  	v12 =	vunpack.i.l.bf16.f32 v12;
	v20 =	vor.u32 v20, v6  }
0x1c6: {  	v7 =	vadd.f32 v12, v7;
	v12 =	vunpack.i.u.bf16.f32 v9  }
0x1c7: {  	v9 =	vunpack.i.l.bf16.f32 v9;
	v8 =	vadd.f32 v12, v8;
	v12 =	vld.idx.msk [tilespmem:v18+s29+$0x0], $0xffff  }
0x1c8: {  	v7 =	vadd.f32 v9, v7;
	v9 =	vmul.bf16 v13, v14;
	v19 =	vor.u32 v19, v6;
	v14 =	vld.idx.msk [tilespmem:v18+s30+$0x0], $0xffff  }
0x1c9: {  	v13 =	vunpack.i.u.bf16.f32 v10;
	v18 =	vld [tilespmem:$0x1FD00]  }
0x1ca: {  	v8 =	vadd.f32 v13, v8;
	v13 =	vld.idx.msk [tilespmem:v20+s29+$0x0], $0xffff  }
0x1cb: {  	v10 =	vunpack.i.l.bf16.f32 v10;
	v11 =	vmul.bf16 v17, v11;
	v17 =	vld.idx.msk [tilespmem:v20+s30+$0x0], $0xffff  }
0x1cc: {  	v7 =	vadd.f32 v10, v7;
	v10 =	vunpack.i.u.bf16.f32 v9;
	v20 =	vld [tilespmem:$0x1FD10]  }
0x1cd: {  	v9 =	vunpack.i.l.bf16.f32 v9;
	v8 =	vadd.f32 v10, v8;
	v10 =	vld.idx.msk [tilespmem:v19+s29+$0x0], $0xffff  }
0x1ce: {  	v7 =	vadd.f32 v9, v7;
	v9 =	vmul.bf16 v16, v15;
	v16 =	vld.idx.msk [tilespmem:v19+s30+$0x0], $0xffff;
	v18 =	vor.u32 v18, v6  }
0x1cf: {  	v19 =	vld [tilespmem:$0x1FD20];
	_ =	sdelay $0x1  }
0x1d0: {  	v20 =	vor.u32 v20, v6  }
0x1d1: {  	v15 =	vunpack.i.u.bf16.f32 v11  }
0x1d2: {  	v8 =	vadd.f32 v15, v8;
	v15 =	vld.idx.msk [tilespmem:v18+s29+$0x0], $0xffff  }
0x1d3: {  	v11 =	vunpack.i.l.bf16.f32 v11;
	v12 =	vmul.bf16 v14, v12;
	v19 =	vor.u32 v19, v6;
	v14 =	vld.idx.msk [tilespmem:v18+s30+$0x0], $0xffff  }
0x1d4: {  	v7 =	vadd.f32 v11, v7;
	v11 =	vunpack.i.u.bf16.f32 v9;
	v18 =	vld [tilespmem:$0x1FD30]  }
0x1d5: {  	v9 =	vunpack.i.l.bf16.f32 v9;
	v8 =	vadd.f32 v11, v8;
	v11 =	vld.idx.msk [tilespmem:v20+s29+$0x0], $0xffff  }
0x1d6: {  	v7 =	vadd.f32 v9, v7;
	v9 =	vmul.bf16 v17, v13;
	v17 =	vld.idx.msk [tilespmem:v20+s30+$0x0], $0xffff  }
0x1d7: {  	v13 =	vunpack.i.u.bf16.f32 v12;
	v20 =	vld [tilespmem:$0x1FD40]  }
0x1d8: {  	v8 =	vadd.f32 v13, v8;
	v13 =	vld.idx.msk [tilespmem:v19+s29+$0x0], $0xffff  }
0x1d9: {  	v10 =	vmul.bf16 v16, v10;
	v16 =	vld.idx.msk [tilespmem:v19+s30+$0x0], $0xffff;
	v18 =	vor.u32 v18, v6  }
0x1da: {  	v19 =	vld [tilespmem:$0x1FD50];
	_ =	sdelay $0x1  }
0x1db: {  	v12 =	vunpack.i.l.bf16.f32 v12;
	v20 =	vor.u32 v20, v6  }
0x1dc: {  	v7 =	vadd.f32 v12, v7;
	v12 =	vunpack.i.u.bf16.f32 v9  }
0x1dd: {  	v9 =	vunpack.i.l.bf16.f32 v9;
	v8 =	vadd.f32 v12, v8;
	v12 =	vld.idx.msk [tilespmem:v18+s29+$0x0], $0xffff  }
0x1de: {  	v7 =	vadd.f32 v9, v7;
	v9 =	vmul.bf16 v14, v15;
	v19 =	vor.u32 v19, v6;
	v15 =	vld.idx.msk [tilespmem:v18+s30+$0x0], $0xffff  }
0x1df: {  	v14 =	vunpack.i.u.bf16.f32 v10;
	v18 =	vld [tilespmem:$0x1FD60]  }
0x1e0: {  	v8 =	vadd.f32 v14, v8;
	v14 =	vld.idx.msk [tilespmem:v20+s29+$0x0], $0xffff  }
0x1e1: {  	v10 =	vunpack.i.l.bf16.f32 v10;
	v11 =	vmul.bf16 v17, v11;
	v17 =	vld.idx.msk [tilespmem:v20+s30+$0x0], $0xffff  }
0x1e2: {  	v7 =	vadd.f32 v10, v7;
	v10 =	vunpack.i.u.bf16.f32 v9;
	v20 =	vld [tilespmem:$0x1FD70]  }
0x1e3: {  	v9 =	vunpack.i.l.bf16.f32 v9;
	v8 =	vadd.f32 v10, v8;
	v10 =	vld.idx.msk [tilespmem:v19+s29+$0x0], $0xffff  }
0x1e4: {  	v7 =	vadd.f32 v9, v7;
	v9 =	vmul.bf16 v16, v13;
	v16 =	vld.idx.msk [tilespmem:v19+s30+$0x0], $0xffff;
	v18 =	vor.u32 v18, v6  }
0x1e5: {  	v19 =	vld [tilespmem:$0x1FD80];
	_ =	sdelay $0x1  }
0x1e6: {  	v20 =	vor.u32 v20, v6  }
0x1e7: {  	v13 =	vunpack.i.u.bf16.f32 v11  }
0x1e8: {  	v8 =	vadd.f32 v13, v8;
	v13 =	vld.idx.msk [tilespmem:v18+s29+$0x0], $0xffff  }
0x1e9: {  	v11 =	vunpack.i.l.bf16.f32 v11;
	v12 =	vmul.bf16 v15, v12;
	v19 =	vor.u32 v19, v6;
	v15 =	vld.idx.msk [tilespmem:v18+s30+$0x0], $0xffff  }
0x1ea: {  	v7 =	vadd.f32 v11, v7;
	v11 =	vunpack.i.u.bf16.f32 v9;
	v18 =	vld [tilespmem:$0x1FD90]  }
0x1eb: {  	v9 =	vunpack.i.l.bf16.f32 v9;
	v8 =	vadd.f32 v11, v8;
	v11 =	vld.idx.msk [tilespmem:v20+s29+$0x0], $0xffff  }
0x1ec: {  	v7 =	vadd.f32 v9, v7;
	v9 =	vmul.bf16 v17, v14;
	v17 =	vld.idx.msk [tilespmem:v20+s30+$0x0], $0xffff  }
0x1ed: {  	v14 =	vunpack.i.u.bf16.f32 v12;
	v20 =	vld [tilespmem:$0x1FDA0]  }
0x1ee: {  	v8 =	vadd.f32 v14, v8;
	v14 =	vld.idx.msk [tilespmem:v19+s29+$0x0], $0xffff  }
0x1ef: {  	v10 =	vmul.bf16 v16, v10;
	v16 =	vld.idx.msk [tilespmem:v19+s30+$0x0], $0xffff  }
0x1f0: {  	v19 =	vld [tilespmem:$0x1FDB0]  }
0x1f1: {  	v18 =	vor.u32 v18, v6;
	_ =	sdelay $0x1  }
0x1f2: {  	v12 =	vunpack.i.l.bf16.f32 v12;
	v20 =	vor.u32 v20, v6  }
0x1f3: {  	v5 =	vld [tilespmem:s10+$0x0];
	v7 =	vadd.f32 v12, v7  }
0x1f4: {  	v4 =	vld [tilespmem:s3+$0x0];
	v12 =	vunpack.i.u.bf16.f32 v9;
	v9 =	vunpack.i.l.bf16.f32 v9;
	v19 =	vor.u32 v19, v6  }
0x1f5: {  	v7 =	vadd.f32 v9, v7;
	v8 =	vadd.f32 v12, v8;
	v9 =	vmul.bf16 v15, v13;
	v12 =	vld.idx.msk [tilespmem:v18+s29+$0x0], $0xffff  }
0x1f6: {  	v13 =	vunpack.i.u.bf16.f32 v10;
	v10 =	vunpack.i.l.bf16.f32 v10;
	v15 =	vld.idx.msk [tilespmem:v18+s30+$0x0], $0xffff;
	v18 =	vor.u32 v50, v6  }
0x1f7: {  	v7 =	vadd.f32 v10, v7;
	v8 =	vadd.f32 v13, v8;
	v10 =	vunpack.i.u.bf16.f32 v9;
	v13 =	vld.idx.msk [tilespmem:v20+s29+$0x0], $0xffff  }
0x1f8: {  	v9 =	vunpack.i.l.bf16.f32 v9;
	v11 =	vmul.bf16 v17, v11;
	v17 =	vld.idx.msk [tilespmem:v20+s30+$0x0], $0xffff;
	v20 =	vor.u32 v51, v6  }
0x1f9: {  	v7 =	vadd.f32 v9, v7;
	v8 =	vadd.f32 v10, v8;
	v9 =	vmul.bf16 v16, v14;
	v10 =	vld.idx.msk [tilespmem:v19+s29+$0x0], $0xffff  }
0x1fa: {  	v14 =	vunpack.i.u.bf16.f32 v11;
	v11 =	vunpack.i.l.bf16.f32 v11;
	v16 =	vld.idx.msk [tilespmem:v19+s30+$0x0], $0xffff;
	v19 =	vor.u32 v52, v6  }
0x1fb: {  	v7 =	vadd.f32 v11, v7;
	v8 =	vadd.f32 v14, v8;
	v11 =	vunpack.i.u.bf16.f32 v9;
	v14 =	vld.idx.msk [tilespmem:v18+s29+$0x0], $0xffff  }
0x1fc: {  	v9 =	vunpack.i.l.bf16.f32 v9;
	v12 =	vmul.bf16 v15, v12;
	v15 =	vld.idx.msk [tilespmem:v18+s30+$0x0], $0xffff;
	v18 =	vor.u32 v53, v6  }
0x1fd: {  	v7 =	vadd.f32 v9, v7;
	v8 =	vadd.f32 v11, v8;
	v9 =	vmul.bf16 v17, v13;
	v11 =	vld.idx.msk [tilespmem:v20+s29+$0x0], $0xffff  }
0x1fe: {  	v13 =	vunpack.i.u.bf16.f32 v12;
	v12 =	vunpack.i.l.bf16.f32 v12;
	v17 =	vld.idx.msk [tilespmem:v20+s30+$0x0], $0xffff;
	v20 =	vor.u32 v54, v6  }
0x1ff: {  	v7 =	vadd.f32 v12, v7;
	v8 =	vadd.f32 v13, v8;
	v12 =	vunpack.i.u.bf16.f32 v9;
	v13 =	vld.idx.msk [tilespmem:v19+s29+$0x0], $0xffff  }
0x200: {  	v9 =	vunpack.i.l.bf16.f32 v9;
	v10 =	vmul.bf16 v16, v10;
	v16 =	vld.idx.msk [tilespmem:v19+s30+$0x0], $0xffff;
	v19 =	vor.u32 v55, v6  }
0x201: {  	v7 =	vadd.f32 v9, v7;
	v8 =	vadd.f32 v12, v8;
	v9 =	vmul.bf16 v15, v14;
	v12 =	vld.idx.msk [tilespmem:v18+s29+$0x0], $0xffff  }
0x202: {  	v15 =	vld.idx.msk [tilespmem:v18+s30+$0x0], $0xffff;
	v18 =	vor.u32 v56, v6;
	v14 =	vunpack.i.u.bf16.f32 v10;
	v10 =	vunpack.i.l.bf16.f32 v10  }
0x203: {  	v7 =	vadd.f32 v10, v7;
	v8 =	vadd.f32 v14, v8;
	v10 =	vunpack.i.u.bf16.f32 v9;
	v14 =	vld.idx.msk [tilespmem:v20+s29+$0x0], $0xffff  }
0x204: {  	v9 =	vunpack.i.l.bf16.f32 v9;
	v11 =	vmul.bf16 v17, v11;
	v17 =	vld.idx.msk [tilespmem:v20+s30+$0x0], $0xffff;
	v20 =	vor.u32 v57, v6  }
0x205: {  	v7 =	vadd.f32 v9, v7;
	v8 =	vadd.f32 v10, v8;
	v9 =	vmul.bf16 v16, v13;
	v10 =	vld.idx.msk [tilespmem:v19+s29+$0x0], $0xffff  }
0x206: {  	v13 =	vunpack.i.u.bf16.f32 v11;
	v11 =	vunpack.i.l.bf16.f32 v11;
	v16 =	vld.idx.msk [tilespmem:v19+s30+$0x0], $0xffff;
	v19 =	vor.u32 v58, v6  }
0x207: {  	v12 =	vmul.bf16 v15, v12;
	v15 =	vld.idx.msk [tilespmem:v18+s30+$0x0], $0xffff;
	v7 =	vadd.f32 v11, v7;
	v8 =	vadd.f32 v13, v8  }
0x208: {  	v11 =	vunpack.i.u.bf16.f32 v9;
	v13 =	vld.idx.msk [tilespmem:v18+s29+$0x0], $0xffff;
	v9 =	vunpack.i.l.bf16.f32 v9;
	v18 =	vor.u32 v59, v6  }
0x209: {  	v7 =	vadd.f32 v9, v7;
	v8 =	vadd.f32 v11, v8;
	v9 =	vmul.bf16 v17, v14;
	v11 =	vld.idx.msk [tilespmem:v20+s29+$0x0], $0xffff  }
0x20a: {  	v14 =	vunpack.i.u.bf16.f32 v12;
	v12 =	vunpack.i.l.bf16.f32 v12;
	v17 =	vld.idx.msk [tilespmem:v20+s30+$0x0], $0xffff;
	v20 =	vor.u32 v60, v6  }
0x20b: {  	v10 =	vmul.bf16 v16, v10;
	v16 =	vld.idx.msk [tilespmem:v19+s30+$0x0], $0xffff;
	v7 =	vadd.f32 v12, v7;
	v8 =	vadd.f32 v14, v8  }
0x20c: {  	v12 =	vunpack.i.u.bf16.f32 v9;
	v14 =	vld.idx.msk [tilespmem:v19+s29+$0x0], $0xffff;
	v9 =	vunpack.i.l.bf16.f32 v9;
	v19 =	vor.u32 v61, v6  }
0x20d: {  	v7 =	vadd.f32 v9, v7;
	v8 =	vadd.f32 v12, v8;
	v9 =	vmul.bf16 v15, v13;
	v12 =	vld.idx.msk [tilespmem:v18+s29+$0x0], $0xffff  }
0x20e: {  	v13 =	vunpack.i.u.bf16.f32 v10;
	v10 =	vunpack.i.l.bf16.f32 v10;
	v15 =	vld.idx.msk [tilespmem:v18+s30+$0x0], $0xffff;
	v18 =	vor.u32 v62, v6  }
0x20f: {  	v11 =	vmul.bf16 v17, v11;
	v17 =	vld.idx.msk [tilespmem:v20+s30+$0x0], $0xffff;
	v7 =	vadd.f32 v10, v7;
	v8 =	vadd.f32 v13, v8  }
0x210: {  	v10 =	vunpack.i.u.bf16.f32 v9;
	v13 =	vld.idx.msk [tilespmem:v20+s29+$0x0], $0xffff;
	v9 =	vunpack.i.l.bf16.f32 v9;
	v20 =	vor.u32 v63, v6  }
0x211: {  	v7 =	vadd.f32 v9, v7;
	v8 =	vadd.f32 v10, v8;
	v9 =	vmul.bf16 v16, v14;
	v10 =	vld.idx.msk [tilespmem:v19+s29+$0x0], $0xffff  }
0x212: {  	v14 =	vunpack.i.u.bf16.f32 v11;
	v11 =	vunpack.i.l.bf16.f32 v11;
	v16 =	vld.idx.msk [tilespmem:v19+s30+$0x0], $0xffff;
	v19 =	vor.u32 v1, v6  }
0x213: {  	v12 =	vmul.bf16 v15, v12;
	v15 =	vld.idx.msk [tilespmem:v18+s30+$0x0], $0xffff;
	v7 =	vadd.f32 v11, v7;
	v8 =	vadd.f32 v14, v8  }
0x214: {  	v11 =	vunpack.i.u.bf16.f32 v9;
	v14 =	vld.idx.msk [tilespmem:v18+s29+$0x0], $0xffff;
	v9 =	vunpack.i.l.bf16.f32 v9;
	v18 =	vor.u32 v0, v6  }
0x215: {  	v7 =	vadd.f32 v9, v7;
	v8 =	vadd.f32 v11, v8;
	v9 =	vmul.bf16 v17, v13;
	v11 =	vld.idx.msk [tilespmem:v20+s29+$0x0], $0xffff  }
0x216: {  	v13 =	vunpack.i.u.bf16.f32 v12;
	v12 =	vunpack.i.l.bf16.f32 v12;
	v17 =	vld.idx.msk [tilespmem:v20+s30+$0x0], $0xffff;
	v20 =	vor.u32 v25, v6  }
0x217: {  	v10 =	vmul.bf16 v16, v10;
	v16 =	vld.idx.msk [tilespmem:v19+s30+$0x0], $0xffff;
	v7 =	vadd.f32 v12, v7;
	v8 =	vadd.f32 v13, v8  }
0x218: {  	v12 =	vunpack.i.u.bf16.f32 v9;
	v13 =	vld.idx.msk [tilespmem:v19+s29+$0x0], $0xffff;
	v9 =	vunpack.i.l.bf16.f32 v9;
	v19 =	vor.u32 v26, v6  }
0x219: {  	v7 =	vadd.f32 v9, v7;
	v8 =	vadd.f32 v12, v8;
	v9 =	vmul.bf16 v15, v14;
	v12 =	vld.idx.msk [tilespmem:v18+s29+$0x0], $0xffff  }
0x21a: {  	v14 =	vunpack.i.u.bf16.f32 v10;
	v10 =	vunpack.i.l.bf16.f32 v10;
	v15 =	vld.idx.msk [tilespmem:v18+s30+$0x0], $0xffff;
	v18 =	vor.u32 v27, v6  }
0x21b: {  	v11 =	vmul.bf16 v17, v11;
	v17 =	vld.idx.msk [tilespmem:v20+s30+$0x0], $0xffff;
	v7 =	vadd.f32 v10, v7;
	v8 =	vadd.f32 v14, v8  }
0x21c: {  	v10 =	vunpack.i.u.bf16.f32 v9;
	v14 =	vld.idx.msk [tilespmem:v20+s29+$0x0], $0xffff;
	v9 =	vunpack.i.l.bf16.f32 v9;
	v20 =	vor.u32 v28, v6  }
0x21d: {  	v7 =	vadd.f32 v9, v7;
	v8 =	vadd.f32 v10, v8;
	v9 =	vmul.bf16 v16, v13;
	v10 =	vld.idx.msk [tilespmem:v19+s29+$0x0], $0xffff  }
0x21e: {  	v13 =	vunpack.i.u.bf16.f32 v11;
	v11 =	vunpack.i.l.bf16.f32 v11;
	v16 =	vld.idx.msk [tilespmem:v19+s30+$0x0], $0xffff;
	v19 =	vor.u32 v29, v6  }
0x21f: {  	v12 =	vmul.bf16 v15, v12;
	v15 =	vld.idx.msk [tilespmem:v18+s30+$0x0], $0xffff;
	v7 =	vadd.f32 v11, v7;
	v8 =	vadd.f32 v13, v8  }
0x220: {  	v11 =	vunpack.i.u.bf16.f32 v9;
	v13 =	vld.idx.msk [tilespmem:v18+s29+$0x0], $0xffff;
	v9 =	vunpack.i.l.bf16.f32 v9;
	v18 =	vor.u32 v30, v6  }
0x221: {  	v7 =	vadd.f32 v9, v7;
	v8 =	vadd.f32 v11, v8;
	v9 =	vmul.bf16 v17, v14;
	v11 =	vld.idx.msk [tilespmem:v20+s29+$0x0], $0xffff  }
0x222: {  	v14 =	vunpack.i.u.bf16.f32 v12;
	v12 =	vunpack.i.l.bf16.f32 v12;
	v17 =	vld.idx.msk [tilespmem:v20+s30+$0x0], $0xffff;
	v20 =	vor.u32 v31, v6  }
0x223: {  	v10 =	vmul.bf16 v16, v10;
	v16 =	vld.idx.msk [tilespmem:v19+s30+$0x0], $0xffff;
	v7 =	vadd.f32 v12, v7;
	v8 =	vadd.f32 v14, v8  }
0x224: {  	v12 =	vunpack.i.u.bf16.f32 v9;
	v14 =	vld.idx.msk [tilespmem:v19+s29+$0x0], $0xffff;
	v9 =	vunpack.i.l.bf16.f32 v9;
	v19 =	vor.u32 v32, v6  }
0x225: {  	v7 =	vadd.f32 v9, v7;
	v8 =	vadd.f32 v12, v8;
	v9 =	vmul.bf16 v15, v13;
	v12 =	vld.idx.msk [tilespmem:v18+s29+$0x0], $0xffff  }
0x226: {  	v13 =	vunpack.i.u.bf16.f32 v10;
	v10 =	vunpack.i.l.bf16.f32 v10;
	v15 =	vld.idx.msk [tilespmem:v18+s30+$0x0], $0xffff;
	v18 =	vor.u32 v33, v6  }
0x227: {  	v11 =	vmul.bf16 v17, v11;
	v17 =	vld.idx.msk [tilespmem:v20+s30+$0x0], $0xffff;
	v7 =	vadd.f32 v10, v7;
	v8 =	vadd.f32 v13, v8  }
0x228: {  	v10 =	vunpack.i.u.bf16.f32 v9;
	v13 =	vld.idx.msk [tilespmem:v20+s29+$0x0], $0xffff;
	v9 =	vunpack.i.l.bf16.f32 v9;
	v20 =	vor.u32 v34, v6  }
0x229: {  	v7 =	vadd.f32 v9, v7;
	v8 =	vadd.f32 v10, v8;
	v9 =	vmul.bf16 v16, v14;
	v10 =	vld.idx.msk [tilespmem:v19+s29+$0x0], $0xffff  }
0x22a: {  	v14 =	vunpack.i.u.bf16.f32 v11;
	v11 =	vunpack.i.l.bf16.f32 v11;
	v16 =	vld.idx.msk [tilespmem:v19+s30+$0x0], $0xffff;
	v19 =	vor.u32 v35, v6  }
0x22b: {  	v12 =	vmul.bf16 v15, v12;
	v15 =	vld.idx.msk [tilespmem:v18+s30+$0x0], $0xffff;
	v7 =	vadd.f32 v11, v7;
	v8 =	vadd.f32 v14, v8  }
0x22c: {  	v11 =	vunpack.i.u.bf16.f32 v9;
	v14 =	vld.idx.msk [tilespmem:v18+s29+$0x0], $0xffff;
	v9 =	vunpack.i.l.bf16.f32 v9;
	v18 =	vor.u32 v36, v6  }
0x22d: {  	v7 =	vadd.f32 v9, v7;
	v8 =	vadd.f32 v11, v8;
	v9 =	vmul.bf16 v17, v13;
	v11 =	vld.idx.msk [tilespmem:v20+s29+$0x0], $0xffff  }
0x22e: {  	v13 =	vunpack.i.u.bf16.f32 v12;
	v12 =	vunpack.i.l.bf16.f32 v12;
	v17 =	vld.idx.msk [tilespmem:v20+s30+$0x0], $0xffff;
	v20 =	vor.u32 v37, v6  }
0x22f: {  	v10 =	vmul.bf16 v16, v10;
	v16 =	vld.idx.msk [tilespmem:v19+s30+$0x0], $0xffff;
	v7 =	vadd.f32 v12, v7;
	v8 =	vadd.f32 v13, v8  }
0x230: {  	v12 =	vunpack.i.u.bf16.f32 v9;
	v13 =	vld.idx.msk [tilespmem:v19+s29+$0x0], $0xffff;
	v9 =	vunpack.i.l.bf16.f32 v9;
	v19 =	vor.u32 v38, v6  }
0x231: {  	v7 =	vadd.f32 v9, v7;
	v8 =	vadd.f32 v12, v8;
	v9 =	vmul.bf16 v15, v14;
	v12 =	vld.idx.msk [tilespmem:v18+s29+$0x0], $0xffff  }
0x232: {  	v14 =	vunpack.i.u.bf16.f32 v10;
	v10 =	vunpack.i.l.bf16.f32 v10;
	v15 =	vld.idx.msk [tilespmem:v18+s30+$0x0], $0xffff;
	v18 =	vor.u32 v39, v6  }
0x233: {  	v11 =	vmul.bf16 v17, v11;
	v17 =	vld.idx.msk [tilespmem:v20+s30+$0x0], $0xffff;
	v7 =	vadd.f32 v10, v7;
	v8 =	vadd.f32 v14, v8  }
0x234: {  	v10 =	vunpack.i.u.bf16.f32 v9;
	v14 =	vld.idx.msk [tilespmem:v20+s29+$0x0], $0xffff;
	v9 =	vunpack.i.l.bf16.f32 v9;
	v20 =	vor.u32 v40, v6  }
0x235: {  	v7 =	vadd.f32 v9, v7;
	v8 =	vadd.f32 v10, v8;
	v9 =	vmul.bf16 v16, v13;
	v10 =	vld.idx.msk [tilespmem:v19+s29+$0x0], $0xffff  }
0x236: {  	v13 =	vunpack.i.u.bf16.f32 v11;
	v11 =	vunpack.i.l.bf16.f32 v11;
	v16 =	vld.idx.msk [tilespmem:v19+s30+$0x0], $0xffff;
	v19 =	vor.u32 v41, v6  }
0x237: {  	v12 =	vmul.bf16 v15, v12;
	v15 =	vld.idx.msk [tilespmem:v18+s30+$0x0], $0xffff;
	v7 =	vadd.f32 v11, v7;
	v8 =	vadd.f32 v13, v8  }
0x238: {  	v11 =	vunpack.i.u.bf16.f32 v9;
	v13 =	vld.idx.msk [tilespmem:v18+s29+$0x0], $0xffff;
	v9 =	vunpack.i.l.bf16.f32 v9;
	v18 =	vor.u32 v42, v6  }
0x239: {  	v14 =	vmul.bf16 v17, v14;
	v17 =	vld.idx.msk [tilespmem:v20+s30+$0x0], $0xffff;
	v7 =	vadd.f32 v9, v7  }
0x23a: {  	v8 =	vadd.f32 v11, v8;
	v9 =	vld.idx.msk [tilespmem:v20+s29+$0x0], $0xffff;
	v11 =	vunpack.i.l.bf16.f32 v12;
	v20 =	vor.u32 v43, v6  }
0x23b: {  	v21 =	vshll.u32 v4, $0x1;
	v12 =	vunpack.i.u.bf16.f32 v12;
	v7 =	vadd.f32 v11, v7;
	v11 =	vld.idx.msk [tilespmem:v19+s29+$0x0], $0xffff  }
0x23c: {  	v6 =	vor.u32 v44, v6;
	v8 =	vadd.f32 v12, v8;
	v19 =	vld.idx.msk [tilespmem:v19+s30+$0x0], $0xffff  }
0x23d: {  	v10 =	vmul.bf16 v16, v10;
	v12 =	vunpack.i.u.bf16.f32 v14;
	v16 =	vld.idx.msk [tilespmem:v18+s29+$0x0], $0xffff  }
0x23e: {  	v22 =	vshll.u32 v5, $0x1;
	v14 =	vunpack.i.l.bf16.f32 v14;
	v8 =	vadd.f32 v12, v8;
	v12 =	vld.idx.msk [tilespmem:v18+s30+$0x0], $0xffff  }
0x23f: {  	v13 =	vmul.bf16 v15, v13;
	v7 =	vadd.f32 v14, v7;
	v15 =	vld.idx.msk [tilespmem:v20+s29+$0x0], $0xffff  }
0x240: {  	v14 =	vunpack.i.u.bf16.f32 v10;
	v10 =	vunpack.i.l.bf16.f32 v10;
	v9 =	vmul.bf16 v17, v9;
	v17 =	vld.idx.msk [tilespmem:v21+s24+$0x0], $0xffff  }
0x241: {  	v18 =	vld.idx.msk [tilespmem:v6+s29+$0x0], $0xffff;
	v7 =	vadd.f32 v10, v7;
	v8 =	vadd.f32 v14, v8  }
0x242: {  	v10 =	vld.idx.msk [tilespmem:v20+s30+$0x0], $0xffff;
	v14 =	vunpack.i.u.bf16.f32 v13;
	v13 =	vunpack.i.l.bf16.f32 v13  }
0x243: {  	v11 =	vmul.bf16 v19, v11;
	v7 =	vadd.f32 v13, v7;
	v8 =	vadd.f32 v14, v8;
	v14 =	vld.idx.msk [tilespmem:v22+s24+$0x0], $0xffff  }
0x244: {  	v6 =	vld.idx.msk [tilespmem:v6+s30+$0x0], $0xffff;
	v19 =	vor.u32 $0x1, v21;
	v13 =	vunpack.i.u.bf16.f32 v9;
	v9 =	vunpack.i.l.bf16.f32 v9  }
0x245: {  	v7 =	vadd.f32 v9, v7;
	v8 =	vadd.f32 v13, v8;
	v9 =	vmul.bf16 v12, v16  }
0x246: {  	v12 =	vunpack.i.u.bf16.f32 v11;
	v11 =	vunpack.i.l.bf16.f32 v11;
	v13 =	vor.u32 $0x1, v22  }
0x247: {  	v10 =	vmul.bf16 v10, v15;
	v7 =	vadd.f32 v11, v7;
	v8 =	vadd.f32 v12, v8  }
0x248: {  	v12 =	vunpack.i.u.bf16.f32 v9;
	v9 =	vunpack.i.l.bf16.f32 v9;
	v11 =	vmul.f32 v14, v17  }
0x249: {  	v6 =	vmul.bf16 v6, v18;
	v7 =	vadd.f32 v9, v7;
	v9 =	vld.idx.msk [tilespmem:v19+s24+$0x0], $0xffff  }
0x24a: {  	v8 =	vadd.f32 v12, v8;
	v12 =	vunpack.i.l.bf16.f32 v10;
	v11 =	vand.u32 $0x7FFFFFFF, v11  }
0x24b: {  	v10 =	vunpack.i.u.bf16.f32 v10;
	v7 =	vadd.f32 v12, v7;
	v12 =	vld.idx.msk [tilespmem:v13+s24+$0x0], $0xffff;
	v11 =	vmax.f32 v11, $9.999999710e-10  }
0x24c: {  	v14 =	vunpack.i.l.bf16.f32 v6;
	v8 =	vadd.f32 v10, v8;
	(erf) = vrcp.f32 v11  }
0x24d: {  	v6 =	vunpack.i.u.bf16.f32 v6;
	v7 =	vadd.f32 v14, v7  }
0x24e: {  	v6 =	vadd.f32 v6, v8;
	v15 =	vadd.f32 v9, v9;
	_ =	sdelay $0x1  }
0x24f: {  	v6 =	vadd.f32 v7, v6;
	v13 =	vmul.f32 v12, v15;
	_ =	sdelay $0x1  }
0x250: {  	v6 =	vsub.f32 v6, v13;
	_ =	sdelay $0x1  }
0x251: {  	v6 =	vmul.f32 v6, v6  }
0x252: {  	v14 =	vpop (erf)  }
0x253: {  	vm3 =	vlt.s32 v5, v3;
	vm2 =	vlt.s32 v4, v3;
	v6 =	vmul.f32 v14, v6  }
0x254: {  	vm2 =	vmand vm2, vm3  }
0x255: {  	s11 =	sadd.s32 s9, s16;
	vm2 =	vmand vm1, vm2;
	v20 =	vimm.f32 $0.0e+00;
	v12 =	vld [tilespmem:$0x18B30];
	v4 =	vsub.f32 $1.000000000e+00, v6  }
0x256: {  	v5 =	vld [tilespmem:$0x18B20];
	v15 =	vadd.s32 s11, v2;
	v6 =	vsel vm2, $0x3F800000, v20  }
0x257: {  	v14 =	vld [tilespmem:$0x18B40];
	vm2 =	vgt.s32 v15, $0x270F;
	v13 =	vmin.f32 v4, $1.000000000e+01;
	v4 =	vsub.f32 $1.000000000e+00, v4  }
0x258: {  	v21 =	vimm.f32 $1.000000000e+00;
	vm2 =	vmor vm1, vm2  }
0x259: {  	p1 =	sne.s32 s9, $0x40;
	v15 =	vsel vm2, $0x0, v21;
	v7 =	vmul.f32 v13, v6;
	v4 =	vmax.f32 v4, $0.0e+00  }
.Ltmp1:
0x25a: {  	v6 =	vadd.f32 v12, v6;
	v4 =	vmul.f32 v4, v15;
	(pc) =	sbr.rel @p1 .LBB2_5-.Ltmp1, $4  }
0x25b: {  	v5 =	vadd.f32 v7, v5  }
0x25c: {  	[tilespmem:$0x18B30] =	vst v6;
	v4 =	vadd.f32 v4, v14  }
0x25d: {  	[tilespmem:$0x18B20] =	vst v5  }
0x25e: {  	s10 =	sadd.s32 $0x10, s10;
	s9 =	sadd.s32 $0x10, s9;
	s3 =	sadd.s32 $0x10, s3;
	v22 =	vmov v24;
	v19 =	vmov v49;
	v21 =	vmov v23;
	[tilespmem:$0x18B40] =	vst v4  }
0x25f: {  	s6 =	sadd.s32 $0x1, s6  }
0x260: {  	p1 =	sne.s32 s6, $0x40  }
.Ltmp2:
0x261: {  	_ = 	snop;
	(pc) =	sbr.rel @p1 .LBB2_2-.Ltmp2, $3  }
0x262: {  	_ =	sdelay $0x1  }
0x263: {  	s13 =	sadd.s32 $0xA0, s13;
	s12 =	sadd.s32 $0xA0, s12;
	s15 =	sadd.s32 $0xA0, s15  }
0x264: {  	s0 =	sadd.s32 $0xA0, s0;
	s22 =	sadd.s32 $0xA0, s22;
	s16 =	sadd.s32 $0xA0, s16  }
0x265: {  	_ =	swait.ge [sflag:s31], $0x1400  }
0x266: {  	[sflag:s31] =	ssyncset.done $0x0  }
0x267: {  	[sflag:s31] =	ssyncadd.s32 $0xFFFFEC00  }
0x268: {  	_ =	swait.ge [sflag:s31], $0x1400  }
0x269: {  	v41 =	vld [tilespmem:$0x1FD50]  }
0x26a: {  	v42 =	vld [tilespmem:$0x1FD60]  }
0x26b: {  	v43 =	vld [tilespmem:$0x1FD70]  }
0x26c: {  	v44 =	vld [tilespmem:$0x1FD80]  }
0x26d: {  	v45 =	vld [tilespmem:$0x1FD90]  }
0x26e: {  	v46 =	vld [tilespmem:$0x1FDA0]  }
0x26f: {  	v47 =	vld [tilespmem:$0x1FDB0]  }
0x270: {  	v48 =	vld [tilespmem:$0x1FDC0]  }
0x271: {  	v49 =	vld [tilespmem:$0x1FDD0]  }
0x272: {  	v50 =	vld [tilespmem:$0x1FDE0]  }
0x273: {  	v51 =	vld [tilespmem:$0x1FDF0]  }
0x274: {  	v52 =	vld [tilespmem:$0x1FE00]  }
0x275: {  	v53 =	vld [tilespmem:$0x1FE10]  }
0x276: {  	v54 =	vld [tilespmem:$0x1FE20]  }
0x277: {  	v55 =	vld [tilespmem:$0x1FE30]  }
0x278: {  	v56 =	vld [tilespmem:$0x1FE40]  }
0x279: {  	v57 =	vld [tilespmem:$0x1FE50]  }
0x27a: {  	v58 =	vld [tilespmem:$0x1FE60]  }
0x27b: {  	v59 =	vld [tilespmem:$0x1FE70]  }
0x27c: {  	v60 =	vld [tilespmem:$0x1FE80]  }
0x27d: {  	v61 =	vld [tilespmem:$0x1FE90]  }
0x27e: {  	v1 =	vld [tilespmem:$0x1FEA0]  }
0x27f: {  	v0 =	vld [tilespmem:$0x1FEB0]  }
0x280: {  	v62 =	vld [tilespmem:$0x1FEC0]  }
0x281: {  	v63 =	vld [tilespmem:$0x1FED0]  }
0x282: {  	v23 =	vld [tilespmem:$0x1FEE0]  }
0x283: {  	v24 =	vld [tilespmem:$0x1FEF0]  }
0x284: {  	v25 =	vld [tilespmem:$0x1FF00]  }
0x285: {  	v26 =	vld [tilespmem:$0x1FF10]  }
0x286: {  	v27 =	vld [tilespmem:$0x1FF20]  }
0x287: {  	v28 =	vld [tilespmem:$0x1FF30]  }
0x288: {  	v29 =	vld [tilespmem:$0x1FF40]  }
0x289: {  	v30 =	vld [tilespmem:$0x1FF50]  }
0x28a: {  	v31 =	vld [tilespmem:$0x1FF60]  }
0x28b: {  	v32 =	vld [tilespmem:$0x1FF70]  }
0x28c: {  	v33 =	vld [tilespmem:$0x1FF80]  }
0x28d: {  	v34 =	vld [tilespmem:$0x1FF90]  }
0x28e: {  	v35 =	vld [tilespmem:$0x1FFA0]  }
0x28f: {  	v36 =	vld [tilespmem:$0x1FFB0]  }
0x290: {  	v37 =	vld [tilespmem:$0x1FFC0]  }
0x291: {  	v38 =	vld [tilespmem:$0x1FFD0]  }
0x292: {  	s0 =	simm.s32 $0x0;
	[sflag:s31] =	ssyncset.done $0x0;
	v39 =	vld [tilespmem:$0x1FFE0]  }
0x293: {  	s3 =	simm.s32 $0x5050;
	s6 =	simm.s32 $0x2800;
	v40 =	vld [tilespmem:$0x1FFF0];
	[sflag:s31] =	ssyncadd.s32 $0xFFFFEC00  }
.LBB2_8:
0x294: {  	v3 =	vadd.s32 s0, v2  }
0x295: {  	v3 =	vshll.u32 v3, $0x6  }
0x296: {  	v10 =	vld [tilespmem:$0x1FC30];
	v6 =	vadd.s32 v2, v3  }
0x297: {  	v12 =	vld [tilespmem:$0x1FC40]  }
0x298: {  	v14 =	vld [tilespmem:$0x1FC50];
	v7 =	vor.u32 v21, v3  }
0x299: {  	v15 =	vld [tilespmem:$0x1FC60]  }
0x29a: {  	v19 =	vld [tilespmem:$0x1FC80];
	v8 =	vor.u32 v22, v3  }
0x29b: {  	v9 =	vld.idx.msk [tilespmem:v6+s25+$0x0], $0xffff  }
0x29c: {  	v12 =	vor.u32 v12, v3;
	v6 =	vld.idx.msk [tilespmem:v6+s26+$0x0], $0xffff  }
0x29d: {  	v10 =	vor.u32 v10, v3;
	v11 =	vld.idx.msk [tilespmem:v7+s25+$0x0], $0xffff  }
0x29e: {  	v7 =	vld.idx.msk [tilespmem:v7+s26+$0x0], $0xffff  }
0x29f: {  	v13 =	vld.idx.msk [tilespmem:v8+s25+$0x0], $0xffff  }
0x2a0: {  	v8 =	vld.idx.msk [tilespmem:v8+s26+$0x0], $0xffff  }
0x2a1: {  	v14 =	vor.u32 v14, v3;
	v17 =	vld.idx.msk [tilespmem:v12+s25+$0x0], $0xffff  }
0x2a2: {  	v6 =	vmul.bf16 v6, v9;
	v9 =	vld.idx.msk [tilespmem:v10+s25+$0x0], $0xffff  }
0x2a3: {  	v15 =	vor.u32 v15, v3;
	v10 =	vld.idx.msk [tilespmem:v10+s26+$0x0], $0xffff  }
0x2a4: {  	v7 =	vmul.bf16 v7, v11;
	v11 =	vld.idx.msk [tilespmem:v12+s26+$0x0], $0xffff  }
0x2a5: {  	v12 =	vld [tilespmem:$0x1FC70];
	v16 =	vunpack.i.u.bf16.f32 v6;
	v6 =	vunpack.i.l.bf16.f32 v6  }
0x2a6: {  	v8 =	vmul.bf16 v8, v13;
	v13 =	vld.idx.msk [tilespmem:v14+s25+$0x0], $0xffff;
	v6 =	vadd.f32 $0.0e+00, v6;
	v16 =	vadd.f32 $0.0e+00, v16  }
0x2a7: {  	v14 =	vld.idx.msk [tilespmem:v14+s26+$0x0], $0xffff;
	v18 =	vunpack.i.u.bf16.f32 v7;
	v7 =	vunpack.i.l.bf16.f32 v7  }
0x2a8: {  	v19 =	vor.u32 v19, v3;
	v6 =	vadd.f32 v7, v6;
	v7 =	vadd.f32 v18, v16;
	v18 =	vld.idx.msk [tilespmem:v15+s25+$0x0], $0xffff  }
0x2a9: {  	v9 =	vmul.bf16 v10, v9;
	v10 =	vld.idx.msk [tilespmem:v15+s26+$0x0], $0xffff  }
0x2aa: {  	v15 =	vld [tilespmem:$0x1FC90]  }
0x2ab: {  	v12 =	vor.u32 v12, v3;
	v16 =	vunpack.i.u.bf16.f32 v8;
	v8 =	vunpack.i.l.bf16.f32 v8  }
0x2ac: {  	v6 =	vadd.f32 v8, v6;
	v7 =	vadd.f32 v16, v7;
	v8 =	vmul.bf16 v11, v17;
	v17 =	vld [tilespmem:$0x1FCA0]  }
0x2ad: {  	v13 =	vmul.bf16 v14, v13;
	v14 =	vld.idx.msk [tilespmem:v19+s26+$0x0], $0xffff;
	v16 =	vunpack.i.u.bf16.f32 v9  }
0x2ae: {  	v7 =	vadd.f32 v16, v7;
	v16 =	vld.idx.msk [tilespmem:v19+s25+$0x0], $0xffff  }
0x2af: {  	v19 =	vld [tilespmem:$0x1FCB0];
	v15 =	vor.u32 v15, v3  }
0x2b0: {  	v9 =	vunpack.i.l.bf16.f32 v9  }
0x2b1: {  	v6 =	vadd.f32 v9, v6;
	v11 =	vld.idx.msk [tilespmem:v12+s25+$0x0], $0xffff;
	v17 =	vor.u32 v17, v3  }
0x2b2: {  	v9 =	vunpack.i.u.bf16.f32 v8;
	v8 =	vunpack.i.l.bf16.f32 v8;
	v12 =	vld.idx.msk [tilespmem:v12+s26+$0x0], $0xffff  }
0x2b3: {  	v6 =	vadd.f32 v8, v6;
	v8 =	vmul.bf16 v10, v18;
	v18 =	vld [tilespmem:$0x1FCC0]  }
0x2b4: {  	v7 =	vadd.f32 v9, v7;
	v19 =	vor.u32 v19, v3;
	v9 =	vld.idx.msk [tilespmem:v15+s25+$0x0], $0xffff  }
0x2b5: {  	v10 =	vunpack.i.u.bf16.f32 v13;
	v13 =	vunpack.i.l.bf16.f32 v13;
	v15 =	vld.idx.msk [tilespmem:v15+s26+$0x0], $0xffff  }
0x2b6: {  	v6 =	vadd.f32 v13, v6;
	v13 =	vld.idx.msk [tilespmem:v17+s25+$0x0], $0xffff  }
0x2b7: {  	v7 =	vadd.f32 v10, v7;
	v11 =	vmul.bf16 v12, v11;
	v12 =	vld.idx.msk [tilespmem:v17+s26+$0x0], $0xffff  }
0x2b8: {  	v10 =	vunpack.i.u.bf16.f32 v8;
	v17 =	vld [tilespmem:$0x1FCD0]  }
0x2b9: {  	v8 =	vunpack.i.l.bf16.f32 v8;
	v7 =	vadd.f32 v10, v7;
	v10 =	vld.idx.msk [tilespmem:v19+s25+$0x0], $0xffff  }
0x2ba: {  	v6 =	vadd.f32 v8, v6;
	v8 =	vmul.bf16 v14, v16;
	v18 =	vor.u32 v18, v3;
	v16 =	vld.idx.msk [tilespmem:v19+s26+$0x0], $0xffff  }
0x2bb: {  	v19 =	vld [tilespmem:$0x1FCE0];
	_ =	sdelay $0x1  }
0x2bc: {  	v17 =	vor.u32 v17, v3  }
0x2bd: {  	v14 =	vunpack.i.u.bf16.f32 v11  }
0x2be: {  	v7 =	vadd.f32 v14, v7;
	v14 =	vld.idx.msk [tilespmem:v18+s25+$0x0], $0xffff  }
0x2bf: {  	v11 =	vunpack.i.l.bf16.f32 v11;
	v9 =	vmul.bf16 v15, v9;
	v15 =	vld.idx.msk [tilespmem:v18+s26+$0x0], $0xffff;
	v19 =	vor.u32 v19, v3  }
0x2c0: {  	v6 =	vadd.f32 v11, v6;
	v11 =	vunpack.i.u.bf16.f32 v8;
	v18 =	vld [tilespmem:$0x1FCF0]  }
0x2c1: {  	v8 =	vunpack.i.l.bf16.f32 v8;
	v7 =	vadd.f32 v11, v7;
	v11 =	vld.idx.msk [tilespmem:v17+s25+$0x0], $0xffff  }
0x2c2: {  	v6 =	vadd.f32 v8, v6;
	v8 =	vmul.bf16 v12, v13;
	v13 =	vld.idx.msk [tilespmem:v17+s26+$0x0], $0xffff  }
0x2c3: {  	v12 =	vunpack.i.u.bf16.f32 v9;
	v17 =	vld [tilespmem:$0x1FD00]  }
0x2c4: {  	v7 =	vadd.f32 v12, v7;
	v12 =	vld.idx.msk [tilespmem:v19+s25+$0x0], $0xffff  }
0x2c5: {  	v10 =	vmul.bf16 v16, v10;
	v18 =	vor.u32 v18, v3;
	v16 =	vld.idx.msk [tilespmem:v19+s26+$0x0], $0xffff  }
0x2c6: {  	v19 =	vld [tilespmem:$0x1FD10];
	_ =	sdelay $0x1  }
0x2c7: {  	v9 =	vunpack.i.l.bf16.f32 v9;
	v17 =	vor.u32 v17, v3  }
0x2c8: {  	v6 =	vadd.f32 v9, v6;
	v9 =	vunpack.i.u.bf16.f32 v8  }
0x2c9: {  	v8 =	vunpack.i.l.bf16.f32 v8;
	v7 =	vadd.f32 v9, v7;
	v9 =	vld.idx.msk [tilespmem:v18+s25+$0x0], $0xffff  }
0x2ca: {  	v6 =	vadd.f32 v8, v6;
	v8 =	vmul.bf16 v15, v14;
	v15 =	vld.idx.msk [tilespmem:v18+s26+$0x0], $0xffff;
	v19 =	vor.u32 v19, v3  }
0x2cb: {  	v14 =	vunpack.i.u.bf16.f32 v10;
	v18 =	vld [tilespmem:$0x1FD20]  }
0x2cc: {  	v7 =	vadd.f32 v14, v7;
	v14 =	vld.idx.msk [tilespmem:v17+s25+$0x0], $0xffff  }
0x2cd: {  	v10 =	vunpack.i.l.bf16.f32 v10;
	v11 =	vmul.bf16 v13, v11;
	v13 =	vld.idx.msk [tilespmem:v17+s26+$0x0], $0xffff  }
0x2ce: {  	v6 =	vadd.f32 v10, v6;
	v10 =	vunpack.i.u.bf16.f32 v8;
	v17 =	vld [tilespmem:$0x1FD30]  }
0x2cf: {  	v8 =	vunpack.i.l.bf16.f32 v8;
	v7 =	vadd.f32 v10, v7;
	v10 =	vld.idx.msk [tilespmem:v19+s25+$0x0], $0xffff  }
0x2d0: {  	v6 =	vadd.f32 v8, v6;
	v8 =	vmul.bf16 v16, v12;
	v16 =	vld.idx.msk [tilespmem:v19+s26+$0x0], $0xffff  }
0x2d1: {  	v19 =	vld [tilespmem:$0x1FD40]  }
0x2d2: {  	v18 =	vor.u32 v18, v3;
	_ =	sdelay $0x1  }
0x2d3: {  	v17 =	vor.u32 v17, v3  }
0x2d4: {  	v5 =	vld [tilespmem:s6+$0x0]  }
0x2d5: {  	v4 =	vld [tilespmem:s3+$0x0];
	v12 =	vunpack.i.u.bf16.f32 v11;
	v11 =	vunpack.i.l.bf16.f32 v11;
	v19 =	vor.u32 v19, v3  }
0x2d6: {  	v6 =	vadd.f32 v11, v6;
	v7 =	vadd.f32 v12, v7;
	v11 =	vunpack.i.u.bf16.f32 v8;
	v12 =	vld.idx.msk [tilespmem:v18+s25+$0x0], $0xffff  }
0x2d7: {  	v8 =	vunpack.i.l.bf16.f32 v8;
	v9 =	vmul.bf16 v15, v9;
	v15 =	vld.idx.msk [tilespmem:v18+s26+$0x0], $0xffff;
	v18 =	vor.u32 v41, v3  }
0x2d8: {  	v6 =	vadd.f32 v8, v6;
	v7 =	vadd.f32 v11, v7;
	v8 =	vmul.bf16 v13, v14;
	v11 =	vld.idx.msk [tilespmem:v17+s25+$0x0], $0xffff  }
0x2d9: {  	v13 =	vunpack.i.u.bf16.f32 v9;
	v9 =	vunpack.i.l.bf16.f32 v9;
	v14 =	vld.idx.msk [tilespmem:v17+s26+$0x0], $0xffff;
	v17 =	vor.u32 v42, v3  }
0x2da: {  	v6 =	vadd.f32 v9, v6;
	v7 =	vadd.f32 v13, v7;
	v9 =	vunpack.i.u.bf16.f32 v8;
	v13 =	vld.idx.msk [tilespmem:v19+s25+$0x0], $0xffff  }
0x2db: {  	v8 =	vunpack.i.l.bf16.f32 v8;
	v10 =	vmul.bf16 v16, v10;
	v16 =	vld.idx.msk [tilespmem:v19+s26+$0x0], $0xffff;
	v19 =	vor.u32 v43, v3  }
0x2dc: {  	v6 =	vadd.f32 v8, v6;
	v7 =	vadd.f32 v9, v7;
	v8 =	vmul.bf16 v15, v12;
	v9 =	vld.idx.msk [tilespmem:v18+s25+$0x0], $0xffff  }
0x2dd: {  	v12 =	vunpack.i.u.bf16.f32 v10;
	v10 =	vunpack.i.l.bf16.f32 v10;
	v15 =	vld.idx.msk [tilespmem:v18+s26+$0x0], $0xffff;
	v18 =	vor.u32 v44, v3  }
0x2de: {  	v6 =	vadd.f32 v10, v6;
	v7 =	vadd.f32 v12, v7;
	v10 =	vunpack.i.u.bf16.f32 v8;
	v12 =	vld.idx.msk [tilespmem:v17+s25+$0x0], $0xffff  }
0x2df: {  	v8 =	vunpack.i.l.bf16.f32 v8;
	v11 =	vmul.bf16 v14, v11;
	v14 =	vld.idx.msk [tilespmem:v17+s26+$0x0], $0xffff;
	v17 =	vor.u32 v45, v3  }
0x2e0: {  	v6 =	vadd.f32 v8, v6;
	v7 =	vadd.f32 v10, v7;
	v8 =	vmul.bf16 v16, v13;
	v10 =	vld.idx.msk [tilespmem:v19+s25+$0x0], $0xffff  }
0x2e1: {  	v13 =	vunpack.i.u.bf16.f32 v11;
	v11 =	vunpack.i.l.bf16.f32 v11;
	v16 =	vld.idx.msk [tilespmem:v19+s26+$0x0], $0xffff;
	v19 =	vor.u32 v46, v3  }
0x2e2: {  	v9 =	vmul.bf16 v15, v9;
	v15 =	vld.idx.msk [tilespmem:v18+s26+$0x0], $0xffff;
	v6 =	vadd.f32 v11, v6;
	v7 =	vadd.f32 v13, v7  }
0x2e3: {  	v13 =	vld.idx.msk [tilespmem:v18+s25+$0x0], $0xffff;
	v18 =	vor.u32 v47, v3;
	v11 =	vunpack.i.u.bf16.f32 v8;
	v8 =	vunpack.i.l.bf16.f32 v8  }
0x2e4: {  	v6 =	vadd.f32 v8, v6;
	v7 =	vadd.f32 v11, v7;
	v8 =	vmul.bf16 v14, v12;
	v11 =	vld.idx.msk [tilespmem:v17+s25+$0x0], $0xffff  }
0x2e5: {  	v12 =	vunpack.i.u.bf16.f32 v9;
	v9 =	vunpack.i.l.bf16.f32 v9;
	v14 =	vld.idx.msk [tilespmem:v17+s26+$0x0], $0xffff;
	v17 =	vor.u32 v48, v3  }
0x2e6: {  	v6 =	vadd.f32 v9, v6;
	v7 =	vadd.f32 v12, v7;
	v9 =	vunpack.i.u.bf16.f32 v8;
	v12 =	vld.idx.msk [tilespmem:v19+s25+$0x0], $0xffff  }
0x2e7: {  	v8 =	vunpack.i.l.bf16.f32 v8;
	v10 =	vmul.bf16 v16, v10;
	v16 =	vld.idx.msk [tilespmem:v19+s26+$0x0], $0xffff;
	v19 =	vor.u32 v49, v3  }
0x2e8: {  	v6 =	vadd.f32 v8, v6;
	v7 =	vadd.f32 v9, v7;
	v8 =	vmul.bf16 v15, v13;
	v9 =	vld.idx.msk [tilespmem:v18+s25+$0x0], $0xffff  }
0x2e9: {  	v13 =	vunpack.i.u.bf16.f32 v10;
	v10 =	vunpack.i.l.bf16.f32 v10;
	v15 =	vld.idx.msk [tilespmem:v18+s26+$0x0], $0xffff;
	v18 =	vor.u32 v50, v3  }
0x2ea: {  	v11 =	vmul.bf16 v14, v11;
	v14 =	vld.idx.msk [tilespmem:v17+s26+$0x0], $0xffff;
	v6 =	vadd.f32 v10, v6;
	v7 =	vadd.f32 v13, v7  }
0x2eb: {  	v10 =	vunpack.i.u.bf16.f32 v8;
	v13 =	vld.idx.msk [tilespmem:v17+s25+$0x0], $0xffff;
	v8 =	vunpack.i.l.bf16.f32 v8;
	v17 =	vor.u32 v51, v3  }
0x2ec: {  	v6 =	vadd.f32 v8, v6;
	v7 =	vadd.f32 v10, v7;
	v8 =	vmul.bf16 v16, v12;
	v10 =	vld.idx.msk [tilespmem:v19+s25+$0x0], $0xffff  }
0x2ed: {  	v12 =	vunpack.i.u.bf16.f32 v11;
	v11 =	vunpack.i.l.bf16.f32 v11;
	v16 =	vld.idx.msk [tilespmem:v19+s26+$0x0], $0xffff;
	v19 =	vor.u32 v52, v3  }
0x2ee: {  	v9 =	vmul.bf16 v15, v9;
	v15 =	vld.idx.msk [tilespmem:v18+s26+$0x0], $0xffff;
	v6 =	vadd.f32 v11, v6;
	v7 =	vadd.f32 v12, v7  }
0x2ef: {  	v11 =	vunpack.i.u.bf16.f32 v8;
	v12 =	vld.idx.msk [tilespmem:v18+s25+$0x0], $0xffff;
	v8 =	vunpack.i.l.bf16.f32 v8;
	v18 =	vor.u32 v53, v3  }
0x2f0: {  	v6 =	vadd.f32 v8, v6;
	v7 =	vadd.f32 v11, v7;
	v8 =	vmul.bf16 v14, v13;
	v11 =	vld.idx.msk [tilespmem:v17+s25+$0x0], $0xffff  }
0x2f1: {  	v13 =	vunpack.i.u.bf16.f32 v9;
	v9 =	vunpack.i.l.bf16.f32 v9;
	v14 =	vld.idx.msk [tilespmem:v17+s26+$0x0], $0xffff;
	v17 =	vor.u32 v54, v3  }
0x2f2: {  	v10 =	vmul.bf16 v16, v10;
	v16 =	vld.idx.msk [tilespmem:v19+s26+$0x0], $0xffff;
	v6 =	vadd.f32 v9, v6;
	v7 =	vadd.f32 v13, v7  }
0x2f3: {  	v9 =	vunpack.i.u.bf16.f32 v8;
	v13 =	vld.idx.msk [tilespmem:v19+s25+$0x0], $0xffff;
	v8 =	vunpack.i.l.bf16.f32 v8;
	v19 =	vor.u32 v55, v3  }
0x2f4: {  	v6 =	vadd.f32 v8, v6;
	v7 =	vadd.f32 v9, v7;
	v8 =	vmul.bf16 v15, v12;
	v9 =	vld.idx.msk [tilespmem:v18+s25+$0x0], $0xffff  }
0x2f5: {  	v12 =	vunpack.i.u.bf16.f32 v10;
	v10 =	vunpack.i.l.bf16.f32 v10;
	v15 =	vld.idx.msk [tilespmem:v18+s26+$0x0], $0xffff;
	v18 =	vor.u32 v56, v3  }
0x2f6: {  	v11 =	vmul.bf16 v14, v11;
	v14 =	vld.idx.msk [tilespmem:v17+s26+$0x0], $0xffff;
	v6 =	vadd.f32 v10, v6;
	v7 =	vadd.f32 v12, v7  }
0x2f7: {  	v10 =	vunpack.i.u.bf16.f32 v8;
	v12 =	vld.idx.msk [tilespmem:v17+s25+$0x0], $0xffff;
	v8 =	vunpack.i.l.bf16.f32 v8;
	v17 =	vor.u32 v57, v3  }
0x2f8: {  	v6 =	vadd.f32 v8, v6;
	v7 =	vadd.f32 v10, v7;
	v8 =	vmul.bf16 v16, v13;
	v10 =	vld.idx.msk [tilespmem:v19+s25+$0x0], $0xffff  }
0x2f9: {  	v13 =	vunpack.i.u.bf16.f32 v11;
	v11 =	vunpack.i.l.bf16.f32 v11;
	v16 =	vld.idx.msk [tilespmem:v19+s26+$0x0], $0xffff;
	v19 =	vor.u32 v58, v3  }
0x2fa: {  	v9 =	vmul.bf16 v15, v9;
	v15 =	vld.idx.msk [tilespmem:v18+s26+$0x0], $0xffff;
	v6 =	vadd.f32 v11, v6;
	v7 =	vadd.f32 v13, v7  }
0x2fb: {  	v11 =	vunpack.i.u.bf16.f32 v8;
	v13 =	vld.idx.msk [tilespmem:v18+s25+$0x0], $0xffff;
	v8 =	vunpack.i.l.bf16.f32 v8;
	v18 =	vor.u32 v59, v3  }
0x2fc: {  	v6 =	vadd.f32 v8, v6;
	v7 =	vadd.f32 v11, v7;
	v8 =	vmul.bf16 v14, v12;
	v11 =	vld.idx.msk [tilespmem:v17+s25+$0x0], $0xffff  }
0x2fd: {  	v12 =	vunpack.i.u.bf16.f32 v9;
	v9 =	vunpack.i.l.bf16.f32 v9;
	v14 =	vld.idx.msk [tilespmem:v17+s26+$0x0], $0xffff;
	v17 =	vor.u32 v60, v3  }
0x2fe: {  	v10 =	vmul.bf16 v16, v10;
	v16 =	vld.idx.msk [tilespmem:v19+s26+$0x0], $0xffff;
	v6 =	vadd.f32 v9, v6;
	v7 =	vadd.f32 v12, v7  }
0x2ff: {  	v9 =	vunpack.i.u.bf16.f32 v8;
	v12 =	vld.idx.msk [tilespmem:v19+s25+$0x0], $0xffff;
	v8 =	vunpack.i.l.bf16.f32 v8;
	v19 =	vor.u32 v61, v3  }
0x300: {  	v6 =	vadd.f32 v8, v6;
	v7 =	vadd.f32 v9, v7;
	v8 =	vmul.bf16 v15, v13;
	v9 =	vld.idx.msk [tilespmem:v18+s25+$0x0], $0xffff  }
0x301: {  	v13 =	vunpack.i.u.bf16.f32 v10;
	v10 =	vunpack.i.l.bf16.f32 v10;
	v15 =	vld.idx.msk [tilespmem:v18+s26+$0x0], $0xffff;
	v18 =	vor.u32 v1, v3  }
0x302: {  	v11 =	vmul.bf16 v14, v11;
	v14 =	vld.idx.msk [tilespmem:v17+s26+$0x0], $0xffff;
	v6 =	vadd.f32 v10, v6;
	v7 =	vadd.f32 v13, v7  }
0x303: {  	v10 =	vunpack.i.u.bf16.f32 v8;
	v13 =	vld.idx.msk [tilespmem:v17+s25+$0x0], $0xffff;
	v8 =	vunpack.i.l.bf16.f32 v8;
	v17 =	vor.u32 v0, v3  }
0x304: {  	v6 =	vadd.f32 v8, v6;
	v7 =	vadd.f32 v10, v7;
	v8 =	vmul.bf16 v16, v12;
	v10 =	vld.idx.msk [tilespmem:v19+s25+$0x0], $0xffff  }
0x305: {  	v12 =	vunpack.i.u.bf16.f32 v11;
	v11 =	vunpack.i.l.bf16.f32 v11;
	v16 =	vld.idx.msk [tilespmem:v19+s26+$0x0], $0xffff;
	v19 =	vor.u32 v62, v3  }
0x306: {  	v9 =	vmul.bf16 v15, v9;
	v15 =	vld.idx.msk [tilespmem:v18+s26+$0x0], $0xffff;
	v6 =	vadd.f32 v11, v6;
	v7 =	vadd.f32 v12, v7  }
0x307: {  	v11 =	vunpack.i.u.bf16.f32 v8;
	v12 =	vld.idx.msk [tilespmem:v18+s25+$0x0], $0xffff;
	v8 =	vunpack.i.l.bf16.f32 v8;
	v18 =	vor.u32 v63, v3  }
0x308: {  	v6 =	vadd.f32 v8, v6;
	v7 =	vadd.f32 v11, v7;
	v8 =	vmul.bf16 v14, v13;
	v11 =	vld.idx.msk [tilespmem:v17+s25+$0x0], $0xffff  }
0x309: {  	v13 =	vunpack.i.u.bf16.f32 v9;
	v9 =	vunpack.i.l.bf16.f32 v9;
	v14 =	vld.idx.msk [tilespmem:v17+s26+$0x0], $0xffff;
	v17 =	vor.u32 v23, v3  }
0x30a: {  	v10 =	vmul.bf16 v16, v10;
	v16 =	vld.idx.msk [tilespmem:v19+s26+$0x0], $0xffff;
	v6 =	vadd.f32 v9, v6;
	v7 =	vadd.f32 v13, v7  }
0x30b: {  	v9 =	vunpack.i.u.bf16.f32 v8;
	v13 =	vld.idx.msk [tilespmem:v19+s25+$0x0], $0xffff;
	v8 =	vunpack.i.l.bf16.f32 v8;
	v19 =	vor.u32 v24, v3  }
0x30c: {  	v6 =	vadd.f32 v8, v6;
	v7 =	vadd.f32 v9, v7;
	v8 =	vmul.bf16 v15, v12;
	v9 =	vld.idx.msk [tilespmem:v18+s25+$0x0], $0xffff  }
0x30d: {  	v12 =	vunpack.i.u.bf16.f32 v10;
	v10 =	vunpack.i.l.bf16.f32 v10;
	v15 =	vld.idx.msk [tilespmem:v18+s26+$0x0], $0xffff;
	v18 =	vor.u32 v25, v3  }
0x30e: {  	v11 =	vmul.bf16 v14, v11;
	v14 =	vld.idx.msk [tilespmem:v17+s26+$0x0], $0xffff;
	v6 =	vadd.f32 v10, v6;
	v7 =	vadd.f32 v12, v7  }
0x30f: {  	v10 =	vunpack.i.u.bf16.f32 v8;
	v12 =	vld.idx.msk [tilespmem:v17+s25+$0x0], $0xffff;
	v8 =	vunpack.i.l.bf16.f32 v8;
	v17 =	vor.u32 v26, v3  }
0x310: {  	v6 =	vadd.f32 v8, v6;
	v7 =	vadd.f32 v10, v7;
	v8 =	vmul.bf16 v16, v13;
	v10 =	vld.idx.msk [tilespmem:v19+s25+$0x0], $0xffff  }
0x311: {  	v13 =	vunpack.i.u.bf16.f32 v11;
	v11 =	vunpack.i.l.bf16.f32 v11;
	v16 =	vld.idx.msk [tilespmem:v19+s26+$0x0], $0xffff;
	v19 =	vor.u32 v27, v3  }
0x312: {  	v9 =	vmul.bf16 v15, v9;
	v15 =	vld.idx.msk [tilespmem:v18+s26+$0x0], $0xffff;
	v6 =	vadd.f32 v11, v6;
	v7 =	vadd.f32 v13, v7  }
0x313: {  	v11 =	vunpack.i.u.bf16.f32 v8;
	v13 =	vld.idx.msk [tilespmem:v18+s25+$0x0], $0xffff;
	v8 =	vunpack.i.l.bf16.f32 v8;
	v18 =	vor.u32 v28, v3  }
0x314: {  	v6 =	vadd.f32 v8, v6;
	v7 =	vadd.f32 v11, v7;
	v8 =	vmul.bf16 v14, v12;
	v11 =	vld.idx.msk [tilespmem:v17+s25+$0x0], $0xffff  }
0x315: {  	v12 =	vunpack.i.u.bf16.f32 v9;
	v9 =	vunpack.i.l.bf16.f32 v9;
	v14 =	vld.idx.msk [tilespmem:v17+s26+$0x0], $0xffff;
	v17 =	vor.u32 v29, v3  }
0x316: {  	v10 =	vmul.bf16 v16, v10;
	v16 =	vld.idx.msk [tilespmem:v19+s26+$0x0], $0xffff;
	v6 =	vadd.f32 v9, v6;
	v7 =	vadd.f32 v12, v7  }
0x317: {  	v9 =	vunpack.i.u.bf16.f32 v8;
	v12 =	vld.idx.msk [tilespmem:v19+s25+$0x0], $0xffff;
	v8 =	vunpack.i.l.bf16.f32 v8;
	v19 =	vor.u32 v30, v3  }
0x318: {  	v6 =	vadd.f32 v8, v6;
	v7 =	vadd.f32 v9, v7;
	v8 =	vmul.bf16 v15, v13;
	v9 =	vld.idx.msk [tilespmem:v18+s25+$0x0], $0xffff  }
0x319: {  	v13 =	vunpack.i.u.bf16.f32 v10;
	v10 =	vunpack.i.l.bf16.f32 v10;
	v15 =	vld.idx.msk [tilespmem:v18+s26+$0x0], $0xffff;
	v18 =	vor.u32 v31, v3  }
0x31a: {  	v11 =	vmul.bf16 v14, v11;
	v14 =	vld.idx.msk [tilespmem:v17+s26+$0x0], $0xffff;
	v6 =	vadd.f32 v10, v6;
	v7 =	vadd.f32 v13, v7  }
0x31b: {  	v10 =	vunpack.i.u.bf16.f32 v8;
	v13 =	vld.idx.msk [tilespmem:v17+s25+$0x0], $0xffff;
	v8 =	vunpack.i.l.bf16.f32 v8;
	v17 =	vor.u32 v32, v3  }
0x31c: {  	v6 =	vadd.f32 v8, v6;
	v7 =	vadd.f32 v10, v7;
	v8 =	vmul.bf16 v16, v12;
	v10 =	vld.idx.msk [tilespmem:v19+s25+$0x0], $0xffff  }
0x31d: {  	v12 =	vunpack.i.u.bf16.f32 v11;
	v11 =	vunpack.i.l.bf16.f32 v11;
	v16 =	vld.idx.msk [tilespmem:v19+s26+$0x0], $0xffff;
	v19 =	vor.u32 v33, v3  }
0x31e: {  	v9 =	vmul.bf16 v15, v9;
	v15 =	vld.idx.msk [tilespmem:v18+s26+$0x0], $0xffff;
	v6 =	vadd.f32 v11, v6;
	v7 =	vadd.f32 v12, v7  }
0x31f: {  	v11 =	vunpack.i.u.bf16.f32 v8;
	v12 =	vld.idx.msk [tilespmem:v18+s25+$0x0], $0xffff;
	v8 =	vunpack.i.l.bf16.f32 v8;
	v18 =	vor.u32 v34, v3  }
0x320: {  	v6 =	vadd.f32 v8, v6;
	v7 =	vadd.f32 v11, v7;
	v8 =	vmul.bf16 v14, v13;
	v11 =	vld.idx.msk [tilespmem:v17+s25+$0x0], $0xffff  }
0x321: {  	v13 =	vunpack.i.u.bf16.f32 v9;
	v9 =	vunpack.i.l.bf16.f32 v9;
	v14 =	vld.idx.msk [tilespmem:v17+s26+$0x0], $0xffff;
	v17 =	vor.u32 v35, v3  }
0x322: {  	v10 =	vmul.bf16 v16, v10;
	v16 =	vld.idx.msk [tilespmem:v19+s26+$0x0], $0xffff;
	v6 =	vadd.f32 v9, v6;
	v7 =	vadd.f32 v13, v7  }
0x323: {  	v9 =	vunpack.i.u.bf16.f32 v8;
	v13 =	vld.idx.msk [tilespmem:v19+s25+$0x0], $0xffff;
	v8 =	vunpack.i.l.bf16.f32 v8;
	v19 =	vor.u32 v36, v3  }
0x324: {  	v6 =	vadd.f32 v8, v6;
	v7 =	vadd.f32 v9, v7;
	v8 =	vmul.bf16 v15, v12;
	v9 =	vld.idx.msk [tilespmem:v18+s25+$0x0], $0xffff  }
0x325: {  	v12 =	vunpack.i.u.bf16.f32 v10;
	v10 =	vunpack.i.l.bf16.f32 v10;
	v15 =	vld.idx.msk [tilespmem:v18+s26+$0x0], $0xffff;
	v18 =	vor.u32 v37, v3  }
0x326: {  	v11 =	vmul.bf16 v14, v11;
	v14 =	vld.idx.msk [tilespmem:v17+s26+$0x0], $0xffff;
	v6 =	vadd.f32 v10, v6;
	v7 =	vadd.f32 v12, v7  }
0x327: {  	v10 =	vunpack.i.u.bf16.f32 v8;
	v12 =	vld.idx.msk [tilespmem:v17+s25+$0x0], $0xffff;
	v8 =	vunpack.i.l.bf16.f32 v8;
	v17 =	vor.u32 v38, v3  }
0x328: {  	v13 =	vmul.bf16 v16, v13;
	v16 =	vld.idx.msk [tilespmem:v19+s26+$0x0], $0xffff;
	v6 =	vadd.f32 v8, v6  }
0x329: {  	v7 =	vadd.f32 v10, v7;
	v8 =	vld.idx.msk [tilespmem:v19+s25+$0x0], $0xffff;
	v10 =	vunpack.i.l.bf16.f32 v11;
	v19 =	vor.u32 v39, v3  }
0x32a: {  	v5 =	vshll.u32 v5, $0x1;
	v11 =	vunpack.i.u.bf16.f32 v11;
	v6 =	vadd.f32 v10, v6;
	v10 =	vld.idx.msk [tilespmem:v18+s25+$0x0], $0xffff  }
0x32b: {  	v7 =	vadd.f32 v11, v7;
	v18 =	vld.idx.msk [tilespmem:v18+s26+$0x0], $0xffff  }
0x32c: {  	v3 =	vor.u32 v40, v3;
	v9 =	vmul.bf16 v15, v9;
	v11 =	vunpack.i.u.bf16.f32 v13;
	v15 =	vld.idx.msk [tilespmem:v17+s25+$0x0], $0xffff  }
0x32d: {  	v4 =	vshll.u32 v4, $0x1;
	v13 =	vunpack.i.l.bf16.f32 v13;
	v7 =	vadd.f32 v11, v7;
	v11 =	vld.idx.msk [tilespmem:v17+s26+$0x0], $0xffff  }
0x32e: {  	v12 =	vmul.bf16 v14, v12;
	v6 =	vadd.f32 v13, v6;
	v14 =	vld.idx.msk [tilespmem:v19+s25+$0x0], $0xffff  }
0x32f: {  	v17 =	vunpack.i.u.bf16.f32 v9;
	v9 =	vunpack.i.l.bf16.f32 v9;
	v8 =	vmul.bf16 v16, v8;
	v16 =	vld.idx.msk [tilespmem:v5+s24+$0x0], $0xffff  }
0x330: {  	v6 =	vadd.f32 v9, v6;
	v7 =	vadd.f32 v17, v7;
	v9 =	vld.idx.msk [tilespmem:v19+s26+$0x0], $0xffff  }
0x331: {  	v13 =	vunpack.i.u.bf16.f32 v12;
	v17 =	vld.idx.msk [tilespmem:v3+s25+$0x0], $0xffff  }
0x332: {  	v12 =	vunpack.i.l.bf16.f32 v12;
	v5 =	vor.u32 $0x1, v5;
	v7 =	vadd.f32 v13, v7;
	v13 =	vld.idx.msk [tilespmem:v4+s24+$0x0], $0xffff  }
0x333: {  	v3 =	vld.idx.msk [tilespmem:v3+s26+$0x0], $0xffff;
	v10 =	vmul.bf16 v18, v10;
	v6 =	vadd.f32 v12, v6  }
0x334: {  	v12 =	vunpack.i.u.bf16.f32 v8;
	v8 =	vunpack.i.l.bf16.f32 v8;
	v4 =	vor.u32 $0x1, v4  }
0x335: {  	v6 =	vadd.f32 v8, v6;
	v7 =	vadd.f32 v12, v7;
	v8 =	vmul.bf16 v11, v15  }
0x336: {  	v15 =	vunpack.i.u.bf16.f32 v10;
	v10 =	vunpack.i.l.bf16.f32 v10;
	v9 =	vmul.bf16 v9, v14  }
0x337: {  	v5 =	vld.idx.msk [tilespmem:v5+s24+$0x0], $0xffff;
	v6 =	vadd.f32 v10, v6;
	v7 =	vadd.f32 v15, v7;
	v12 =	vmul.f32 v13, v16  }
0x338: {  	v3 =	vmul.bf16 v3, v17;
	v13 =	vunpack.i.u.bf16.f32 v8;
	v8 =	vunpack.i.l.bf16.f32 v8  }
0x339: {  	v6 =	vadd.f32 v8, v6;
	v7 =	vadd.f32 v13, v7;
	v10 =	vand.u32 $0x7FFFFFFF, v12  }
0x33a: {  	v14 =	vunpack.i.l.bf16.f32 v9;
	v15 =	vunpack.i.u.bf16.f32 v9;
	v4 =	vld.idx.msk [tilespmem:v4+s24+$0x0], $0xffff;
	v16 =	vmax.f32 v10, $9.999999710e-10  }
0x33b: {  	v6 =	vadd.f32 v14, v6;
	v7 =	vadd.f32 v15, v7;
	(erf) = vrcp.f32 v16  }
0x33c: {  	v17 =	vunpack.i.l.bf16.f32 v3;
	v3 =	vunpack.i.u.bf16.f32 v3;
	v5 =	vadd.f32 v5, v5  }
0x33d: {  	v6 =	vadd.f32 v17, v6;
	v3 =	vadd.f32 v3, v7;
	_ =	sdelay $0x1  }
0x33e: {  	v4 =	vmul.f32 v4, v5;
	v3 =	vadd.f32 v6, v3;
	_ =	sdelay $0x1  }
0x33f: {  	v3 =	vsub.f32 v3, v4;
	_ =	sdelay $0x1  }
0x340: {  	v3 =	vmul.f32 v3, v3  }
0x341: {  	v11 =	vpop (erf)  }
0x342: {  	v3 =	vmul.f32 v11, v3;
	_ =	sdelay $0x1  }
0x343: {  	v12 =	vld [tilespmem:$0x18B30];
	v3 =	vsub.f32 $1.000000000e+00, v3  }
0x344: {  	s9 =	sadd.s32 s0, s17;
	v4 =	vld [tilespmem:$0x18B20]  }
0x345: {  	v13 =	vadd.s32 s9, v2;
	v15 =	vld [tilespmem:$0x18B40];
	v14 =	vmin.f32 v3, $1.000000000e+01;
	v3 =	vsub.f32 $1.000000000e+00, v3  }
0x346: {  	vm1 =	vlt.s32 v13, $0x2710  }
0x347: {  	p1 =	sne.s32 s0, $0x40;
	v17 =	vsel vm1, $0x3F800000, v20;
	v16 =	vmul.f32 $0.0e+00, v14;
	v3 =	vmax.f32 v3, $0.0e+00  }
.Ltmp3:
0x348: {  	v5 =	vadd.f32 $0.0e+00, v12;
	v3 =	vmul.f32 v3, v17;
	(pc) =	sbr.rel @p1 .LBB2_8-.Ltmp3, $4  }
0x349: {  	v4 =	vadd.f32 v16, v4  }
0x34a: {  	[tilespmem:$0x18B30] =	vst v5;
	v3 =	vadd.f32 v3, v15  }
0x34b: {  	[tilespmem:$0x18B20] =	vst v4  }
0x34c: {  	s3 =	sadd.s32 $0x10, s3;
	s6 =	sadd.s32 $0x10, s6;
	s0 =	sadd.s32 $0x10, s0;
	[tilespmem:$0x18B40] =	vst v3  }
0x34d: {  	s0 =	rddreg [dreg:$0xd];
	s3 =	simm.s32 $0x18B20  }
0x34e: {  	[hbm4b:s0+s5] =	stream.linear.scatter [tilespmem:s3], [sflag:$0x3], $0x10, $0x38;
	[tilespmem:$0x18B50] =	vst v63  }
0x34f: {  	_ =	swait.ge [sflag:s19], $0x10  }
0x350: {  	[sflag:s19] =	ssyncset.done $0x0  }
0x351: {  	s15 =	simm.s32 $0x18B30;
	s14 =	rddreg [dreg:$0xe];
	[sflag:s19] =	ssyncadd.s32 $0xFFFFFFF0  }
0x352: {  	[hbm4b:s14+s5] =	stream.linear.scatter [tilespmem:s15], [sflag:$0x3], $0x10, $0x38;
	[tilespmem:$0x18B50] =	vst v63  }
0x353: {  	_ =	swait.ge [sflag:s19], $0x10  }
0x354: {  	[sflag:s19] =	ssyncset.done $0x0  }
0x355: {  	s21 =	simm.s32 $0x18B40;
	s16 =	rddreg [dreg:$0xf];
	[sflag:s19] =	ssyncadd.s32 $0xFFFFFFF0  }
0x356: {  	[hbm4b:s16+s5] =	stream.linear.scatter [tilespmem:s21], [sflag:$0x3], $0x10, $0x38;
	[tilespmem:$0x18B50] =	vst v63  }
0x357: {  	_ =	swait.ge [sflag:s19], $0x10  }
0x358: {  	s20 =	sadd.s32 $0x1, s20;
	s22 =	rddreg [dreg:$0x10]  }
0x359: {  	p1 =	sne.s32 s20, s22  }
.Ltmp4:
0x35a: {  	_ = 	snop;
	(pc) =	sbr.rel @p1 .LBB2_1-.Ltmp4, $3  }
0x35b: {  	_ =	sdelay $0x1  }
0x35c: {  	[sflag:s19] =	ssyncset.done $0x0  }
0x35d: {  	[sflag:s19] =	ssyncadd.s32 $0xFFFFFFF0  }
0x35e: {  	_ =	sfence.sel $0x180000  }
0x35f: {  	[bflag:$0x0] =	sbarrier.arrive $0xFFFF  }
0x360: {  	_ =	strace $0x90000047  }
0x361: {  	[bflag:$0x2] =	sbarrier.arrive $0xFFFF  }
0x362: {  	s0 =	rddreg [dreg:$0x9]  }
0x363: {  	s0 =	sadd.s32 @!p0 $0x100000, s0  }
0x364: {  	[sflag:s0] =	ssyncadd.tile.s32 @!p0 $0x1;
	_ =	shalt  }
.Lfunc_end2:
_tile_overlayer_lowered:
.L_overlay_start_2:
0x365: {  	(tag) =	ssettag $0x2  }
0x366: {  	s0 =	rddreg [dreg:$0x0];
	s2 =	stileid.u32  }
0x367: {  	s1 =	rddreg [dreg:$0x1];
	p0 =	sne.s32 s2, $0x0  }
0x368: {  	s3 =	rddreg [dreg:$0x2];
	[bflag:$0x3] =	sbarrier.arrive $0xFFFF;
	s2 =	simm.s32 @!p0 $0x1C03  }
0x369: {  	[timem:s3], [sflag:s2] =	dma.local @!p0 [hbm:s0], s1  }
0x36a: {  	s0 =	simm.s32 @!p0 $0x3  }
0x36b: {  	_ =	swait.ge @!p0 [sflag:s0], s1  }
0x36c: {  	s1 =	ssub.s32 @!p0 $0x0, s1;
	[sflag:s0] =	ssyncset.done @!p0 $0x0  }
0x36d: {  	[sflag:s0] =	ssyncadd.s32 @!p0 s1  }
0x36e: {  	[bflag:$0x3] =	sbarrier.arrive $0xFFFF  }
0x36f: {  	_ =	shalt  }

</sc_bundles>
